<compile_context>
chip_gen: v7x
topology: tpu7x:2x2x1
jax: 0.10.2.dev20260603
libtpu: 0.0.44.dev20260713+nightly
codegen_flags: <defaults>
</compile_context>

<pallas_src>
import functools

import jax
import jax.numpy as jnp
from jax import lax
from jax.experimental import pallas as pl
from jax.experimental.pallas import tpu as pltpu
from jax.experimental.pallas import tpu_sc as plsc

N = 10000
E = 320000
G = 64
NC = 2
NS = 16
EC = E // NS

F32 = jnp.float32
I32 = jnp.int32


def _mesh():
    return plsc.VectorSubcoreMesh(core_axis_name="c", subcore_axis_name="s")


def _agg_kernel(F, RB, NBP, K, SPLITS, S):
    RACC = RB + 128
    ZR = RACC // NS
    QCAP = S + 2 * K
    KH = K // SPLITS

    @functools.partial(
        pl.kernel,
        out_type=jax.ShapeDtypeStruct((N, F), F32),
        mesh=_mesh(),
        scratch_types=[
            pltpu.VMEM((S,), I32),
            pltpu.VMEM((S,), I32),
            pltpu.VMEM((QCAP + 16,), I32),
            pltpu.VMEM((QCAP + 16,), I32),
        ]
        + [pltpu.VMEM((KH,), I32) for _ in range(2 * SPLITS)]
        + [pltpu.VMEM((KH, F), F32) for _ in range(SPLITS)]
        + [
            pltpu.VMEM_SHARED((RACC, F), F32),
        ]
        + [pltpu.SemaphoreType.DMA for _ in range(SPLITS)],
        compiler_params=pltpu.CompilerParams(needs_layout_passes=False, use_tc_tiling_on_sc=False),
    )
    def k(src_hbm, dst_hbm, y_hbm, zz_hbm, z_hbm, ed, es, db, sb, *rest):
        idxd = rest[0:SPLITS]
        idxs = rest[SPLITS:2 * SPLITS]
        rowbuf = rest[2 * SPLITS:3 * SPLITS]
        acc = rest[3 * SPLITS]
        sem = rest[3 * SPLITS + 1:]
        c = lax.axis_index("c")
        s = lax.axis_index("s")

        for bp in range(NBP):
            pltpu.sync_copy(zz_hbm, acc.at[pl.ds(s * ZR, ZR)])
            plsc.subcore_barrier()

            bucket = c * NBP + bp
            lo = bucket * RB

            def strip(t, carry, lo=lo):
                base = s * EC + t * S
                pltpu.sync_copy(dst_hbm.at[pl.ds(base, S)], ed)
                pltpu.sync_copy(src_hbm.at[pl.ds(base, S)], es)

                def cbody(i, cnt, lo=lo):
                    d = ed[pl.ds(i * 16, 16)]
                    sr = es[pl.ds(i * 16, 16)]
                    m = (d >= lo) & (d < lo + RB)
                    cs = plsc.cumsum(m.astype(I32))
                    pos = jnp.where(m, cnt + cs - 1, QCAP)
                    plsc.store_scatter(db, [pos], d - lo)
                    plsc.store_scatter(sb, [pos], sr)
                    return cnt + jnp.max(cs)

                cnt = lax.fori_loop(0, S // 16, cbody, jnp.int32(0))

                for u in range(K // 16):
                    pos = cnt + 16 * u + lax.iota(I32, 16)
                    plsc.store_scatter(db, [pos], jnp.full((16,), RB, I32))
                    plsc.store_scatter(sb, [pos], jnp.zeros((16,), I32))

                nch = (cnt + (K - 1)) // K

                def dbody(j, carry2):
                    descs = []
                    for h in range(SPLITS):
                        for u in range(KH // 16):
                            off = j * K + h * KH + 16 * u
                            idxd[h][pl.ds(16 * u, 16)] = db[pl.ds(off, 16)]
                            idxs[h][pl.ds(16 * u, 16)] = sb[pl.ds(off, 16)]
                        descs.append(pltpu.async_copy(
                            y_hbm.at[idxs[h]], rowbuf[h], sem[h]))
                    for h in range(SPLITS):
                        descs[h].wait()
                        pltpu.sync_copy(rowbuf[h], acc.at[idxd[h]], add=True)
                    return carry2

                lax.fori_loop(0, nch, dbody, jnp.int32(0))
                return carry

            lax.fori_loop(0, EC // S, strip, jnp.int32(0))
            plsc.subcore_barrier()

            for wc in range(NC):
                gbase = (wc * NBP + bp) * RB
                rows = min(RB, N - gbase)
                pr0 = (rows // NS) // 8 * 8
                last = rows - (NS - 1) * pr0

                @pl.when(c == wc)
                def _(pr0=pr0, last=last, gbase=gbase):
                    @pl.when(s < NS - 1)
                    def _():
                        pltpu.sync_copy(acc.at[pl.ds(s * pr0, pr0)],
                                        z_hbm.at[pl.ds(gbase + s * pr0, pr0)])

                    @pl.when(s == NS - 1)
                    def _():
                        pltpu.sync_copy(
                            acc.at[pl.ds((NS - 1) * pr0, last)],
                            z_hbm.at[pl.ds(gbase + (NS - 1) * pr0, last)])
            plsc.subcore_barrier()

    return k


def _deg_kernel(RB, K):
    RACC = RB + 128
    ZR = RACC // NS
    FD = 16
    S = 20000
    QCAP = S + 2 * K

    @functools.partial(
        pl.kernel,
        out_type=jax.ShapeDtypeStruct((N, FD), F32),
        mesh=_mesh(),
        scratch_types=[
            pltpu.VMEM((S,), I32),
            pltpu.VMEM((QCAP + 16,), I32),
            pltpu.VMEM((K,), I32),
            pltpu.VMEM((K, FD), F32),
            pltpu.VMEM_SHARED((RACC, FD), F32),
        ],
        compiler_params=pltpu.CompilerParams(needs_layout_passes=False, use_tc_tiling_on_sc=False),
    )
    def k(dst_hbm, zz_hbm, ones_hbm, z_hbm, ed, db, idxd, onesb, acc):
        c = lax.axis_index("c")
        s = lax.axis_index("s")
        pltpu.sync_copy(ones_hbm, onesb)
        pltpu.sync_copy(zz_hbm, acc.at[pl.ds(s * ZR, ZR)])
        plsc.subcore_barrier()

        lo = c * RB

        def strip(t, carry):
            pltpu.sync_copy(dst_hbm.at[pl.ds(s * EC + t * S, S)], ed)

            def cbody(i, cnt, lo=lo):
                d = ed[pl.ds(i * 16, 16)]
                m = (d >= lo) & (d < lo + RB)
                cs = plsc.cumsum(m.astype(I32))
                pos = jnp.where(m, cnt + cs - 1, QCAP)
                plsc.store_scatter(db, [pos], d - lo)
                return cnt + jnp.max(cs)

            cnt = lax.fori_loop(0, S // 16, cbody, jnp.int32(0))
            for u in range(K // 16):
                pos = cnt + 16 * u + lax.iota(I32, 16)
                plsc.store_scatter(db, [pos], jnp.full((16,), RB, I32))

            nch = (cnt + (K - 1)) // K

            def dbody(j, carry2):
                for u in range(K // 16):
                    idxd[pl.ds(16 * u, 16)] = db[pl.ds(j * K + 16 * u, 16)]
                pltpu.sync_copy(onesb, acc.at[idxd], add=True)
                return carry2

            lax.fori_loop(0, nch, dbody, jnp.int32(0))
            return carry

        lax.fori_loop(0, EC // S, strip, jnp.int32(0))
        plsc.subcore_barrier()

        for wc in range(NC):
            gbase = wc * RB
            rows = min(RB, N - gbase)
            pr0 = (rows // NS) // 8 * 8
            last = rows - (NS - 1) * pr0

            @pl.when(c == wc)
            def _(pr0=pr0, last=last, gbase=gbase):
                @pl.when(s < NS - 1)
                def _():
                    pltpu.sync_copy(acc.at[pl.ds(s * pr0, pr0)],
                                    z_hbm.at[pl.ds(gbase + s * pr0, pr0)])

                @pl.when(s == NS - 1)
                def _():
                    pltpu.sync_copy(
                        acc.at[pl.ds((NS - 1) * pr0, last)],
                        z_hbm.at[pl.ds(gbase + (NS - 1) * pr0, last)])

    return k



NBLK = 10
BR = N // NBLK


def _tc_first(x, W, deg16):
    FIN, FOUT = W.shape

    def body(x_ref, w_ref, deg_ref, y_ref):
        dinv = lax.rsqrt(deg_ref[:, 0:1] + 1.0)
        y_ref[...] = jnp.dot(x_ref[...], w_ref[...],
                             preferred_element_type=F32) * dinv

    return pl.pallas_call(
        body,
        grid=(NBLK,),
        in_specs=[
            pl.BlockSpec((BR, FIN), lambda i: (i, 0)),
            pl.BlockSpec((FIN, FOUT), lambda i: (0, 0)),
            pl.BlockSpec((BR, 16), lambda i: (i, 0)),
        ],
        out_specs=pl.BlockSpec((BR, FOUT), lambda i: (i, 0)),
        out_shape=jax.ShapeDtypeStruct((N, FOUT), F32),
    )(x, W, deg16)


def _tc_mid(z, y, deg16, b, a, W):
    FIN = z.shape[1]
    FOUT = W.shape[1]

    def body(z_ref, y_ref, deg_ref, b_ref, a_ref, w_ref, o_ref):
        dinv = lax.rsqrt(deg_ref[:, 0:1] + 1.0)
        h = (z_ref[...] + y_ref[...]) * dinv + b_ref[...]
        h = jnp.where(h >= 0, h, a_ref[0, 0] * h)
        o_ref[...] = jnp.dot(h, w_ref[...], preferred_element_type=F32) * dinv

    return pl.pallas_call(
        body,
        grid=(NBLK,),
        in_specs=[
            pl.BlockSpec((BR, FIN), lambda i: (i, 0)),
            pl.BlockSpec((BR, FIN), lambda i: (i, 0)),
            pl.BlockSpec((BR, 16), lambda i: (i, 0)),
            pl.BlockSpec((1, FIN), lambda i: (0, 0)),
            pl.BlockSpec((1, 1), lambda i: (0, 0)),
            pl.BlockSpec((FIN, FOUT), lambda i: (0, 0)),
        ],
        out_specs=pl.BlockSpec((BR, FOUT), lambda i: (i, 0)),
        out_shape=jax.ShapeDtypeStruct((N, FOUT), F32),
    )(z, y, deg16, b, a, W)


def _tc_final(z, y, deg16, b, batch3d, lW1, lb1, lW2, lb2):
    FIN = z.shape[1]
    FH = lW1.shape[1]
    FO = lW2.shape[1]

    def body(z_ref, y_ref, deg_ref, b_ref, bat_ref, w1_ref, b1_ref,
             w2_ref, b2_ref, o_ref, sums, cnts):
        i = pl.program_id(0)

        @pl.when(i == 0)
        def _():
            sums[...] = jnp.zeros_like(sums)
            cnts[...] = jnp.zeros_like(cnts)

        dinv = lax.rsqrt(deg_ref[:, 0:1] + 1.0)
        h = (z_ref[...] + y_ref[...]) * dinv + b_ref[...]
        bb = jnp.reshape(bat_ref[...], (1, BR))
        gi = lax.broadcasted_iota(I32, (G, BR), 0)
        P = (bb == gi).astype(F32)
        sums[...] += jnp.dot(P, h, preferred_element_type=F32)
        cnts[:, 0:1] += jnp.sum(P, axis=1, keepdims=True)

        @pl.when(i == NBLK - 1)
        def _():
            pooled = sums[...] / jnp.maximum(cnts[:, 0:1], 1.0)
            t = jnp.dot(pooled, w1_ref[...],
                        preferred_element_type=F32) + b1_ref[...]
            o_ref[...] = jnp.dot(t, w2_ref[...],
                                 preferred_element_type=F32) + b2_ref[...]

    return pl.pallas_call(
        body,
        grid=(NBLK,),
        in_specs=[
            pl.BlockSpec((BR, FIN), lambda i: (i, 0)),
            pl.BlockSpec((BR, FIN), lambda i: (i, 0)),
            pl.BlockSpec((BR, 16), lambda i: (i, 0)),
            pl.BlockSpec((1, FIN), lambda i: (0, 0)),
            pl.BlockSpec((1, 1, BR), lambda i: (i, 0, 0)),
            pl.BlockSpec((FIN, FH), lambda i: (0, 0)),
            pl.BlockSpec((1, FH), lambda i: (0, 0)),
            pl.BlockSpec((FH, FO), lambda i: (0, 0)),
            pl.BlockSpec((1, FO), lambda i: (0, 0)),
        ],
        out_specs=pl.BlockSpec((G, FO), lambda i: (0, 0)),
        out_shape=jax.ShapeDtypeStruct((G, FO), F32),
        scratch_shapes=[
            pltpu.VMEM((G, FIN), F32),
            pltpu.VMEM((G, 128), F32),
        ],
    )(z, y, deg16, b, batch3d, lW1, lb1, lW2, lb2)


_AGG_CFG = {
    32: (32, 5120, 1, 64, 2, 10000),
    128: (128, 5120, 1, 64, 2, 10000),
    256: (256, 5120, 1, 64, 2, 4000),
    512: (512, 2560, 2, 32, 2, 4000),
}


def _agg(src, dst, y):
    F, RB, NBP, K, SP, S = _AGG_CFG[y.shape[1]]
    ZR = (RB + 128) // NS
    zz = jnp.zeros((ZR, F), F32)
    return _agg_kernel(F, RB, NBP, K, SP, S)(src, dst, y, zz)


def kernel(x, edge_index, batch, W1, b1, a1, W2, b2, a2, W3, b3, a3,
           W4, b4, lW1, lb1, lW2, lb2):
    src = edge_index[0]
    dst = edge_index[1]

    RBD, KD = 5120, 128
    zzd = jnp.zeros(((RBD + 128) // NS, 16), F32)
    onesd = jnp.ones((KD, 16), F32)
    deg16 = _deg_kernel(RBD, KD)(dst, zzd, onesd)

    y1 = _tc_first(x, W1, deg16)
    z1 = _agg(src, dst, y1)
    y2 = _tc_mid(z1, y1, deg16, b1.reshape(1, -1), jnp.asarray(a1).reshape(1, 1), W2)
    z2 = _agg(src, dst, y2)
    y3 = _tc_mid(z2, y2, deg16, b2.reshape(1, -1), jnp.asarray(a2).reshape(1, 1), W3)
    z3 = _agg(src, dst, y3)
    y4 = _tc_mid(z3, y3, deg16, b3.reshape(1, -1), jnp.asarray(a3).reshape(1, 1), W4)
    z4 = _agg(src, dst, y4)

    batch3d = batch.reshape(NBLK, 1, BR)
    return _tc_final(z4, y4, deg16, b4.reshape(1, -1), batch3d,
                     lW1, lb1.reshape(1, -1), lW2, lb2.reshape(1, -1))

# --- scband reference (transcript-rebuilt; emitter-appended) ---
"""Pipeline reference for scband-base-gcn-25288767439276 (READ-ONLY COPY).

The authoritative reference and input builder live on the scoring server;
editing this copy changes nothing except your own understanding.
"""

import jax, jax.numpy as jnp
import numpy as np

N = 10000
E = 320000
NUM_GRAPHS = 64
IN_FEAT = 128
H = 32
NUM_CLASSES = 10


def gcn_conv(x, edge_index, W, b):
    # GCNConv: add self-loops, symmetric normalization, sum aggregation, bias
    n = x.shape[0]
    loop = jnp.arange(n, dtype=edge_index.dtype)
    src = jnp.concatenate([edge_index[0], loop])
    dst = jnp.concatenate([edge_index[1], loop])
    deg = jnp.zeros((n,), dtype=x.dtype).at[dst].add(1.0)
    dinv = jnp.where(deg > 0, jax.lax.rsqrt(jnp.maximum(deg, 1e-12)), 0.0)
    norm = dinv[src] * dinv[dst]
    xw = x @ W
    msg = xw[src] * norm[:, None]
    out = jnp.zeros((n, W.shape[1]), dtype=x.dtype).at[dst].add(msg)
    return out + b


def prelu(x, a):
    return jnp.where(x >= 0, x, a * x)


def setup_inputs(seed: int = 0):
    key = jax.random.key(seed)
    ks = jax.random.split(key, 16)
    x = jax.random.normal(ks[0], (N, IN_FEAT), dtype=jnp.float32)
    edge_index = jax.random.randint(ks[1], (2, E), 0, N, dtype=jnp.int32)
    batch = jnp.sort(jax.random.randint(ks[2], (N,), 0, NUM_GRAPHS, dtype=jnp.int32))
    def glorot(k, shp):
        lim = np.sqrt(6.0 / (shp[0] + shp[1]))
        return jax.random.uniform(k, shp, jnp.float32, -lim, lim)
    return {
        'x': x, 'edge_index': edge_index, 'batch': batch,
        'W1': glorot(ks[3], (IN_FEAT, H)), 'b1': jnp.zeros((H,), jnp.float32), 'a1': jnp.float32(0.25),
        'W2': glorot(ks[4], (H, H * 4)), 'b2': jnp.zeros((H * 4,), jnp.float32), 'a2': jnp.float32(0.25),
        'W3': glorot(ks[5], (H * 4, H * 8)), 'b3': jnp.zeros((H * 8,), jnp.float32), 'a3': jnp.float32(0.25),
        'W4': glorot(ks[6], (H * 8, H * 16)), 'b4': jnp.zeros((H * 16,), jnp.float32),
        'lW1': glorot(ks[7], (H * 16, H * 8)), 'lb1': jnp.zeros((H * 8,), jnp.float32),
        'lW2': glorot(ks[8], (H * 8, NUM_CLASSES)), 'lb2': jnp.zeros((NUM_CLASSES,), jnp.float32),
    }


def reference(x, edge_index, batch, W1, b1, a1, W2, b2, a2, W3, b3, a3, W4, b4, lW1, lb1, lW2, lb2):
    h = prelu(gcn_conv(x, edge_index, W1, b1), a1)
    h = prelu(gcn_conv(h, edge_index, W2, b2), a2)
    h = prelu(gcn_conv(h, edge_index, W3, b3), a3)
    h = gcn_conv(h, edge_index, W4, b4)
    # global_mean_pool
    sums = jax.ops.segment_sum(h, batch, num_segments=NUM_GRAPHS)
    cnt = jax.ops.segment_sum(jnp.ones((h.shape[0], 1), h.dtype), batch, num_segments=NUM_GRAPHS)
    pooled = sums / jnp.maximum(cnt, 1.0)
    h = pooled @ lW1 + lb1
    # dropout is identity in eval mode
    h = h @ lW2 + lb2
    return h

if __name__ == "__main__":
    import jax
    _d = setup_inputs()
    print(jax.jit(kernel)(*tuple(_d.values())))

</pallas_src>

<mosaic_0001>
#map = affine_map<(d0, d1) -> (0)>
#map1 = affine_map<(d0, d1) -> (0, 0)>
module attributes {stable_mosaic.version = 14 : i64} {
  func.func @k(%arg0: i32, %arg1: i32, %arg2: memref<320000xi32, #tpu.memory_space<hbm>>, %arg3: memref<320000xi32, #tpu.memory_space<hbm>>, %arg4: memref<10000x128xf32, #tpu.memory_space<hbm>>, %arg5: memref<328x128xf32, #tpu.memory_space<hbm>>, %arg6: memref<10000x128xf32, #tpu.memory_space<hbm>>, %arg7: memref<10000xi32, #tpu.memory_space<vmem>>, %arg8: memref<10000xi32, #tpu.memory_space<vmem>>, %arg9: memref<10144xi32, #tpu.memory_space<vmem>>, %arg10: memref<10144xi32, #tpu.memory_space<vmem>>, %arg11: memref<32xi32, #tpu.memory_space<vmem>>, %arg12: memref<32xi32, #tpu.memory_space<vmem>>, %arg13: memref<32xi32, #tpu.memory_space<vmem>>, %arg14: memref<32xi32, #tpu.memory_space<vmem>>, %arg15: memref<32x128xf32, #tpu.memory_space<vmem>>, %arg16: memref<32x128xf32, #tpu.memory_space<vmem>>, %arg17: memref<5248x128xf32, #tpu.memory_space<vmem_shared>>, %arg18: memref<!tpu.dma_semaphore, #tpu.memory_space<semaphore_mem>>, %arg19: memref<!tpu.dma_semaphore, #tpu.memory_space<semaphore_mem>>) attributes {dimension_semantics = [#tpu.dimension_semantics<core_parallel>, #tpu.dimension_semantics<subcore_parallel>], iteration_bounds = array<i64: 2, 16>, scalar_prefetch = 0 : i64, scratch_operands = 13 : i64, tpu.core_type = #tpu.core_type<sc_vector_subcore>, window_params = [{transform_indices = #map}, {transform_indices = #map}, {transform_indices = #map1}, {transform_indices = #map1}, {transform_indices = #map1}]} {
    %mul3A = arith.constant 328 : i32
    %mul3A_0 = arith.muli %arg1, %mul3A : i32
    "tpu.region"() ({
      %run_scoped3A = tpu.sem_alloc : memref<!tpu.dma_semaphore, #tpu.memory_space<semaphore_mem>>
      %dma_start3A = arith.constant 0 : i32
      %dma_start3A_20 = tpu.memref_slice %arg17[%mul3A_0, %dma_start3A] : memref<5248x128xf32, #tpu.memory_space<vmem_shared>> -> memref<328x128xf32, #tpu.memory_space<vmem_shared>>
      tpu.enqueue_dma source(%arg5 : memref<328x128xf32, #tpu.memory_space<hbm>>) target(%dma_start3A_20 : memref<328x128xf32, #tpu.memory_space<vmem_shared>>) target_semaphore(%run_scoped3A : memref<!tpu.dma_semaphore, #tpu.memory_space<semaphore_mem>>)
      %dma_wait3A = arith.constant 0 : i32
      %dma_wait3A_21 = tpu.memref_slice %arg17[%mul3A_0, %dma_wait3A] : memref<5248x128xf32, #tpu.memory_space<vmem_shared>> -> memref<328x128xf32, #tpu.memory_space<vmem_shared>>
      tpu.wait_dma2 semaphore(%run_scoped3A : memref<!tpu.dma_semaphore, #tpu.memory_space<semaphore_mem>>) src(%arg5 : memref<328x128xf32, #tpu.memory_space<hbm>>) dst(%dma_wait3A_21 : memref<328x128xf32, #tpu.memory_space<vmem_shared>>)
      tpu.yield
    }) : () -> ()
    %barrier3A = arith.constant 0 : index
    tpu.barrier barrier_id(%barrier3A)
    %mul3A_1 = arith.constant 1 : i32
    %mul3A_2 = arith.muli %arg0, %mul3A_1 : i32
    %add3A = arith.constant 0 : i32
    %add3A_3 = arith.addi %mul3A_2, %add3A : i32
    %mul3A_4 = arith.constant 5120 : i32
    %mul3A_5 = arith.muli %add3A_3, %mul3A_4 : i32
    %scan3A = arith.constant 0 : i32
    %scan3A_6 = arith.constant 0 : i32
    %scan3A_7 = arith.constant 2 : i32
    %scan3A_8 = arith.addi %scan3A_6, %scan3A_7 : i32
    %scan3A_9 = arith.constant 1 : i32
    scf.for %scan3A_20 = %scan3A_6 to %scan3A_8 step %scan3A_9  : i32 {
      %mul3A_21 = arith.constant 20000 : i32
      %mul3A_22 = arith.muli %arg1, %mul3A_21 : i32
      %mul3A_23 = arith.constant 10000 : i32
      %mul3A_24 = arith.muli %scan3A_20, %mul3A_23 : i32
      %add3A_25 = arith.addi %mul3A_22, %mul3A_24 : i32
      "tpu.region"() ({
        %run_scoped3A = tpu.sem_alloc : memref<!tpu.dma_semaphore, #tpu.memory_space<semaphore_mem>>
        %dma_start3A = tpu.memref_slice %arg3[%add3A_25] : memref<320000xi32, #tpu.memory_space<hbm>> -> memref<10000xi32, #tpu.memory_space<hbm>>
        %dma_start3A_94 = tpu.memref_slice %arg3[%add3A_25] : memref<320000xi32, #tpu.memory_space<hbm>> -> memref<10000xi32, #tpu.memory_space<hbm>>
        tpu.enqueue_dma source(%dma_start3A_94 : memref<10000xi32, #tpu.memory_space<hbm>>) target(%arg7 : memref<10000xi32, #tpu.memory_space<vmem>>) target_semaphore(%run_scoped3A : memref<!tpu.dma_semaphore, #tpu.memory_space<semaphore_mem>>)
        %dma_wait3A = tpu.memref_slice %arg3[%add3A_25] : memref<320000xi32, #tpu.memory_space<hbm>> -> memref<10000xi32, #tpu.memory_space<hbm>>
        %dma_wait3A_95 = tpu.memref_slice %arg3[%add3A_25] : memref<320000xi32, #tpu.memory_space<hbm>> -> memref<10000xi32, #tpu.memory_space<hbm>>
        tpu.wait_dma2 semaphore(%run_scoped3A : memref<!tpu.dma_semaphore, #tpu.memory_space<semaphore_mem>>) src(%dma_wait3A_95 : memref<10000xi32, #tpu.memory_space<hbm>>) dst(%arg7 : memref<10000xi32, #tpu.memory_space<vmem>>)
        tpu.yield
      }) : () -> ()
      "tpu.region"() ({
        %run_scoped3A = tpu.sem_alloc : memref<!tpu.dma_semaphore, #tpu.memory_space<semaphore_mem>>
        %dma_start3A = tpu.memref_slice %arg2[%add3A_25] : memref<320000xi32, #tpu.memory_space<hbm>> -> memref<10000xi32, #tpu.memory_space<hbm>>
        %dma_start3A_94 = tpu.memref_slice %arg2[%add3A_25] : memref<320000xi32, #tpu.memory_space<hbm>> -> memref<10000xi32, #tpu.memory_space<hbm>>
        tpu.enqueue_dma source(%dma_start3A_94 : memref<10000xi32, #tpu.memory_space<hbm>>) target(%arg8 : memref<10000xi32, #tpu.memory_space<vmem>>) target_semaphore(%run_scoped3A : memref<!tpu.dma_semaphore, #tpu.memory_space<semaphore_mem>>)
        %dma_wait3A = tpu.memref_slice %arg2[%add3A_25] : memref<320000xi32, #tpu.memory_space<hbm>> -> memref<10000xi32, #tpu.memory_space<hbm>>
        %dma_wait3A_95 = tpu.memref_slice %arg2[%add3A_25] : memref<320000xi32, #tpu.memory_space<hbm>> -> memref<10000xi32, #tpu.memory_space<hbm>>
        tpu.wait_dma2 semaphore(%run_scoped3A : memref<!tpu.dma_semaphore, #tpu.memory_space<semaphore_mem>>) src(%dma_wait3A_95 : memref<10000xi32, #tpu.memory_space<hbm>>) dst(%arg8 : memref<10000xi32, #tpu.memory_space<vmem>>)
        tpu.yield
      }) : () -> ()
      %scan3A_26 = arith.constant 0 : i32
      %scan3A_27 = arith.constant 0 : i32
      %scan3A_28 = arith.constant 625 : i32
      %scan3A_29 = arith.addi %scan3A_27, %scan3A_28 : i32
      %scan3A_30 = arith.constant 1 : i32
      %scan3A_31 = scf.for %scan3A_94 = %scan3A_27 to %scan3A_29 step %scan3A_30 iter_args(%scan3A_95 = %scan3A_26) -> (i32)  : i32 {
        %mul3A_96 = arith.constant 16 : i32
        %mul3A_97 = arith.muli %scan3A_94, %mul3A_96 : i32
        %get3A = arith.index_cast %mul3A_97 : i32 to index
        %get3A_98 = tpu.vector_load %arg7[%get3A] {strides = array<i32>} : memref<10000xi32, #tpu.memory_space<vmem>>, vector<16xi32>,
        %mul3A_99 = arith.constant 16 : i32
        %mul3A_100 = arith.muli %scan3A_94, %mul3A_99 : i32
        %get3A_101 = arith.index_cast %mul3A_100 : i32 to index
        %get3A_102 = tpu.vector_load %arg8[%get3A_101] {strides = array<i32>} : memref<10000xi32, #tpu.memory_space<vmem>>, vector<16xi32>,
        %ge3A = vector.broadcast %mul3A_5 : i32 to vector<16xi32>
        %ge3A_103 = arith.cmpi sge, %get3A_98, %ge3A : vector<16xi32>
        %add3A_104 = arith.constant 5120 : i32
        %add3A_105 = arith.addi %mul3A_5, %add3A_104 : i32
        %lt3A = vector.broadcast %add3A_105 : i32 to vector<16xi32>
        %lt3A_106 = arith.cmpi slt, %get3A_98, %lt3A : vector<16xi32>
        %and3A_107 = arith.andi %ge3A_103, %lt3A_106 : vector<16xi1>
        %convert_element_type3A_108 = arith.extui %and3A_107 : vector<16xi1> to vector<16xi32>
        %broadcast_in_dim3A_109 = arith.constant true
        %broadcast_in_dim3A_110 = vector.broadcast %broadcast_in_dim3A_109 : i1 to vector<16xi1>
        %masked_cumsum3A = tpu.scan <sum>, %convert_element_type3A_108 masked %broadcast_in_dim3A_110 : vector<16xi32>, vector<16xi1> -> vector<16xi32>
        %add3A_111 = vector.broadcast %scan3A_95 : i32 to vector<16xi32>
        %add3A_112 = arith.addi %add3A_111, %masked_cumsum3A : vector<16xi32>
        %sub3A_113 = arith.constant 1 : i32
        %sub3A_114 = vector.broadcast %sub3A_113 : i32 to vector<16xi32>
        %sub3A_115 = arith.subi %add3A_112, %sub3A_114 : vector<16xi32>
        %jit3A_116 = arith.constant 10128 : i32
        %broadcast_in_dim3A_117 = vector.broadcast %jit3A_116 : i32 to vector<16xi32>
        %select_n3A_118 = arith.select %and3A_107, %sub3A_115, %broadcast_in_dim3A_117 : vector<16xi1>, vector<16xi32>
        %sub3A_119 = vector.broadcast %mul3A_5 : i32 to vector<16xi32>
        %sub3A_120 = arith.subi %get3A_98, %sub3A_119 : vector<16xi32>
        tpu.vector_store_idx %arg9[%select_n3A_118], %sub3A_120 : memref<10144xi32, #tpu.memory_space<vmem>>[vector<16xi32>], vector<16xi32>,
        tpu.vector_store_idx %arg10[%select_n3A_118], %get3A_102 : memref<10144xi32, #tpu.memory_space<vmem>>[vector<16xi32>], vector<16xi32>,
        %reduce_max3A = arith.constant true
        %reduce_max3A_121 = vector.broadcast %reduce_max3A : i1 to vector<16xi1>
        %reduce_max3A_122 = arith.constant -2147483648 : i32
        %reduce_max3A_123 = vector.broadcast %reduce_max3A_122 : i32 to vector<16xi32>
        %reduce_max3A_124 = arith.xori %masked_cumsum3A, %reduce_max3A_123 : vector<16xi32>
        %reduce_max3A_125 = tpu.scan <max>, %reduce_max3A_124 masked %reduce_max3A_121 : vector<16xi32>, vector<16xi1> -> vector<16xi32>
        %reduce_max3A_126 = arith.xori %reduce_max3A_125, %reduce_max3A_123 : vector<16xi32>
        %reduce_max3A_127 = vector.extract %reduce_max3A_126[15] : i32 from vector<16xi32>
        %add3A_128 = arith.addi %scan3A_95, %reduce_max3A_127 : i32
        scf.yield %add3A_128 : i32
      }
      %scan3A_32 = arith.constant 625 : i32
      %add3A_33 = arith.constant 0 : i32
      %add3A_34 = arith.addi %scan3A_31, %add3A_33 : i32
      %iota3A = tpu.iota {dimensions = array<i32: 0>} : vector<16xi32>
      %add3A_35 = vector.broadcast %add3A_34 : i32 to vector<16xi32>
      %add3A_36 = arith.addi %add3A_35, %iota3A : vector<16xi32>
      %broadcast_in_dim3A = arith.constant 5120 : i32
      %broadcast_in_dim3A_37 = vector.broadcast %broadcast_in_dim3A : i32 to vector<16xi32>
      tpu.vector_store_idx %arg9[%add3A_36], %broadcast_in_dim3A_37 : memref<10144xi32, #tpu.memory_space<vmem>>[vector<16xi32>], vector<16xi32>,
      %broadcast_in_dim3A_38 = arith.constant 0 : i32
      %broadcast_in_dim3A_39 = vector.broadcast %broadcast_in_dim3A_38 : i32 to vector<16xi32>
      tpu.vector_store_idx %arg10[%add3A_36], %broadcast_in_dim3A_39 : memref<10144xi32, #tpu.memory_space<vmem>>[vector<16xi32>], vector<16xi32>,
      %add3A_40 = arith.constant 16 : i32
      %add3A_41 = arith.addi %scan3A_31, %add3A_40 : i32
      %iota3A_42 = tpu.iota {dimensions = array<i32: 0>} : vector<16xi32>
      %add3A_43 = vector.broadcast %add3A_41 : i32 to vector<16xi32>
      %add3A_44 = arith.addi %add3A_43, %iota3A_42 : vector<16xi32>
      %broadcast_in_dim3A_45 = arith.constant 5120 : i32
      %broadcast_in_dim3A_46 = vector.broadcast %broadcast_in_dim3A_45 : i32 to vector<16xi32>
      tpu.vector_store_idx %arg9[%add3A_44], %broadcast_in_dim3A_46 : memref<10144xi32, #tpu.memory_space<vmem>>[vector<16xi32>], vector<16xi32>,
      %broadcast_in_dim3A_47 = arith.constant 0 : i32
      %broadcast_in_dim3A_48 = vector.broadcast %broadcast_in_dim3A_47 : i32 to vector<16xi32>
      tpu.vector_store_idx %arg10[%add3A_44], %broadcast_in_dim3A_48 : memref<10144xi32, #tpu.memory_space<vmem>>[vector<16xi32>], vector<16xi32>,
      %add3A_49 = arith.constant 32 : i32
      %add3A_50 = arith.addi %scan3A_31, %add3A_49 : i32
      %iota3A_51 = tpu.iota {dimensions = array<i32: 0>} : vector<16xi32>
      %add3A_52 = vector.broadcast %add3A_50 : i32 to vector<16xi32>
      %add3A_53 = arith.addi %add3A_52, %iota3A_51 : vector<16xi32>
      %broadcast_in_dim3A_54 = arith.constant 5120 : i32
      %broadcast_in_dim3A_55 = vector.broadcast %broadcast_in_dim3A_54 : i32 to vector<16xi32>
      tpu.vector_store_idx %arg9[%add3A_53], %broadcast_in_dim3A_55 : memref<10144xi32, #tpu.memory_space<vmem>>[vector<16xi32>], vector<16xi32>,
      %broadcast_in_dim3A_56 = arith.constant 0 : i32
      %broadcast_in_dim3A_57 = vector.broadcast %broadcast_in_dim3A_56 : i32 to vector<16xi32>
      tpu.vector_store_idx %arg10[%add3A_53], %broadcast_in_dim3A_57 : memref<10144xi32, #tpu.memory_space<vmem>>[vector<16xi32>], vector<16xi32>,
      %add3A_58 = arith.constant 48 : i32
      %add3A_59 = arith.addi %scan3A_31, %add3A_58 : i32
      %iota3A_60 = tpu.iota {dimensions = array<i32: 0>} : vector<16xi32>
      %add3A_61 = vector.broadcast %add3A_59 : i32 to vector<16xi32>
      %add3A_62 = arith.addi %add3A_61, %iota3A_60 : vector<16xi32>
      %broadcast_in_dim3A_63 = arith.constant 5120 : i32
      %broadcast_in_dim3A_64 = vector.broadcast %broadcast_in_dim3A_63 : i32 to vector<16xi32>
      tpu.vector_store_idx %arg9[%add3A_62], %broadcast_in_dim3A_64 : memref<10144xi32, #tpu.memory_space<vmem>>[vector<16xi32>], vector<16xi32>,
      %broadcast_in_dim3A_65 = arith.constant 0 : i32
      %broadcast_in_dim3A_66 = vector.broadcast %broadcast_in_dim3A_65 : i32 to vector<16xi32>
      tpu.vector_store_idx %arg10[%add3A_62], %broadcast_in_dim3A_66 : memref<10144xi32, #tpu.memory_space<vmem>>[vector<16xi32>], vector<16xi32>,
      %add3A_67 = arith.constant 63 : i32
      %add3A_68 = arith.addi %scan3A_31, %add3A_67 : i32
      %jit3A = arith.constant 64 : i32
      %div3A = arith.divsi %add3A_68, %jit3A : i32
      %sign3A = arith.constant 0 : i32
      %sign3A_69 = arith.cmpi sgt, %add3A_68, %sign3A : i32
      %sign3A_70 = arith.extui %sign3A_69 : i1 to i32
      %sign3A_71 = arith.constant 0 : i32
      %sign3A_72 = arith.cmpi slt, %add3A_68, %sign3A_71 : i32
      %sign3A_73 = arith.extui %sign3A_72 : i1 to i32
      %sign3A_74 = arith.subi %sign3A_70, %sign3A_73 : i32
      %sign3A_75 = arith.constant 0 : i32
      %sign3A_76 = arith.cmpi sgt, %jit3A, %sign3A_75 : i32
      %sign3A_77 = arith.extui %sign3A_76 : i1 to i32
      %sign3A_78 = arith.constant 0 : i32
      %sign3A_79 = arith.cmpi slt, %jit3A, %sign3A_78 : i32
      %sign3A_80 = arith.extui %sign3A_79 : i1 to i32
      %sign3A_81 = arith.subi %sign3A_77, %sign3A_80 : i32
      %ne3A = arith.cmpi ne, %sign3A_74, %sign3A_81 : i32
      %rem3A = arith.remsi %add3A_68, %jit3A : i32
      %ne3A_82 = arith.constant 0 : i32
      %ne3A_83 = arith.cmpi ne, %rem3A, %ne3A_82 : i32
      %and3A = arith.andi %ne3A, %ne3A_83 : i1
      %sub3A = arith.constant 1 : i32
      %sub3A_84 = arith.subi %div3A, %sub3A : i32
      %select_n3A = arith.select %and3A, %sub3A_84, %div3A : i32
      %while3A = arith.constant 0 : i32
      %while3A_85 = arith.constant 0 : i32
      %while3A_86 = arith.subi %select_n3A, %while3A_85 : i32
      %while3A_87 = arith.addi %while3A_85, %while3A_86 : i32
      %while3A_88 = arith.constant 1 : i32
      %while3A_89 = arith.divsi %while3A_86, %while3A_88 : i32
      %while3A_90 = arith.muli %while3A_89, %while3A_88 : i32
      %while3A_91 = arith.addi %while3A_85, %while3A_90 : i32
      %while3A_92 = arith.constant 1 : i32
      scf.for %while3A_94 = %while3A_85 to %while3A_91 step %while3A_92  : i32 {
        %mul3A_95 = arith.constant 64 : i32
        %mul3A_96 = arith.muli %while3A_94, %mul3A_95 : i32
        %add3A_97 = arith.constant 0 : i32
        %add3A_98 = arith.addi %mul3A_96, %add3A_97 : i32
        %add3A_99 = arith.constant 0 : i32
        %add3A_100 = arith.addi %add3A_98, %add3A_99 : i32
        %get3A = arith.index_cast %add3A_100 : i32 to index
        %get3A_101 = tpu.vector_load %arg9[%get3A] {strides = array<i32>} : memref<10144xi32, #tpu.memory_space<vmem>>, vector<16xi32>,
        %swap3A = arith.constant 0 : index
        %swap3A_102 = tpu.vector_load %arg11[%swap3A] {strides = array<i32>} : memref<32xi32, #tpu.memory_space<vmem>>, vector<16xi32>,
        tpu.vector_store %arg11[%swap3A], %get3A_101 {strides = array<i32>} : memref<32xi32, #tpu.memory_space<vmem>>, vector<16xi32>,
        %get3A_103 = arith.index_cast %add3A_100 : i32 to index
        %get3A_104 = tpu.vector_load %arg10[%get3A_103] {strides = array<i32>} : memref<10144xi32, #tpu.memory_space<vmem>>, vector<16xi32>,
        %swap3A_105 = arith.constant 0 : index
        %swap3A_106 = tpu.vector_load %arg13[%swap3A_105] {strides = array<i32>} : memref<32xi32, #tpu.memory_space<vmem>>, vector<16xi32>,
        tpu.vector_store %arg13[%swap3A_105], %get3A_104 {strides = array<i32>} : memref<32xi32, #tpu.memory_space<vmem>>, vector<16xi32>,
        %mul3A_107 = arith.constant 64 : i32
        %mul3A_108 = arith.muli %while3A_94, %mul3A_107 : i32
        %add3A_109 = arith.constant 0 : i32
        %add3A_110 = arith.addi %mul3A_108, %add3A_109 : i32
        %add3A_111 = arith.constant 16 : i32
        %add3A_112 = arith.addi %add3A_110, %add3A_111 : i32
        %get3A_113 = arith.index_cast %add3A_112 : i32 to index
        %get3A_114 = tpu.vector_load %arg9[%get3A_113] {strides = array<i32>} : memref<10144xi32, #tpu.memory_space<vmem>>, vector<16xi32>,
        %swap3A_115 = arith.constant 16 : index
        %swap3A_116 = tpu.vector_load %arg11[%swap3A_115] {strides = array<i32>} : memref<32xi32, #tpu.memory_space<vmem>>, vector<16xi32>,
        tpu.vector_store %arg11[%swap3A_115], %get3A_114 {strides = array<i32>} : memref<32xi32, #tpu.memory_space<vmem>>, vector<16xi32>,
        %get3A_117 = arith.index_cast %add3A_112 : i32 to index
        %get3A_118 = tpu.vector_load %arg10[%get3A_117] {strides = array<i32>} : memref<10144xi32, #tpu.memory_space<vmem>>, vector<16xi32>,
        %swap3A_119 = arith.constant 16 : index
        %swap3A_120 = tpu.vector_load %arg13[%swap3A_119] {strides = array<i32>} : memref<32xi32, #tpu.memory_space<vmem>>, vector<16xi32>,
        tpu.vector_store %arg13[%swap3A_119], %get3A_118 {strides = array<i32>} : memref<32xi32, #tpu.memory_space<vmem>>, vector<16xi32>,
        %dma_start3A = arith.constant 0 : i32
        %dma_start3A_121 = arith.constant 0 : i32
        %dma_start3A_122 = tpu.memref_slice %arg4[%dma_start3A, %dma_start3A_121] : memref<10000x128xf32, #tpu.memory_space<hbm>> -> memref<10000x128xf32, #tpu.memory_space<hbm>>
        tpu.enqueue_indirect_dma source(%dma_start3A_122 : memref<10000x128xf32, #tpu.memory_space<hbm>>) target(%arg15 : memref<32x128xf32, #tpu.memory_space<vmem>>) offsets(%arg13 : memref<32xi32, #tpu.memory_space<vmem>>) semaphore(%arg18 : memref<!tpu.dma_semaphore, #tpu.memory_space<semaphore_mem>>)
        %mul3A_123 = arith.constant 64 : i32
        %mul3A_124 = arith.muli %while3A_94, %mul3A_123 : i32
        %add3A_125 = arith.constant 32 : i32
        %add3A_126 = arith.addi %mul3A_124, %add3A_125 : i32
        %add3A_127 = arith.constant 0 : i32
        %add3A_128 = arith.addi %add3A_126, %add3A_127 : i32
        %get3A_129 = arith.index_cast %add3A_128 : i32 to index
        %get3A_130 = tpu.vector_load %arg9[%get3A_129] {strides = array<i32>} : memref<10144xi32, #tpu.memory_space<vmem>>, vector<16xi32>,
        %swap3A_131 = arith.constant 0 : index
        %swap3A_132 = tpu.vector_load %arg12[%swap3A_131] {strides = array<i32>} : memref<32xi32, #tpu.memory_space<vmem>>, vector<16xi32>,
        tpu.vector_store %arg12[%swap3A_131], %get3A_130 {strides = array<i32>} : memref<32xi32, #tpu.memory_space<vmem>>, vector<16xi32>,
        %get3A_133 = arith.index_cast %add3A_128 : i32 to index
        %get3A_134 = tpu.vector_load %arg10[%get3A_133] {strides = array<i32>} : memref<10144xi32, #tpu.memory_space<vmem>>, vector<16xi32>,
        %swap3A_135 = arith.constant 0 : index
        %swap3A_136 = tpu.vector_load %arg14[%swap3A_135] {strides = array<i32>} : memref<32xi32, #tpu.memory_space<vmem>>, vector<16xi32>,
        tpu.vector_store %arg14[%swap3A_135], %get3A_134 {strides = array<i32>} : memref<32xi32, #tpu.memory_space<vmem>>, vector<16xi32>,
        %mul3A_137 = arith.constant 64 : i32
        %mul3A_138 = arith.muli %while3A_94, %mul3A_137 : i32
        %add3A_139 = arith.constant 32 : i32
        %add3A_140 = arith.addi %mul3A_138, %add3A_139 : i32
        %add3A_141 = arith.constant 16 : i32
        %add3A_142 = arith.addi %add3A_140, %add3A_141 : i32
        %get3A_143 = arith.index_cast %add3A_142 : i32 to index
        %get3A_144 = tpu.vector_load %arg9[%get3A_143] {strides = array<i32>} : memref<10144xi32, #tpu.memory_space<vmem>>, vector<16xi32>,
        %swap3A_145 = arith.constant 16 : index
        %swap3A_146 = tpu.vector_load %arg12[%swap3A_145] {strides = array<i32>} : memref<32xi32, #tpu.memory_space<vmem>>, vector<16xi32>,
        tpu.vector_store %arg12[%swap3A_145], %get3A_144 {strides = array<i32>} : memref<32xi32, #tpu.memory_space<vmem>>, vector<16xi32>,
        %get3A_147 = arith.index_cast %add3A_142 : i32 to index
        %get3A_148 = tpu.vector_load %arg10[%get3A_147] {strides = array<i32>} : memref<10144xi32, #tpu.memory_space<vmem>>, vector<16xi32>,
        %swap3A_149 = arith.constant 16 : index
        %swap3A_150 = tpu.vector_load %arg14[%swap3A_149] {strides = array<i32>} : memref<32xi32, #tpu.memory_space<vmem>>, vector<16xi32>,
        tpu.vector_store %arg14[%swap3A_149], %get3A_148 {strides = array<i32>} : memref<32xi32, #tpu.memory_space<vmem>>, vector<16xi32>,
        %dma_start3A_151 = arith.constant 0 : i32
        %dma_start3A_152 = arith.constant 0 : i32
        %dma_start3A_153 = tpu.memref_slice %arg4[%dma_start3A_151, %dma_start3A_152] : memref<10000x128xf32, #tpu.memory_space<hbm>> -> memref<10000x128xf32, #tpu.memory_space<hbm>>
        tpu.enqueue_indirect_dma source(%dma_start3A_153 : memref<10000x128xf32, #tpu.memory_space<hbm>>) target(%arg16 : memref<32x128xf32, #tpu.memory_space<vmem>>) offsets(%arg14 : memref<32xi32, #tpu.memory_space<vmem>>) semaphore(%arg19 : memref<!tpu.dma_semaphore, #tpu.memory_space<semaphore_mem>>)
        %dma_wait3A = arith.constant 0 : i32
        %dma_wait3A_154 = arith.constant 0 : i32
        %dma_wait3A_155 = tpu.memref_slice %arg4[%dma_wait3A, %dma_wait3A_154] : memref<10000x128xf32, #tpu.memory_space<hbm>> -> memref<10000x128xf32, #tpu.memory_space<hbm>>
        tpu.wait_indirect_dma semaphore(%arg18 : memref<!tpu.dma_semaphore, #tpu.memory_space<semaphore_mem>>) src(%dma_wait3A_155 : memref<10000x128xf32, #tpu.memory_space<hbm>>) dst(%arg15 : memref<32x128xf32, #tpu.memory_space<vmem>>)
        "tpu.region"() ({
          %run_scoped3A = tpu.sem_alloc : memref<!tpu.dma_semaphore, #tpu.memory_space<semaphore_mem>>
          %dma_start3A_159 = arith.constant 0 : i32
          %dma_start3A_160 = arith.constant 0 : i32
          %dma_start3A_161 = tpu.memref_slice %arg17[%dma_start3A_159, %dma_start3A_160] : memref<5248x128xf32, #tpu.memory_space<vmem_shared>> -> memref<5248x128xf32, #tpu.memory_space<vmem_shared>>
          tpu.enqueue_indirect_dma source(%arg15 : memref<32x128xf32, #tpu.memory_space<vmem>>) target(%dma_start3A_161 : memref<5248x128xf32, #tpu.memory_space<vmem_shared>>) offsets(%arg11 : memref<32xi32, #tpu.memory_space<vmem>>) semaphore(%run_scoped3A : memref<!tpu.dma_semaphore, #tpu.memory_space<semaphore_mem>>) {add = true}
          %dma_wait3A_162 = arith.constant 0 : i32
          %dma_wait3A_163 = arith.constant 0 : i32
          %dma_wait3A_164 = tpu.memref_slice %arg17[%dma_wait3A_162, %dma_wait3A_163] : memref<5248x128xf32, #tpu.memory_space<vmem_shared>> -> memref<5248x128xf32, #tpu.memory_space<vmem_shared>>
          tpu.wait_indirect_dma semaphore(%run_scoped3A : memref<!tpu.dma_semaphore, #tpu.memory_space<semaphore_mem>>) src(%arg15 : memref<32x128xf32, #tpu.memory_space<vmem>>) dst(%dma_wait3A_164 : memref<5248x128xf32, #tpu.memory_space<vmem_shared>>)
          tpu.yield
        }) : () -> ()
        %dma_wait3A_156 = arith.constant 0 : i32
        %dma_wait3A_157 = arith.constant 0 : i32
        %dma_wait3A_158 = tpu.memref_slice %arg4[%dma_wait3A_156, %dma_wait3A_157] : memref<10000x128xf32, #tpu.memory_space<hbm>> -> memref<10000x128xf32, #tpu.memory_space<hbm>>
        tpu.wait_indirect_dma semaphore(%arg19 : memref<!tpu.dma_semaphore, #tpu.memory_space<semaphore_mem>>) src(%dma_wait3A_158 : memref<10000x128xf32, #tpu.memory_space<hbm>>) dst(%arg16 : memref<32x128xf32, #tpu.memory_space<vmem>>)
        "tpu.region"() ({
          %run_scoped3A = tpu.sem_alloc : memref<!tpu.dma_semaphore, #tpu.memory_space<semaphore_mem>>
          %dma_start3A_159 = arith.constant 0 : i32
          %dma_start3A_160 = arith.constant 0 : i32
          %dma_start3A_161 = tpu.memref_slice %arg17[%dma_start3A_159, %dma_start3A_160] : memref<5248x128xf32, #tpu.memory_space<vmem_shared>> -> memref<5248x128xf32, #tpu.memory_space<vmem_shared>>
          tpu.enqueue_indirect_dma source(%arg16 : memref<32x128xf32, #tpu.memory_space<vmem>>) target(%dma_start3A_161 : memref<5248x128xf32, #tpu.memory_space<vmem_shared>>) offsets(%arg12 : memref<32xi32, #tpu.memory_space<vmem>>) semaphore(%run_scoped3A : memref<!tpu.dma_semaphore, #tpu.memory_space<semaphore_mem>>) {add = true}
          %dma_wait3A_162 = arith.constant 0 : i32
          %dma_wait3A_163 = arith.constant 0 : i32
          %dma_wait3A_164 = tpu.memref_slice %arg17[%dma_wait3A_162, %dma_wait3A_163] : memref<5248x128xf32, #tpu.memory_space<vmem_shared>> -> memref<5248x128xf32, #tpu.memory_space<vmem_shared>>
          tpu.wait_indirect_dma semaphore(%run_scoped3A : memref<!tpu.dma_semaphore, #tpu.memory_space<semaphore_mem>>) src(%arg16 : memref<32x128xf32, #tpu.memory_space<vmem>>) dst(%dma_wait3A_164 : memref<5248x128xf32, #tpu.memory_space<vmem_shared>>)
          tpu.yield
        }) : () -> ()
      }
      %while3A_93 = arith.constant 1 : i32
      scf.for %while3A_94 = %while3A_91 to %while3A_87 step %while3A_93  : i32 {
        %mul3A_95 = arith.constant 64 : i32
        %mul3A_96 = arith.muli %while3A_94, %mul3A_95 : i32
        %add3A_97 = arith.constant 0 : i32
        %add3A_98 = arith.addi %mul3A_96, %add3A_97 : i32
        %add3A_99 = arith.constant 0 : i32
        %add3A_100 = arith.addi %add3A_98, %add3A_99 : i32
        %get3A = arith.index_cast %add3A_100 : i32 to index
        %get3A_101 = tpu.vector_load %arg9[%get3A] {strides = array<i32>} : memref<10144xi32, #tpu.memory_space<vmem>>, vector<16xi32>,
        %swap3A = arith.constant 0 : index
        %swap3A_102 = tpu.vector_load %arg11[%swap3A] {strides = array<i32>} : memref<32xi32, #tpu.memory_space<vmem>>, vector<16xi32>,
        tpu.vector_store %arg11[%swap3A], %get3A_101 {strides = array<i32>} : memref<32xi32, #tpu.memory_space<vmem>>, vector<16xi32>,
        %get3A_103 = arith.index_cast %add3A_100 : i32 to index
        %get3A_104 = tpu.vector_load %arg10[%get3A_103] {strides = array<i32>} : memref<10144xi32, #tpu.memory_space<vmem>>, vector<16xi32>,
        %swap3A_105 = arith.constant 0 : index
        %swap3A_106 = tpu.vector_load %arg13[%swap3A_105] {strides = array<i32>} : memref<32xi32, #tpu.memory_space<vmem>>, vector<16xi32>,
        tpu.vector_store %arg13[%swap3A_105], %get3A_104 {strides = array<i32>} : memref<32xi32, #tpu.memory_space<vmem>>, vector<16xi32>,
        %mul3A_107 = arith.constant 64 : i32
        %mul3A_108 = arith.muli %while3A_94, %mul3A_107 : i32
        %add3A_109 = arith.constant 0 : i32
        %add3A_110 = arith.addi %mul3A_108, %add3A_109 : i32
        %add3A_111 = arith.constant 16 : i32
        %add3A_112 = arith.addi %add3A_110, %add3A_111 : i32
        %get3A_113 = arith.index_cast %add3A_112 : i32 to index
        %get3A_114 = tpu.vector_load %arg9[%get3A_113] {strides = array<i32>} : memref<10144xi32, #tpu.memory_space<vmem>>, vector<16xi32>,
        %swap3A_115 = arith.constant 16 : index
        %swap3A_116 = tpu.vector_load %arg11[%swap3A_115] {strides = array<i32>} : memref<32xi32, #tpu.memory_space<vmem>>, vector<16xi32>,
        tpu.vector_store %arg11[%swap3A_115], %get3A_114 {strides = array<i32>} : memref<32xi32, #tpu.memory_space<vmem>>, vector<16xi32>,
        %get3A_117 = arith.index_cast %add3A_112 : i32 to index
        %get3A_118 = tpu.vector_load %arg10[%get3A_117] {strides = array<i32>} : memref<10144xi32, #tpu.memory_space<vmem>>, vector<16xi32>,
        %swap3A_119 = arith.constant 16 : index
        %swap3A_120 = tpu.vector_load %arg13[%swap3A_119] {strides = array<i32>} : memref<32xi32, #tpu.memory_space<vmem>>, vector<16xi32>,
        tpu.vector_store %arg13[%swap3A_119], %get3A_118 {strides = array<i32>} : memref<32xi32, #tpu.memory_space<vmem>>, vector<16xi32>,
        %dma_start3A = arith.constant 0 : i32
        %dma_start3A_121 = arith.constant 0 : i32
        %dma_start3A_122 = tpu.memref_slice %arg4[%dma_start3A, %dma_start3A_121] : memref<10000x128xf32, #tpu.memory_space<hbm>> -> memref<10000x128xf32, #tpu.memory_space<hbm>>
        tpu.enqueue_indirect_dma source(%dma_start3A_122 : memref<10000x128xf32, #tpu.memory_space<hbm>>) target(%arg15 : memref<32x128xf32, #tpu.memory_space<vmem>>) offsets(%arg13 : memref<32xi32, #tpu.memory_space<vmem>>) semaphore(%arg18 : memref<!tpu.dma_semaphore, #tpu.memory_space<semaphore_mem>>)
        %mul3A_123 = arith.constant 64 : i32
        %mul3A_124 = arith.muli %while3A_94, %mul3A_123 : i32
        %add3A_125 = arith.constant 32 : i32
        %add3A_126 = arith.addi %mul3A_124, %add3A_125 : i32
        %add3A_127 = arith.constant 0 : i32
        %add3A_128 = arith.addi %add3A_126, %add3A_127 : i32
        %get3A_129 = arith.index_cast %add3A_128 : i32 to index
        %get3A_130 = tpu.vector_load %arg9[%get3A_129] {strides = array<i32>} : memref<10144xi32, #tpu.memory_space<vmem>>, vector<16xi32>,
        %swap3A_131 = arith.constant 0 : index
        %swap3A_132 = tpu.vector_load %arg12[%swap3A_131] {strides = array<i32>} : memref<32xi32, #tpu.memory_space<vmem>>, vector<16xi32>,
        tpu.vector_store %arg12[%swap3A_131], %get3A_130 {strides = array<i32>} : memref<32xi32, #tpu.memory_space<vmem>>, vector<16xi32>,
        %get3A_133 = arith.index_cast %add3A_128 : i32 to index
        %get3A_134 = tpu.vector_load %arg10[%get3A_133] {strides = array<i32>} : memref<10144xi32, #tpu.memory_space<vmem>>, vector<16xi32>,
        %swap3A_135 = arith.constant 0 : index
        %swap3A_136 = tpu.vector_load %arg14[%swap3A_135] {strides = array<i32>} : memref<32xi32, #tpu.memory_space<vmem>>, vector<16xi32>,
        tpu.vector_store %arg14[%swap3A_135], %get3A_134 {strides = array<i32>} : memref<32xi32, #tpu.memory_space<vmem>>, vector<16xi32>,
        %mul3A_137 = arith.constant 64 : i32
        %mul3A_138 = arith.muli %while3A_94, %mul3A_137 : i32
        %add3A_139 = arith.constant 32 : i32
        %add3A_140 = arith.addi %mul3A_138, %add3A_139 : i32
        %add3A_141 = arith.constant 16 : i32
        %add3A_142 = arith.addi %add3A_140, %add3A_141 : i32
        %get3A_143 = arith.index_cast %add3A_142 : i32 to index
        %get3A_144 = tpu.vector_load %arg9[%get3A_143] {strides = array<i32>} : memref<10144xi32, #tpu.memory_space<vmem>>, vector<16xi32>,
        %swap3A_145 = arith.constant 16 : index
        %swap3A_146 = tpu.vector_load %arg12[%swap3A_145] {strides = array<i32>} : memref<32xi32, #tpu.memory_space<vmem>>, vector<16xi32>,
        tpu.vector_store %arg12[%swap3A_145], %get3A_144 {strides = array<i32>} : memref<32xi32, #tpu.memory_space<vmem>>, vector<16xi32>,
        %get3A_147 = arith.index_cast %add3A_142 : i32 to index
        %get3A_148 = tpu.vector_load %arg10[%get3A_147] {strides = array<i32>} : memref<10144xi32, #tpu.memory_space<vmem>>, vector<16xi32>,
        %swap3A_149 = arith.constant 16 : index
        %swap3A_150 = tpu.vector_load %arg14[%swap3A_149] {strides = array<i32>} : memref<32xi32, #tpu.memory_space<vmem>>, vector<16xi32>,
        tpu.vector_store %arg14[%swap3A_149], %get3A_148 {strides = array<i32>} : memref<32xi32, #tpu.memory_space<vmem>>, vector<16xi32>,
        %dma_start3A_151 = arith.constant 0 : i32
        %dma_start3A_152 = arith.constant 0 : i32
        %dma_start3A_153 = tpu.memref_slice %arg4[%dma_start3A_151, %dma_start3A_152] : memref<10000x128xf32, #tpu.memory_space<hbm>> -> memref<10000x128xf32, #tpu.memory_space<hbm>>
        tpu.enqueue_indirect_dma source(%dma_start3A_153 : memref<10000x128xf32, #tpu.memory_space<hbm>>) target(%arg16 : memref<32x128xf32, #tpu.memory_space<vmem>>) offsets(%arg14 : memref<32xi32, #tpu.memory_space<vmem>>) semaphore(%arg19 : memref<!tpu.dma_semaphore, #tpu.memory_space<semaphore_mem>>)
        %dma_wait3A = arith.constant 0 : i32
        %dma_wait3A_154 = arith.constant 0 : i32
        %dma_wait3A_155 = tpu.memref_slice %arg4[%dma_wait3A, %dma_wait3A_154] : memref<10000x128xf32, #tpu.memory_space<hbm>> -> memref<10000x128xf32, #tpu.memory_space<hbm>>
        tpu.wait_indirect_dma semaphore(%arg18 : memref<!tpu.dma_semaphore, #tpu.memory_space<semaphore_mem>>) src(%dma_wait3A_155 : memref<10000x128xf32, #tpu.memory_space<hbm>>) dst(%arg15 : memref<32x128xf32, #tpu.memory_space<vmem>>)
        "tpu.region"() ({
          %run_scoped3A = tpu.sem_alloc : memref<!tpu.dma_semaphore, #tpu.memory_space<semaphore_mem>>
          %dma_start3A_159 = arith.constant 0 : i32
          %dma_start3A_160 = arith.constant 0 : i32
          %dma_start3A_161 = tpu.memref_slice %arg17[%dma_start3A_159, %dma_start3A_160] : memref<5248x128xf32, #tpu.memory_space<vmem_shared>> -> memref<5248x128xf32, #tpu.memory_space<vmem_shared>>
          tpu.enqueue_indirect_dma source(%arg15 : memref<32x128xf32, #tpu.memory_space<vmem>>) target(%dma_start3A_161 : memref<5248x128xf32, #tpu.memory_space<vmem_shared>>) offsets(%arg11 : memref<32xi32, #tpu.memory_space<vmem>>) semaphore(%run_scoped3A : memref<!tpu.dma_semaphore, #tpu.memory_space<semaphore_mem>>) {add = true}
          %dma_wait3A_162 = arith.constant 0 : i32
          %dma_wait3A_163 = arith.constant 0 : i32
          %dma_wait3A_164 = tpu.memref_slice %arg17[%dma_wait3A_162, %dma_wait3A_163] : memref<5248x128xf32, #tpu.memory_space<vmem_shared>> -> memref<5248x128xf32, #tpu.memory_space<vmem_shared>>
          tpu.wait_indirect_dma semaphore(%run_scoped3A : memref<!tpu.dma_semaphore, #tpu.memory_space<semaphore_mem>>) src(%arg15 : memref<32x128xf32, #tpu.memory_space<vmem>>) dst(%dma_wait3A_164 : memref<5248x128xf32, #tpu.memory_space<vmem_shared>>)
          tpu.yield
        }) : () -> ()
        %dma_wait3A_156 = arith.constant 0 : i32
        %dma_wait3A_157 = arith.constant 0 : i32
        %dma_wait3A_158 = tpu.memref_slice %arg4[%dma_wait3A_156, %dma_wait3A_157] : memref<10000x128xf32, #tpu.memory_space<hbm>> -> memref<10000x128xf32, #tpu.memory_space<hbm>>
        tpu.wait_indirect_dma semaphore(%arg19 : memref<!tpu.dma_semaphore, #tpu.memory_space<semaphore_mem>>) src(%dma_wait3A_158 : memref<10000x128xf32, #tpu.memory_space<hbm>>) dst(%arg16 : memref<32x128xf32, #tpu.memory_space<vmem>>)
        "tpu.region"() ({
          %run_scoped3A = tpu.sem_alloc : memref<!tpu.dma_semaphore, #tpu.memory_space<semaphore_mem>>
          %dma_start3A_159 = arith.constant 0 : i32
          %dma_start3A_160 = arith.constant 0 : i32
          %dma_start3A_161 = tpu.memref_slice %arg17[%dma_start3A_159, %dma_start3A_160] : memref<5248x128xf32, #tpu.memory_space<vmem_shared>> -> memref<5248x128xf32, #tpu.memory_space<vmem_shared>>
          tpu.enqueue_indirect_dma source(%arg16 : memref<32x128xf32, #tpu.memory_space<vmem>>) target(%dma_start3A_161 : memref<5248x128xf32, #tpu.memory_space<vmem_shared>>) offsets(%arg12 : memref<32xi32, #tpu.memory_space<vmem>>) semaphore(%run_scoped3A : memref<!tpu.dma_semaphore, #tpu.memory_space<semaphore_mem>>) {add = true}
          %dma_wait3A_162 = arith.constant 0 : i32
          %dma_wait3A_163 = arith.constant 0 : i32
          %dma_wait3A_164 = tpu.memref_slice %arg17[%dma_wait3A_162, %dma_wait3A_163] : memref<5248x128xf32, #tpu.memory_space<vmem_shared>> -> memref<5248x128xf32, #tpu.memory_space<vmem_shared>>
          tpu.wait_indirect_dma semaphore(%run_scoped3A : memref<!tpu.dma_semaphore, #tpu.memory_space<semaphore_mem>>) src(%arg16 : memref<32x128xf32, #tpu.memory_space<vmem>>) dst(%dma_wait3A_164 : memref<5248x128xf32, #tpu.memory_space<vmem_shared>>)
          tpu.yield
        }) : () -> ()
      }
    }
    %scan3A_10 = arith.constant 2 : i32
    %barrier3A_11 = arith.constant 0 : index
    tpu.barrier barrier_id(%barrier3A_11)
    %eq3A = arith.constant 0 : i32
    %eq3A_12 = arith.cmpi eq, %arg0, %eq3A : i32
    %convert_element_type3A = arith.extui %eq3A_12 : i1 to i32
    %cond3A = arith.constant 0 : i32
    %cond3A_13 = arith.cmpi ne, %convert_element_type3A, %cond3A : i32
    scf.if %cond3A_13 {
      %lt3A = arith.constant 15 : i32
      %lt3A_20 = arith.cmpi slt, %arg1, %lt3A : i32
      %convert_element_type3A_21 = arith.extui %lt3A_20 : i1 to i32
      %cond3A_22 = arith.constant 0 : i32
      %cond3A_23 = arith.cmpi ne, %convert_element_type3A_21, %cond3A_22 : i32
      scf.if %cond3A_23 {
        %mul3A_29 = arith.constant 320 : i32
        %mul3A_30 = arith.muli %arg1, %mul3A_29 : i32
        %mul3A_31 = arith.constant 320 : i32
        %mul3A_32 = arith.muli %arg1, %mul3A_31 : i32
        %add3A_33 = arith.constant 0 : i32
        %add3A_34 = arith.addi %add3A_33, %mul3A_32 : i32
        "tpu.region"() ({
          %run_scoped3A = tpu.sem_alloc : memref<!tpu.dma_semaphore, #tpu.memory_space<semaphore_mem>>
          %dma_start3A = arith.constant 0 : i32
          %dma_start3A_35 = tpu.memref_slice %arg6[%add3A_34, %dma_start3A] : memref<10000x128xf32, #tpu.memory_space<hbm>> -> memref<320x128xf32, #tpu.memory_space<hbm>>
          %dma_start3A_36 = arith.constant 0 : i32
          %dma_start3A_37 = tpu.memref_slice %arg17[%mul3A_30, %dma_start3A_36] : memref<5248x128xf32, #tpu.memory_space<vmem_shared>> -> memref<320x128xf32, #tpu.memory_space<vmem_shared>>
          tpu.enqueue_dma source(%dma_start3A_37 : memref<320x128xf32, #tpu.memory_space<vmem_shared>>) target(%dma_start3A_35 : memref<320x128xf32, #tpu.memory_space<hbm>>) target_semaphore(%run_scoped3A : memref<!tpu.dma_semaphore, #tpu.memory_space<semaphore_mem>>)
          %dma_wait3A = arith.constant 0 : i32
          %dma_wait3A_38 = tpu.memref_slice %arg6[%add3A_34, %dma_wait3A] : memref<10000x128xf32, #tpu.memory_space<hbm>> -> memref<320x128xf32, #tpu.memory_space<hbm>>
          %dma_wait3A_39 = arith.constant 0 : i32
          %dma_wait3A_40 = tpu.memref_slice %arg17[%mul3A_30, %dma_wait3A_39] : memref<5248x128xf32, #tpu.memory_space<vmem_shared>> -> memref<320x128xf32, #tpu.memory_space<vmem_shared>>
          tpu.wait_dma2 semaphore(%run_scoped3A : memref<!tpu.dma_semaphore, #tpu.memory_space<semaphore_mem>>) src(%dma_wait3A_40 : memref<320x128xf32, #tpu.memory_space<vmem_shared>>) dst(%dma_wait3A_38 : memref<320x128xf32, #tpu.memory_space<hbm>>)
          tpu.yield
        }) : () -> ()
      } else {
      }
      %eq3A_24 = arith.constant 15 : i32
      %eq3A_25 = arith.cmpi eq, %arg1, %eq3A_24 : i32
      %convert_element_type3A_26 = arith.extui %eq3A_25 : i1 to i32
      %cond3A_27 = arith.constant 0 : i32
      %cond3A_28 = arith.cmpi ne, %convert_element_type3A_26, %cond3A_27 : i32
      scf.if %cond3A_28 {
        "tpu.region"() ({
          %run_scoped3A = tpu.sem_alloc : memref<!tpu.dma_semaphore, #tpu.memory_space<semaphore_mem>>
          %dma_start3A = arith.constant 4800 : i32
          %dma_start3A_29 = arith.constant 0 : i32
          %dma_start3A_30 = tpu.memref_slice %arg6[%dma_start3A, %dma_start3A_29] : memref<10000x128xf32, #tpu.memory_space<hbm>> -> memref<320x128xf32, #tpu.memory_space<hbm>>
          %dma_start3A_31 = arith.constant 4800 : i32
          %dma_start3A_32 = arith.constant 0 : i32
          %dma_start3A_33 = tpu.memref_slice %arg17[%dma_start3A_31, %dma_start3A_32] : memref<5248x128xf32, #tpu.memory_space<vmem_shared>> -> memref<320x128xf32, #tpu.memory_space<vmem_shared>>
          tpu.enqueue_dma source(%dma_start3A_33 : memref<320x128xf32, #tpu.memory_space<vmem_shared>>) target(%dma_start3A_30 : memref<320x128xf32, #tpu.memory_space<hbm>>) target_semaphore(%run_scoped3A : memref<!tpu.dma_semaphore, #tpu.memory_space<semaphore_mem>>)
          %dma_wait3A = arith.constant 4800 : i32
          %dma_wait3A_34 = arith.constant 0 : i32
          %dma_wait3A_35 = tpu.memref_slice %arg6[%dma_wait3A, %dma_wait3A_34] : memref<10000x128xf32, #tpu.memory_space<hbm>> -> memref<320x128xf32, #tpu.memory_space<hbm>>
          %dma_wait3A_36 = arith.constant 4800 : i32
          %dma_wait3A_37 = arith.constant 0 : i32
          %dma_wait3A_38 = tpu.memref_slice %arg17[%dma_wait3A_36, %dma_wait3A_37] : memref<5248x128xf32, #tpu.memory_space<vmem_shared>> -> memref<320x128xf32, #tpu.memory_space<vmem_shared>>
          tpu.wait_dma2 semaphore(%run_scoped3A : memref<!tpu.dma_semaphore, #tpu.memory_space<semaphore_mem>>) src(%dma_wait3A_38 : memref<320x128xf32, #tpu.memory_space<vmem_shared>>) dst(%dma_wait3A_35 : memref<320x128xf32, #tpu.memory_space<hbm>>)
          tpu.yield
        }) : () -> ()
      } else {
      }
    } else {
    }
    %eq3A_14 = arith.constant 1 : i32
    %eq3A_15 = arith.cmpi eq, %arg0, %eq3A_14 : i32
    %convert_element_type3A_16 = arith.extui %eq3A_15 : i1 to i32
    %cond3A_17 = arith.constant 0 : i32
    %cond3A_18 = arith.cmpi ne, %convert_element_type3A_16, %cond3A_17 : i32
    scf.if %cond3A_18 {
      %lt3A = arith.constant 15 : i32
      %lt3A_20 = arith.cmpi slt, %arg1, %lt3A : i32
      %convert_element_type3A_21 = arith.extui %lt3A_20 : i1 to i32
      %cond3A_22 = arith.constant 0 : i32
      %cond3A_23 = arith.cmpi ne, %convert_element_type3A_21, %cond3A_22 : i32
      scf.if %cond3A_23 {
        %mul3A_29 = arith.constant 304 : i32
        %mul3A_30 = arith.muli %arg1, %mul3A_29 : i32
        %mul3A_31 = arith.constant 304 : i32
        %mul3A_32 = arith.muli %arg1, %mul3A_31 : i32
        %add3A_33 = arith.constant 5120 : i32
        %add3A_34 = arith.addi %add3A_33, %mul3A_32 : i32
        "tpu.region"() ({
          %run_scoped3A = tpu.sem_alloc : memref<!tpu.dma_semaphore, #tpu.memory_space<semaphore_mem>>
          %dma_start3A = arith.constant 0 : i32
          %dma_start3A_35 = tpu.memref_slice %arg6[%add3A_34, %dma_start3A] : memref<10000x128xf32, #tpu.memory_space<hbm>> -> memref<304x128xf32, #tpu.memory_space<hbm>>
          %dma_start3A_36 = arith.constant 0 : i32
          %dma_start3A_37 = tpu.memref_slice %arg17[%mul3A_30, %dma_start3A_36] : memref<5248x128xf32, #tpu.memory_space<vmem_shared>> -> memref<304x128xf32, #tpu.memory_space<vmem_shared>>
          tpu.enqueue_dma source(%dma_start3A_37 : memref<304x128xf32, #tpu.memory_space<vmem_shared>>) target(%dma_start3A_35 : memref<304x128xf32, #tpu.memory_space<hbm>>) target_semaphore(%run_scoped3A : memref<!tpu.dma_semaphore, #tpu.memory_space<semaphore_mem>>)
          %dma_wait3A = arith.constant 0 : i32
          %dma_wait3A_38 = tpu.memref_slice %arg6[%add3A_34, %dma_wait3A] : memref<10000x128xf32, #tpu.memory_space<hbm>> -> memref<304x128xf32, #tpu.memory_space<hbm>>
          %dma_wait3A_39 = arith.constant 0 : i32
          %dma_wait3A_40 = tpu.memref_slice %arg17[%mul3A_30, %dma_wait3A_39] : memref<5248x128xf32, #tpu.memory_space<vmem_shared>> -> memref<304x128xf32, #tpu.memory_space<vmem_shared>>
          tpu.wait_dma2 semaphore(%run_scoped3A : memref<!tpu.dma_semaphore, #tpu.memory_space<semaphore_mem>>) src(%dma_wait3A_40 : memref<304x128xf32, #tpu.memory_space<vmem_shared>>) dst(%dma_wait3A_38 : memref<304x128xf32, #tpu.memory_space<hbm>>)
          tpu.yield
        }) : () -> ()
      } else {
      }
      %eq3A_24 = arith.constant 15 : i32
      %eq3A_25 = arith.cmpi eq, %arg1, %eq3A_24 : i32
      %convert_element_type3A_26 = arith.extui %eq3A_25 : i1 to i32
      %cond3A_27 = arith.constant 0 : i32
      %cond3A_28 = arith.cmpi ne, %convert_element_type3A_26, %cond3A_27 : i32
      scf.if %cond3A_28 {
        "tpu.region"() ({
          %run_scoped3A = tpu.sem_alloc : memref<!tpu.dma_semaphore, #tpu.memory_space<semaphore_mem>>
          %dma_start3A = arith.constant 9680 : i32
          %dma_start3A_29 = arith.constant 0 : i32
          %dma_start3A_30 = tpu.memref_slice %arg6[%dma_start3A, %dma_start3A_29] : memref<10000x128xf32, #tpu.memory_space<hbm>> -> memref<320x128xf32, #tpu.memory_space<hbm>>
          %dma_start3A_31 = arith.constant 4560 : i32
          %dma_start3A_32 = arith.constant 0 : i32
          %dma_start3A_33 = tpu.memref_slice %arg17[%dma_start3A_31, %dma_start3A_32] : memref<5248x128xf32, #tpu.memory_space<vmem_shared>> -> memref<320x128xf32, #tpu.memory_space<vmem_shared>>
          tpu.enqueue_dma source(%dma_start3A_33 : memref<320x128xf32, #tpu.memory_space<vmem_shared>>) target(%dma_start3A_30 : memref<320x128xf32, #tpu.memory_space<hbm>>) target_semaphore(%run_scoped3A : memref<!tpu.dma_semaphore, #tpu.memory_space<semaphore_mem>>)
          %dma_wait3A = arith.constant 9680 : i32
          %dma_wait3A_34 = arith.constant 0 : i32
          %dma_wait3A_35 = tpu.memref_slice %arg6[%dma_wait3A, %dma_wait3A_34] : memref<10000x128xf32, #tpu.memory_space<hbm>> -> memref<320x128xf32, #tpu.memory_space<hbm>>
          %dma_wait3A_36 = arith.constant 4560 : i32
          %dma_wait3A_37 = arith.constant 0 : i32
          %dma_wait3A_38 = tpu.memref_slice %arg17[%dma_wait3A_36, %dma_wait3A_37] : memref<5248x128xf32, #tpu.memory_space<vmem_shared>> -> memref<320x128xf32, #tpu.memory_space<vmem_shared>>
          tpu.wait_dma2 semaphore(%run_scoped3A : memref<!tpu.dma_semaphore, #tpu.memory_space<semaphore_mem>>) src(%dma_wait3A_38 : memref<320x128xf32, #tpu.memory_space<vmem_shared>>) dst(%dma_wait3A_35 : memref<320x128xf32, #tpu.memory_space<hbm>>)
          tpu.yield
        }) : () -> ()
      } else {
      }
    } else {
    }
    %barrier3A_19 = arith.constant 0 : index
    tpu.barrier barrier_id(%barrier3A_19)
    return
  }
}

#map = affine_map<(d0, d1) -> (0)>
#map1 = affine_map<(d0, d1) -> (0, 0)>
module attributes {stable_mosaic.version = 14 : i64} {
  func.func @k(%arg0: i32, %arg1: i32, %arg2: memref<320000xi32, #tpu.memory_space<hbm>>, %arg3: memref<328x16xf32, #tpu.memory_space<hbm>>, %arg4: memref<128x16xf32, #tpu.memory_space<hbm>>, %arg5: memref<10000x16xf32, #tpu.memory_space<hbm>>, %arg6: memref<20000xi32, #tpu.memory_space<vmem>>, %arg7: memref<20272xi32, #tpu.memory_space<vmem>>, %arg8: memref<128xi32, #tpu.memory_space<vmem>>, %arg9: memref<128x16xf32, #tpu.memory_space<vmem>>, %arg10: memref<5248x16xf32, #tpu.memory_space<vmem_shared>>) attributes {dimension_semantics = [#tpu.dimension_semantics<core_parallel>, #tpu.dimension_semantics<subcore_parallel>], iteration_bounds = array<i64: 2, 16>, scalar_prefetch = 0 : i64, scratch_operands = 5 : i64, tpu.core_type = #tpu.core_type<sc_vector_subcore>, window_params = [{transform_indices = #map}, {transform_indices = #map1}, {transform_indices = #map1}, {transform_indices = #map1}]} {
    "tpu.region"() ({
      %run_scoped3A = tpu.sem_alloc : memref<!tpu.dma_semaphore, #tpu.memory_space<semaphore_mem>>
      tpu.enqueue_dma source(%arg4 : memref<128x16xf32, #tpu.memory_space<hbm>>) target(%arg9 : memref<128x16xf32, #tpu.memory_space<vmem>>) target_semaphore(%run_scoped3A : memref<!tpu.dma_semaphore, #tpu.memory_space<semaphore_mem>>)
      tpu.wait_dma2 semaphore(%run_scoped3A : memref<!tpu.dma_semaphore, #tpu.memory_space<semaphore_mem>>) src(%arg4 : memref<128x16xf32, #tpu.memory_space<hbm>>) dst(%arg9 : memref<128x16xf32, #tpu.memory_space<vmem>>)
      tpu.yield
    }) : () -> ()
    %mul3A = arith.constant 328 : i32
    %mul3A_0 = arith.muli %arg1, %mul3A : i32
    "tpu.region"() ({
      %run_scoped3A = tpu.sem_alloc : memref<!tpu.dma_semaphore, #tpu.memory_space<semaphore_mem>>
      %dma_start3A = arith.constant 0 : i32
      %dma_start3A_105 = tpu.memref_slice %arg10[%mul3A_0, %dma_start3A] : memref<5248x16xf32, #tpu.memory_space<vmem_shared>> -> memref<328x16xf32, #tpu.memory_space<vmem_shared>>
      tpu.enqueue_dma source(%arg3 : memref<328x16xf32, #tpu.memory_space<hbm>>) target(%dma_start3A_105 : memref<328x16xf32, #tpu.memory_space<vmem_shared>>) target_semaphore(%run_scoped3A : memref<!tpu.dma_semaphore, #tpu.memory_space<semaphore_mem>>)
      %dma_wait3A = arith.constant 0 : i32
      %dma_wait3A_106 = tpu.memref_slice %arg10[%mul3A_0, %dma_wait3A] : memref<5248x16xf32, #tpu.memory_space<vmem_shared>> -> memref<328x16xf32, #tpu.memory_space<vmem_shared>>
      tpu.wait_dma2 semaphore(%run_scoped3A : memref<!tpu.dma_semaphore, #tpu.memory_space<semaphore_mem>>) src(%arg3 : memref<328x16xf32, #tpu.memory_space<hbm>>) dst(%dma_wait3A_106 : memref<328x16xf32, #tpu.memory_space<vmem_shared>>)
      tpu.yield
    }) : () -> ()
    %barrier3A = arith.constant 0 : index
    tpu.barrier barrier_id(%barrier3A)
    %mul3A_1 = arith.constant 5120 : i32
    %mul3A_2 = arith.muli %arg0, %mul3A_1 : i32
    %scan3A = arith.constant 0 : i32
    %scan3A_3 = arith.constant 0 : i32
    %mul3A_4 = arith.constant 20000 : i32
    %mul3A_5 = arith.muli %arg1, %mul3A_4 : i32
    %mul3A_6 = arith.constant 20000 : i32
    %mul3A_7 = arith.muli %scan3A_3, %mul3A_6 : i32
    %add3A = arith.addi %mul3A_5, %mul3A_7 : i32
    "tpu.region"() ({
      %run_scoped3A = tpu.sem_alloc : memref<!tpu.dma_semaphore, #tpu.memory_space<semaphore_mem>>
      %dma_start3A = tpu.memref_slice %arg2[%add3A] : memref<320000xi32, #tpu.memory_space<hbm>> -> memref<20000xi32, #tpu.memory_space<hbm>>
      %dma_start3A_105 = tpu.memref_slice %arg2[%add3A] : memref<320000xi32, #tpu.memory_space<hbm>> -> memref<20000xi32, #tpu.memory_space<hbm>>
      tpu.enqueue_dma source(%dma_start3A_105 : memref<20000xi32, #tpu.memory_space<hbm>>) target(%arg6 : memref<20000xi32, #tpu.memory_space<vmem>>) target_semaphore(%run_scoped3A : memref<!tpu.dma_semaphore, #tpu.memory_space<semaphore_mem>>)
      %dma_wait3A = tpu.memref_slice %arg2[%add3A] : memref<320000xi32, #tpu.memory_space<hbm>> -> memref<20000xi32, #tpu.memory_space<hbm>>
      %dma_wait3A_106 = tpu.memref_slice %arg2[%add3A] : memref<320000xi32, #tpu.memory_space<hbm>> -> memref<20000xi32, #tpu.memory_space<hbm>>
      tpu.wait_dma2 semaphore(%run_scoped3A : memref<!tpu.dma_semaphore, #tpu.memory_space<semaphore_mem>>) src(%dma_wait3A_106 : memref<20000xi32, #tpu.memory_space<hbm>>) dst(%arg6 : memref<20000xi32, #tpu.memory_space<vmem>>)
      tpu.yield
    }) : () -> ()
    %scan3A_8 = arith.constant 0 : i32
    %scan3A_9 = arith.constant 0 : i32
    %scan3A_10 = arith.constant 1250 : i32
    %scan3A_11 = arith.addi %scan3A_9, %scan3A_10 : i32
    %scan3A_12 = arith.constant 1 : i32
    %scan3A_13 = scf.for %scan3A_105 = %scan3A_9 to %scan3A_11 step %scan3A_12 iter_args(%scan3A_106 = %scan3A_8) -> (i32)  : i32 {
      %mul3A_107 = arith.constant 16 : i32
      %mul3A_108 = arith.muli %scan3A_105, %mul3A_107 : i32
      %get3A = arith.index_cast %mul3A_108 : i32 to index
      %get3A_109 = tpu.vector_load %arg6[%get3A] {strides = array<i32>} : memref<20000xi32, #tpu.memory_space<vmem>>, vector<16xi32>,
      %ge3A = vector.broadcast %mul3A_2 : i32 to vector<16xi32>
      %ge3A_110 = arith.cmpi sge, %get3A_109, %ge3A : vector<16xi32>
      %add3A_111 = arith.constant 5120 : i32
      %add3A_112 = arith.addi %mul3A_2, %add3A_111 : i32
      %lt3A = vector.broadcast %add3A_112 : i32 to vector<16xi32>
      %lt3A_113 = arith.cmpi slt, %get3A_109, %lt3A : vector<16xi32>
      %and3A_114 = arith.andi %ge3A_110, %lt3A_113 : vector<16xi1>
      %convert_element_type3A_115 = arith.extui %and3A_114 : vector<16xi1> to vector<16xi32>
      %broadcast_in_dim3A_116 = arith.constant true
      %broadcast_in_dim3A_117 = vector.broadcast %broadcast_in_dim3A_116 : i1 to vector<16xi1>
      %masked_cumsum3A = tpu.scan <sum>, %convert_element_type3A_115 masked %broadcast_in_dim3A_117 : vector<16xi32>, vector<16xi1> -> vector<16xi32>
      %add3A_118 = vector.broadcast %scan3A_106 : i32 to vector<16xi32>
      %add3A_119 = arith.addi %add3A_118, %masked_cumsum3A : vector<16xi32>
      %sub3A_120 = arith.constant 1 : i32
      %sub3A_121 = vector.broadcast %sub3A_120 : i32 to vector<16xi32>
      %sub3A_122 = arith.subi %add3A_119, %sub3A_121 : vector<16xi32>
      %jit3A_123 = arith.constant 20256 : i32
      %broadcast_in_dim3A_124 = vector.broadcast %jit3A_123 : i32 to vector<16xi32>
      %select_n3A_125 = arith.select %and3A_114, %sub3A_122, %broadcast_in_dim3A_124 : vector<16xi1>, vector<16xi32>
      %sub3A_126 = vector.broadcast %mul3A_2 : i32 to vector<16xi32>
      %sub3A_127 = arith.subi %get3A_109, %sub3A_126 : vector<16xi32>
      tpu.vector_store_idx %arg7[%select_n3A_125], %sub3A_127 : memref<20272xi32, #tpu.memory_space<vmem>>[vector<16xi32>], vector<16xi32>,
      %reduce_max3A = arith.constant true
      %reduce_max3A_128 = vector.broadcast %reduce_max3A : i1 to vector<16xi1>
      %reduce_max3A_129 = arith.constant -2147483648 : i32
      %reduce_max3A_130 = vector.broadcast %reduce_max3A_129 : i32 to vector<16xi32>
      %reduce_max3A_131 = arith.xori %masked_cumsum3A, %reduce_max3A_130 : vector<16xi32>
      %reduce_max3A_132 = tpu.scan <max>, %reduce_max3A_131 masked %reduce_max3A_128 : vector<16xi32>, vector<16xi1> -> vector<16xi32>
      %reduce_max3A_133 = arith.xori %reduce_max3A_132, %reduce_max3A_130 : vector<16xi32>
      %reduce_max3A_134 = vector.extract %reduce_max3A_133[15] : i32 from vector<16xi32>
      %add3A_135 = arith.addi %scan3A_106, %reduce_max3A_134 : i32
      scf.yield %add3A_135 : i32
    }
    %scan3A_14 = arith.constant 1250 : i32
    %add3A_15 = arith.constant 0 : i32
    %add3A_16 = arith.addi %scan3A_13, %add3A_15 : i32
    %iota3A = tpu.iota {dimensions = array<i32: 0>} : vector<16xi32>
    %add3A_17 = vector.broadcast %add3A_16 : i32 to vector<16xi32>
    %add3A_18 = arith.addi %add3A_17, %iota3A : vector<16xi32>
    %broadcast_in_dim3A = arith.constant 5120 : i32
    %broadcast_in_dim3A_19 = vector.broadcast %broadcast_in_dim3A : i32 to vector<16xi32>
    tpu.vector_store_idx %arg7[%add3A_18], %broadcast_in_dim3A_19 : memref<20272xi32, #tpu.memory_space<vmem>>[vector<16xi32>], vector<16xi32>,
    %add3A_20 = arith.constant 16 : i32
    %add3A_21 = arith.addi %scan3A_13, %add3A_20 : i32
    %iota3A_22 = tpu.iota {dimensions = array<i32: 0>} : vector<16xi32>
    %add3A_23 = vector.broadcast %add3A_21 : i32 to vector<16xi32>
    %add3A_24 = arith.addi %add3A_23, %iota3A_22 : vector<16xi32>
    %broadcast_in_dim3A_25 = arith.constant 5120 : i32
    %broadcast_in_dim3A_26 = vector.broadcast %broadcast_in_dim3A_25 : i32 to vector<16xi32>
    tpu.vector_store_idx %arg7[%add3A_24], %broadcast_in_dim3A_26 : memref<20272xi32, #tpu.memory_space<vmem>>[vector<16xi32>], vector<16xi32>,
    %add3A_27 = arith.constant 32 : i32
    %add3A_28 = arith.addi %scan3A_13, %add3A_27 : i32
    %iota3A_29 = tpu.iota {dimensions = array<i32: 0>} : vector<16xi32>
    %add3A_30 = vector.broadcast %add3A_28 : i32 to vector<16xi32>
    %add3A_31 = arith.addi %add3A_30, %iota3A_29 : vector<16xi32>
    %broadcast_in_dim3A_32 = arith.constant 5120 : i32
    %broadcast_in_dim3A_33 = vector.broadcast %broadcast_in_dim3A_32 : i32 to vector<16xi32>
    tpu.vector_store_idx %arg7[%add3A_31], %broadcast_in_dim3A_33 : memref<20272xi32, #tpu.memory_space<vmem>>[vector<16xi32>], vector<16xi32>,
    %add3A_34 = arith.constant 48 : i32
    %add3A_35 = arith.addi %scan3A_13, %add3A_34 : i32
    %iota3A_36 = tpu.iota {dimensions = array<i32: 0>} : vector<16xi32>
    %add3A_37 = vector.broadcast %add3A_35 : i32 to vector<16xi32>
    %add3A_38 = arith.addi %add3A_37, %iota3A_36 : vector<16xi32>
    %broadcast_in_dim3A_39 = arith.constant 5120 : i32
    %broadcast_in_dim3A_40 = vector.broadcast %broadcast_in_dim3A_39 : i32 to vector<16xi32>
    tpu.vector_store_idx %arg7[%add3A_38], %broadcast_in_dim3A_40 : memref<20272xi32, #tpu.memory_space<vmem>>[vector<16xi32>], vector<16xi32>,
    %add3A_41 = arith.constant 64 : i32
    %add3A_42 = arith.addi %scan3A_13, %add3A_41 : i32
    %iota3A_43 = tpu.iota {dimensions = array<i32: 0>} : vector<16xi32>
    %add3A_44 = vector.broadcast %add3A_42 : i32 to vector<16xi32>
    %add3A_45 = arith.addi %add3A_44, %iota3A_43 : vector<16xi32>
    %broadcast_in_dim3A_46 = arith.constant 5120 : i32
    %broadcast_in_dim3A_47 = vector.broadcast %broadcast_in_dim3A_46 : i32 to vector<16xi32>
    tpu.vector_store_idx %arg7[%add3A_45], %broadcast_in_dim3A_47 : memref<20272xi32, #tpu.memory_space<vmem>>[vector<16xi32>], vector<16xi32>,
    %add3A_48 = arith.constant 80 : i32
    %add3A_49 = arith.addi %scan3A_13, %add3A_48 : i32
    %iota3A_50 = tpu.iota {dimensions = array<i32: 0>} : vector<16xi32>
    %add3A_51 = vector.broadcast %add3A_49 : i32 to vector<16xi32>
    %add3A_52 = arith.addi %add3A_51, %iota3A_50 : vector<16xi32>
    %broadcast_in_dim3A_53 = arith.constant 5120 : i32
    %broadcast_in_dim3A_54 = vector.broadcast %broadcast_in_dim3A_53 : i32 to vector<16xi32>
    tpu.vector_store_idx %arg7[%add3A_52], %broadcast_in_dim3A_54 : memref<20272xi32, #tpu.memory_space<vmem>>[vector<16xi32>], vector<16xi32>,
    %add3A_55 = arith.constant 96 : i32
    %add3A_56 = arith.addi %scan3A_13, %add3A_55 : i32
    %iota3A_57 = tpu.iota {dimensions = array<i32: 0>} : vector<16xi32>
    %add3A_58 = vector.broadcast %add3A_56 : i32 to vector<16xi32>
    %add3A_59 = arith.addi %add3A_58, %iota3A_57 : vector<16xi32>
    %broadcast_in_dim3A_60 = arith.constant 5120 : i32
    %broadcast_in_dim3A_61 = vector.broadcast %broadcast_in_dim3A_60 : i32 to vector<16xi32>
    tpu.vector_store_idx %arg7[%add3A_59], %broadcast_in_dim3A_61 : memref<20272xi32, #tpu.memory_space<vmem>>[vector<16xi32>], vector<16xi32>,
    %add3A_62 = arith.constant 112 : i32
    %add3A_63 = arith.addi %scan3A_13, %add3A_62 : i32
    %iota3A_64 = tpu.iota {dimensions = array<i32: 0>} : vector<16xi32>
    %add3A_65 = vector.broadcast %add3A_63 : i32 to vector<16xi32>
    %add3A_66 = arith.addi %add3A_65, %iota3A_64 : vector<16xi32>
    %broadcast_in_dim3A_67 = arith.constant 5120 : i32
    %broadcast_in_dim3A_68 = vector.broadcast %broadcast_in_dim3A_67 : i32 to vector<16xi32>
    tpu.vector_store_idx %arg7[%add3A_66], %broadcast_in_dim3A_68 : memref<20272xi32, #tpu.memory_space<vmem>>[vector<16xi32>], vector<16xi32>,
    %add3A_69 = arith.constant 127 : i32
    %add3A_70 = arith.addi %scan3A_13, %add3A_69 : i32
    %jit3A = arith.constant 128 : i32
    %div3A = arith.divsi %add3A_70, %jit3A : i32
    %sign3A = arith.constant 0 : i32
    %sign3A_71 = arith.cmpi sgt, %add3A_70, %sign3A : i32
    %sign3A_72 = arith.extui %sign3A_71 : i1 to i32
    %sign3A_73 = arith.constant 0 : i32
    %sign3A_74 = arith.cmpi slt, %add3A_70, %sign3A_73 : i32
    %sign3A_75 = arith.extui %sign3A_74 : i1 to i32
    %sign3A_76 = arith.subi %sign3A_72, %sign3A_75 : i32
    %sign3A_77 = arith.constant 0 : i32
    %sign3A_78 = arith.cmpi sgt, %jit3A, %sign3A_77 : i32
    %sign3A_79 = arith.extui %sign3A_78 : i1 to i32
    %sign3A_80 = arith.constant 0 : i32
    %sign3A_81 = arith.cmpi slt, %jit3A, %sign3A_80 : i32
    %sign3A_82 = arith.extui %sign3A_81 : i1 to i32
    %sign3A_83 = arith.subi %sign3A_79, %sign3A_82 : i32
    %ne3A = arith.cmpi ne, %sign3A_76, %sign3A_83 : i32
    %rem3A = arith.remsi %add3A_70, %jit3A : i32
    %ne3A_84 = arith.constant 0 : i32
    %ne3A_85 = arith.cmpi ne, %rem3A, %ne3A_84 : i32
    %and3A = arith.andi %ne3A, %ne3A_85 : i1
    %sub3A = arith.constant 1 : i32
    %sub3A_86 = arith.subi %div3A, %sub3A : i32
    %select_n3A = arith.select %and3A, %sub3A_86, %div3A : i32
    %while3A = arith.constant 0 : i32
    %while3A_87 = arith.constant 0 : i32
    %while3A_88 = arith.subi %select_n3A, %while3A_87 : i32
    %while3A_89 = arith.addi %while3A_87, %while3A_88 : i32
    %while3A_90 = arith.constant 1 : i32
    %while3A_91 = arith.divsi %while3A_88, %while3A_90 : i32
    %while3A_92 = arith.muli %while3A_91, %while3A_90 : i32
    %while3A_93 = arith.addi %while3A_87, %while3A_92 : i32
    %while3A_94 = arith.constant 1 : i32
    scf.for %while3A_105 = %while3A_87 to %while3A_93 step %while3A_94  : i32 {
      %mul3A_106 = arith.constant 128 : i32
      %mul3A_107 = arith.muli %while3A_105, %mul3A_106 : i32
      %add3A_108 = arith.constant 0 : i32
      %add3A_109 = arith.addi %mul3A_107, %add3A_108 : i32
      %get3A = arith.index_cast %add3A_109 : i32 to index
      %get3A_110 = tpu.vector_load %arg7[%get3A] {strides = array<i32>} : memref<20272xi32, #tpu.memory_space<vmem>>, vector<16xi32>,
      %swap3A = arith.constant 0 : index
      %swap3A_111 = tpu.vector_load %arg8[%swap3A] {strides = array<i32>} : memref<128xi32, #tpu.memory_space<vmem>>, vector<16xi32>,
      tpu.vector_store %arg8[%swap3A], %get3A_110 {strides = array<i32>} : memref<128xi32, #tpu.memory_space<vmem>>, vector<16xi32>,
      %mul3A_112 = arith.constant 128 : i32
      %mul3A_113 = arith.muli %while3A_105, %mul3A_112 : i32
      %add3A_114 = arith.constant 16 : i32
      %add3A_115 = arith.addi %mul3A_113, %add3A_114 : i32
      %get3A_116 = arith.index_cast %add3A_115 : i32 to index
      %get3A_117 = tpu.vector_load %arg7[%get3A_116] {strides = array<i32>} : memref<20272xi32, #tpu.memory_space<vmem>>, vector<16xi32>,
      %swap3A_118 = arith.constant 16 : index
      %swap3A_119 = tpu.vector_load %arg8[%swap3A_118] {strides = array<i32>} : memref<128xi32, #tpu.memory_space<vmem>>, vector<16xi32>,
      tpu.vector_store %arg8[%swap3A_118], %get3A_117 {strides = array<i32>} : memref<128xi32, #tpu.memory_space<vmem>>, vector<16xi32>,
      %mul3A_120 = arith.constant 128 : i32
      %mul3A_121 = arith.muli %while3A_105, %mul3A_120 : i32
      %add3A_122 = arith.constant 32 : i32
      %add3A_123 = arith.addi %mul3A_121, %add3A_122 : i32
      %get3A_124 = arith.index_cast %add3A_123 : i32 to index
      %get3A_125 = tpu.vector_load %arg7[%get3A_124] {strides = array<i32>} : memref<20272xi32, #tpu.memory_space<vmem>>, vector<16xi32>,
      %swap3A_126 = arith.constant 32 : index
      %swap3A_127 = tpu.vector_load %arg8[%swap3A_126] {strides = array<i32>} : memref<128xi32, #tpu.memory_space<vmem>>, vector<16xi32>,
      tpu.vector_store %arg8[%swap3A_126], %get3A_125 {strides = array<i32>} : memref<128xi32, #tpu.memory_space<vmem>>, vector<16xi32>,
      %mul3A_128 = arith.constant 128 : i32
      %mul3A_129 = arith.muli %while3A_105, %mul3A_128 : i32
      %add3A_130 = arith.constant 48 : i32
      %add3A_131 = arith.addi %mul3A_129, %add3A_130 : i32
      %get3A_132 = arith.index_cast %add3A_131 : i32 to index
      %get3A_133 = tpu.vector_load %arg7[%get3A_132] {strides = array<i32>} : memref<20272xi32, #tpu.memory_space<vmem>>, vector<16xi32>,
      %swap3A_134 = arith.constant 48 : index
      %swap3A_135 = tpu.vector_load %arg8[%swap3A_134] {strides = array<i32>} : memref<128xi32, #tpu.memory_space<vmem>>, vector<16xi32>,
      tpu.vector_store %arg8[%swap3A_134], %get3A_133 {strides = array<i32>} : memref<128xi32, #tpu.memory_space<vmem>>, vector<16xi32>,
      %mul3A_136 = arith.constant 128 : i32
      %mul3A_137 = arith.muli %while3A_105, %mul3A_136 : i32
      %add3A_138 = arith.constant 64 : i32
      %add3A_139 = arith.addi %mul3A_137, %add3A_138 : i32
      %get3A_140 = arith.index_cast %add3A_139 : i32 to index
      %get3A_141 = tpu.vector_load %arg7[%get3A_140] {strides = array<i32>} : memref<20272xi32, #tpu.memory_space<vmem>>, vector<16xi32>,
      %swap3A_142 = arith.constant 64 : index
      %swap3A_143 = tpu.vector_load %arg8[%swap3A_142] {strides = array<i32>} : memref<128xi32, #tpu.memory_space<vmem>>, vector<16xi32>,
      tpu.vector_store %arg8[%swap3A_142], %get3A_141 {strides = array<i32>} : memref<128xi32, #tpu.memory_space<vmem>>, vector<16xi32>,
      %mul3A_144 = arith.constant 128 : i32
      %mul3A_145 = arith.muli %while3A_105, %mul3A_144 : i32
      %add3A_146 = arith.constant 80 : i32
      %add3A_147 = arith.addi %mul3A_145, %add3A_146 : i32
      %get3A_148 = arith.index_cast %add3A_147 : i32 to index
      %get3A_149 = tpu.vector_load %arg7[%get3A_148] {strides = array<i32>} : memref<20272xi32, #tpu.memory_space<vmem>>, vector<16xi32>,
      %swap3A_150 = arith.constant 80 : index
      %swap3A_151 = tpu.vector_load %arg8[%swap3A_150] {strides = array<i32>} : memref<128xi32, #tpu.memory_space<vmem>>, vector<16xi32>,
      tpu.vector_store %arg8[%swap3A_150], %get3A_149 {strides = array<i32>} : memref<128xi32, #tpu.memory_space<vmem>>, vector<16xi32>,
      %mul3A_152 = arith.constant 128 : i32
      %mul3A_153 = arith.muli %while3A_105, %mul3A_152 : i32
      %add3A_154 = arith.constant 96 : i32
      %add3A_155 = arith.addi %mul3A_153, %add3A_154 : i32
      %get3A_156 = arith.index_cast %add3A_155 : i32 to index
      %get3A_157 = tpu.vector_load %arg7[%get3A_156] {strides = array<i32>} : memref<20272xi32, #tpu.memory_space<vmem>>, vector<16xi32>,
      %swap3A_158 = arith.constant 96 : index
      %swap3A_159 = tpu.vector_load %arg8[%swap3A_158] {strides = array<i32>} : memref<128xi32, #tpu.memory_space<vmem>>, vector<16xi32>,
      tpu.vector_store %arg8[%swap3A_158], %get3A_157 {strides = array<i32>} : memref<128xi32, #tpu.memory_space<vmem>>, vector<16xi32>,
      %mul3A_160 = arith.constant 128 : i32
      %mul3A_161 = arith.muli %while3A_105, %mul3A_160 : i32
      %add3A_162 = arith.constant 112 : i32
      %add3A_163 = arith.addi %mul3A_161, %add3A_162 : i32
      %get3A_164 = arith.index_cast %add3A_163 : i32 to index
      %get3A_165 = tpu.vector_load %arg7[%get3A_164] {strides = array<i32>} : memref<20272xi32, #tpu.memory_space<vmem>>, vector<16xi32>,
      %swap3A_166 = arith.constant 112 : index
      %swap3A_167 = tpu.vector_load %arg8[%swap3A_166] {strides = array<i32>} : memref<128xi32, #tpu.memory_space<vmem>>, vector<16xi32>,
      tpu.vector_store %arg8[%swap3A_166], %get3A_165 {strides = array<i32>} : memref<128xi32, #tpu.memory_space<vmem>>, vector<16xi32>,
      "tpu.region"() ({
        %run_scoped3A = tpu.sem_alloc : memref<!tpu.dma_semaphore, #tpu.memory_space<semaphore_mem>>
        %dma_start3A = arith.constant 0 : i32
        %dma_start3A_168 = arith.constant 0 : i32
        %dma_start3A_169 = tpu.memref_slice %arg10[%dma_start3A, %dma_start3A_168] : memref<5248x16xf32, #tpu.memory_space<vmem_shared>> -> memref<5248x16xf32, #tpu.memory_space<vmem_shared>>
        tpu.enqueue_indirect_dma source(%arg9 : memref<128x16xf32, #tpu.memory_space<vmem>>) target(%dma_start3A_169 : memref<5248x16xf32, #tpu.memory_space<vmem_shared>>) offsets(%arg8 : memref<128xi32, #tpu.memory_space<vmem>>) semaphore(%run_scoped3A : memref<!tpu.dma_semaphore, #tpu.memory_space<semaphore_mem>>) {add = true}
        %dma_wait3A = arith.constant 0 : i32
        %dma_wait3A_170 = arith.constant 0 : i32
        %dma_wait3A_171 = tpu.memref_slice %arg10[%dma_wait3A, %dma_wait3A_170] : memref<5248x16xf32, #tpu.memory_space<vmem_shared>> -> memref<5248x16xf32, #tpu.memory_space<vmem_shared>>
        tpu.wait_indirect_dma semaphore(%run_scoped3A : memref<!tpu.dma_semaphore, #tpu.memory_space<semaphore_mem>>) src(%arg9 : memref<128x16xf32, #tpu.memory_space<vmem>>) dst(%dma_wait3A_171 : memref<5248x16xf32, #tpu.memory_space<vmem_shared>>)
        tpu.yield
      }) : () -> ()
    }
    %while3A_95 = arith.constant 1 : i32
    scf.for %while3A_105 = %while3A_93 to %while3A_89 step %while3A_95  : i32 {
      %mul3A_106 = arith.constant 128 : i32
      %mul3A_107 = arith.muli %while3A_105, %mul3A_106 : i32
      %add3A_108 = arith.constant 0 : i32
      %add3A_109 = arith.addi %mul3A_107, %add3A_108 : i32
      %get3A = arith.index_cast %add3A_109 : i32 to index
      %get3A_110 = tpu.vector_load %arg7[%get3A] {strides = array<i32>} : memref<20272xi32, #tpu.memory_space<vmem>>, vector<16xi32>,
      %swap3A = arith.constant 0 : index
      %swap3A_111 = tpu.vector_load %arg8[%swap3A] {strides = array<i32>} : memref<128xi32, #tpu.memory_space<vmem>>, vector<16xi32>,
      tpu.vector_store %arg8[%swap3A], %get3A_110 {strides = array<i32>} : memref<128xi32, #tpu.memory_space<vmem>>, vector<16xi32>,
      %mul3A_112 = arith.constant 128 : i32
      %mul3A_113 = arith.muli %while3A_105, %mul3A_112 : i32
      %add3A_114 = arith.constant 16 : i32
      %add3A_115 = arith.addi %mul3A_113, %add3A_114 : i32
      %get3A_116 = arith.index_cast %add3A_115 : i32 to index
      %get3A_117 = tpu.vector_load %arg7[%get3A_116] {strides = array<i32>} : memref<20272xi32, #tpu.memory_space<vmem>>, vector<16xi32>,
      %swap3A_118 = arith.constant 16 : index
      %swap3A_119 = tpu.vector_load %arg8[%swap3A_118] {strides = array<i32>} : memref<128xi32, #tpu.memory_space<vmem>>, vector<16xi32>,
      tpu.vector_store %arg8[%swap3A_118], %get3A_117 {strides = array<i32>} : memref<128xi32, #tpu.memory_space<vmem>>, vector<16xi32>,
      %mul3A_120 = arith.constant 128 : i32
      %mul3A_121 = arith.muli %while3A_105, %mul3A_120 : i32
      %add3A_122 = arith.constant 32 : i32
      %add3A_123 = arith.addi %mul3A_121, %add3A_122 : i32
      %get3A_124 = arith.index_cast %add3A_123 : i32 to index
      %get3A_125 = tpu.vector_load %arg7[%get3A_124] {strides = array<i32>} : memref<20272xi32, #tpu.memory_space<vmem>>, vector<16xi32>,
      %swap3A_126 = arith.constant 32 : index
      %swap3A_127 = tpu.vector_load %arg8[%swap3A_126] {strides = array<i32>} : memref<128xi32, #tpu.memory_space<vmem>>, vector<16xi32>,
      tpu.vector_store %arg8[%swap3A_126], %get3A_125 {strides = array<i32>} : memref<128xi32, #tpu.memory_space<vmem>>, vector<16xi32>,
      %mul3A_128 = arith.constant 128 : i32
      %mul3A_129 = arith.muli %while3A_105, %mul3A_128 : i32
      %add3A_130 = arith.constant 48 : i32
      %add3A_131 = arith.addi %mul3A_129, %add3A_130 : i32
      %get3A_132 = arith.index_cast %add3A_131 : i32 to index
      %get3A_133 = tpu.vector_load %arg7[%get3A_132] {strides = array<i32>} : memref<20272xi32, #tpu.memory_space<vmem>>, vector<16xi32>,
      %swap3A_134 = arith.constant 48 : index
      %swap3A_135 = tpu.vector_load %arg8[%swap3A_134] {strides = array<i32>} : memref<128xi32, #tpu.memory_space<vmem>>, vector<16xi32>,
      tpu.vector_store %arg8[%swap3A_134], %get3A_133 {strides = array<i32>} : memref<128xi32, #tpu.memory_space<vmem>>, vector<16xi32>,
      %mul3A_136 = arith.constant 128 : i32
      %mul3A_137 = arith.muli %while3A_105, %mul3A_136 : i32
      %add3A_138 = arith.constant 64 : i32
      %add3A_139 = arith.addi %mul3A_137, %add3A_138 : i32
      %get3A_140 = arith.index_cast %add3A_139 : i32 to index
      %get3A_141 = tpu.vector_load %arg7[%get3A_140] {strides = array<i32>} : memref<20272xi32, #tpu.memory_space<vmem>>, vector<16xi32>,
      %swap3A_142 = arith.constant 64 : index
      %swap3A_143 = tpu.vector_load %arg8[%swap3A_142] {strides = array<i32>} : memref<128xi32, #tpu.memory_space<vmem>>, vector<16xi32>,
      tpu.vector_store %arg8[%swap3A_142], %get3A_141 {strides = array<i32>} : memref<128xi32, #tpu.memory_space<vmem>>, vector<16xi32>,
      %mul3A_144 = arith.constant 128 : i32
      %mul3A_145 = arith.muli %while3A_105, %mul3A_144 : i32
      %add3A_146 = arith.constant 80 : i32
      %add3A_147 = arith.addi %mul3A_145, %add3A_146 : i32
      %get3A_148 = arith.index_cast %add3A_147 : i32 to index
      %get3A_149 = tpu.vector_load %arg7[%get3A_148] {strides = array<i32>} : memref<20272xi32, #tpu.memory_space<vmem>>, vector<16xi32>,
      %swap3A_150 = arith.constant 80 : index
      %swap3A_151 = tpu.vector_load %arg8[%swap3A_150] {strides = array<i32>} : memref<128xi32, #tpu.memory_space<vmem>>, vector<16xi32>,
      tpu.vector_store %arg8[%swap3A_150], %get3A_149 {strides = array<i32>} : memref<128xi32, #tpu.memory_space<vmem>>, vector<16xi32>,
      %mul3A_152 = arith.constant 128 : i32
      %mul3A_153 = arith.muli %while3A_105, %mul3A_152 : i32
      %add3A_154 = arith.constant 96 : i32
      %add3A_155 = arith.addi %mul3A_153, %add3A_154 : i32
      %get3A_156 = arith.index_cast %add3A_155 : i32 to index
      %get3A_157 = tpu.vector_load %arg7[%get3A_156] {strides = array<i32>} : memref<20272xi32, #tpu.memory_space<vmem>>, vector<16xi32>,
      %swap3A_158 = arith.constant 96 : index
      %swap3A_159 = tpu.vector_load %arg8[%swap3A_158] {strides = array<i32>} : memref<128xi32, #tpu.memory_space<vmem>>, vector<16xi32>,
      tpu.vector_store %arg8[%swap3A_158], %get3A_157 {strides = array<i32>} : memref<128xi32, #tpu.memory_space<vmem>>, vector<16xi32>,
      %mul3A_160 = arith.constant 128 : i32
      %mul3A_161 = arith.muli %while3A_105, %mul3A_160 : i32
      %add3A_162 = arith.constant 112 : i32
      %add3A_163 = arith.addi %mul3A_161, %add3A_162 : i32
      %get3A_164 = arith.index_cast %add3A_163 : i32 to index
      %get3A_165 = tpu.vector_load %arg7[%get3A_164] {strides = array<i32>} : memref<20272xi32, #tpu.memory_space<vmem>>, vector<16xi32>,
      %swap3A_166 = arith.constant 112 : index
      %swap3A_167 = tpu.vector_load %arg8[%swap3A_166] {strides = array<i32>} : memref<128xi32, #tpu.memory_space<vmem>>, vector<16xi32>,
      tpu.vector_store %arg8[%swap3A_166], %get3A_165 {strides = array<i32>} : memref<128xi32, #tpu.memory_space<vmem>>, vector<16xi32>,
      "tpu.region"() ({
        %run_scoped3A = tpu.sem_alloc : memref<!tpu.dma_semaphore, #tpu.memory_space<semaphore_mem>>
        %dma_start3A = arith.constant 0 : i32
        %dma_start3A_168 = arith.constant 0 : i32
        %dma_start3A_169 = tpu.memref_slice %arg10[%dma_start3A, %dma_start3A_168] : memref<5248x16xf32, #tpu.memory_space<vmem_shared>> -> memref<5248x16xf32, #tpu.memory_space<vmem_shared>>
        tpu.enqueue_indirect_dma source(%arg9 : memref<128x16xf32, #tpu.memory_space<vmem>>) target(%dma_start3A_169 : memref<5248x16xf32, #tpu.memory_space<vmem_shared>>) offsets(%arg8 : memref<128xi32, #tpu.memory_space<vmem>>) semaphore(%run_scoped3A : memref<!tpu.dma_semaphore, #tpu.memory_space<semaphore_mem>>) {add = true}
        %dma_wait3A = arith.constant 0 : i32
        %dma_wait3A_170 = arith.constant 0 : i32
        %dma_wait3A_171 = tpu.memref_slice %arg10[%dma_wait3A, %dma_wait3A_170] : memref<5248x16xf32, #tpu.memory_space<vmem_shared>> -> memref<5248x16xf32, #tpu.memory_space<vmem_shared>>
        tpu.wait_indirect_dma semaphore(%run_scoped3A : memref<!tpu.dma_semaphore, #tpu.memory_space<semaphore_mem>>) src(%arg9 : memref<128x16xf32, #tpu.memory_space<vmem>>) dst(%dma_wait3A_171 : memref<5248x16xf32, #tpu.memory_space<vmem_shared>>)
        tpu.yield
      }) : () -> ()
    }
    %scan3A_96 = arith.constant 1 : i32
    %barrier3A_97 = arith.constant 0 : index
    tpu.barrier barrier_id(%barrier3A_97)
    %eq3A = arith.constant 0 : i32
    %eq3A_98 = arith.cmpi eq, %arg0, %eq3A : i32
    %convert_element_type3A = arith.extui %eq3A_98 : i1 to i32
    %cond3A = arith.constant 0 : i32
    %cond3A_99 = arith.cmpi ne, %convert_element_type3A, %cond3A : i32
    scf.if %cond3A_99 {
      %lt3A = arith.constant 15 : i32
      %lt3A_105 = arith.cmpi slt, %arg1, %lt3A : i32
      %convert_element_type3A_106 = arith.extui %lt3A_105 : i1 to i32
      %cond3A_107 = arith.constant 0 : i32
      %cond3A_108 = arith.cmpi ne, %convert_element_type3A_106, %cond3A_107 : i32
      scf.if %cond3A_108 {
        %mul3A_114 = arith.constant 320 : i32
        %mul3A_115 = arith.muli %arg1, %mul3A_114 : i32
        %mul3A_116 = arith.constant 320 : i32
        %mul3A_117 = arith.muli %arg1, %mul3A_116 : i32
        %add3A_118 = arith.constant 0 : i32
        %add3A_119 = arith.addi %add3A_118, %mul3A_117 : i32
        "tpu.region"() ({
          %run_scoped3A = tpu.sem_alloc : memref<!tpu.dma_semaphore, #tpu.memory_space<semaphore_mem>>
          %dma_start3A = arith.constant 0 : i32
          %dma_start3A_120 = tpu.memref_slice %arg5[%add3A_119, %dma_start3A] : memref<10000x16xf32, #tpu.memory_space<hbm>> -> memref<320x16xf32, #tpu.memory_space<hbm>>
          %dma_start3A_121 = arith.constant 0 : i32
          %dma_start3A_122 = tpu.memref_slice %arg10[%mul3A_115, %dma_start3A_121] : memref<5248x16xf32, #tpu.memory_space<vmem_shared>> -> memref<320x16xf32, #tpu.memory_space<vmem_shared>>
          tpu.enqueue_dma source(%dma_start3A_122 : memref<320x16xf32, #tpu.memory_space<vmem_shared>>) target(%dma_start3A_120 : memref<320x16xf32, #tpu.memory_space<hbm>>) target_semaphore(%run_scoped3A : memref<!tpu.dma_semaphore, #tpu.memory_space<semaphore_mem>>)
          %dma_wait3A = arith.constant 0 : i32
          %dma_wait3A_123 = tpu.memref_slice %arg5[%add3A_119, %dma_wait3A] : memref<10000x16xf32, #tpu.memory_space<hbm>> -> memref<320x16xf32, #tpu.memory_space<hbm>>
          %dma_wait3A_124 = arith.constant 0 : i32
          %dma_wait3A_125 = tpu.memref_slice %arg10[%mul3A_115, %dma_wait3A_124] : memref<5248x16xf32, #tpu.memory_space<vmem_shared>> -> memref<320x16xf32, #tpu.memory_space<vmem_shared>>
          tpu.wait_dma2 semaphore(%run_scoped3A : memref<!tpu.dma_semaphore, #tpu.memory_space<semaphore_mem>>) src(%dma_wait3A_125 : memref<320x16xf32, #tpu.memory_space<vmem_shared>>) dst(%dma_wait3A_123 : memref<320x16xf32, #tpu.memory_space<hbm>>)
          tpu.yield
        }) : () -> ()
      } else {
      }
      %eq3A_109 = arith.constant 15 : i32
      %eq3A_110 = arith.cmpi eq, %arg1, %eq3A_109 : i32
      %convert_element_type3A_111 = arith.extui %eq3A_110 : i1 to i32
      %cond3A_112 = arith.constant 0 : i32
      %cond3A_113 = arith.cmpi ne, %convert_element_type3A_111, %cond3A_112 : i32
      scf.if %cond3A_113 {
        "tpu.region"() ({
          %run_scoped3A = tpu.sem_alloc : memref<!tpu.dma_semaphore, #tpu.memory_space<semaphore_mem>>
          %dma_start3A = arith.constant 4800 : i32
          %dma_start3A_114 = arith.constant 0 : i32
          %dma_start3A_115 = tpu.memref_slice %arg5[%dma_start3A, %dma_start3A_114] : memref<10000x16xf32, #tpu.memory_space<hbm>> -> memref<320x16xf32, #tpu.memory_space<hbm>>
          %dma_start3A_116 = arith.constant 4800 : i32
          %dma_start3A_117 = arith.constant 0 : i32
          %dma_start3A_118 = tpu.memref_slice %arg10[%dma_start3A_116, %dma_start3A_117] : memref<5248x16xf32, #tpu.memory_space<vmem_shared>> -> memref<320x16xf32, #tpu.memory_space<vmem_shared>>
          tpu.enqueue_dma source(%dma_start3A_118 : memref<320x16xf32, #tpu.memory_space<vmem_shared>>) target(%dma_start3A_115 : memref<320x16xf32, #tpu.memory_space<hbm>>) target_semaphore(%run_scoped3A : memref<!tpu.dma_semaphore, #tpu.memory_space<semaphore_mem>>)
          %dma_wait3A = arith.constant 4800 : i32
          %dma_wait3A_119 = arith.constant 0 : i32
          %dma_wait3A_120 = tpu.memref_slice %arg5[%dma_wait3A, %dma_wait3A_119] : memref<10000x16xf32, #tpu.memory_space<hbm>> -> memref<320x16xf32, #tpu.memory_space<hbm>>
          %dma_wait3A_121 = arith.constant 4800 : i32
          %dma_wait3A_122 = arith.constant 0 : i32
          %dma_wait3A_123 = tpu.memref_slice %arg10[%dma_wait3A_121, %dma_wait3A_122] : memref<5248x16xf32, #tpu.memory_space<vmem_shared>> -> memref<320x16xf32, #tpu.memory_space<vmem_shared>>
          tpu.wait_dma2 semaphore(%run_scoped3A : memref<!tpu.dma_semaphore, #tpu.memory_space<semaphore_mem>>) src(%dma_wait3A_123 : memref<320x16xf32, #tpu.memory_space<vmem_shared>>) dst(%dma_wait3A_120 : memref<320x16xf32, #tpu.memory_space<hbm>>)
          tpu.yield
        }) : () -> ()
      } else {
      }
    } else {
    }
    %eq3A_100 = arith.constant 1 : i32
    %eq3A_101 = arith.cmpi eq, %arg0, %eq3A_100 : i32
    %convert_element_type3A_102 = arith.extui %eq3A_101 : i1 to i32
    %cond3A_103 = arith.constant 0 : i32
    %cond3A_104 = arith.cmpi ne, %convert_element_type3A_102, %cond3A_103 : i32
    scf.if %cond3A_104 {
      %lt3A = arith.constant 15 : i32
      %lt3A_105 = arith.cmpi slt, %arg1, %lt3A : i32
      %convert_element_type3A_106 = arith.extui %lt3A_105 : i1 to i32
      %cond3A_107 = arith.constant 0 : i32
      %cond3A_108 = arith.cmpi ne, %convert_element_type3A_106, %cond3A_107 : i32
      scf.if %cond3A_108 {
        %mul3A_114 = arith.constant 304 : i32
        %mul3A_115 = arith.muli %arg1, %mul3A_114 : i32
        %mul3A_116 = arith.constant 304 : i32
        %mul3A_117 = arith.muli %arg1, %mul3A_116 : i32
        %add3A_118 = arith.constant 5120 : i32
        %add3A_119 = arith.addi %add3A_118, %mul3A_117 : i32
        "tpu.region"() ({
          %run_scoped3A = tpu.sem_alloc : memref<!tpu.dma_semaphore, #tpu.memory_space<semaphore_mem>>
          %dma_start3A = arith.constant 0 : i32
          %dma_start3A_120 = tpu.memref_slice %arg5[%add3A_119, %dma_start3A] : memref<10000x16xf32, #tpu.memory_space<hbm>> -> memref<304x16xf32, #tpu.memory_space<hbm>>
          %dma_start3A_121 = arith.constant 0 : i32
          %dma_start3A_122 = tpu.memref_slice %arg10[%mul3A_115, %dma_start3A_121] : memref<5248x16xf32, #tpu.memory_space<vmem_shared>> -> memref<304x16xf32, #tpu.memory_space<vmem_shared>>
          tpu.enqueue_dma source(%dma_start3A_122 : memref<304x16xf32, #tpu.memory_space<vmem_shared>>) target(%dma_start3A_120 : memref<304x16xf32, #tpu.memory_space<hbm>>) target_semaphore(%run_scoped3A : memref<!tpu.dma_semaphore, #tpu.memory_space<semaphore_mem>>)
          %dma_wait3A = arith.constant 0 : i32
          %dma_wait3A_123 = tpu.memref_slice %arg5[%add3A_119, %dma_wait3A] : memref<10000x16xf32, #tpu.memory_space<hbm>> -> memref<304x16xf32, #tpu.memory_space<hbm>>
          %dma_wait3A_124 = arith.constant 0 : i32
          %dma_wait3A_125 = tpu.memref_slice %arg10[%mul3A_115, %dma_wait3A_124] : memref<5248x16xf32, #tpu.memory_space<vmem_shared>> -> memref<304x16xf32, #tpu.memory_space<vmem_shared>>
          tpu.wait_dma2 semaphore(%run_scoped3A : memref<!tpu.dma_semaphore, #tpu.memory_space<semaphore_mem>>) src(%dma_wait3A_125 : memref<304x16xf32, #tpu.memory_space<vmem_shared>>) dst(%dma_wait3A_123 : memref<304x16xf32, #tpu.memory_space<hbm>>)
          tpu.yield
        }) : () -> ()
      } else {
      }
      %eq3A_109 = arith.constant 15 : i32
      %eq3A_110 = arith.cmpi eq, %arg1, %eq3A_109 : i32
      %convert_element_type3A_111 = arith.extui %eq3A_110 : i1 to i32
      %cond3A_112 = arith.constant 0 : i32
      %cond3A_113 = arith.cmpi ne, %convert_element_type3A_111, %cond3A_112 : i32
      scf.if %cond3A_113 {
        "tpu.region"() ({
          %run_scoped3A = tpu.sem_alloc : memref<!tpu.dma_semaphore, #tpu.memory_space<semaphore_mem>>
          %dma_start3A = arith.constant 9680 : i32
          %dma_start3A_114 = arith.constant 0 : i32
          %dma_start3A_115 = tpu.memref_slice %arg5[%dma_start3A, %dma_start3A_114] : memref<10000x16xf32, #tpu.memory_space<hbm>> -> memref<320x16xf32, #tpu.memory_space<hbm>>
          %dma_start3A_116 = arith.constant 4560 : i32
          %dma_start3A_117 = arith.constant 0 : i32
          %dma_start3A_118 = tpu.memref_slice %arg10[%dma_start3A_116, %dma_start3A_117] : memref<5248x16xf32, #tpu.memory_space<vmem_shared>> -> memref<320x16xf32, #tpu.memory_space<vmem_shared>>
          tpu.enqueue_dma source(%dma_start3A_118 : memref<320x16xf32, #tpu.memory_space<vmem_shared>>) target(%dma_start3A_115 : memref<320x16xf32, #tpu.memory_space<hbm>>) target_semaphore(%run_scoped3A : memref<!tpu.dma_semaphore, #tpu.memory_space<semaphore_mem>>)
          %dma_wait3A = arith.constant 9680 : i32
          %dma_wait3A_119 = arith.constant 0 : i32
          %dma_wait3A_120 = tpu.memref_slice %arg5[%dma_wait3A, %dma_wait3A_119] : memref<10000x16xf32, #tpu.memory_space<hbm>> -> memref<320x16xf32, #tpu.memory_space<hbm>>
          %dma_wait3A_121 = arith.constant 4560 : i32
          %dma_wait3A_122 = arith.constant 0 : i32
          %dma_wait3A_123 = tpu.memref_slice %arg10[%dma_wait3A_121, %dma_wait3A_122] : memref<5248x16xf32, #tpu.memory_space<vmem_shared>> -> memref<320x16xf32, #tpu.memory_space<vmem_shared>>
          tpu.wait_dma2 semaphore(%run_scoped3A : memref<!tpu.dma_semaphore, #tpu.memory_space<semaphore_mem>>) src(%dma_wait3A_123 : memref<320x16xf32, #tpu.memory_space<vmem_shared>>) dst(%dma_wait3A_120 : memref<320x16xf32, #tpu.memory_space<hbm>>)
          tpu.yield
        }) : () -> ()
      } else {
      }
    } else {
    }
    return
  }
}

#map = affine_map<(d0, d1) -> (0)>
#map1 = affine_map<(d0, d1) -> (0, 0)>
module attributes {stable_mosaic.version = 14 : i64} {
  func.func @k(%arg0: i32, %arg1: i32, %arg2: memref<320000xi32, #tpu.memory_space<hbm>>, %arg3: memref<320000xi32, #tpu.memory_space<hbm>>, %arg4: memref<10000x256xf32, #tpu.memory_space<hbm>>, %arg5: memref<328x256xf32, #tpu.memory_space<hbm>>, %arg6: memref<10000x256xf32, #tpu.memory_space<hbm>>, %arg7: memref<4000xi32, #tpu.memory_space<vmem>>, %arg8: memref<4000xi32, #tpu.memory_space<vmem>>, %arg9: memref<4144xi32, #tpu.memory_space<vmem>>, %arg10: memref<4144xi32, #tpu.memory_space<vmem>>, %arg11: memref<32xi32, #tpu.memory_space<vmem>>, %arg12: memref<32xi32, #tpu.memory_space<vmem>>, %arg13: memref<32xi32, #tpu.memory_space<vmem>>, %arg14: memref<32xi32, #tpu.memory_space<vmem>>, %arg15: memref<32x256xf32, #tpu.memory_space<vmem>>, %arg16: memref<32x256xf32, #tpu.memory_space<vmem>>, %arg17: memref<5248x256xf32, #tpu.memory_space<vmem_shared>>, %arg18: memref<!tpu.dma_semaphore, #tpu.memory_space<semaphore_mem>>, %arg19: memref<!tpu.dma_semaphore, #tpu.memory_space<semaphore_mem>>) attributes {dimension_semantics = [#tpu.dimension_semantics<core_parallel>, #tpu.dimension_semantics<subcore_parallel>], iteration_bounds = array<i64: 2, 16>, scalar_prefetch = 0 : i64, scratch_operands = 13 : i64, tpu.core_type = #tpu.core_type<sc_vector_subcore>, window_params = [{transform_indices = #map}, {transform_indices = #map}, {transform_indices = #map1}, {transform_indices = #map1}, {transform_indices = #map1}]} {
    %mul3A = arith.constant 328 : i32
    %mul3A_0 = arith.muli %arg1, %mul3A : i32
    "tpu.region"() ({
      %run_scoped3A = tpu.sem_alloc : memref<!tpu.dma_semaphore, #tpu.memory_space<semaphore_mem>>
      %dma_start3A = arith.constant 0 : i32
      %dma_start3A_20 = tpu.memref_slice %arg17[%mul3A_0, %dma_start3A] : memref<5248x256xf32, #tpu.memory_space<vmem_shared>> -> memref<328x256xf32, #tpu.memory_space<vmem_shared>>
      tpu.enqueue_dma source(%arg5 : memref<328x256xf32, #tpu.memory_space<hbm>>) target(%dma_start3A_20 : memref<328x256xf32, #tpu.memory_space<vmem_shared>>) target_semaphore(%run_scoped3A : memref<!tpu.dma_semaphore, #tpu.memory_space<semaphore_mem>>)
      %dma_wait3A = arith.constant 0 : i32
      %dma_wait3A_21 = tpu.memref_slice %arg17[%mul3A_0, %dma_wait3A] : memref<5248x256xf32, #tpu.memory_space<vmem_shared>> -> memref<328x256xf32, #tpu.memory_space<vmem_shared>>
      tpu.wait_dma2 semaphore(%run_scoped3A : memref<!tpu.dma_semaphore, #tpu.memory_space<semaphore_mem>>) src(%arg5 : memref<328x256xf32, #tpu.memory_space<hbm>>) dst(%dma_wait3A_21 : memref<328x256xf32, #tpu.memory_space<vmem_shared>>)
      tpu.yield
    }) : () -> ()
    %barrier3A = arith.constant 0 : index
    tpu.barrier barrier_id(%barrier3A)
    %mul3A_1 = arith.constant 1 : i32
    %mul3A_2 = arith.muli %arg0, %mul3A_1 : i32
    %add3A = arith.constant 0 : i32
    %add3A_3 = arith.addi %mul3A_2, %add3A : i32
    %mul3A_4 = arith.constant 5120 : i32
    %mul3A_5 = arith.muli %add3A_3, %mul3A_4 : i32
    %scan3A = arith.constant 0 : i32
    %scan3A_6 = arith.constant 0 : i32
    %scan3A_7 = arith.constant 5 : i32
    %scan3A_8 = arith.addi %scan3A_6, %scan3A_7 : i32
    %scan3A_9 = arith.constant 1 : i32
    scf.for %scan3A_20 = %scan3A_6 to %scan3A_8 step %scan3A_9  : i32 {
      %mul3A_21 = arith.constant 20000 : i32
      %mul3A_22 = arith.muli %arg1, %mul3A_21 : i32
      %mul3A_23 = arith.constant 4000 : i32
      %mul3A_24 = arith.muli %scan3A_20, %mul3A_23 : i32
      %add3A_25 = arith.addi %mul3A_22, %mul3A_24 : i32
      "tpu.region"() ({
        %run_scoped3A = tpu.sem_alloc : memref<!tpu.dma_semaphore, #tpu.memory_space<semaphore_mem>>
        %dma_start3A = tpu.memref_slice %arg3[%add3A_25] : memref<320000xi32, #tpu.memory_space<hbm>> -> memref<4000xi32, #tpu.memory_space<hbm>>
        %dma_start3A_94 = tpu.memref_slice %arg3[%add3A_25] : memref<320000xi32, #tpu.memory_space<hbm>> -> memref<4000xi32, #tpu.memory_space<hbm>>
        tpu.enqueue_dma source(%dma_start3A_94 : memref<4000xi32, #tpu.memory_space<hbm>>) target(%arg7 : memref<4000xi32, #tpu.memory_space<vmem>>) target_semaphore(%run_scoped3A : memref<!tpu.dma_semaphore, #tpu.memory_space<semaphore_mem>>)
        %dma_wait3A = tpu.memref_slice %arg3[%add3A_25] : memref<320000xi32, #tpu.memory_space<hbm>> -> memref<4000xi32, #tpu.memory_space<hbm>>
        %dma_wait3A_95 = tpu.memref_slice %arg3[%add3A_25] : memref<320000xi32, #tpu.memory_space<hbm>> -> memref<4000xi32, #tpu.memory_space<hbm>>
        tpu.wait_dma2 semaphore(%run_scoped3A : memref<!tpu.dma_semaphore, #tpu.memory_space<semaphore_mem>>) src(%dma_wait3A_95 : memref<4000xi32, #tpu.memory_space<hbm>>) dst(%arg7 : memref<4000xi32, #tpu.memory_space<vmem>>)
        tpu.yield
      }) : () -> ()
      "tpu.region"() ({
        %run_scoped3A = tpu.sem_alloc : memref<!tpu.dma_semaphore, #tpu.memory_space<semaphore_mem>>
        %dma_start3A = tpu.memref_slice %arg2[%add3A_25] : memref<320000xi32, #tpu.memory_space<hbm>> -> memref<4000xi32, #tpu.memory_space<hbm>>
        %dma_start3A_94 = tpu.memref_slice %arg2[%add3A_25] : memref<320000xi32, #tpu.memory_space<hbm>> -> memref<4000xi32, #tpu.memory_space<hbm>>
        tpu.enqueue_dma source(%dma_start3A_94 : memref<4000xi32, #tpu.memory_space<hbm>>) target(%arg8 : memref<4000xi32, #tpu.memory_space<vmem>>) target_semaphore(%run_scoped3A : memref<!tpu.dma_semaphore, #tpu.memory_space<semaphore_mem>>)
        %dma_wait3A = tpu.memref_slice %arg2[%add3A_25] : memref<320000xi32, #tpu.memory_space<hbm>> -> memref<4000xi32, #tpu.memory_space<hbm>>
        %dma_wait3A_95 = tpu.memref_slice %arg2[%add3A_25] : memref<320000xi32, #tpu.memory_space<hbm>> -> memref<4000xi32, #tpu.memory_space<hbm>>
        tpu.wait_dma2 semaphore(%run_scoped3A : memref<!tpu.dma_semaphore, #tpu.memory_space<semaphore_mem>>) src(%dma_wait3A_95 : memref<4000xi32, #tpu.memory_space<hbm>>) dst(%arg8 : memref<4000xi32, #tpu.memory_space<vmem>>)
        tpu.yield
      }) : () -> ()
      %scan3A_26 = arith.constant 0 : i32
      %scan3A_27 = arith.constant 0 : i32
      %scan3A_28 = arith.constant 250 : i32
      %scan3A_29 = arith.addi %scan3A_27, %scan3A_28 : i32
      %scan3A_30 = arith.constant 1 : i32
      %scan3A_31 = scf.for %scan3A_94 = %scan3A_27 to %scan3A_29 step %scan3A_30 iter_args(%scan3A_95 = %scan3A_26) -> (i32)  : i32 {
        %mul3A_96 = arith.constant 16 : i32
        %mul3A_97 = arith.muli %scan3A_94, %mul3A_96 : i32
        %get3A = arith.index_cast %mul3A_97 : i32 to index
        %get3A_98 = tpu.vector_load %arg7[%get3A] {strides = array<i32>} : memref<4000xi32, #tpu.memory_space<vmem>>, vector<16xi32>,
        %mul3A_99 = arith.constant 16 : i32
        %mul3A_100 = arith.muli %scan3A_94, %mul3A_99 : i32
        %get3A_101 = arith.index_cast %mul3A_100 : i32 to index
        %get3A_102 = tpu.vector_load %arg8[%get3A_101] {strides = array<i32>} : memref<4000xi32, #tpu.memory_space<vmem>>, vector<16xi32>,
        %ge3A = vector.broadcast %mul3A_5 : i32 to vector<16xi32>
        %ge3A_103 = arith.cmpi sge, %get3A_98, %ge3A : vector<16xi32>
        %add3A_104 = arith.constant 5120 : i32
        %add3A_105 = arith.addi %mul3A_5, %add3A_104 : i32
        %lt3A = vector.broadcast %add3A_105 : i32 to vector<16xi32>
        %lt3A_106 = arith.cmpi slt, %get3A_98, %lt3A : vector<16xi32>
        %and3A_107 = arith.andi %ge3A_103, %lt3A_106 : vector<16xi1>
        %convert_element_type3A_108 = arith.extui %and3A_107 : vector<16xi1> to vector<16xi32>
        %broadcast_in_dim3A_109 = arith.constant true
        %broadcast_in_dim3A_110 = vector.broadcast %broadcast_in_dim3A_109 : i1 to vector<16xi1>
        %masked_cumsum3A = tpu.scan <sum>, %convert_element_type3A_108 masked %broadcast_in_dim3A_110 : vector<16xi32>, vector<16xi1> -> vector<16xi32>
        %add3A_111 = vector.broadcast %scan3A_95 : i32 to vector<16xi32>
        %add3A_112 = arith.addi %add3A_111, %masked_cumsum3A : vector<16xi32>
        %sub3A_113 = arith.constant 1 : i32
        %sub3A_114 = vector.broadcast %sub3A_113 : i32 to vector<16xi32>
        %sub3A_115 = arith.subi %add3A_112, %sub3A_114 : vector<16xi32>
        %jit3A_116 = arith.constant 4128 : i32
        %broadcast_in_dim3A_117 = vector.broadcast %jit3A_116 : i32 to vector<16xi32>
        %select_n3A_118 = arith.select %and3A_107, %sub3A_115, %broadcast_in_dim3A_117 : vector<16xi1>, vector<16xi32>
        %sub3A_119 = vector.broadcast %mul3A_5 : i32 to vector<16xi32>
        %sub3A_120 = arith.subi %get3A_98, %sub3A_119 : vector<16xi32>
        tpu.vector_store_idx %arg9[%select_n3A_118], %sub3A_120 : memref<4144xi32, #tpu.memory_space<vmem>>[vector<16xi32>], vector<16xi32>,
        tpu.vector_store_idx %arg10[%select_n3A_118], %get3A_102 : memref<4144xi32, #tpu.memory_space<vmem>>[vector<16xi32>], vector<16xi32>,
        %reduce_max3A = arith.constant true
        %reduce_max3A_121 = vector.broadcast %reduce_max3A : i1 to vector<16xi1>
        %reduce_max3A_122 = arith.constant -2147483648 : i32
        %reduce_max3A_123 = vector.broadcast %reduce_max3A_122 : i32 to vector<16xi32>
        %reduce_max3A_124 = arith.xori %masked_cumsum3A, %reduce_max3A_123 : vector<16xi32>
        %reduce_max3A_125 = tpu.scan <max>, %reduce_max3A_124 masked %reduce_max3A_121 : vector<16xi32>, vector<16xi1> -> vector<16xi32>
        %reduce_max3A_126 = arith.xori %reduce_max3A_125, %reduce_max3A_123 : vector<16xi32>
        %reduce_max3A_127 = vector.extract %reduce_max3A_126[15] : i32 from vector<16xi32>
        %add3A_128 = arith.addi %scan3A_95, %reduce_max3A_127 : i32
        scf.yield %add3A_128 : i32
      }
      %scan3A_32 = arith.constant 250 : i32
      %add3A_33 = arith.constant 0 : i32
      %add3A_34 = arith.addi %scan3A_31, %add3A_33 : i32
      %iota3A = tpu.iota {dimensions = array<i32: 0>} : vector<16xi32>
      %add3A_35 = vector.broadcast %add3A_34 : i32 to vector<16xi32>
      %add3A_36 = arith.addi %add3A_35, %iota3A : vector<16xi32>
      %broadcast_in_dim3A = arith.constant 5120 : i32
      %broadcast_in_dim3A_37 = vector.broadcast %broadcast_in_dim3A : i32 to vector<16xi32>
      tpu.vector_store_idx %arg9[%add3A_36], %broadcast_in_dim3A_37 : memref<4144xi32, #tpu.memory_space<vmem>>[vector<16xi32>], vector<16xi32>,
      %broadcast_in_dim3A_38 = arith.constant 0 : i32
      %broadcast_in_dim3A_39 = vector.broadcast %broadcast_in_dim3A_38 : i32 to vector<16xi32>
      tpu.vector_store_idx %arg10[%add3A_36], %broadcast_in_dim3A_39 : memref<4144xi32, #tpu.memory_space<vmem>>[vector<16xi32>], vector<16xi32>,
      %add3A_40 = arith.constant 16 : i32
      %add3A_41 = arith.addi %scan3A_31, %add3A_40 : i32
      %iota3A_42 = tpu.iota {dimensions = array<i32: 0>} : vector<16xi32>
      %add3A_43 = vector.broadcast %add3A_41 : i32 to vector<16xi32>
      %add3A_44 = arith.addi %add3A_43, %iota3A_42 : vector<16xi32>
      %broadcast_in_dim3A_45 = arith.constant 5120 : i32
      %broadcast_in_dim3A_46 = vector.broadcast %broadcast_in_dim3A_45 : i32 to vector<16xi32>
      tpu.vector_store_idx %arg9[%add3A_44], %broadcast_in_dim3A_46 : memref<4144xi32, #tpu.memory_space<vmem>>[vector<16xi32>], vector<16xi32>,
      %broadcast_in_dim3A_47 = arith.constant 0 : i32
      %broadcast_in_dim3A_48 = vector.broadcast %broadcast_in_dim3A_47 : i32 to vector<16xi32>
      tpu.vector_store_idx %arg10[%add3A_44], %broadcast_in_dim3A_48 : memref<4144xi32, #tpu.memory_space<vmem>>[vector<16xi32>], vector<16xi32>,
      %add3A_49 = arith.constant 32 : i32
      %add3A_50 = arith.addi %scan3A_31, %add3A_49 : i32
      %iota3A_51 = tpu.iota {dimensions = array<i32: 0>} : vector<16xi32>
      %add3A_52 = vector.broadcast %add3A_50 : i32 to vector<16xi32>
      %add3A_53 = arith.addi %add3A_52, %iota3A_51 : vector<16xi32>
      %broadcast_in_dim3A_54 = arith.constant 5120 : i32
      %broadcast_in_dim3A_55 = vector.broadcast %broadcast_in_dim3A_54 : i32 to vector<16xi32>
      tpu.vector_store_idx %arg9[%add3A_53], %broadcast_in_dim3A_55 : memref<4144xi32, #tpu.memory_space<vmem>>[vector<16xi32>], vector<16xi32>,
      %broadcast_in_dim3A_56 = arith.constant 0 : i32
      %broadcast_in_dim3A_57 = vector.broadcast %broadcast_in_dim3A_56 : i32 to vector<16xi32>
      tpu.vector_store_idx %arg10[%add3A_53], %broadcast_in_dim3A_57 : memref<4144xi32, #tpu.memory_space<vmem>>[vector<16xi32>], vector<16xi32>,
      %add3A_58 = arith.constant 48 : i32
      %add3A_59 = arith.addi %scan3A_31, %add3A_58 : i32
      %iota3A_60 = tpu.iota {dimensions = array<i32: 0>} : vector<16xi32>
      %add3A_61 = vector.broadcast %add3A_59 : i32 to vector<16xi32>
      %add3A_62 = arith.addi %add3A_61, %iota3A_60 : vector<16xi32>
      %broadcast_in_dim3A_63 = arith.constant 5120 : i32
      %broadcast_in_dim3A_64 = vector.broadcast %broadcast_in_dim3A_63 : i32 to vector<16xi32>
      tpu.vector_store_idx %arg9[%add3A_62], %broadcast_in_dim3A_64 : memref<4144xi32, #tpu.memory_space<vmem>>[vector<16xi32>], vector<16xi32>,
      %broadcast_in_dim3A_65 = arith.constant 0 : i32
      %broadcast_in_dim3A_66 = vector.broadcast %broadcast_in_dim3A_65 : i32 to vector<16xi32>
      tpu.vector_store_idx %arg10[%add3A_62], %broadcast_in_dim3A_66 : memref<4144xi32, #tpu.memory_space<vmem>>[vector<16xi32>], vector<16xi32>,
      %add3A_67 = arith.constant 63 : i32
      %add3A_68 = arith.addi %scan3A_31, %add3A_67 : i32
      %jit3A = arith.constant 64 : i32
      %div3A = arith.divsi %add3A_68, %jit3A : i32
      %sign3A = arith.constant 0 : i32
      %sign3A_69 = arith.cmpi sgt, %add3A_68, %sign3A : i32
      %sign3A_70 = arith.extui %sign3A_69 : i1 to i32
      %sign3A_71 = arith.constant 0 : i32
      %sign3A_72 = arith.cmpi slt, %add3A_68, %sign3A_71 : i32
      %sign3A_73 = arith.extui %sign3A_72 : i1 to i32
      %sign3A_74 = arith.subi %sign3A_70, %sign3A_73 : i32
      %sign3A_75 = arith.constant 0 : i32
      %sign3A_76 = arith.cmpi sgt, %jit3A, %sign3A_75 : i32
      %sign3A_77 = arith.extui %sign3A_76 : i1 to i32
      %sign3A_78 = arith.constant 0 : i32
      %sign3A_79 = arith.cmpi slt, %jit3A, %sign3A_78 : i32
      %sign3A_80 = arith.extui %sign3A_79 : i1 to i32
      %sign3A_81 = arith.subi %sign3A_77, %sign3A_80 : i32
      %ne3A = arith.cmpi ne, %sign3A_74, %sign3A_81 : i32
      %rem3A = arith.remsi %add3A_68, %jit3A : i32
      %ne3A_82 = arith.constant 0 : i32
      %ne3A_83 = arith.cmpi ne, %rem3A, %ne3A_82 : i32
      %and3A = arith.andi %ne3A, %ne3A_83 : i1
      %sub3A = arith.constant 1 : i32
      %sub3A_84 = arith.subi %div3A, %sub3A : i32
      %select_n3A = arith.select %and3A, %sub3A_84, %div3A : i32
      %while3A = arith.constant 0 : i32
      %while3A_85 = arith.constant 0 : i32
      %while3A_86 = arith.subi %select_n3A, %while3A_85 : i32
      %while3A_87 = arith.addi %while3A_85, %while3A_86 : i32
      %while3A_88 = arith.constant 1 : i32
      %while3A_89 = arith.divsi %while3A_86, %while3A_88 : i32
      %while3A_90 = arith.muli %while3A_89, %while3A_88 : i32
      %while3A_91 = arith.addi %while3A_85, %while3A_90 : i32
      %while3A_92 = arith.constant 1 : i32
      scf.for %while3A_94 = %while3A_85 to %while3A_91 step %while3A_92  : i32 {
        %mul3A_95 = arith.constant 64 : i32
        %mul3A_96 = arith.muli %while3A_94, %mul3A_95 : i32
        %add3A_97 = arith.constant 0 : i32
        %add3A_98 = arith.addi %mul3A_96, %add3A_97 : i32
        %add3A_99 = arith.constant 0 : i32
        %add3A_100 = arith.addi %add3A_98, %add3A_99 : i32
        %get3A = arith.index_cast %add3A_100 : i32 to index
        %get3A_101 = tpu.vector_load %arg9[%get3A] {strides = array<i32>} : memref<4144xi32, #tpu.memory_space<vmem>>, vector<16xi32>,
        %swap3A = arith.constant 0 : index
        %swap3A_102 = tpu.vector_load %arg11[%swap3A] {strides = array<i32>} : memref<32xi32, #tpu.memory_space<vmem>>, vector<16xi32>,
        tpu.vector_store %arg11[%swap3A], %get3A_101 {strides = array<i32>} : memref<32xi32, #tpu.memory_space<vmem>>, vector<16xi32>,
        %get3A_103 = arith.index_cast %add3A_100 : i32 to index
        %get3A_104 = tpu.vector_load %arg10[%get3A_103] {strides = array<i32>} : memref<4144xi32, #tpu.memory_space<vmem>>, vector<16xi32>,
        %swap3A_105 = arith.constant 0 : index
        %swap3A_106 = tpu.vector_load %arg13[%swap3A_105] {strides = array<i32>} : memref<32xi32, #tpu.memory_space<vmem>>, vector<16xi32>,
        tpu.vector_store %arg13[%swap3A_105], %get3A_104 {strides = array<i32>} : memref<32xi32, #tpu.memory_space<vmem>>, vector<16xi32>,
        %mul3A_107 = arith.constant 64 : i32
        %mul3A_108 = arith.muli %while3A_94, %mul3A_107 : i32
        %add3A_109 = arith.constant 0 : i32
        %add3A_110 = arith.addi %mul3A_108, %add3A_109 : i32
        %add3A_111 = arith.constant 16 : i32
        %add3A_112 = arith.addi %add3A_110, %add3A_111 : i32
        %get3A_113 = arith.index_cast %add3A_112 : i32 to index
        %get3A_114 = tpu.vector_load %arg9[%get3A_113] {strides = array<i32>} : memref<4144xi32, #tpu.memory_space<vmem>>, vector<16xi32>,
        %swap3A_115 = arith.constant 16 : index
        %swap3A_116 = tpu.vector_load %arg11[%swap3A_115] {strides = array<i32>} : memref<32xi32, #tpu.memory_space<vmem>>, vector<16xi32>,
        tpu.vector_store %arg11[%swap3A_115], %get3A_114 {strides = array<i32>} : memref<32xi32, #tpu.memory_space<vmem>>, vector<16xi32>,
        %get3A_117 = arith.index_cast %add3A_112 : i32 to index
        %get3A_118 = tpu.vector_load %arg10[%get3A_117] {strides = array<i32>} : memref<4144xi32, #tpu.memory_space<vmem>>, vector<16xi32>,
        %swap3A_119 = arith.constant 16 : index
        %swap3A_120 = tpu.vector_load %arg13[%swap3A_119] {strides = array<i32>} : memref<32xi32, #tpu.memory_space<vmem>>, vector<16xi32>,
        tpu.vector_store %arg13[%swap3A_119], %get3A_118 {strides = array<i32>} : memref<32xi32, #tpu.memory_space<vmem>>, vector<16xi32>,
        %dma_start3A = arith.constant 0 : i32
        %dma_start3A_121 = arith.constant 0 : i32
        %dma_start3A_122 = tpu.memref_slice %arg4[%dma_start3A, %dma_start3A_121] : memref<10000x256xf32, #tpu.memory_space<hbm>> -> memref<10000x256xf32, #tpu.memory_space<hbm>>
        tpu.enqueue_indirect_dma source(%dma_start3A_122 : memref<10000x256xf32, #tpu.memory_space<hbm>>) target(%arg15 : memref<32x256xf32, #tpu.memory_space<vmem>>) offsets(%arg13 : memref<32xi32, #tpu.memory_space<vmem>>) semaphore(%arg18 : memref<!tpu.dma_semaphore, #tpu.memory_space<semaphore_mem>>)
        %mul3A_123 = arith.constant 64 : i32
        %mul3A_124 = arith.muli %while3A_94, %mul3A_123 : i32
        %add3A_125 = arith.constant 32 : i32
        %add3A_126 = arith.addi %mul3A_124, %add3A_125 : i32
        %add3A_127 = arith.constant 0 : i32
        %add3A_128 = arith.addi %add3A_126, %add3A_127 : i32
        %get3A_129 = arith.index_cast %add3A_128 : i32 to index
        %get3A_130 = tpu.vector_load %arg9[%get3A_129] {strides = array<i32>} : memref<4144xi32, #tpu.memory_space<vmem>>, vector<16xi32>,
        %swap3A_131 = arith.constant 0 : index
        %swap3A_132 = tpu.vector_load %arg12[%swap3A_131] {strides = array<i32>} : memref<32xi32, #tpu.memory_space<vmem>>, vector<16xi32>,
        tpu.vector_store %arg12[%swap3A_131], %get3A_130 {strides = array<i32>} : memref<32xi32, #tpu.memory_space<vmem>>, vector<16xi32>,
        %get3A_133 = arith.index_cast %add3A_128 : i32 to index
        %get3A_134 = tpu.vector_load %arg10[%get3A_133] {strides = array<i32>} : memref<4144xi32, #tpu.memory_space<vmem>>, vector<16xi32>,
        %swap3A_135 = arith.constant 0 : index
        %swap3A_136 = tpu.vector_load %arg14[%swap3A_135] {strides = array<i32>} : memref<32xi32, #tpu.memory_space<vmem>>, vector<16xi32>,
        tpu.vector_store %arg14[%swap3A_135], %get3A_134 {strides = array<i32>} : memref<32xi32, #tpu.memory_space<vmem>>, vector<16xi32>,
        %mul3A_137 = arith.constant 64 : i32
        %mul3A_138 = arith.muli %while3A_94, %mul3A_137 : i32
        %add3A_139 = arith.constant 32 : i32
        %add3A_140 = arith.addi %mul3A_138, %add3A_139 : i32
        %add3A_141 = arith.constant 16 : i32
        %add3A_142 = arith.addi %add3A_140, %add3A_141 : i32
        %get3A_143 = arith.index_cast %add3A_142 : i32 to index
        %get3A_144 = tpu.vector_load %arg9[%get3A_143] {strides = array<i32>} : memref<4144xi32, #tpu.memory_space<vmem>>, vector<16xi32>,
        %swap3A_145 = arith.constant 16 : index
        %swap3A_146 = tpu.vector_load %arg12[%swap3A_145] {strides = array<i32>} : memref<32xi32, #tpu.memory_space<vmem>>, vector<16xi32>,
        tpu.vector_store %arg12[%swap3A_145], %get3A_144 {strides = array<i32>} : memref<32xi32, #tpu.memory_space<vmem>>, vector<16xi32>,
        %get3A_147 = arith.index_cast %add3A_142 : i32 to index
        %get3A_148 = tpu.vector_load %arg10[%get3A_147] {strides = array<i32>} : memref<4144xi32, #tpu.memory_space<vmem>>, vector<16xi32>,
        %swap3A_149 = arith.constant 16 : index
        %swap3A_150 = tpu.vector_load %arg14[%swap3A_149] {strides = array<i32>} : memref<32xi32, #tpu.memory_space<vmem>>, vector<16xi32>,
        tpu.vector_store %arg14[%swap3A_149], %get3A_148 {strides = array<i32>} : memref<32xi32, #tpu.memory_space<vmem>>, vector<16xi32>,
        %dma_start3A_151 = arith.constant 0 : i32
        %dma_start3A_152 = arith.constant 0 : i32
        %dma_start3A_153 = tpu.memref_slice %arg4[%dma_start3A_151, %dma_start3A_152] : memref<10000x256xf32, #tpu.memory_space<hbm>> -> memref<10000x256xf32, #tpu.memory_space<hbm>>
        tpu.enqueue_indirect_dma source(%dma_start3A_153 : memref<10000x256xf32, #tpu.memory_space<hbm>>) target(%arg16 : memref<32x256xf32, #tpu.memory_space<vmem>>) offsets(%arg14 : memref<32xi32, #tpu.memory_space<vmem>>) semaphore(%arg19 : memref<!tpu.dma_semaphore, #tpu.memory_space<semaphore_mem>>)
        %dma_wait3A = arith.constant 0 : i32
        %dma_wait3A_154 = arith.constant 0 : i32
        %dma_wait3A_155 = tpu.memref_slice %arg4[%dma_wait3A, %dma_wait3A_154] : memref<10000x256xf32, #tpu.memory_space<hbm>> -> memref<10000x256xf32, #tpu.memory_space<hbm>>
        tpu.wait_indirect_dma semaphore(%arg18 : memref<!tpu.dma_semaphore, #tpu.memory_space<semaphore_mem>>) src(%dma_wait3A_155 : memref<10000x256xf32, #tpu.memory_space<hbm>>) dst(%arg15 : memref<32x256xf32, #tpu.memory_space<vmem>>)
        "tpu.region"() ({
          %run_scoped3A = tpu.sem_alloc : memref<!tpu.dma_semaphore, #tpu.memory_space<semaphore_mem>>
          %dma_start3A_159 = arith.constant 0 : i32
          %dma_start3A_160 = arith.constant 0 : i32
          %dma_start3A_161 = tpu.memref_slice %arg17[%dma_start3A_159, %dma_start3A_160] : memref<5248x256xf32, #tpu.memory_space<vmem_shared>> -> memref<5248x256xf32, #tpu.memory_space<vmem_shared>>
          tpu.enqueue_indirect_dma source(%arg15 : memref<32x256xf32, #tpu.memory_space<vmem>>) target(%dma_start3A_161 : memref<5248x256xf32, #tpu.memory_space<vmem_shared>>) offsets(%arg11 : memref<32xi32, #tpu.memory_space<vmem>>) semaphore(%run_scoped3A : memref<!tpu.dma_semaphore, #tpu.memory_space<semaphore_mem>>) {add = true}
          %dma_wait3A_162 = arith.constant 0 : i32
          %dma_wait3A_163 = arith.constant 0 : i32
          %dma_wait3A_164 = tpu.memref_slice %arg17[%dma_wait3A_162, %dma_wait3A_163] : memref<5248x256xf32, #tpu.memory_space<vmem_shared>> -> memref<5248x256xf32, #tpu.memory_space<vmem_shared>>
          tpu.wait_indirect_dma semaphore(%run_scoped3A : memref<!tpu.dma_semaphore, #tpu.memory_space<semaphore_mem>>) src(%arg15 : memref<32x256xf32, #tpu.memory_space<vmem>>) dst(%dma_wait3A_164 : memref<5248x256xf32, #tpu.memory_space<vmem_shared>>)
          tpu.yield
        }) : () -> ()
        %dma_wait3A_156 = arith.constant 0 : i32
        %dma_wait3A_157 = arith.constant 0 : i32
        %dma_wait3A_158 = tpu.memref_slice %arg4[%dma_wait3A_156, %dma_wait3A_157] : memref<10000x256xf32, #tpu.memory_space<hbm>> -> memref<10000x256xf32, #tpu.memory_space<hbm>>
        tpu.wait_indirect_dma semaphore(%arg19 : memref<!tpu.dma_semaphore, #tpu.memory_space<semaphore_mem>>) src(%dma_wait3A_158 : memref<10000x256xf32, #tpu.memory_space<hbm>>) dst(%arg16 : memref<32x256xf32, #tpu.memory_space<vmem>>)
        "tpu.region"() ({
          %run_scoped3A = tpu.sem_alloc : memref<!tpu.dma_semaphore, #tpu.memory_space<semaphore_mem>>
          %dma_start3A_159 = arith.constant 0 : i32
          %dma_start3A_160 = arith.constant 0 : i32
          %dma_start3A_161 = tpu.memref_slice %arg17[%dma_start3A_159, %dma_start3A_160] : memref<5248x256xf32, #tpu.memory_space<vmem_shared>> -> memref<5248x256xf32, #tpu.memory_space<vmem_shared>>
          tpu.enqueue_indirect_dma source(%arg16 : memref<32x256xf32, #tpu.memory_space<vmem>>) target(%dma_start3A_161 : memref<5248x256xf32, #tpu.memory_space<vmem_shared>>) offsets(%arg12 : memref<32xi32, #tpu.memory_space<vmem>>) semaphore(%run_scoped3A : memref<!tpu.dma_semaphore, #tpu.memory_space<semaphore_mem>>) {add = true}
          %dma_wait3A_162 = arith.constant 0 : i32
          %dma_wait3A_163 = arith.constant 0 : i32
          %dma_wait3A_164 = tpu.memref_slice %arg17[%dma_wait3A_162, %dma_wait3A_163] : memref<5248x256xf32, #tpu.memory_space<vmem_shared>> -> memref<5248x256xf32, #tpu.memory_space<vmem_shared>>
          tpu.wait_indirect_dma semaphore(%run_scoped3A : memref<!tpu.dma_semaphore, #tpu.memory_space<semaphore_mem>>) src(%arg16 : memref<32x256xf32, #tpu.memory_space<vmem>>) dst(%dma_wait3A_164 : memref<5248x256xf32, #tpu.memory_space<vmem_shared>>)
          tpu.yield
        }) : () -> ()
      }
      %while3A_93 = arith.constant 1 : i32
      scf.for %while3A_94 = %while3A_91 to %while3A_87 step %while3A_93  : i32 {
        %mul3A_95 = arith.constant 64 : i32
        %mul3A_96 = arith.muli %while3A_94, %mul3A_95 : i32
        %add3A_97 = arith.constant 0 : i32
        %add3A_98 = arith.addi %mul3A_96, %add3A_97 : i32
        %add3A_99 = arith.constant 0 : i32
        %add3A_100 = arith.addi %add3A_98, %add3A_99 : i32
        %get3A = arith.index_cast %add3A_100 : i32 to index
        %get3A_101 = tpu.vector_load %arg9[%get3A] {strides = array<i32>} : memref<4144xi32, #tpu.memory_space<vmem>>, vector<16xi32>,
        %swap3A = arith.constant 0 : index
        %swap3A_102 = tpu.vector_load %arg11[%swap3A] {strides = array<i32>} : memref<32xi32, #tpu.memory_space<vmem>>, vector<16xi32>,
        tpu.vector_store %arg11[%swap3A], %get3A_101 {strides = array<i32>} : memref<32xi32, #tpu.memory_space<vmem>>, vector<16xi32>,
        %get3A_103 = arith.index_cast %add3A_100 : i32 to index
        %get3A_104 = tpu.vector_load %arg10[%get3A_103] {strides = array<i32>} : memref<4144xi32, #tpu.memory_space<vmem>>, vector<16xi32>,
        %swap3A_105 = arith.constant 0 : index
        %swap3A_106 = tpu.vector_load %arg13[%swap3A_105] {strides = array<i32>} : memref<32xi32, #tpu.memory_space<vmem>>, vector<16xi32>,
        tpu.vector_store %arg13[%swap3A_105], %get3A_104 {strides = array<i32>} : memref<32xi32, #tpu.memory_space<vmem>>, vector<16xi32>,
        %mul3A_107 = arith.constant 64 : i32
        %mul3A_108 = arith.muli %while3A_94, %mul3A_107 : i32
        %add3A_109 = arith.constant 0 : i32
        %add3A_110 = arith.addi %mul3A_108, %add3A_109 : i32
        %add3A_111 = arith.constant 16 : i32
        %add3A_112 = arith.addi %add3A_110, %add3A_111 : i32
        %get3A_113 = arith.index_cast %add3A_112 : i32 to index
        %get3A_114 = tpu.vector_load %arg9[%get3A_113] {strides = array<i32>} : memref<4144xi32, #tpu.memory_space<vmem>>, vector<16xi32>,
        %swap3A_115 = arith.constant 16 : index
        %swap3A_116 = tpu.vector_load %arg11[%swap3A_115] {strides = array<i32>} : memref<32xi32, #tpu.memory_space<vmem>>, vector<16xi32>,
        tpu.vector_store %arg11[%swap3A_115], %get3A_114 {strides = array<i32>} : memref<32xi32, #tpu.memory_space<vmem>>, vector<16xi32>,
        %get3A_117 = arith.index_cast %add3A_112 : i32 to index
        %get3A_118 = tpu.vector_load %arg10[%get3A_117] {strides = array<i32>} : memref<4144xi32, #tpu.memory_space<vmem>>, vector<16xi32>,
        %swap3A_119 = arith.constant 16 : index
        %swap3A_120 = tpu.vector_load %arg13[%swap3A_119] {strides = array<i32>} : memref<32xi32, #tpu.memory_space<vmem>>, vector<16xi32>,
        tpu.vector_store %arg13[%swap3A_119], %get3A_118 {strides = array<i32>} : memref<32xi32, #tpu.memory_space<vmem>>, vector<16xi32>,
        %dma_start3A = arith.constant 0 : i32
        %dma_start3A_121 = arith.constant 0 : i32
        %dma_start3A_122 = tpu.memref_slice %arg4[%dma_start3A, %dma_start3A_121] : memref<10000x256xf32, #tpu.memory_space<hbm>> -> memref<10000x256xf32, #tpu.memory_space<hbm>>
        tpu.enqueue_indirect_dma source(%dma_start3A_122 : memref<10000x256xf32, #tpu.memory_space<hbm>>) target(%arg15 : memref<32x256xf32, #tpu.memory_space<vmem>>) offsets(%arg13 : memref<32xi32, #tpu.memory_space<vmem>>) semaphore(%arg18 : memref<!tpu.dma_semaphore, #tpu.memory_space<semaphore_mem>>)
        %mul3A_123 = arith.constant 64 : i32
        %mul3A_124 = arith.muli %while3A_94, %mul3A_123 : i32
        %add3A_125 = arith.constant 32 : i32
        %add3A_126 = arith.addi %mul3A_124, %add3A_125 : i32
        %add3A_127 = arith.constant 0 : i32
        %add3A_128 = arith.addi %add3A_126, %add3A_127 : i32
        %get3A_129 = arith.index_cast %add3A_128 : i32 to index
        %get3A_130 = tpu.vector_load %arg9[%get3A_129] {strides = array<i32>} : memref<4144xi32, #tpu.memory_space<vmem>>, vector<16xi32>,
        %swap3A_131 = arith.constant 0 : index
        %swap3A_132 = tpu.vector_load %arg12[%swap3A_131] {strides = array<i32>} : memref<32xi32, #tpu.memory_space<vmem>>, vector<16xi32>,
        tpu.vector_store %arg12[%swap3A_131], %get3A_130 {strides = array<i32>} : memref<32xi32, #tpu.memory_space<vmem>>, vector<16xi32>,
        %get3A_133 = arith.index_cast %add3A_128 : i32 to index
        %get3A_134 = tpu.vector_load %arg10[%get3A_133] {strides = array<i32>} : memref<4144xi32, #tpu.memory_space<vmem>>, vector<16xi32>,
        %swap3A_135 = arith.constant 0 : index
        %swap3A_136 = tpu.vector_load %arg14[%swap3A_135] {strides = array<i32>} : memref<32xi32, #tpu.memory_space<vmem>>, vector<16xi32>,
        tpu.vector_store %arg14[%swap3A_135], %get3A_134 {strides = array<i32>} : memref<32xi32, #tpu.memory_space<vmem>>, vector<16xi32>,
        %mul3A_137 = arith.constant 64 : i32
        %mul3A_138 = arith.muli %while3A_94, %mul3A_137 : i32
        %add3A_139 = arith.constant 32 : i32
        %add3A_140 = arith.addi %mul3A_138, %add3A_139 : i32
        %add3A_141 = arith.constant 16 : i32
        %add3A_142 = arith.addi %add3A_140, %add3A_141 : i32
        %get3A_143 = arith.index_cast %add3A_142 : i32 to index
        %get3A_144 = tpu.vector_load %arg9[%get3A_143] {strides = array<i32>} : memref<4144xi32, #tpu.memory_space<vmem>>, vector<16xi32>,
        %swap3A_145 = arith.constant 16 : index
        %swap3A_146 = tpu.vector_load %arg12[%swap3A_145] {strides = array<i32>} : memref<32xi32, #tpu.memory_space<vmem>>, vector<16xi32>,
        tpu.vector_store %arg12[%swap3A_145], %get3A_144 {strides = array<i32>} : memref<32xi32, #tpu.memory_space<vmem>>, vector<16xi32>,
        %get3A_147 = arith.index_cast %add3A_142 : i32 to index
        %get3A_148 = tpu.vector_load %arg10[%get3A_147] {strides = array<i32>} : memref<4144xi32, #tpu.memory_space<vmem>>, vector<16xi32>,
        %swap3A_149 = arith.constant 16 : index
        %swap3A_150 = tpu.vector_load %arg14[%swap3A_149] {strides = array<i32>} : memref<32xi32, #tpu.memory_space<vmem>>, vector<16xi32>,
        tpu.vector_store %arg14[%swap3A_149], %get3A_148 {strides = array<i32>} : memref<32xi32, #tpu.memory_space<vmem>>, vector<16xi32>,
        %dma_start3A_151 = arith.constant 0 : i32
        %dma_start3A_152 = arith.constant 0 : i32
        %dma_start3A_153 = tpu.memref_slice %arg4[%dma_start3A_151, %dma_start3A_152] : memref<10000x256xf32, #tpu.memory_space<hbm>> -> memref<10000x256xf32, #tpu.memory_space<hbm>>
        tpu.enqueue_indirect_dma source(%dma_start3A_153 : memref<10000x256xf32, #tpu.memory_space<hbm>>) target(%arg16 : memref<32x256xf32, #tpu.memory_space<vmem>>) offsets(%arg14 : memref<32xi32, #tpu.memory_space<vmem>>) semaphore(%arg19 : memref<!tpu.dma_semaphore, #tpu.memory_space<semaphore_mem>>)
        %dma_wait3A = arith.constant 0 : i32
        %dma_wait3A_154 = arith.constant 0 : i32
        %dma_wait3A_155 = tpu.memref_slice %arg4[%dma_wait3A, %dma_wait3A_154] : memref<10000x256xf32, #tpu.memory_space<hbm>> -> memref<10000x256xf32, #tpu.memory_space<hbm>>
        tpu.wait_indirect_dma semaphore(%arg18 : memref<!tpu.dma_semaphore, #tpu.memory_space<semaphore_mem>>) src(%dma_wait3A_155 : memref<10000x256xf32, #tpu.memory_space<hbm>>) dst(%arg15 : memref<32x256xf32, #tpu.memory_space<vmem>>)
        "tpu.region"() ({
          %run_scoped3A = tpu.sem_alloc : memref<!tpu.dma_semaphore, #tpu.memory_space<semaphore_mem>>
          %dma_start3A_159 = arith.constant 0 : i32
          %dma_start3A_160 = arith.constant 0 : i32
          %dma_start3A_161 = tpu.memref_slice %arg17[%dma_start3A_159, %dma_start3A_160] : memref<5248x256xf32, #tpu.memory_space<vmem_shared>> -> memref<5248x256xf32, #tpu.memory_space<vmem_shared>>
          tpu.enqueue_indirect_dma source(%arg15 : memref<32x256xf32, #tpu.memory_space<vmem>>) target(%dma_start3A_161 : memref<5248x256xf32, #tpu.memory_space<vmem_shared>>) offsets(%arg11 : memref<32xi32, #tpu.memory_space<vmem>>) semaphore(%run_scoped3A : memref<!tpu.dma_semaphore, #tpu.memory_space<semaphore_mem>>) {add = true}
          %dma_wait3A_162 = arith.constant 0 : i32
          %dma_wait3A_163 = arith.constant 0 : i32
          %dma_wait3A_164 = tpu.memref_slice %arg17[%dma_wait3A_162, %dma_wait3A_163] : memref<5248x256xf32, #tpu.memory_space<vmem_shared>> -> memref<5248x256xf32, #tpu.memory_space<vmem_shared>>
          tpu.wait_indirect_dma semaphore(%run_scoped3A : memref<!tpu.dma_semaphore, #tpu.memory_space<semaphore_mem>>) src(%arg15 : memref<32x256xf32, #tpu.memory_space<vmem>>) dst(%dma_wait3A_164 : memref<5248x256xf32, #tpu.memory_space<vmem_shared>>)
          tpu.yield
        }) : () -> ()
        %dma_wait3A_156 = arith.constant 0 : i32
        %dma_wait3A_157 = arith.constant 0 : i32
        %dma_wait3A_158 = tpu.memref_slice %arg4[%dma_wait3A_156, %dma_wait3A_157] : memref<10000x256xf32, #tpu.memory_space<hbm>> -> memref<10000x256xf32, #tpu.memory_space<hbm>>
        tpu.wait_indirect_dma semaphore(%arg19 : memref<!tpu.dma_semaphore, #tpu.memory_space<semaphore_mem>>) src(%dma_wait3A_158 : memref<10000x256xf32, #tpu.memory_space<hbm>>) dst(%arg16 : memref<32x256xf32, #tpu.memory_space<vmem>>)
        "tpu.region"() ({
          %run_scoped3A = tpu.sem_alloc : memref<!tpu.dma_semaphore, #tpu.memory_space<semaphore_mem>>
          %dma_start3A_159 = arith.constant 0 : i32
          %dma_start3A_160 = arith.constant 0 : i32
          %dma_start3A_161 = tpu.memref_slice %arg17[%dma_start3A_159, %dma_start3A_160] : memref<5248x256xf32, #tpu.memory_space<vmem_shared>> -> memref<5248x256xf32, #tpu.memory_space<vmem_shared>>
          tpu.enqueue_indirect_dma source(%arg16 : memref<32x256xf32, #tpu.memory_space<vmem>>) target(%dma_start3A_161 : memref<5248x256xf32, #tpu.memory_space<vmem_shared>>) offsets(%arg12 : memref<32xi32, #tpu.memory_space<vmem>>) semaphore(%run_scoped3A : memref<!tpu.dma_semaphore, #tpu.memory_space<semaphore_mem>>) {add = true}
          %dma_wait3A_162 = arith.constant 0 : i32
          %dma_wait3A_163 = arith.constant 0 : i32
          %dma_wait3A_164 = tpu.memref_slice %arg17[%dma_wait3A_162, %dma_wait3A_163] : memref<5248x256xf32, #tpu.memory_space<vmem_shared>> -> memref<5248x256xf32, #tpu.memory_space<vmem_shared>>
          tpu.wait_indirect_dma semaphore(%run_scoped3A : memref<!tpu.dma_semaphore, #tpu.memory_space<semaphore_mem>>) src(%arg16 : memref<32x256xf32, #tpu.memory_space<vmem>>) dst(%dma_wait3A_164 : memref<5248x256xf32, #tpu.memory_space<vmem_shared>>)
          tpu.yield
        }) : () -> ()
      }
    }
    %scan3A_10 = arith.constant 5 : i32
    %barrier3A_11 = arith.constant 0 : index
    tpu.barrier barrier_id(%barrier3A_11)
    %eq3A = arith.constant 0 : i32
    %eq3A_12 = arith.cmpi eq, %arg0, %eq3A : i32
    %convert_element_type3A = arith.extui %eq3A_12 : i1 to i32
    %cond3A = arith.constant 0 : i32
    %cond3A_13 = arith.cmpi ne, %convert_element_type3A, %cond3A : i32
    scf.if %cond3A_13 {
      %lt3A = arith.constant 15 : i32
      %lt3A_20 = arith.cmpi slt, %arg1, %lt3A : i32
      %convert_element_type3A_21 = arith.extui %lt3A_20 : i1 to i32
      %cond3A_22 = arith.constant 0 : i32
      %cond3A_23 = arith.cmpi ne, %convert_element_type3A_21, %cond3A_22 : i32
      scf.if %cond3A_23 {
        %mul3A_29 = arith.constant 320 : i32
        %mul3A_30 = arith.muli %arg1, %mul3A_29 : i32
        %mul3A_31 = arith.constant 320 : i32
        %mul3A_32 = arith.muli %arg1, %mul3A_31 : i32
        %add3A_33 = arith.constant 0 : i32
        %add3A_34 = arith.addi %add3A_33, %mul3A_32 : i32
        "tpu.region"() ({
          %run_scoped3A = tpu.sem_alloc : memref<!tpu.dma_semaphore, #tpu.memory_space<semaphore_mem>>
          %dma_start3A = arith.constant 0 : i32
          %dma_start3A_35 = tpu.memref_slice %arg6[%add3A_34, %dma_start3A] : memref<10000x256xf32, #tpu.memory_space<hbm>> -> memref<320x256xf32, #tpu.memory_space<hbm>>
          %dma_start3A_36 = arith.constant 0 : i32
          %dma_start3A_37 = tpu.memref_slice %arg17[%mul3A_30, %dma_start3A_36] : memref<5248x256xf32, #tpu.memory_space<vmem_shared>> -> memref<320x256xf32, #tpu.memory_space<vmem_shared>>
          tpu.enqueue_dma source(%dma_start3A_37 : memref<320x256xf32, #tpu.memory_space<vmem_shared>>) target(%dma_start3A_35 : memref<320x256xf32, #tpu.memory_space<hbm>>) target_semaphore(%run_scoped3A : memref<!tpu.dma_semaphore, #tpu.memory_space<semaphore_mem>>)
          %dma_wait3A = arith.constant 0 : i32
          %dma_wait3A_38 = tpu.memref_slice %arg6[%add3A_34, %dma_wait3A] : memref<10000x256xf32, #tpu.memory_space<hbm>> -> memref<320x256xf32, #tpu.memory_space<hbm>>
          %dma_wait3A_39 = arith.constant 0 : i32
          %dma_wait3A_40 = tpu.memref_slice %arg17[%mul3A_30, %dma_wait3A_39] : memref<5248x256xf32, #tpu.memory_space<vmem_shared>> -> memref<320x256xf32, #tpu.memory_space<vmem_shared>>
          tpu.wait_dma2 semaphore(%run_scoped3A : memref<!tpu.dma_semaphore, #tpu.memory_space<semaphore_mem>>) src(%dma_wait3A_40 : memref<320x256xf32, #tpu.memory_space<vmem_shared>>) dst(%dma_wait3A_38 : memref<320x256xf32, #tpu.memory_space<hbm>>)
          tpu.yield
        }) : () -> ()
      } else {
      }
      %eq3A_24 = arith.constant 15 : i32
      %eq3A_25 = arith.cmpi eq, %arg1, %eq3A_24 : i32
      %convert_element_type3A_26 = arith.extui %eq3A_25 : i1 to i32
      %cond3A_27 = arith.constant 0 : i32
      %cond3A_28 = arith.cmpi ne, %convert_element_type3A_26, %cond3A_27 : i32
      scf.if %cond3A_28 {
        "tpu.region"() ({
          %run_scoped3A = tpu.sem_alloc : memref<!tpu.dma_semaphore, #tpu.memory_space<semaphore_mem>>
          %dma_start3A = arith.constant 4800 : i32
          %dma_start3A_29 = arith.constant 0 : i32
          %dma_start3A_30 = tpu.memref_slice %arg6[%dma_start3A, %dma_start3A_29] : memref<10000x256xf32, #tpu.memory_space<hbm>> -> memref<320x256xf32, #tpu.memory_space<hbm>>
          %dma_start3A_31 = arith.constant 4800 : i32
          %dma_start3A_32 = arith.constant 0 : i32
          %dma_start3A_33 = tpu.memref_slice %arg17[%dma_start3A_31, %dma_start3A_32] : memref<5248x256xf32, #tpu.memory_space<vmem_shared>> -> memref<320x256xf32, #tpu.memory_space<vmem_shared>>
          tpu.enqueue_dma source(%dma_start3A_33 : memref<320x256xf32, #tpu.memory_space<vmem_shared>>) target(%dma_start3A_30 : memref<320x256xf32, #tpu.memory_space<hbm>>) target_semaphore(%run_scoped3A : memref<!tpu.dma_semaphore, #tpu.memory_space<semaphore_mem>>)
          %dma_wait3A = arith.constant 4800 : i32
          %dma_wait3A_34 = arith.constant 0 : i32
          %dma_wait3A_35 = tpu.memref_slice %arg6[%dma_wait3A, %dma_wait3A_34] : memref<10000x256xf32, #tpu.memory_space<hbm>> -> memref<320x256xf32, #tpu.memory_space<hbm>>
          %dma_wait3A_36 = arith.constant 4800 : i32
          %dma_wait3A_37 = arith.constant 0 : i32
          %dma_wait3A_38 = tpu.memref_slice %arg17[%dma_wait3A_36, %dma_wait3A_37] : memref<5248x256xf32, #tpu.memory_space<vmem_shared>> -> memref<320x256xf32, #tpu.memory_space<vmem_shared>>
          tpu.wait_dma2 semaphore(%run_scoped3A : memref<!tpu.dma_semaphore, #tpu.memory_space<semaphore_mem>>) src(%dma_wait3A_38 : memref<320x256xf32, #tpu.memory_space<vmem_shared>>) dst(%dma_wait3A_35 : memref<320x256xf32, #tpu.memory_space<hbm>>)
          tpu.yield
        }) : () -> ()
      } else {
      }
    } else {
    }
    %eq3A_14 = arith.constant 1 : i32
    %eq3A_15 = arith.cmpi eq, %arg0, %eq3A_14 : i32
    %convert_element_type3A_16 = arith.extui %eq3A_15 : i1 to i32
    %cond3A_17 = arith.constant 0 : i32
    %cond3A_18 = arith.cmpi ne, %convert_element_type3A_16, %cond3A_17 : i32
    scf.if %cond3A_18 {
      %lt3A = arith.constant 15 : i32
      %lt3A_20 = arith.cmpi slt, %arg1, %lt3A : i32
      %convert_element_type3A_21 = arith.extui %lt3A_20 : i1 to i32
      %cond3A_22 = arith.constant 0 : i32
      %cond3A_23 = arith.cmpi ne, %convert_element_type3A_21, %cond3A_22 : i32
      scf.if %cond3A_23 {
        %mul3A_29 = arith.constant 304 : i32
        %mul3A_30 = arith.muli %arg1, %mul3A_29 : i32
        %mul3A_31 = arith.constant 304 : i32
        %mul3A_32 = arith.muli %arg1, %mul3A_31 : i32
        %add3A_33 = arith.constant 5120 : i32
        %add3A_34 = arith.addi %add3A_33, %mul3A_32 : i32
        "tpu.region"() ({
          %run_scoped3A = tpu.sem_alloc : memref<!tpu.dma_semaphore, #tpu.memory_space<semaphore_mem>>
          %dma_start3A = arith.constant 0 : i32
          %dma_start3A_35 = tpu.memref_slice %arg6[%add3A_34, %dma_start3A] : memref<10000x256xf32, #tpu.memory_space<hbm>> -> memref<304x256xf32, #tpu.memory_space<hbm>>
          %dma_start3A_36 = arith.constant 0 : i32
          %dma_start3A_37 = tpu.memref_slice %arg17[%mul3A_30, %dma_start3A_36] : memref<5248x256xf32, #tpu.memory_space<vmem_shared>> -> memref<304x256xf32, #tpu.memory_space<vmem_shared>>
          tpu.enqueue_dma source(%dma_start3A_37 : memref<304x256xf32, #tpu.memory_space<vmem_shared>>) target(%dma_start3A_35 : memref<304x256xf32, #tpu.memory_space<hbm>>) target_semaphore(%run_scoped3A : memref<!tpu.dma_semaphore, #tpu.memory_space<semaphore_mem>>)
          %dma_wait3A = arith.constant 0 : i32
          %dma_wait3A_38 = tpu.memref_slice %arg6[%add3A_34, %dma_wait3A] : memref<10000x256xf32, #tpu.memory_space<hbm>> -> memref<304x256xf32, #tpu.memory_space<hbm>>
          %dma_wait3A_39 = arith.constant 0 : i32
          %dma_wait3A_40 = tpu.memref_slice %arg17[%mul3A_30, %dma_wait3A_39] : memref<5248x256xf32, #tpu.memory_space<vmem_shared>> -> memref<304x256xf32, #tpu.memory_space<vmem_shared>>
          tpu.wait_dma2 semaphore(%run_scoped3A : memref<!tpu.dma_semaphore, #tpu.memory_space<semaphore_mem>>) src(%dma_wait3A_40 : memref<304x256xf32, #tpu.memory_space<vmem_shared>>) dst(%dma_wait3A_38 : memref<304x256xf32, #tpu.memory_space<hbm>>)
          tpu.yield
        }) : () -> ()
      } else {
      }
      %eq3A_24 = arith.constant 15 : i32
      %eq3A_25 = arith.cmpi eq, %arg1, %eq3A_24 : i32
      %convert_element_type3A_26 = arith.extui %eq3A_25 : i1 to i32
      %cond3A_27 = arith.constant 0 : i32
      %cond3A_28 = arith.cmpi ne, %convert_element_type3A_26, %cond3A_27 : i32
      scf.if %cond3A_28 {
        "tpu.region"() ({
          %run_scoped3A = tpu.sem_alloc : memref<!tpu.dma_semaphore, #tpu.memory_space<semaphore_mem>>
          %dma_start3A = arith.constant 9680 : i32
          %dma_start3A_29 = arith.constant 0 : i32
          %dma_start3A_30 = tpu.memref_slice %arg6[%dma_start3A, %dma_start3A_29] : memref<10000x256xf32, #tpu.memory_space<hbm>> -> memref<320x256xf32, #tpu.memory_space<hbm>>
          %dma_start3A_31 = arith.constant 4560 : i32
          %dma_start3A_32 = arith.constant 0 : i32
          %dma_start3A_33 = tpu.memref_slice %arg17[%dma_start3A_31, %dma_start3A_32] : memref<5248x256xf32, #tpu.memory_space<vmem_shared>> -> memref<320x256xf32, #tpu.memory_space<vmem_shared>>
          tpu.enqueue_dma source(%dma_start3A_33 : memref<320x256xf32, #tpu.memory_space<vmem_shared>>) target(%dma_start3A_30 : memref<320x256xf32, #tpu.memory_space<hbm>>) target_semaphore(%run_scoped3A : memref<!tpu.dma_semaphore, #tpu.memory_space<semaphore_mem>>)
          %dma_wait3A = arith.constant 9680 : i32
          %dma_wait3A_34 = arith.constant 0 : i32
          %dma_wait3A_35 = tpu.memref_slice %arg6[%dma_wait3A, %dma_wait3A_34] : memref<10000x256xf32, #tpu.memory_space<hbm>> -> memref<320x256xf32, #tpu.memory_space<hbm>>
          %dma_wait3A_36 = arith.constant 4560 : i32
          %dma_wait3A_37 = arith.constant 0 : i32
          %dma_wait3A_38 = tpu.memref_slice %arg17[%dma_wait3A_36, %dma_wait3A_37] : memref<5248x256xf32, #tpu.memory_space<vmem_shared>> -> memref<320x256xf32, #tpu.memory_space<vmem_shared>>
          tpu.wait_dma2 semaphore(%run_scoped3A : memref<!tpu.dma_semaphore, #tpu.memory_space<semaphore_mem>>) src(%dma_wait3A_38 : memref<320x256xf32, #tpu.memory_space<vmem_shared>>) dst(%dma_wait3A_35 : memref<320x256xf32, #tpu.memory_space<hbm>>)
          tpu.yield
        }) : () -> ()
      } else {
      }
    } else {
    }
    %barrier3A_19 = arith.constant 0 : index
    tpu.barrier barrier_id(%barrier3A_19)
    return
  }
}

#map = affine_map<(d0, d1) -> (0)>
#map1 = affine_map<(d0, d1) -> (0, 0)>
module attributes {stable_mosaic.version = 14 : i64} {
  func.func @k(%arg0: i32, %arg1: i32, %arg2: memref<320000xi32, #tpu.memory_space<hbm>>, %arg3: memref<320000xi32, #tpu.memory_space<hbm>>, %arg4: memref<10000x32xf32, #tpu.memory_space<hbm>>, %arg5: memref<328x32xf32, #tpu.memory_space<hbm>>, %arg6: memref<10000x32xf32, #tpu.memory_space<hbm>>, %arg7: memref<10000xi32, #tpu.memory_space<vmem>>, %arg8: memref<10000xi32, #tpu.memory_space<vmem>>, %arg9: memref<10144xi32, #tpu.memory_space<vmem>>, %arg10: memref<10144xi32, #tpu.memory_space<vmem>>, %arg11: memref<32xi32, #tpu.memory_space<vmem>>, %arg12: memref<32xi32, #tpu.memory_space<vmem>>, %arg13: memref<32xi32, #tpu.memory_space<vmem>>, %arg14: memref<32xi32, #tpu.memory_space<vmem>>, %arg15: memref<32x32xf32, #tpu.memory_space<vmem>>, %arg16: memref<32x32xf32, #tpu.memory_space<vmem>>, %arg17: memref<5248x32xf32, #tpu.memory_space<vmem_shared>>, %arg18: memref<!tpu.dma_semaphore, #tpu.memory_space<semaphore_mem>>, %arg19: memref<!tpu.dma_semaphore, #tpu.memory_space<semaphore_mem>>) attributes {dimension_semantics = [#tpu.dimension_semantics<core_parallel>, #tpu.dimension_semantics<subcore_parallel>], iteration_bounds = array<i64: 2, 16>, scalar_prefetch = 0 : i64, scratch_operands = 13 : i64, tpu.core_type = #tpu.core_type<sc_vector_subcore>, window_params = [{transform_indices = #map}, {transform_indices = #map}, {transform_indices = #map1}, {transform_indices = #map1}, {transform_indices = #map1}]} {
    %mul3A = arith.constant 328 : i32
    %mul3A_0 = arith.muli %arg1, %mul3A : i32
    "tpu.region"() ({
      %run_scoped3A = tpu.sem_alloc : memref<!tpu.dma_semaphore, #tpu.memory_space<semaphore_mem>>
      %dma_start3A = arith.constant 0 : i32
      %dma_start3A_20 = tpu.memref_slice %arg17[%mul3A_0, %dma_start3A] : memref<5248x32xf32, #tpu.memory_space<vmem_shared>> -> memref<328x32xf32, #tpu.memory_space<vmem_shared>>
      tpu.enqueue_dma source(%arg5 : memref<328x32xf32, #tpu.memory_space<hbm>>) target(%dma_start3A_20 : memref<328x32xf32, #tpu.memory_space<vmem_shared>>) target_semaphore(%run_scoped3A : memref<!tpu.dma_semaphore, #tpu.memory_space<semaphore_mem>>)
      %dma_wait3A = arith.constant 0 : i32
      %dma_wait3A_21 = tpu.memref_slice %arg17[%mul3A_0, %dma_wait3A] : memref<5248x32xf32, #tpu.memory_space<vmem_shared>> -> memref<328x32xf32, #tpu.memory_space<vmem_shared>>
      tpu.wait_dma2 semaphore(%run_scoped3A : memref<!tpu.dma_semaphore, #tpu.memory_space<semaphore_mem>>) src(%arg5 : memref<328x32xf32, #tpu.memory_space<hbm>>) dst(%dma_wait3A_21 : memref<328x32xf32, #tpu.memory_space<vmem_shared>>)
      tpu.yield
    }) : () -> ()
    %barrier3A = arith.constant 0 : index
    tpu.barrier barrier_id(%barrier3A)
    %mul3A_1 = arith.constant 1 : i32
    %mul3A_2 = arith.muli %arg0, %mul3A_1 : i32
    %add3A = arith.constant 0 : i32
    %add3A_3 = arith.addi %mul3A_2, %add3A : i32
    %mul3A_4 = arith.constant 5120 : i32
    %mul3A_5 = arith.muli %add3A_3, %mul3A_4 : i32
    %scan3A = arith.constant 0 : i32
    %scan3A_6 = arith.constant 0 : i32
    %scan3A_7 = arith.constant 2 : i32
    %scan3A_8 = arith.addi %scan3A_6, %scan3A_7 : i32
    %scan3A_9 = arith.constant 1 : i32
    scf.for %scan3A_20 = %scan3A_6 to %scan3A_8 step %scan3A_9  : i32 {
      %mul3A_21 = arith.constant 20000 : i32
      %mul3A_22 = arith.muli %arg1, %mul3A_21 : i32
      %mul3A_23 = arith.constant 10000 : i32
      %mul3A_24 = arith.muli %scan3A_20, %mul3A_23 : i32
      %add3A_25 = arith.addi %mul3A_22, %mul3A_24 : i32
      "tpu.region"() ({
        %run_scoped3A = tpu.sem_alloc : memref<!tpu.dma_semaphore, #tpu.memory_space<semaphore_mem>>
        %dma_start3A = tpu.memref_slice %arg3[%add3A_25] : memref<320000xi32, #tpu.memory_space<hbm>> -> memref<10000xi32, #tpu.memory_space<hbm>>
        %dma_start3A_94 = tpu.memref_slice %arg3[%add3A_25] : memref<320000xi32, #tpu.memory_space<hbm>> -> memref<10000xi32, #tpu.memory_space<hbm>>
        tpu.enqueue_dma source(%dma_start3A_94 : memref<10000xi32, #tpu.memory_space<hbm>>) target(%arg7 : memref<10000xi32, #tpu.memory_space<vmem>>) target_semaphore(%run_scoped3A : memref<!tpu.dma_semaphore, #tpu.memory_space<semaphore_mem>>)
        %dma_wait3A = tpu.memref_slice %arg3[%add3A_25] : memref<320000xi32, #tpu.memory_space<hbm>> -> memref<10000xi32, #tpu.memory_space<hbm>>
        %dma_wait3A_95 = tpu.memref_slice %arg3[%add3A_25] : memref<320000xi32, #tpu.memory_space<hbm>> -> memref<10000xi32, #tpu.memory_space<hbm>>
        tpu.wait_dma2 semaphore(%run_scoped3A : memref<!tpu.dma_semaphore, #tpu.memory_space<semaphore_mem>>) src(%dma_wait3A_95 : memref<10000xi32, #tpu.memory_space<hbm>>) dst(%arg7 : memref<10000xi32, #tpu.memory_space<vmem>>)
        tpu.yield
      }) : () -> ()
      "tpu.region"() ({
        %run_scoped3A = tpu.sem_alloc : memref<!tpu.dma_semaphore, #tpu.memory_space<semaphore_mem>>
        %dma_start3A = tpu.memref_slice %arg2[%add3A_25] : memref<320000xi32, #tpu.memory_space<hbm>> -> memref<10000xi32, #tpu.memory_space<hbm>>
        %dma_start3A_94 = tpu.memref_slice %arg2[%add3A_25] : memref<320000xi32, #tpu.memory_space<hbm>> -> memref<10000xi32, #tpu.memory_space<hbm>>
        tpu.enqueue_dma source(%dma_start3A_94 : memref<10000xi32, #tpu.memory_space<hbm>>) target(%arg8 : memref<10000xi32, #tpu.memory_space<vmem>>) target_semaphore(%run_scoped3A : memref<!tpu.dma_semaphore, #tpu.memory_space<semaphore_mem>>)
        %dma_wait3A = tpu.memref_slice %arg2[%add3A_25] : memref<320000xi32, #tpu.memory_space<hbm>> -> memref<10000xi32, #tpu.memory_space<hbm>>
        %dma_wait3A_95 = tpu.memref_slice %arg2[%add3A_25] : memref<320000xi32, #tpu.memory_space<hbm>> -> memref<10000xi32, #tpu.memory_space<hbm>>
        tpu.wait_dma2 semaphore(%run_scoped3A : memref<!tpu.dma_semaphore, #tpu.memory_space<semaphore_mem>>) src(%dma_wait3A_95 : memref<10000xi32, #tpu.memory_space<hbm>>) dst(%arg8 : memref<10000xi32, #tpu.memory_space<vmem>>)
        tpu.yield
      }) : () -> ()
      %scan3A_26 = arith.constant 0 : i32
      %scan3A_27 = arith.constant 0 : i32
      %scan3A_28 = arith.constant 625 : i32
      %scan3A_29 = arith.addi %scan3A_27, %scan3A_28 : i32
      %scan3A_30 = arith.constant 1 : i32
      %scan3A_31 = scf.for %scan3A_94 = %scan3A_27 to %scan3A_29 step %scan3A_30 iter_args(%scan3A_95 = %scan3A_26) -> (i32)  : i32 {
        %mul3A_96 = arith.constant 16 : i32
        %mul3A_97 = arith.muli %scan3A_94, %mul3A_96 : i32
        %get3A = arith.index_cast %mul3A_97 : i32 to index
        %get3A_98 = tpu.vector_load %arg7[%get3A] {strides = array<i32>} : memref<10000xi32, #tpu.memory_space<vmem>>, vector<16xi32>,
        %mul3A_99 = arith.constant 16 : i32
        %mul3A_100 = arith.muli %scan3A_94, %mul3A_99 : i32
        %get3A_101 = arith.index_cast %mul3A_100 : i32 to index
        %get3A_102 = tpu.vector_load %arg8[%get3A_101] {strides = array<i32>} : memref<10000xi32, #tpu.memory_space<vmem>>, vector<16xi32>,
        %ge3A = vector.broadcast %mul3A_5 : i32 to vector<16xi32>
        %ge3A_103 = arith.cmpi sge, %get3A_98, %ge3A : vector<16xi32>
        %add3A_104 = arith.constant 5120 : i32
        %add3A_105 = arith.addi %mul3A_5, %add3A_104 : i32
        %lt3A = vector.broadcast %add3A_105 : i32 to vector<16xi32>
        %lt3A_106 = arith.cmpi slt, %get3A_98, %lt3A : vector<16xi32>
        %and3A_107 = arith.andi %ge3A_103, %lt3A_106 : vector<16xi1>
        %convert_element_type3A_108 = arith.extui %and3A_107 : vector<16xi1> to vector<16xi32>
        %broadcast_in_dim3A_109 = arith.constant true
        %broadcast_in_dim3A_110 = vector.broadcast %broadcast_in_dim3A_109 : i1 to vector<16xi1>
        %masked_cumsum3A = tpu.scan <sum>, %convert_element_type3A_108 masked %broadcast_in_dim3A_110 : vector<16xi32>, vector<16xi1> -> vector<16xi32>
        %add3A_111 = vector.broadcast %scan3A_95 : i32 to vector<16xi32>
        %add3A_112 = arith.addi %add3A_111, %masked_cumsum3A : vector<16xi32>
        %sub3A_113 = arith.constant 1 : i32
        %sub3A_114 = vector.broadcast %sub3A_113 : i32 to vector<16xi32>
        %sub3A_115 = arith.subi %add3A_112, %sub3A_114 : vector<16xi32>
        %jit3A_116 = arith.constant 10128 : i32
        %broadcast_in_dim3A_117 = vector.broadcast %jit3A_116 : i32 to vector<16xi32>
        %select_n3A_118 = arith.select %and3A_107, %sub3A_115, %broadcast_in_dim3A_117 : vector<16xi1>, vector<16xi32>
        %sub3A_119 = vector.broadcast %mul3A_5 : i32 to vector<16xi32>
        %sub3A_120 = arith.subi %get3A_98, %sub3A_119 : vector<16xi32>
        tpu.vector_store_idx %arg9[%select_n3A_118], %sub3A_120 : memref<10144xi32, #tpu.memory_space<vmem>>[vector<16xi32>], vector<16xi32>,
        tpu.vector_store_idx %arg10[%select_n3A_118], %get3A_102 : memref<10144xi32, #tpu.memory_space<vmem>>[vector<16xi32>], vector<16xi32>,
        %reduce_max3A = arith.constant true
        %reduce_max3A_121 = vector.broadcast %reduce_max3A : i1 to vector<16xi1>
        %reduce_max3A_122 = arith.constant -2147483648 : i32
        %reduce_max3A_123 = vector.broadcast %reduce_max3A_122 : i32 to vector<16xi32>
        %reduce_max3A_124 = arith.xori %masked_cumsum3A, %reduce_max3A_123 : vector<16xi32>
        %reduce_max3A_125 = tpu.scan <max>, %reduce_max3A_124 masked %reduce_max3A_121 : vector<16xi32>, vector<16xi1> -> vector<16xi32>
        %reduce_max3A_126 = arith.xori %reduce_max3A_125, %reduce_max3A_123 : vector<16xi32>
        %reduce_max3A_127 = vector.extract %reduce_max3A_126[15] : i32 from vector<16xi32>
        %add3A_128 = arith.addi %scan3A_95, %reduce_max3A_127 : i32
        scf.yield %add3A_128 : i32
      }
      %scan3A_32 = arith.constant 625 : i32
      %add3A_33 = arith.constant 0 : i32
      %add3A_34 = arith.addi %scan3A_31, %add3A_33 : i32
      %iota3A = tpu.iota {dimensions = array<i32: 0>} : vector<16xi32>
      %add3A_35 = vector.broadcast %add3A_34 : i32 to vector<16xi32>
      %add3A_36 = arith.addi %add3A_35, %iota3A : vector<16xi32>
      %broadcast_in_dim3A = arith.constant 5120 : i32
      %broadcast_in_dim3A_37 = vector.broadcast %broadcast_in_dim3A : i32 to vector<16xi32>
      tpu.vector_store_idx %arg9[%add3A_36], %broadcast_in_dim3A_37 : memref<10144xi32, #tpu.memory_space<vmem>>[vector<16xi32>], vector<16xi32>,
      %broadcast_in_dim3A_38 = arith.constant 0 : i32
      %broadcast_in_dim3A_39 = vector.broadcast %broadcast_in_dim3A_38 : i32 to vector<16xi32>
      tpu.vector_store_idx %arg10[%add3A_36], %broadcast_in_dim3A_39 : memref<10144xi32, #tpu.memory_space<vmem>>[vector<16xi32>], vector<16xi32>,
      %add3A_40 = arith.constant 16 : i32
      %add3A_41 = arith.addi %scan3A_31, %add3A_40 : i32
      %iota3A_42 = tpu.iota {dimensions = array<i32: 0>} : vector<16xi32>
      %add3A_43 = vector.broadcast %add3A_41 : i32 to vector<16xi32>
      %add3A_44 = arith.addi %add3A_43, %iota3A_42 : vector<16xi32>
      %broadcast_in_dim3A_45 = arith.constant 5120 : i32
      %broadcast_in_dim3A_46 = vector.broadcast %broadcast_in_dim3A_45 : i32 to vector<16xi32>
      tpu.vector_store_idx %arg9[%add3A_44], %broadcast_in_dim3A_46 : memref<10144xi32, #tpu.memory_space<vmem>>[vector<16xi32>], vector<16xi32>,
      %broadcast_in_dim3A_47 = arith.constant 0 : i32
      %broadcast_in_dim3A_48 = vector.broadcast %broadcast_in_dim3A_47 : i32 to vector<16xi32>
      tpu.vector_store_idx %arg10[%add3A_44], %broadcast_in_dim3A_48 : memref<10144xi32, #tpu.memory_space<vmem>>[vector<16xi32>], vector<16xi32>,
      %add3A_49 = arith.constant 32 : i32
      %add3A_50 = arith.addi %scan3A_31, %add3A_49 : i32
      %iota3A_51 = tpu.iota {dimensions = array<i32: 0>} : vector<16xi32>
      %add3A_52 = vector.broadcast %add3A_50 : i32 to vector<16xi32>
      %add3A_53 = arith.addi %add3A_52, %iota3A_51 : vector<16xi32>
      %broadcast_in_dim3A_54 = arith.constant 5120 : i32
      %broadcast_in_dim3A_55 = vector.broadcast %broadcast_in_dim3A_54 : i32 to vector<16xi32>
      tpu.vector_store_idx %arg9[%add3A_53], %broadcast_in_dim3A_55 : memref<10144xi32, #tpu.memory_space<vmem>>[vector<16xi32>], vector<16xi32>,
      %broadcast_in_dim3A_56 = arith.constant 0 : i32
      %broadcast_in_dim3A_57 = vector.broadcast %broadcast_in_dim3A_56 : i32 to vector<16xi32>
      tpu.vector_store_idx %arg10[%add3A_53], %broadcast_in_dim3A_57 : memref<10144xi32, #tpu.memory_space<vmem>>[vector<16xi32>], vector<16xi32>,
      %add3A_58 = arith.constant 48 : i32
      %add3A_59 = arith.addi %scan3A_31, %add3A_58 : i32
      %iota3A_60 = tpu.iota {dimensions = array<i32: 0>} : vector<16xi32>
      %add3A_61 = vector.broadcast %add3A_59 : i32 to vector<16xi32>
      %add3A_62 = arith.addi %add3A_61, %iota3A_60 : vector<16xi32>
      %broadcast_in_dim3A_63 = arith.constant 5120 : i32
      %broadcast_in_dim3A_64 = vector.broadcast %broadcast_in_dim3A_63 : i32 to vector<16xi32>
      tpu.vector_store_idx %arg9[%add3A_62], %broadcast_in_dim3A_64 : memref<10144xi32, #tpu.memory_space<vmem>>[vector<16xi32>], vector<16xi32>,
      %broadcast_in_dim3A_65 = arith.constant 0 : i32
      %broadcast_in_dim3A_66 = vector.broadcast %broadcast_in_dim3A_65 : i32 to vector<16xi32>
      tpu.vector_store_idx %arg10[%add3A_62], %broadcast_in_dim3A_66 : memref<10144xi32, #tpu.memory_space<vmem>>[vector<16xi32>], vector<16xi32>,
      %add3A_67 = arith.constant 63 : i32
      %add3A_68 = arith.addi %scan3A_31, %add3A_67 : i32
      %jit3A = arith.constant 64 : i32
      %div3A = arith.divsi %add3A_68, %jit3A : i32
      %sign3A = arith.constant 0 : i32
      %sign3A_69 = arith.cmpi sgt, %add3A_68, %sign3A : i32
      %sign3A_70 = arith.extui %sign3A_69 : i1 to i32
      %sign3A_71 = arith.constant 0 : i32
      %sign3A_72 = arith.cmpi slt, %add3A_68, %sign3A_71 : i32
      %sign3A_73 = arith.extui %sign3A_72 : i1 to i32
      %sign3A_74 = arith.subi %sign3A_70, %sign3A_73 : i32
      %sign3A_75 = arith.constant 0 : i32
      %sign3A_76 = arith.cmpi sgt, %jit3A, %sign3A_75 : i32
      %sign3A_77 = arith.extui %sign3A_76 : i1 to i32
      %sign3A_78 = arith.constant 0 : i32
      %sign3A_79 = arith.cmpi slt, %jit3A, %sign3A_78 : i32
      %sign3A_80 = arith.extui %sign3A_79 : i1 to i32
      %sign3A_81 = arith.subi %sign3A_77, %sign3A_80 : i32
      %ne3A = arith.cmpi ne, %sign3A_74, %sign3A_81 : i32
      %rem3A = arith.remsi %add3A_68, %jit3A : i32
      %ne3A_82 = arith.constant 0 : i32
      %ne3A_83 = arith.cmpi ne, %rem3A, %ne3A_82 : i32
      %and3A = arith.andi %ne3A, %ne3A_83 : i1
      %sub3A = arith.constant 1 : i32
      %sub3A_84 = arith.subi %div3A, %sub3A : i32
      %select_n3A = arith.select %and3A, %sub3A_84, %div3A : i32
      %while3A = arith.constant 0 : i32
      %while3A_85 = arith.constant 0 : i32
      %while3A_86 = arith.subi %select_n3A, %while3A_85 : i32
      %while3A_87 = arith.addi %while3A_85, %while3A_86 : i32
      %while3A_88 = arith.constant 1 : i32
      %while3A_89 = arith.divsi %while3A_86, %while3A_88 : i32
      %while3A_90 = arith.muli %while3A_89, %while3A_88 : i32
      %while3A_91 = arith.addi %while3A_85, %while3A_90 : i32
      %while3A_92 = arith.constant 1 : i32
      scf.for %while3A_94 = %while3A_85 to %while3A_91 step %while3A_92  : i32 {
        %mul3A_95 = arith.constant 64 : i32
        %mul3A_96 = arith.muli %while3A_94, %mul3A_95 : i32
        %add3A_97 = arith.constant 0 : i32
        %add3A_98 = arith.addi %mul3A_96, %add3A_97 : i32
        %add3A_99 = arith.constant 0 : i32
        %add3A_100 = arith.addi %add3A_98, %add3A_99 : i32
        %get3A = arith.index_cast %add3A_100 : i32 to index
        %get3A_101 = tpu.vector_load %arg9[%get3A] {strides = array<i32>} : memref<10144xi32, #tpu.memory_space<vmem>>, vector<16xi32>,
        %swap3A = arith.constant 0 : index
        %swap3A_102 = tpu.vector_load %arg11[%swap3A] {strides = array<i32>} : memref<32xi32, #tpu.memory_space<vmem>>, vector<16xi32>,
        tpu.vector_store %arg11[%swap3A], %get3A_101 {strides = array<i32>} : memref<32xi32, #tpu.memory_space<vmem>>, vector<16xi32>,
        %get3A_103 = arith.index_cast %add3A_100 : i32 to index
        %get3A_104 = tpu.vector_load %arg10[%get3A_103] {strides = array<i32>} : memref<10144xi32, #tpu.memory_space<vmem>>, vector<16xi32>,
        %swap3A_105 = arith.constant 0 : index
        %swap3A_106 = tpu.vector_load %arg13[%swap3A_105] {strides = array<i32>} : memref<32xi32, #tpu.memory_space<vmem>>, vector<16xi32>,
        tpu.vector_store %arg13[%swap3A_105], %get3A_104 {strides = array<i32>} : memref<32xi32, #tpu.memory_space<vmem>>, vector<16xi32>,
        %mul3A_107 = arith.constant 64 : i32
        %mul3A_108 = arith.muli %while3A_94, %mul3A_107 : i32
        %add3A_109 = arith.constant 0 : i32
        %add3A_110 = arith.addi %mul3A_108, %add3A_109 : i32
        %add3A_111 = arith.constant 16 : i32
        %add3A_112 = arith.addi %add3A_110, %add3A_111 : i32
        %get3A_113 = arith.index_cast %add3A_112 : i32 to index
        %get3A_114 = tpu.vector_load %arg9[%get3A_113] {strides = array<i32>} : memref<10144xi32, #tpu.memory_space<vmem>>, vector<16xi32>,
        %swap3A_115 = arith.constant 16 : index
        %swap3A_116 = tpu.vector_load %arg11[%swap3A_115] {strides = array<i32>} : memref<32xi32, #tpu.memory_space<vmem>>, vector<16xi32>,
        tpu.vector_store %arg11[%swap3A_115], %get3A_114 {strides = array<i32>} : memref<32xi32, #tpu.memory_space<vmem>>, vector<16xi32>,
        %get3A_117 = arith.index_cast %add3A_112 : i32 to index
        %get3A_118 = tpu.vector_load %arg10[%get3A_117] {strides = array<i32>} : memref<10144xi32, #tpu.memory_space<vmem>>, vector<16xi32>,
        %swap3A_119 = arith.constant 16 : index
        %swap3A_120 = tpu.vector_load %arg13[%swap3A_119] {strides = array<i32>} : memref<32xi32, #tpu.memory_space<vmem>>, vector<16xi32>,
        tpu.vector_store %arg13[%swap3A_119], %get3A_118 {strides = array<i32>} : memref<32xi32, #tpu.memory_space<vmem>>, vector<16xi32>,
        %dma_start3A = arith.constant 0 : i32
        %dma_start3A_121 = arith.constant 0 : i32
        %dma_start3A_122 = tpu.memref_slice %arg4[%dma_start3A, %dma_start3A_121] : memref<10000x32xf32, #tpu.memory_space<hbm>> -> memref<10000x32xf32, #tpu.memory_space<hbm>>
        tpu.enqueue_indirect_dma source(%dma_start3A_122 : memref<10000x32xf32, #tpu.memory_space<hbm>>) target(%arg15 : memref<32x32xf32, #tpu.memory_space<vmem>>) offsets(%arg13 : memref<32xi32, #tpu.memory_space<vmem>>) semaphore(%arg18 : memref<!tpu.dma_semaphore, #tpu.memory_space<semaphore_mem>>)
        %mul3A_123 = arith.constant 64 : i32
        %mul3A_124 = arith.muli %while3A_94, %mul3A_123 : i32
        %add3A_125 = arith.constant 32 : i32
        %add3A_126 = arith.addi %mul3A_124, %add3A_125 : i32
        %add3A_127 = arith.constant 0 : i32
        %add3A_128 = arith.addi %add3A_126, %add3A_127 : i32
        %get3A_129 = arith.index_cast %add3A_128 : i32 to index
        %get3A_130 = tpu.vector_load %arg9[%get3A_129] {strides = array<i32>} : memref<10144xi32, #tpu.memory_space<vmem>>, vector<16xi32>,
        %swap3A_131 = arith.constant 0 : index
        %swap3A_132 = tpu.vector_load %arg12[%swap3A_131] {strides = array<i32>} : memref<32xi32, #tpu.memory_space<vmem>>, vector<16xi32>,
        tpu.vector_store %arg12[%swap3A_131], %get3A_130 {strides = array<i32>} : memref<32xi32, #tpu.memory_space<vmem>>, vector<16xi32>,
        %get3A_133 = arith.index_cast %add3A_128 : i32 to index
        %get3A_134 = tpu.vector_load %arg10[%get3A_133] {strides = array<i32>} : memref<10144xi32, #tpu.memory_space<vmem>>, vector<16xi32>,
        %swap3A_135 = arith.constant 0 : index
        %swap3A_136 = tpu.vector_load %arg14[%swap3A_135] {strides = array<i32>} : memref<32xi32, #tpu.memory_space<vmem>>, vector<16xi32>,
        tpu.vector_store %arg14[%swap3A_135], %get3A_134 {strides = array<i32>} : memref<32xi32, #tpu.memory_space<vmem>>, vector<16xi32>,
        %mul3A_137 = arith.constant 64 : i32
        %mul3A_138 = arith.muli %while3A_94, %mul3A_137 : i32
        %add3A_139 = arith.constant 32 : i32
        %add3A_140 = arith.addi %mul3A_138, %add3A_139 : i32
        %add3A_141 = arith.constant 16 : i32
        %add3A_142 = arith.addi %add3A_140, %add3A_141 : i32
        %get3A_143 = arith.index_cast %add3A_142 : i32 to index
        %get3A_144 = tpu.vector_load %arg9[%get3A_143] {strides = array<i32>} : memref<10144xi32, #tpu.memory_space<vmem>>, vector<16xi32>,
        %swap3A_145 = arith.constant 16 : index
        %swap3A_146 = tpu.vector_load %arg12[%swap3A_145] {strides = array<i32>} : memref<32xi32, #tpu.memory_space<vmem>>, vector<16xi32>,
        tpu.vector_store %arg12[%swap3A_145], %get3A_144 {strides = array<i32>} : memref<32xi32, #tpu.memory_space<vmem>>, vector<16xi32>,
        %get3A_147 = arith.index_cast %add3A_142 : i32 to index
        %get3A_148 = tpu.vector_load %arg10[%get3A_147] {strides = array<i32>} : memref<10144xi32, #tpu.memory_space<vmem>>, vector<16xi32>,
        %swap3A_149 = arith.constant 16 : index
        %swap3A_150 = tpu.vector_load %arg14[%swap3A_149] {strides = array<i32>} : memref<32xi32, #tpu.memory_space<vmem>>, vector<16xi32>,
        tpu.vector_store %arg14[%swap3A_149], %get3A_148 {strides = array<i32>} : memref<32xi32, #tpu.memory_space<vmem>>, vector<16xi32>,
        %dma_start3A_151 = arith.constant 0 : i32
        %dma_start3A_152 = arith.constant 0 : i32
        %dma_start3A_153 = tpu.memref_slice %arg4[%dma_start3A_151, %dma_start3A_152] : memref<10000x32xf32, #tpu.memory_space<hbm>> -> memref<10000x32xf32, #tpu.memory_space<hbm>>
        tpu.enqueue_indirect_dma source(%dma_start3A_153 : memref<10000x32xf32, #tpu.memory_space<hbm>>) target(%arg16 : memref<32x32xf32, #tpu.memory_space<vmem>>) offsets(%arg14 : memref<32xi32, #tpu.memory_space<vmem>>) semaphore(%arg19 : memref<!tpu.dma_semaphore, #tpu.memory_space<semaphore_mem>>)
        %dma_wait3A = arith.constant 0 : i32
        %dma_wait3A_154 = arith.constant 0 : i32
        %dma_wait3A_155 = tpu.memref_slice %arg4[%dma_wait3A, %dma_wait3A_154] : memref<10000x32xf32, #tpu.memory_space<hbm>> -> memref<10000x32xf32, #tpu.memory_space<hbm>>
        tpu.wait_indirect_dma semaphore(%arg18 : memref<!tpu.dma_semaphore, #tpu.memory_space<semaphore_mem>>) src(%dma_wait3A_155 : memref<10000x32xf32, #tpu.memory_space<hbm>>) dst(%arg15 : memref<32x32xf32, #tpu.memory_space<vmem>>)
        "tpu.region"() ({
          %run_scoped3A = tpu.sem_alloc : memref<!tpu.dma_semaphore, #tpu.memory_space<semaphore_mem>>
          %dma_start3A_159 = arith.constant 0 : i32
          %dma_start3A_160 = arith.constant 0 : i32
          %dma_start3A_161 = tpu.memref_slice %arg17[%dma_start3A_159, %dma_start3A_160] : memref<5248x32xf32, #tpu.memory_space<vmem_shared>> -> memref<5248x32xf32, #tpu.memory_space<vmem_shared>>
          tpu.enqueue_indirect_dma source(%arg15 : memref<32x32xf32, #tpu.memory_space<vmem>>) target(%dma_start3A_161 : memref<5248x32xf32, #tpu.memory_space<vmem_shared>>) offsets(%arg11 : memref<32xi32, #tpu.memory_space<vmem>>) semaphore(%run_scoped3A : memref<!tpu.dma_semaphore, #tpu.memory_space<semaphore_mem>>) {add = true}
          %dma_wait3A_162 = arith.constant 0 : i32
          %dma_wait3A_163 = arith.constant 0 : i32
          %dma_wait3A_164 = tpu.memref_slice %arg17[%dma_wait3A_162, %dma_wait3A_163] : memref<5248x32xf32, #tpu.memory_space<vmem_shared>> -> memref<5248x32xf32, #tpu.memory_space<vmem_shared>>
          tpu.wait_indirect_dma semaphore(%run_scoped3A : memref<!tpu.dma_semaphore, #tpu.memory_space<semaphore_mem>>) src(%arg15 : memref<32x32xf32, #tpu.memory_space<vmem>>) dst(%dma_wait3A_164 : memref<5248x32xf32, #tpu.memory_space<vmem_shared>>)
          tpu.yield
        }) : () -> ()
        %dma_wait3A_156 = arith.constant 0 : i32
        %dma_wait3A_157 = arith.constant 0 : i32
        %dma_wait3A_158 = tpu.memref_slice %arg4[%dma_wait3A_156, %dma_wait3A_157] : memref<10000x32xf32, #tpu.memory_space<hbm>> -> memref<10000x32xf32, #tpu.memory_space<hbm>>
        tpu.wait_indirect_dma semaphore(%arg19 : memref<!tpu.dma_semaphore, #tpu.memory_space<semaphore_mem>>) src(%dma_wait3A_158 : memref<10000x32xf32, #tpu.memory_space<hbm>>) dst(%arg16 : memref<32x32xf32, #tpu.memory_space<vmem>>)
        "tpu.region"() ({
          %run_scoped3A = tpu.sem_alloc : memref<!tpu.dma_semaphore, #tpu.memory_space<semaphore_mem>>
          %dma_start3A_159 = arith.constant 0 : i32
          %dma_start3A_160 = arith.constant 0 : i32
          %dma_start3A_161 = tpu.memref_slice %arg17[%dma_start3A_159, %dma_start3A_160] : memref<5248x32xf32, #tpu.memory_space<vmem_shared>> -> memref<5248x32xf32, #tpu.memory_space<vmem_shared>>
          tpu.enqueue_indirect_dma source(%arg16 : memref<32x32xf32, #tpu.memory_space<vmem>>) target(%dma_start3A_161 : memref<5248x32xf32, #tpu.memory_space<vmem_shared>>) offsets(%arg12 : memref<32xi32, #tpu.memory_space<vmem>>) semaphore(%run_scoped3A : memref<!tpu.dma_semaphore, #tpu.memory_space<semaphore_mem>>) {add = true}
          %dma_wait3A_162 = arith.constant 0 : i32
          %dma_wait3A_163 = arith.constant 0 : i32
          %dma_wait3A_164 = tpu.memref_slice %arg17[%dma_wait3A_162, %dma_wait3A_163] : memref<5248x32xf32, #tpu.memory_space<vmem_shared>> -> memref<5248x32xf32, #tpu.memory_space<vmem_shared>>
          tpu.wait_indirect_dma semaphore(%run_scoped3A : memref<!tpu.dma_semaphore, #tpu.memory_space<semaphore_mem>>) src(%arg16 : memref<32x32xf32, #tpu.memory_space<vmem>>) dst(%dma_wait3A_164 : memref<5248x32xf32, #tpu.memory_space<vmem_shared>>)
          tpu.yield
        }) : () -> ()
      }
      %while3A_93 = arith.constant 1 : i32
      scf.for %while3A_94 = %while3A_91 to %while3A_87 step %while3A_93  : i32 {
        %mul3A_95 = arith.constant 64 : i32
        %mul3A_96 = arith.muli %while3A_94, %mul3A_95 : i32
        %add3A_97 = arith.constant 0 : i32
        %add3A_98 = arith.addi %mul3A_96, %add3A_97 : i32
        %add3A_99 = arith.constant 0 : i32
        %add3A_100 = arith.addi %add3A_98, %add3A_99 : i32
        %get3A = arith.index_cast %add3A_100 : i32 to index
        %get3A_101 = tpu.vector_load %arg9[%get3A] {strides = array<i32>} : memref<10144xi32, #tpu.memory_space<vmem>>, vector<16xi32>,
        %swap3A = arith.constant 0 : index
        %swap3A_102 = tpu.vector_load %arg11[%swap3A] {strides = array<i32>} : memref<32xi32, #tpu.memory_space<vmem>>, vector<16xi32>,
        tpu.vector_store %arg11[%swap3A], %get3A_101 {strides = array<i32>} : memref<32xi32, #tpu.memory_space<vmem>>, vector<16xi32>,
        %get3A_103 = arith.index_cast %add3A_100 : i32 to index
        %get3A_104 = tpu.vector_load %arg10[%get3A_103] {strides = array<i32>} : memref<10144xi32, #tpu.memory_space<vmem>>, vector<16xi32>,
        %swap3A_105 = arith.constant 0 : index
        %swap3A_106 = tpu.vector_load %arg13[%swap3A_105] {strides = array<i32>} : memref<32xi32, #tpu.memory_space<vmem>>, vector<16xi32>,
        tpu.vector_store %arg13[%swap3A_105], %get3A_104 {strides = array<i32>} : memref<32xi32, #tpu.memory_space<vmem>>, vector<16xi32>,
        %mul3A_107 = arith.constant 64 : i32
        %mul3A_108 = arith.muli %while3A_94, %mul3A_107 : i32
        %add3A_109 = arith.constant 0 : i32
        %add3A_110 = arith.addi %mul3A_108, %add3A_109 : i32
        %add3A_111 = arith.constant 16 : i32
        %add3A_112 = arith.addi %add3A_110, %add3A_111 : i32
        %get3A_113 = arith.index_cast %add3A_112 : i32 to index
        %get3A_114 = tpu.vector_load %arg9[%get3A_113] {strides = array<i32>} : memref<10144xi32, #tpu.memory_space<vmem>>, vector<16xi32>,
        %swap3A_115 = arith.constant 16 : index
        %swap3A_116 = tpu.vector_load %arg11[%swap3A_115] {strides = array<i32>} : memref<32xi32, #tpu.memory_space<vmem>>, vector<16xi32>,
        tpu.vector_store %arg11[%swap3A_115], %get3A_114 {strides = array<i32>} : memref<32xi32, #tpu.memory_space<vmem>>, vector<16xi32>,
        %get3A_117 = arith.index_cast %add3A_112 : i32 to index
        %get3A_118 = tpu.vector_load %arg10[%get3A_117] {strides = array<i32>} : memref<10144xi32, #tpu.memory_space<vmem>>, vector<16xi32>,
        %swap3A_119 = arith.constant 16 : index
        %swap3A_120 = tpu.vector_load %arg13[%swap3A_119] {strides = array<i32>} : memref<32xi32, #tpu.memory_space<vmem>>, vector<16xi32>,
        tpu.vector_store %arg13[%swap3A_119], %get3A_118 {strides = array<i32>} : memref<32xi32, #tpu.memory_space<vmem>>, vector<16xi32>,
        %dma_start3A = arith.constant 0 : i32
        %dma_start3A_121 = arith.constant 0 : i32
        %dma_start3A_122 = tpu.memref_slice %arg4[%dma_start3A, %dma_start3A_121] : memref<10000x32xf32, #tpu.memory_space<hbm>> -> memref<10000x32xf32, #tpu.memory_space<hbm>>
        tpu.enqueue_indirect_dma source(%dma_start3A_122 : memref<10000x32xf32, #tpu.memory_space<hbm>>) target(%arg15 : memref<32x32xf32, #tpu.memory_space<vmem>>) offsets(%arg13 : memref<32xi32, #tpu.memory_space<vmem>>) semaphore(%arg18 : memref<!tpu.dma_semaphore, #tpu.memory_space<semaphore_mem>>)
        %mul3A_123 = arith.constant 64 : i32
        %mul3A_124 = arith.muli %while3A_94, %mul3A_123 : i32
        %add3A_125 = arith.constant 32 : i32
        %add3A_126 = arith.addi %mul3A_124, %add3A_125 : i32
        %add3A_127 = arith.constant 0 : i32
        %add3A_128 = arith.addi %add3A_126, %add3A_127 : i32
        %get3A_129 = arith.index_cast %add3A_128 : i32 to index
        %get3A_130 = tpu.vector_load %arg9[%get3A_129] {strides = array<i32>} : memref<10144xi32, #tpu.memory_space<vmem>>, vector<16xi32>,
        %swap3A_131 = arith.constant 0 : index
        %swap3A_132 = tpu.vector_load %arg12[%swap3A_131] {strides = array<i32>} : memref<32xi32, #tpu.memory_space<vmem>>, vector<16xi32>,
        tpu.vector_store %arg12[%swap3A_131], %get3A_130 {strides = array<i32>} : memref<32xi32, #tpu.memory_space<vmem>>, vector<16xi32>,
        %get3A_133 = arith.index_cast %add3A_128 : i32 to index
        %get3A_134 = tpu.vector_load %arg10[%get3A_133] {strides = array<i32>} : memref<10144xi32, #tpu.memory_space<vmem>>, vector<16xi32>,
        %swap3A_135 = arith.constant 0 : index
        %swap3A_136 = tpu.vector_load %arg14[%swap3A_135] {strides = array<i32>} : memref<32xi32, #tpu.memory_space<vmem>>, vector<16xi32>,
        tpu.vector_store %arg14[%swap3A_135], %get3A_134 {strides = array<i32>} : memref<32xi32, #tpu.memory_space<vmem>>, vector<16xi32>,
        %mul3A_137 = arith.constant 64 : i32
        %mul3A_138 = arith.muli %while3A_94, %mul3A_137 : i32
        %add3A_139 = arith.constant 32 : i32
        %add3A_140 = arith.addi %mul3A_138, %add3A_139 : i32
        %add3A_141 = arith.constant 16 : i32
        %add3A_142 = arith.addi %add3A_140, %add3A_141 : i32
        %get3A_143 = arith.index_cast %add3A_142 : i32 to index
        %get3A_144 = tpu.vector_load %arg9[%get3A_143] {strides = array<i32>} : memref<10144xi32, #tpu.memory_space<vmem>>, vector<16xi32>,
        %swap3A_145 = arith.constant 16 : index
        %swap3A_146 = tpu.vector_load %arg12[%swap3A_145] {strides = array<i32>} : memref<32xi32, #tpu.memory_space<vmem>>, vector<16xi32>,
        tpu.vector_store %arg12[%swap3A_145], %get3A_144 {strides = array<i32>} : memref<32xi32, #tpu.memory_space<vmem>>, vector<16xi32>,
        %get3A_147 = arith.index_cast %add3A_142 : i32 to index
        %get3A_148 = tpu.vector_load %arg10[%get3A_147] {strides = array<i32>} : memref<10144xi32, #tpu.memory_space<vmem>>, vector<16xi32>,
        %swap3A_149 = arith.constant 16 : index
        %swap3A_150 = tpu.vector_load %arg14[%swap3A_149] {strides = array<i32>} : memref<32xi32, #tpu.memory_space<vmem>>, vector<16xi32>,
        tpu.vector_store %arg14[%swap3A_149], %get3A_148 {strides = array<i32>} : memref<32xi32, #tpu.memory_space<vmem>>, vector<16xi32>,
        %dma_start3A_151 = arith.constant 0 : i32
        %dma_start3A_152 = arith.constant 0 : i32
        %dma_start3A_153 = tpu.memref_slice %arg4[%dma_start3A_151, %dma_start3A_152] : memref<10000x32xf32, #tpu.memory_space<hbm>> -> memref<10000x32xf32, #tpu.memory_space<hbm>>
        tpu.enqueue_indirect_dma source(%dma_start3A_153 : memref<10000x32xf32, #tpu.memory_space<hbm>>) target(%arg16 : memref<32x32xf32, #tpu.memory_space<vmem>>) offsets(%arg14 : memref<32xi32, #tpu.memory_space<vmem>>) semaphore(%arg19 : memref<!tpu.dma_semaphore, #tpu.memory_space<semaphore_mem>>)
        %dma_wait3A = arith.constant 0 : i32
        %dma_wait3A_154 = arith.constant 0 : i32
        %dma_wait3A_155 = tpu.memref_slice %arg4[%dma_wait3A, %dma_wait3A_154] : memref<10000x32xf32, #tpu.memory_space<hbm>> -> memref<10000x32xf32, #tpu.memory_space<hbm>>
        tpu.wait_indirect_dma semaphore(%arg18 : memref<!tpu.dma_semaphore, #tpu.memory_space<semaphore_mem>>) src(%dma_wait3A_155 : memref<10000x32xf32, #tpu.memory_space<hbm>>) dst(%arg15 : memref<32x32xf32, #tpu.memory_space<vmem>>)
        "tpu.region"() ({
          %run_scoped3A = tpu.sem_alloc : memref<!tpu.dma_semaphore, #tpu.memory_space<semaphore_mem>>
          %dma_start3A_159 = arith.constant 0 : i32
          %dma_start3A_160 = arith.constant 0 : i32
          %dma_start3A_161 = tpu.memref_slice %arg17[%dma_start3A_159, %dma_start3A_160] : memref<5248x32xf32, #tpu.memory_space<vmem_shared>> -> memref<5248x32xf32, #tpu.memory_space<vmem_shared>>
          tpu.enqueue_indirect_dma source(%arg15 : memref<32x32xf32, #tpu.memory_space<vmem>>) target(%dma_start3A_161 : memref<5248x32xf32, #tpu.memory_space<vmem_shared>>) offsets(%arg11 : memref<32xi32, #tpu.memory_space<vmem>>) semaphore(%run_scoped3A : memref<!tpu.dma_semaphore, #tpu.memory_space<semaphore_mem>>) {add = true}
          %dma_wait3A_162 = arith.constant 0 : i32
          %dma_wait3A_163 = arith.constant 0 : i32
          %dma_wait3A_164 = tpu.memref_slice %arg17[%dma_wait3A_162, %dma_wait3A_163] : memref<5248x32xf32, #tpu.memory_space<vmem_shared>> -> memref<5248x32xf32, #tpu.memory_space<vmem_shared>>
          tpu.wait_indirect_dma semaphore(%run_scoped3A : memref<!tpu.dma_semaphore, #tpu.memory_space<semaphore_mem>>) src(%arg15 : memref<32x32xf32, #tpu.memory_space<vmem>>) dst(%dma_wait3A_164 : memref<5248x32xf32, #tpu.memory_space<vmem_shared>>)
          tpu.yield
        }) : () -> ()
        %dma_wait3A_156 = arith.constant 0 : i32
        %dma_wait3A_157 = arith.constant 0 : i32
        %dma_wait3A_158 = tpu.memref_slice %arg4[%dma_wait3A_156, %dma_wait3A_157] : memref<10000x32xf32, #tpu.memory_space<hbm>> -> memref<10000x32xf32, #tpu.memory_space<hbm>>
        tpu.wait_indirect_dma semaphore(%arg19 : memref<!tpu.dma_semaphore, #tpu.memory_space<semaphore_mem>>) src(%dma_wait3A_158 : memref<10000x32xf32, #tpu.memory_space<hbm>>) dst(%arg16 : memref<32x32xf32, #tpu.memory_space<vmem>>)
        "tpu.region"() ({
          %run_scoped3A = tpu.sem_alloc : memref<!tpu.dma_semaphore, #tpu.memory_space<semaphore_mem>>
          %dma_start3A_159 = arith.constant 0 : i32
          %dma_start3A_160 = arith.constant 0 : i32
          %dma_start3A_161 = tpu.memref_slice %arg17[%dma_start3A_159, %dma_start3A_160] : memref<5248x32xf32, #tpu.memory_space<vmem_shared>> -> memref<5248x32xf32, #tpu.memory_space<vmem_shared>>
          tpu.enqueue_indirect_dma source(%arg16 : memref<32x32xf32, #tpu.memory_space<vmem>>) target(%dma_start3A_161 : memref<5248x32xf32, #tpu.memory_space<vmem_shared>>) offsets(%arg12 : memref<32xi32, #tpu.memory_space<vmem>>) semaphore(%run_scoped3A : memref<!tpu.dma_semaphore, #tpu.memory_space<semaphore_mem>>) {add = true}
          %dma_wait3A_162 = arith.constant 0 : i32
          %dma_wait3A_163 = arith.constant 0 : i32
          %dma_wait3A_164 = tpu.memref_slice %arg17[%dma_wait3A_162, %dma_wait3A_163] : memref<5248x32xf32, #tpu.memory_space<vmem_shared>> -> memref<5248x32xf32, #tpu.memory_space<vmem_shared>>
          tpu.wait_indirect_dma semaphore(%run_scoped3A : memref<!tpu.dma_semaphore, #tpu.memory_space<semaphore_mem>>) src(%arg16 : memref<32x32xf32, #tpu.memory_space<vmem>>) dst(%dma_wait3A_164 : memref<5248x32xf32, #tpu.memory_space<vmem_shared>>)
          tpu.yield
        }) : () -> ()
      }
    }
    %scan3A_10 = arith.constant 2 : i32
    %barrier3A_11 = arith.constant 0 : index
    tpu.barrier barrier_id(%barrier3A_11)
    %eq3A = arith.constant 0 : i32
    %eq3A_12 = arith.cmpi eq, %arg0, %eq3A : i32
    %convert_element_type3A = arith.extui %eq3A_12 : i1 to i32
    %cond3A = arith.constant 0 : i32
    %cond3A_13 = arith.cmpi ne, %convert_element_type3A, %cond3A : i32
    scf.if %cond3A_13 {
      %lt3A = arith.constant 15 : i32
      %lt3A_20 = arith.cmpi slt, %arg1, %lt3A : i32
      %convert_element_type3A_21 = arith.extui %lt3A_20 : i1 to i32
      %cond3A_22 = arith.constant 0 : i32
      %cond3A_23 = arith.cmpi ne, %convert_element_type3A_21, %cond3A_22 : i32
      scf.if %cond3A_23 {
        %mul3A_29 = arith.constant 320 : i32
        %mul3A_30 = arith.muli %arg1, %mul3A_29 : i32
        %mul3A_31 = arith.constant 320 : i32
        %mul3A_32 = arith.muli %arg1, %mul3A_31 : i32
        %add3A_33 = arith.constant 0 : i32
        %add3A_34 = arith.addi %add3A_33, %mul3A_32 : i32
        "tpu.region"() ({
          %run_scoped3A = tpu.sem_alloc : memref<!tpu.dma_semaphore, #tpu.memory_space<semaphore_mem>>
          %dma_start3A = arith.constant 0 : i32
          %dma_start3A_35 = tpu.memref_slice %arg6[%add3A_34, %dma_start3A] : memref<10000x32xf32, #tpu.memory_space<hbm>> -> memref<320x32xf32, #tpu.memory_space<hbm>>
          %dma_start3A_36 = arith.constant 0 : i32
          %dma_start3A_37 = tpu.memref_slice %arg17[%mul3A_30, %dma_start3A_36] : memref<5248x32xf32, #tpu.memory_space<vmem_shared>> -> memref<320x32xf32, #tpu.memory_space<vmem_shared>>
          tpu.enqueue_dma source(%dma_start3A_37 : memref<320x32xf32, #tpu.memory_space<vmem_shared>>) target(%dma_start3A_35 : memref<320x32xf32, #tpu.memory_space<hbm>>) target_semaphore(%run_scoped3A : memref<!tpu.dma_semaphore, #tpu.memory_space<semaphore_mem>>)
          %dma_wait3A = arith.constant 0 : i32
          %dma_wait3A_38 = tpu.memref_slice %arg6[%add3A_34, %dma_wait3A] : memref<10000x32xf32, #tpu.memory_space<hbm>> -> memref<320x32xf32, #tpu.memory_space<hbm>>
          %dma_wait3A_39 = arith.constant 0 : i32
          %dma_wait3A_40 = tpu.memref_slice %arg17[%mul3A_30, %dma_wait3A_39] : memref<5248x32xf32, #tpu.memory_space<vmem_shared>> -> memref<320x32xf32, #tpu.memory_space<vmem_shared>>
          tpu.wait_dma2 semaphore(%run_scoped3A : memref<!tpu.dma_semaphore, #tpu.memory_space<semaphore_mem>>) src(%dma_wait3A_40 : memref<320x32xf32, #tpu.memory_space<vmem_shared>>) dst(%dma_wait3A_38 : memref<320x32xf32, #tpu.memory_space<hbm>>)
          tpu.yield
        }) : () -> ()
      } else {
      }
      %eq3A_24 = arith.constant 15 : i32
      %eq3A_25 = arith.cmpi eq, %arg1, %eq3A_24 : i32
      %convert_element_type3A_26 = arith.extui %eq3A_25 : i1 to i32
      %cond3A_27 = arith.constant 0 : i32
      %cond3A_28 = arith.cmpi ne, %convert_element_type3A_26, %cond3A_27 : i32
      scf.if %cond3A_28 {
        "tpu.region"() ({
          %run_scoped3A = tpu.sem_alloc : memref<!tpu.dma_semaphore, #tpu.memory_space<semaphore_mem>>
          %dma_start3A = arith.constant 4800 : i32
          %dma_start3A_29 = arith.constant 0 : i32
          %dma_start3A_30 = tpu.memref_slice %arg6[%dma_start3A, %dma_start3A_29] : memref<10000x32xf32, #tpu.memory_space<hbm>> -> memref<320x32xf32, #tpu.memory_space<hbm>>
          %dma_start3A_31 = arith.constant 4800 : i32
          %dma_start3A_32 = arith.constant 0 : i32
          %dma_start3A_33 = tpu.memref_slice %arg17[%dma_start3A_31, %dma_start3A_32] : memref<5248x32xf32, #tpu.memory_space<vmem_shared>> -> memref<320x32xf32, #tpu.memory_space<vmem_shared>>
          tpu.enqueue_dma source(%dma_start3A_33 : memref<320x32xf32, #tpu.memory_space<vmem_shared>>) target(%dma_start3A_30 : memref<320x32xf32, #tpu.memory_space<hbm>>) target_semaphore(%run_scoped3A : memref<!tpu.dma_semaphore, #tpu.memory_space<semaphore_mem>>)
          %dma_wait3A = arith.constant 4800 : i32
          %dma_wait3A_34 = arith.constant 0 : i32
          %dma_wait3A_35 = tpu.memref_slice %arg6[%dma_wait3A, %dma_wait3A_34] : memref<10000x32xf32, #tpu.memory_space<hbm>> -> memref<320x32xf32, #tpu.memory_space<hbm>>
          %dma_wait3A_36 = arith.constant 4800 : i32
          %dma_wait3A_37 = arith.constant 0 : i32
          %dma_wait3A_38 = tpu.memref_slice %arg17[%dma_wait3A_36, %dma_wait3A_37] : memref<5248x32xf32, #tpu.memory_space<vmem_shared>> -> memref<320x32xf32, #tpu.memory_space<vmem_shared>>
          tpu.wait_dma2 semaphore(%run_scoped3A : memref<!tpu.dma_semaphore, #tpu.memory_space<semaphore_mem>>) src(%dma_wait3A_38 : memref<320x32xf32, #tpu.memory_space<vmem_shared>>) dst(%dma_wait3A_35 : memref<320x32xf32, #tpu.memory_space<hbm>>)
          tpu.yield
        }) : () -> ()
      } else {
      }
    } else {
    }
    %eq3A_14 = arith.constant 1 : i32
    %eq3A_15 = arith.cmpi eq, %arg0, %eq3A_14 : i32
    %convert_element_type3A_16 = arith.extui %eq3A_15 : i1 to i32
    %cond3A_17 = arith.constant 0 : i32
    %cond3A_18 = arith.cmpi ne, %convert_element_type3A_16, %cond3A_17 : i32
    scf.if %cond3A_18 {
      %lt3A = arith.constant 15 : i32
      %lt3A_20 = arith.cmpi slt, %arg1, %lt3A : i32
      %convert_element_type3A_21 = arith.extui %lt3A_20 : i1 to i32
      %cond3A_22 = arith.constant 0 : i32
      %cond3A_23 = arith.cmpi ne, %convert_element_type3A_21, %cond3A_22 : i32
      scf.if %cond3A_23 {
        %mul3A_29 = arith.constant 304 : i32
        %mul3A_30 = arith.muli %arg1, %mul3A_29 : i32
        %mul3A_31 = arith.constant 304 : i32
        %mul3A_32 = arith.muli %arg1, %mul3A_31 : i32
        %add3A_33 = arith.constant 5120 : i32
        %add3A_34 = arith.addi %add3A_33, %mul3A_32 : i32
        "tpu.region"() ({
          %run_scoped3A = tpu.sem_alloc : memref<!tpu.dma_semaphore, #tpu.memory_space<semaphore_mem>>
          %dma_start3A = arith.constant 0 : i32
          %dma_start3A_35 = tpu.memref_slice %arg6[%add3A_34, %dma_start3A] : memref<10000x32xf32, #tpu.memory_space<hbm>> -> memref<304x32xf32, #tpu.memory_space<hbm>>
          %dma_start3A_36 = arith.constant 0 : i32
          %dma_start3A_37 = tpu.memref_slice %arg17[%mul3A_30, %dma_start3A_36] : memref<5248x32xf32, #tpu.memory_space<vmem_shared>> -> memref<304x32xf32, #tpu.memory_space<vmem_shared>>
          tpu.enqueue_dma source(%dma_start3A_37 : memref<304x32xf32, #tpu.memory_space<vmem_shared>>) target(%dma_start3A_35 : memref<304x32xf32, #tpu.memory_space<hbm>>) target_semaphore(%run_scoped3A : memref<!tpu.dma_semaphore, #tpu.memory_space<semaphore_mem>>)
          %dma_wait3A = arith.constant 0 : i32
          %dma_wait3A_38 = tpu.memref_slice %arg6[%add3A_34, %dma_wait3A] : memref<10000x32xf32, #tpu.memory_space<hbm>> -> memref<304x32xf32, #tpu.memory_space<hbm>>
          %dma_wait3A_39 = arith.constant 0 : i32
          %dma_wait3A_40 = tpu.memref_slice %arg17[%mul3A_30, %dma_wait3A_39] : memref<5248x32xf32, #tpu.memory_space<vmem_shared>> -> memref<304x32xf32, #tpu.memory_space<vmem_shared>>
          tpu.wait_dma2 semaphore(%run_scoped3A : memref<!tpu.dma_semaphore, #tpu.memory_space<semaphore_mem>>) src(%dma_wait3A_40 : memref<304x32xf32, #tpu.memory_space<vmem_shared>>) dst(%dma_wait3A_38 : memref<304x32xf32, #tpu.memory_space<hbm>>)
          tpu.yield
        }) : () -> ()
      } else {
      }
      %eq3A_24 = arith.constant 15 : i32
      %eq3A_25 = arith.cmpi eq, %arg1, %eq3A_24 : i32
      %convert_element_type3A_26 = arith.extui %eq3A_25 : i1 to i32
      %cond3A_27 = arith.constant 0 : i32
      %cond3A_28 = arith.cmpi ne, %convert_element_type3A_26, %cond3A_27 : i32
      scf.if %cond3A_28 {
        "tpu.region"() ({
          %run_scoped3A = tpu.sem_alloc : memref<!tpu.dma_semaphore, #tpu.memory_space<semaphore_mem>>
          %dma_start3A = arith.constant 9680 : i32
          %dma_start3A_29 = arith.constant 0 : i32
          %dma_start3A_30 = tpu.memref_slice %arg6[%dma_start3A, %dma_start3A_29] : memref<10000x32xf32, #tpu.memory_space<hbm>> -> memref<320x32xf32, #tpu.memory_space<hbm>>
          %dma_start3A_31 = arith.constant 4560 : i32
          %dma_start3A_32 = arith.constant 0 : i32
          %dma_start3A_33 = tpu.memref_slice %arg17[%dma_start3A_31, %dma_start3A_32] : memref<5248x32xf32, #tpu.memory_space<vmem_shared>> -> memref<320x32xf32, #tpu.memory_space<vmem_shared>>
          tpu.enqueue_dma source(%dma_start3A_33 : memref<320x32xf32, #tpu.memory_space<vmem_shared>>) target(%dma_start3A_30 : memref<320x32xf32, #tpu.memory_space<hbm>>) target_semaphore(%run_scoped3A : memref<!tpu.dma_semaphore, #tpu.memory_space<semaphore_mem>>)
          %dma_wait3A = arith.constant 9680 : i32
          %dma_wait3A_34 = arith.constant 0 : i32
          %dma_wait3A_35 = tpu.memref_slice %arg6[%dma_wait3A, %dma_wait3A_34] : memref<10000x32xf32, #tpu.memory_space<hbm>> -> memref<320x32xf32, #tpu.memory_space<hbm>>
          %dma_wait3A_36 = arith.constant 4560 : i32
          %dma_wait3A_37 = arith.constant 0 : i32
          %dma_wait3A_38 = tpu.memref_slice %arg17[%dma_wait3A_36, %dma_wait3A_37] : memref<5248x32xf32, #tpu.memory_space<vmem_shared>> -> memref<320x32xf32, #tpu.memory_space<vmem_shared>>
          tpu.wait_dma2 semaphore(%run_scoped3A : memref<!tpu.dma_semaphore, #tpu.memory_space<semaphore_mem>>) src(%dma_wait3A_38 : memref<320x32xf32, #tpu.memory_space<vmem_shared>>) dst(%dma_wait3A_35 : memref<320x32xf32, #tpu.memory_space<hbm>>)
          tpu.yield
        }) : () -> ()
      } else {
      }
    } else {
    }
    %barrier3A_19 = arith.constant 0 : index
    tpu.barrier barrier_id(%barrier3A_19)
    return
  }
}

#map = affine_map<(d0, d1) -> (0)>
#map1 = affine_map<(d0, d1) -> (0, 0)>
module attributes {stable_mosaic.version = 14 : i64} {
  func.func @k(%arg0: i32, %arg1: i32, %arg2: memref<320000xi32, #tpu.memory_space<hbm>>, %arg3: memref<320000xi32, #tpu.memory_space<hbm>>, %arg4: memref<10000x512xf32, #tpu.memory_space<hbm>>, %arg5: memref<168x512xf32, #tpu.memory_space<hbm>>, %arg6: memref<10000x512xf32, #tpu.memory_space<hbm>>, %arg7: memref<4000xi32, #tpu.memory_space<vmem>>, %arg8: memref<4000xi32, #tpu.memory_space<vmem>>, %arg9: memref<4080xi32, #tpu.memory_space<vmem>>, %arg10: memref<4080xi32, #tpu.memory_space<vmem>>, %arg11: memref<16xi32, #tpu.memory_space<vmem>>, %arg12: memref<16xi32, #tpu.memory_space<vmem>>, %arg13: memref<16xi32, #tpu.memory_space<vmem>>, %arg14: memref<16xi32, #tpu.memory_space<vmem>>, %arg15: memref<16x512xf32, #tpu.memory_space<vmem>>, %arg16: memref<16x512xf32, #tpu.memory_space<vmem>>, %arg17: memref<2688x512xf32, #tpu.memory_space<vmem_shared>>, %arg18: memref<!tpu.dma_semaphore, #tpu.memory_space<semaphore_mem>>, %arg19: memref<!tpu.dma_semaphore, #tpu.memory_space<semaphore_mem>>) attributes {dimension_semantics = [#tpu.dimension_semantics<core_parallel>, #tpu.dimension_semantics<subcore_parallel>], iteration_bounds = array<i64: 2, 16>, scalar_prefetch = 0 : i64, scratch_operands = 13 : i64, tpu.core_type = #tpu.core_type<sc_vector_subcore>, window_params = [{transform_indices = #map}, {transform_indices = #map}, {transform_indices = #map1}, {transform_indices = #map1}, {transform_indices = #map1}]} {
    %mul3A = arith.constant 168 : i32
    %mul3A_0 = arith.muli %arg1, %mul3A : i32
    "tpu.region"() ({
      %run_scoped3A = tpu.sem_alloc : memref<!tpu.dma_semaphore, #tpu.memory_space<semaphore_mem>>
      %dma_start3A = arith.constant 0 : i32
      %dma_start3A_47 = tpu.memref_slice %arg17[%mul3A_0, %dma_start3A] : memref<2688x512xf32, #tpu.memory_space<vmem_shared>> -> memref<168x512xf32, #tpu.memory_space<vmem_shared>>
      tpu.enqueue_dma source(%arg5 : memref<168x512xf32, #tpu.memory_space<hbm>>) target(%dma_start3A_47 : memref<168x512xf32, #tpu.memory_space<vmem_shared>>) target_semaphore(%run_scoped3A : memref<!tpu.dma_semaphore, #tpu.memory_space<semaphore_mem>>)
      %dma_wait3A = arith.constant 0 : i32
      %dma_wait3A_48 = tpu.memref_slice %arg17[%mul3A_0, %dma_wait3A] : memref<2688x512xf32, #tpu.memory_space<vmem_shared>> -> memref<168x512xf32, #tpu.memory_space<vmem_shared>>
      tpu.wait_dma2 semaphore(%run_scoped3A : memref<!tpu.dma_semaphore, #tpu.memory_space<semaphore_mem>>) src(%arg5 : memref<168x512xf32, #tpu.memory_space<hbm>>) dst(%dma_wait3A_48 : memref<168x512xf32, #tpu.memory_space<vmem_shared>>)
      tpu.yield
    }) : () -> ()
    %barrier3A = arith.constant 0 : index
    tpu.barrier barrier_id(%barrier3A)
    %mul3A_1 = arith.constant 2 : i32
    %mul3A_2 = arith.muli %arg0, %mul3A_1 : i32
    %add3A = arith.constant 0 : i32
    %add3A_3 = arith.addi %mul3A_2, %add3A : i32
    %mul3A_4 = arith.constant 2560 : i32
    %mul3A_5 = arith.muli %add3A_3, %mul3A_4 : i32
    %scan3A = arith.constant 0 : i32
    %scan3A_6 = arith.constant 0 : i32
    %scan3A_7 = arith.constant 5 : i32
    %scan3A_8 = arith.addi %scan3A_6, %scan3A_7 : i32
    %scan3A_9 = arith.constant 1 : i32
    scf.for %scan3A_47 = %scan3A_6 to %scan3A_8 step %scan3A_9  : i32 {
      %mul3A_48 = arith.constant 20000 : i32
      %mul3A_49 = arith.muli %arg1, %mul3A_48 : i32
      %mul3A_50 = arith.constant 4000 : i32
      %mul3A_51 = arith.muli %scan3A_47, %mul3A_50 : i32
      %add3A_52 = arith.addi %mul3A_49, %mul3A_51 : i32
      "tpu.region"() ({
        %run_scoped3A = tpu.sem_alloc : memref<!tpu.dma_semaphore, #tpu.memory_space<semaphore_mem>>
        %dma_start3A = tpu.memref_slice %arg3[%add3A_52] : memref<320000xi32, #tpu.memory_space<hbm>> -> memref<4000xi32, #tpu.memory_space<hbm>>
        %dma_start3A_103 = tpu.memref_slice %arg3[%add3A_52] : memref<320000xi32, #tpu.memory_space<hbm>> -> memref<4000xi32, #tpu.memory_space<hbm>>
        tpu.enqueue_dma source(%dma_start3A_103 : memref<4000xi32, #tpu.memory_space<hbm>>) target(%arg7 : memref<4000xi32, #tpu.memory_space<vmem>>) target_semaphore(%run_scoped3A : memref<!tpu.dma_semaphore, #tpu.memory_space<semaphore_mem>>)
        %dma_wait3A = tpu.memref_slice %arg3[%add3A_52] : memref<320000xi32, #tpu.memory_space<hbm>> -> memref<4000xi32, #tpu.memory_space<hbm>>
        %dma_wait3A_104 = tpu.memref_slice %arg3[%add3A_52] : memref<320000xi32, #tpu.memory_space<hbm>> -> memref<4000xi32, #tpu.memory_space<hbm>>
        tpu.wait_dma2 semaphore(%run_scoped3A : memref<!tpu.dma_semaphore, #tpu.memory_space<semaphore_mem>>) src(%dma_wait3A_104 : memref<4000xi32, #tpu.memory_space<hbm>>) dst(%arg7 : memref<4000xi32, #tpu.memory_space<vmem>>)
        tpu.yield
      }) : () -> ()
      "tpu.region"() ({
        %run_scoped3A = tpu.sem_alloc : memref<!tpu.dma_semaphore, #tpu.memory_space<semaphore_mem>>
        %dma_start3A = tpu.memref_slice %arg2[%add3A_52] : memref<320000xi32, #tpu.memory_space<hbm>> -> memref<4000xi32, #tpu.memory_space<hbm>>
        %dma_start3A_103 = tpu.memref_slice %arg2[%add3A_52] : memref<320000xi32, #tpu.memory_space<hbm>> -> memref<4000xi32, #tpu.memory_space<hbm>>
        tpu.enqueue_dma source(%dma_start3A_103 : memref<4000xi32, #tpu.memory_space<hbm>>) target(%arg8 : memref<4000xi32, #tpu.memory_space<vmem>>) target_semaphore(%run_scoped3A : memref<!tpu.dma_semaphore, #tpu.memory_space<semaphore_mem>>)
        %dma_wait3A = tpu.memref_slice %arg2[%add3A_52] : memref<320000xi32, #tpu.memory_space<hbm>> -> memref<4000xi32, #tpu.memory_space<hbm>>
        %dma_wait3A_104 = tpu.memref_slice %arg2[%add3A_52] : memref<320000xi32, #tpu.memory_space<hbm>> -> memref<4000xi32, #tpu.memory_space<hbm>>
        tpu.wait_dma2 semaphore(%run_scoped3A : memref<!tpu.dma_semaphore, #tpu.memory_space<semaphore_mem>>) src(%dma_wait3A_104 : memref<4000xi32, #tpu.memory_space<hbm>>) dst(%arg8 : memref<4000xi32, #tpu.memory_space<vmem>>)
        tpu.yield
      }) : () -> ()
      %scan3A_53 = arith.constant 0 : i32
      %scan3A_54 = arith.constant 0 : i32
      %scan3A_55 = arith.constant 250 : i32
      %scan3A_56 = arith.addi %scan3A_54, %scan3A_55 : i32
      %scan3A_57 = arith.constant 1 : i32
      %scan3A_58 = scf.for %scan3A_103 = %scan3A_54 to %scan3A_56 step %scan3A_57 iter_args(%scan3A_104 = %scan3A_53) -> (i32)  : i32 {
        %mul3A_105 = arith.constant 16 : i32
        %mul3A_106 = arith.muli %scan3A_103, %mul3A_105 : i32
        %get3A = arith.index_cast %mul3A_106 : i32 to index
        %get3A_107 = tpu.vector_load %arg7[%get3A] {strides = array<i32>} : memref<4000xi32, #tpu.memory_space<vmem>>, vector<16xi32>,
        %mul3A_108 = arith.constant 16 : i32
        %mul3A_109 = arith.muli %scan3A_103, %mul3A_108 : i32
        %get3A_110 = arith.index_cast %mul3A_109 : i32 to index
        %get3A_111 = tpu.vector_load %arg8[%get3A_110] {strides = array<i32>} : memref<4000xi32, #tpu.memory_space<vmem>>, vector<16xi32>,
        %ge3A = vector.broadcast %mul3A_5 : i32 to vector<16xi32>
        %ge3A_112 = arith.cmpi sge, %get3A_107, %ge3A : vector<16xi32>
        %add3A_113 = arith.constant 2560 : i32
        %add3A_114 = arith.addi %mul3A_5, %add3A_113 : i32
        %lt3A = vector.broadcast %add3A_114 : i32 to vector<16xi32>
        %lt3A_115 = arith.cmpi slt, %get3A_107, %lt3A : vector<16xi32>
        %and3A_116 = arith.andi %ge3A_112, %lt3A_115 : vector<16xi1>
        %convert_element_type3A_117 = arith.extui %and3A_116 : vector<16xi1> to vector<16xi32>
        %broadcast_in_dim3A_118 = arith.constant true
        %broadcast_in_dim3A_119 = vector.broadcast %broadcast_in_dim3A_118 : i1 to vector<16xi1>
        %masked_cumsum3A = tpu.scan <sum>, %convert_element_type3A_117 masked %broadcast_in_dim3A_119 : vector<16xi32>, vector<16xi1> -> vector<16xi32>
        %add3A_120 = vector.broadcast %scan3A_104 : i32 to vector<16xi32>
        %add3A_121 = arith.addi %add3A_120, %masked_cumsum3A : vector<16xi32>
        %sub3A_122 = arith.constant 1 : i32
        %sub3A_123 = vector.broadcast %sub3A_122 : i32 to vector<16xi32>
        %sub3A_124 = arith.subi %add3A_121, %sub3A_123 : vector<16xi32>
        %jit3A_125 = arith.constant 4064 : i32
        %broadcast_in_dim3A_126 = vector.broadcast %jit3A_125 : i32 to vector<16xi32>
        %select_n3A_127 = arith.select %and3A_116, %sub3A_124, %broadcast_in_dim3A_126 : vector<16xi1>, vector<16xi32>
        %sub3A_128 = vector.broadcast %mul3A_5 : i32 to vector<16xi32>
        %sub3A_129 = arith.subi %get3A_107, %sub3A_128 : vector<16xi32>
        tpu.vector_store_idx %arg9[%select_n3A_127], %sub3A_129 : memref<4080xi32, #tpu.memory_space<vmem>>[vector<16xi32>], vector<16xi32>,
        tpu.vector_store_idx %arg10[%select_n3A_127], %get3A_111 : memref<4080xi32, #tpu.memory_space<vmem>>[vector<16xi32>], vector<16xi32>,
        %reduce_max3A = arith.constant true
        %reduce_max3A_130 = vector.broadcast %reduce_max3A : i1 to vector<16xi1>
        %reduce_max3A_131 = arith.constant -2147483648 : i32
        %reduce_max3A_132 = vector.broadcast %reduce_max3A_131 : i32 to vector<16xi32>
        %reduce_max3A_133 = arith.xori %masked_cumsum3A, %reduce_max3A_132 : vector<16xi32>
        %reduce_max3A_134 = tpu.scan <max>, %reduce_max3A_133 masked %reduce_max3A_130 : vector<16xi32>, vector<16xi1> -> vector<16xi32>
        %reduce_max3A_135 = arith.xori %reduce_max3A_134, %reduce_max3A_132 : vector<16xi32>
        %reduce_max3A_136 = vector.extract %reduce_max3A_135[15] : i32 from vector<16xi32>
        %add3A_137 = arith.addi %scan3A_104, %reduce_max3A_136 : i32
        scf.yield %add3A_137 : i32
      }
      %scan3A_59 = arith.constant 250 : i32
      %add3A_60 = arith.constant 0 : i32
      %add3A_61 = arith.addi %scan3A_58, %add3A_60 : i32
      %iota3A = tpu.iota {dimensions = array<i32: 0>} : vector<16xi32>
      %add3A_62 = vector.broadcast %add3A_61 : i32 to vector<16xi32>
      %add3A_63 = arith.addi %add3A_62, %iota3A : vector<16xi32>
      %broadcast_in_dim3A = arith.constant 2560 : i32
      %broadcast_in_dim3A_64 = vector.broadcast %broadcast_in_dim3A : i32 to vector<16xi32>
      tpu.vector_store_idx %arg9[%add3A_63], %broadcast_in_dim3A_64 : memref<4080xi32, #tpu.memory_space<vmem>>[vector<16xi32>], vector<16xi32>,
      %broadcast_in_dim3A_65 = arith.constant 0 : i32
      %broadcast_in_dim3A_66 = vector.broadcast %broadcast_in_dim3A_65 : i32 to vector<16xi32>
      tpu.vector_store_idx %arg10[%add3A_63], %broadcast_in_dim3A_66 : memref<4080xi32, #tpu.memory_space<vmem>>[vector<16xi32>], vector<16xi32>,
      %add3A_67 = arith.constant 16 : i32
      %add3A_68 = arith.addi %scan3A_58, %add3A_67 : i32
      %iota3A_69 = tpu.iota {dimensions = array<i32: 0>} : vector<16xi32>
      %add3A_70 = vector.broadcast %add3A_68 : i32 to vector<16xi32>
      %add3A_71 = arith.addi %add3A_70, %iota3A_69 : vector<16xi32>
      %broadcast_in_dim3A_72 = arith.constant 2560 : i32
      %broadcast_in_dim3A_73 = vector.broadcast %broadcast_in_dim3A_72 : i32 to vector<16xi32>
      tpu.vector_store_idx %arg9[%add3A_71], %broadcast_in_dim3A_73 : memref<4080xi32, #tpu.memory_space<vmem>>[vector<16xi32>], vector<16xi32>,
      %broadcast_in_dim3A_74 = arith.constant 0 : i32
      %broadcast_in_dim3A_75 = vector.broadcast %broadcast_in_dim3A_74 : i32 to vector<16xi32>
      tpu.vector_store_idx %arg10[%add3A_71], %broadcast_in_dim3A_75 : memref<4080xi32, #tpu.memory_space<vmem>>[vector<16xi32>], vector<16xi32>,
      %add3A_76 = arith.constant 31 : i32
      %add3A_77 = arith.addi %scan3A_58, %add3A_76 : i32
      %jit3A = arith.constant 32 : i32
      %div3A = arith.divsi %add3A_77, %jit3A : i32
      %sign3A = arith.constant 0 : i32
      %sign3A_78 = arith.cmpi sgt, %add3A_77, %sign3A : i32
      %sign3A_79 = arith.extui %sign3A_78 : i1 to i32
      %sign3A_80 = arith.constant 0 : i32
      %sign3A_81 = arith.cmpi slt, %add3A_77, %sign3A_80 : i32
      %sign3A_82 = arith.extui %sign3A_81 : i1 to i32
      %sign3A_83 = arith.subi %sign3A_79, %sign3A_82 : i32
      %sign3A_84 = arith.constant 0 : i32
      %sign3A_85 = arith.cmpi sgt, %jit3A, %sign3A_84 : i32
      %sign3A_86 = arith.extui %sign3A_85 : i1 to i32
      %sign3A_87 = arith.constant 0 : i32
      %sign3A_88 = arith.cmpi slt, %jit3A, %sign3A_87 : i32
      %sign3A_89 = arith.extui %sign3A_88 : i1 to i32
      %sign3A_90 = arith.subi %sign3A_86, %sign3A_89 : i32
      %ne3A = arith.cmpi ne, %sign3A_83, %sign3A_90 : i32
      %rem3A = arith.remsi %add3A_77, %jit3A : i32
      %ne3A_91 = arith.constant 0 : i32
      %ne3A_92 = arith.cmpi ne, %rem3A, %ne3A_91 : i32
      %and3A = arith.andi %ne3A, %ne3A_92 : i1
      %sub3A = arith.constant 1 : i32
      %sub3A_93 = arith.subi %div3A, %sub3A : i32
      %select_n3A = arith.select %and3A, %sub3A_93, %div3A : i32
      %while3A = arith.constant 0 : i32
      %while3A_94 = arith.constant 0 : i32
      %while3A_95 = arith.subi %select_n3A, %while3A_94 : i32
      %while3A_96 = arith.addi %while3A_94, %while3A_95 : i32
      %while3A_97 = arith.constant 1 : i32
      %while3A_98 = arith.divsi %while3A_95, %while3A_97 : i32
      %while3A_99 = arith.muli %while3A_98, %while3A_97 : i32
      %while3A_100 = arith.addi %while3A_94, %while3A_99 : i32
      %while3A_101 = arith.constant 1 : i32
      scf.for %while3A_103 = %while3A_94 to %while3A_100 step %while3A_101  : i32 {
        %mul3A_104 = arith.constant 32 : i32
        %mul3A_105 = arith.muli %while3A_103, %mul3A_104 : i32
        %add3A_106 = arith.constant 0 : i32
        %add3A_107 = arith.addi %mul3A_105, %add3A_106 : i32
        %add3A_108 = arith.constant 0 : i32
        %add3A_109 = arith.addi %add3A_107, %add3A_108 : i32
        %get3A = arith.index_cast %add3A_109 : i32 to index
        %get3A_110 = tpu.vector_load %arg9[%get3A] {strides = array<i32>} : memref<4080xi32, #tpu.memory_space<vmem>>, vector<16xi32>,
        %swap3A = arith.constant 0 : index
        %swap3A_111 = tpu.vector_load %arg11[%swap3A] {strides = array<i32>} : memref<16xi32, #tpu.memory_space<vmem>>, vector<16xi32>,
        tpu.vector_store %arg11[%swap3A], %get3A_110 {strides = array<i32>} : memref<16xi32, #tpu.memory_space<vmem>>, vector<16xi32>,
        %get3A_112 = arith.index_cast %add3A_109 : i32 to index
        %get3A_113 = tpu.vector_load %arg10[%get3A_112] {strides = array<i32>} : memref<4080xi32, #tpu.memory_space<vmem>>, vector<16xi32>,
        %swap3A_114 = arith.constant 0 : index
        %swap3A_115 = tpu.vector_load %arg13[%swap3A_114] {strides = array<i32>} : memref<16xi32, #tpu.memory_space<vmem>>, vector<16xi32>,
        tpu.vector_store %arg13[%swap3A_114], %get3A_113 {strides = array<i32>} : memref<16xi32, #tpu.memory_space<vmem>>, vector<16xi32>,
        %dma_start3A = arith.constant 0 : i32
        %dma_start3A_116 = arith.constant 0 : i32
        %dma_start3A_117 = tpu.memref_slice %arg4[%dma_start3A, %dma_start3A_116] : memref<10000x512xf32, #tpu.memory_space<hbm>> -> memref<10000x512xf32, #tpu.memory_space<hbm>>
        tpu.enqueue_indirect_dma source(%dma_start3A_117 : memref<10000x512xf32, #tpu.memory_space<hbm>>) target(%arg15 : memref<16x512xf32, #tpu.memory_space<vmem>>) offsets(%arg13 : memref<16xi32, #tpu.memory_space<vmem>>) semaphore(%arg18 : memref<!tpu.dma_semaphore, #tpu.memory_space<semaphore_mem>>)
        %mul3A_118 = arith.constant 32 : i32
        %mul3A_119 = arith.muli %while3A_103, %mul3A_118 : i32
        %add3A_120 = arith.constant 16 : i32
        %add3A_121 = arith.addi %mul3A_119, %add3A_120 : i32
        %add3A_122 = arith.constant 0 : i32
        %add3A_123 = arith.addi %add3A_121, %add3A_122 : i32
        %get3A_124 = arith.index_cast %add3A_123 : i32 to index
        %get3A_125 = tpu.vector_load %arg9[%get3A_124] {strides = array<i32>} : memref<4080xi32, #tpu.memory_space<vmem>>, vector<16xi32>,
        %swap3A_126 = arith.constant 0 : index
        %swap3A_127 = tpu.vector_load %arg12[%swap3A_126] {strides = array<i32>} : memref<16xi32, #tpu.memory_space<vmem>>, vector<16xi32>,
        tpu.vector_store %arg12[%swap3A_126], %get3A_125 {strides = array<i32>} : memref<16xi32, #tpu.memory_space<vmem>>, vector<16xi32>,
        %get3A_128 = arith.index_cast %add3A_123 : i32 to index
        %get3A_129 = tpu.vector_load %arg10[%get3A_128] {strides = array<i32>} : memref<4080xi32, #tpu.memory_space<vmem>>, vector<16xi32>,
        %swap3A_130 = arith.constant 0 : index
        %swap3A_131 = tpu.vector_load %arg14[%swap3A_130] {strides = array<i32>} : memref<16xi32, #tpu.memory_space<vmem>>, vector<16xi32>,
        tpu.vector_store %arg14[%swap3A_130], %get3A_129 {strides = array<i32>} : memref<16xi32, #tpu.memory_space<vmem>>, vector<16xi32>,
        %dma_start3A_132 = arith.constant 0 : i32
        %dma_start3A_133 = arith.constant 0 : i32
        %dma_start3A_134 = tpu.memref_slice %arg4[%dma_start3A_132, %dma_start3A_133] : memref<10000x512xf32, #tpu.memory_space<hbm>> -> memref<10000x512xf32, #tpu.memory_space<hbm>>
        tpu.enqueue_indirect_dma source(%dma_start3A_134 : memref<10000x512xf32, #tpu.memory_space<hbm>>) target(%arg16 : memref<16x512xf32, #tpu.memory_space<vmem>>) offsets(%arg14 : memref<16xi32, #tpu.memory_space<vmem>>) semaphore(%arg19 : memref<!tpu.dma_semaphore, #tpu.memory_space<semaphore_mem>>)
        %dma_wait3A = arith.constant 0 : i32
        %dma_wait3A_135 = arith.constant 0 : i32
        %dma_wait3A_136 = tpu.memref_slice %arg4[%dma_wait3A, %dma_wait3A_135] : memref<10000x512xf32, #tpu.memory_space<hbm>> -> memref<10000x512xf32, #tpu.memory_space<hbm>>
        tpu.wait_indirect_dma semaphore(%arg18 : memref<!tpu.dma_semaphore, #tpu.memory_space<semaphore_mem>>) src(%dma_wait3A_136 : memref<10000x512xf32, #tpu.memory_space<hbm>>) dst(%arg15 : memref<16x512xf32, #tpu.memory_space<vmem>>)
        "tpu.region"() ({
          %run_scoped3A = tpu.sem_alloc : memref<!tpu.dma_semaphore, #tpu.memory_space<semaphore_mem>>
          %dma_start3A_140 = arith.constant 0 : i32
          %dma_start3A_141 = arith.constant 0 : i32
          %dma_start3A_142 = tpu.memref_slice %arg17[%dma_start3A_140, %dma_start3A_141] : memref<2688x512xf32, #tpu.memory_space<vmem_shared>> -> memref<2688x512xf32, #tpu.memory_space<vmem_shared>>
          tpu.enqueue_indirect_dma source(%arg15 : memref<16x512xf32, #tpu.memory_space<vmem>>) target(%dma_start3A_142 : memref<2688x512xf32, #tpu.memory_space<vmem_shared>>) offsets(%arg11 : memref<16xi32, #tpu.memory_space<vmem>>) semaphore(%run_scoped3A : memref<!tpu.dma_semaphore, #tpu.memory_space<semaphore_mem>>) {add = true}
          %dma_wait3A_143 = arith.constant 0 : i32
          %dma_wait3A_144 = arith.constant 0 : i32
          %dma_wait3A_145 = tpu.memref_slice %arg17[%dma_wait3A_143, %dma_wait3A_144] : memref<2688x512xf32, #tpu.memory_space<vmem_shared>> -> memref<2688x512xf32, #tpu.memory_space<vmem_shared>>
          tpu.wait_indirect_dma semaphore(%run_scoped3A : memref<!tpu.dma_semaphore, #tpu.memory_space<semaphore_mem>>) src(%arg15 : memref<16x512xf32, #tpu.memory_space<vmem>>) dst(%dma_wait3A_145 : memref<2688x512xf32, #tpu.memory_space<vmem_shared>>)
          tpu.yield
        }) : () -> ()
        %dma_wait3A_137 = arith.constant 0 : i32
        %dma_wait3A_138 = arith.constant 0 : i32
        %dma_wait3A_139 = tpu.memref_slice %arg4[%dma_wait3A_137, %dma_wait3A_138] : memref<10000x512xf32, #tpu.memory_space<hbm>> -> memref<10000x512xf32, #tpu.memory_space<hbm>>
        tpu.wait_indirect_dma semaphore(%arg19 : memref<!tpu.dma_semaphore, #tpu.memory_space<semaphore_mem>>) src(%dma_wait3A_139 : memref<10000x512xf32, #tpu.memory_space<hbm>>) dst(%arg16 : memref<16x512xf32, #tpu.memory_space<vmem>>)
        "tpu.region"() ({
          %run_scoped3A = tpu.sem_alloc : memref<!tpu.dma_semaphore, #tpu.memory_space<semaphore_mem>>
          %dma_start3A_140 = arith.constant 0 : i32
          %dma_start3A_141 = arith.constant 0 : i32
          %dma_start3A_142 = tpu.memref_slice %arg17[%dma_start3A_140, %dma_start3A_141] : memref<2688x512xf32, #tpu.memory_space<vmem_shared>> -> memref<2688x512xf32, #tpu.memory_space<vmem_shared>>
          tpu.enqueue_indirect_dma source(%arg16 : memref<16x512xf32, #tpu.memory_space<vmem>>) target(%dma_start3A_142 : memref<2688x512xf32, #tpu.memory_space<vmem_shared>>) offsets(%arg12 : memref<16xi32, #tpu.memory_space<vmem>>) semaphore(%run_scoped3A : memref<!tpu.dma_semaphore, #tpu.memory_space<semaphore_mem>>) {add = true}
          %dma_wait3A_143 = arith.constant 0 : i32
          %dma_wait3A_144 = arith.constant 0 : i32
          %dma_wait3A_145 = tpu.memref_slice %arg17[%dma_wait3A_143, %dma_wait3A_144] : memref<2688x512xf32, #tpu.memory_space<vmem_shared>> -> memref<2688x512xf32, #tpu.memory_space<vmem_shared>>
          tpu.wait_indirect_dma semaphore(%run_scoped3A : memref<!tpu.dma_semaphore, #tpu.memory_space<semaphore_mem>>) src(%arg16 : memref<16x512xf32, #tpu.memory_space<vmem>>) dst(%dma_wait3A_145 : memref<2688x512xf32, #tpu.memory_space<vmem_shared>>)
          tpu.yield
        }) : () -> ()
      }
      %while3A_102 = arith.constant 1 : i32
      scf.for %while3A_103 = %while3A_100 to %while3A_96 step %while3A_102  : i32 {
        %mul3A_104 = arith.constant 32 : i32
        %mul3A_105 = arith.muli %while3A_103, %mul3A_104 : i32
        %add3A_106 = arith.constant 0 : i32
        %add3A_107 = arith.addi %mul3A_105, %add3A_106 : i32
        %add3A_108 = arith.constant 0 : i32
        %add3A_109 = arith.addi %add3A_107, %add3A_108 : i32
        %get3A = arith.index_cast %add3A_109 : i32 to index
        %get3A_110 = tpu.vector_load %arg9[%get3A] {strides = array<i32>} : memref<4080xi32, #tpu.memory_space<vmem>>, vector<16xi32>,
        %swap3A = arith.constant 0 : index
        %swap3A_111 = tpu.vector_load %arg11[%swap3A] {strides = array<i32>} : memref<16xi32, #tpu.memory_space<vmem>>, vector<16xi32>,
        tpu.vector_store %arg11[%swap3A], %get3A_110 {strides = array<i32>} : memref<16xi32, #tpu.memory_space<vmem>>, vector<16xi32>,
        %get3A_112 = arith.index_cast %add3A_109 : i32 to index
        %get3A_113 = tpu.vector_load %arg10[%get3A_112] {strides = array<i32>} : memref<4080xi32, #tpu.memory_space<vmem>>, vector<16xi32>,
        %swap3A_114 = arith.constant 0 : index
        %swap3A_115 = tpu.vector_load %arg13[%swap3A_114] {strides = array<i32>} : memref<16xi32, #tpu.memory_space<vmem>>, vector<16xi32>,
        tpu.vector_store %arg13[%swap3A_114], %get3A_113 {strides = array<i32>} : memref<16xi32, #tpu.memory_space<vmem>>, vector<16xi32>,
        %dma_start3A = arith.constant 0 : i32
        %dma_start3A_116 = arith.constant 0 : i32
        %dma_start3A_117 = tpu.memref_slice %arg4[%dma_start3A, %dma_start3A_116] : memref<10000x512xf32, #tpu.memory_space<hbm>> -> memref<10000x512xf32, #tpu.memory_space<hbm>>
        tpu.enqueue_indirect_dma source(%dma_start3A_117 : memref<10000x512xf32, #tpu.memory_space<hbm>>) target(%arg15 : memref<16x512xf32, #tpu.memory_space<vmem>>) offsets(%arg13 : memref<16xi32, #tpu.memory_space<vmem>>) semaphore(%arg18 : memref<!tpu.dma_semaphore, #tpu.memory_space<semaphore_mem>>)
        %mul3A_118 = arith.constant 32 : i32
        %mul3A_119 = arith.muli %while3A_103, %mul3A_118 : i32
        %add3A_120 = arith.constant 16 : i32
        %add3A_121 = arith.addi %mul3A_119, %add3A_120 : i32
        %add3A_122 = arith.constant 0 : i32
        %add3A_123 = arith.addi %add3A_121, %add3A_122 : i32
        %get3A_124 = arith.index_cast %add3A_123 : i32 to index
        %get3A_125 = tpu.vector_load %arg9[%get3A_124] {strides = array<i32>} : memref<4080xi32, #tpu.memory_space<vmem>>, vector<16xi32>,
        %swap3A_126 = arith.constant 0 : index
        %swap3A_127 = tpu.vector_load %arg12[%swap3A_126] {strides = array<i32>} : memref<16xi32, #tpu.memory_space<vmem>>, vector<16xi32>,
        tpu.vector_store %arg12[%swap3A_126], %get3A_125 {strides = array<i32>} : memref<16xi32, #tpu.memory_space<vmem>>, vector<16xi32>,
        %get3A_128 = arith.index_cast %add3A_123 : i32 to index
        %get3A_129 = tpu.vector_load %arg10[%get3A_128] {strides = array<i32>} : memref<4080xi32, #tpu.memory_space<vmem>>, vector<16xi32>,
        %swap3A_130 = arith.constant 0 : index
        %swap3A_131 = tpu.vector_load %arg14[%swap3A_130] {strides = array<i32>} : memref<16xi32, #tpu.memory_space<vmem>>, vector<16xi32>,
        tpu.vector_store %arg14[%swap3A_130], %get3A_129 {strides = array<i32>} : memref<16xi32, #tpu.memory_space<vmem>>, vector<16xi32>,
        %dma_start3A_132 = arith.constant 0 : i32
        %dma_start3A_133 = arith.constant 0 : i32
        %dma_start3A_134 = tpu.memref_slice %arg4[%dma_start3A_132, %dma_start3A_133] : memref<10000x512xf32, #tpu.memory_space<hbm>> -> memref<10000x512xf32, #tpu.memory_space<hbm>>
        tpu.enqueue_indirect_dma source(%dma_start3A_134 : memref<10000x512xf32, #tpu.memory_space<hbm>>) target(%arg16 : memref<16x512xf32, #tpu.memory_space<vmem>>) offsets(%arg14 : memref<16xi32, #tpu.memory_space<vmem>>) semaphore(%arg19 : memref<!tpu.dma_semaphore, #tpu.memory_space<semaphore_mem>>)
        %dma_wait3A = arith.constant 0 : i32
        %dma_wait3A_135 = arith.constant 0 : i32
        %dma_wait3A_136 = tpu.memref_slice %arg4[%dma_wait3A, %dma_wait3A_135] : memref<10000x512xf32, #tpu.memory_space<hbm>> -> memref<10000x512xf32, #tpu.memory_space<hbm>>
        tpu.wait_indirect_dma semaphore(%arg18 : memref<!tpu.dma_semaphore, #tpu.memory_space<semaphore_mem>>) src(%dma_wait3A_136 : memref<10000x512xf32, #tpu.memory_space<hbm>>) dst(%arg15 : memref<16x512xf32, #tpu.memory_space<vmem>>)
        "tpu.region"() ({
          %run_scoped3A = tpu.sem_alloc : memref<!tpu.dma_semaphore, #tpu.memory_space<semaphore_mem>>
          %dma_start3A_140 = arith.constant 0 : i32
          %dma_start3A_141 = arith.constant 0 : i32
          %dma_start3A_142 = tpu.memref_slice %arg17[%dma_start3A_140, %dma_start3A_141] : memref<2688x512xf32, #tpu.memory_space<vmem_shared>> -> memref<2688x512xf32, #tpu.memory_space<vmem_shared>>
          tpu.enqueue_indirect_dma source(%arg15 : memref<16x512xf32, #tpu.memory_space<vmem>>) target(%dma_start3A_142 : memref<2688x512xf32, #tpu.memory_space<vmem_shared>>) offsets(%arg11 : memref<16xi32, #tpu.memory_space<vmem>>) semaphore(%run_scoped3A : memref<!tpu.dma_semaphore, #tpu.memory_space<semaphore_mem>>) {add = true}
          %dma_wait3A_143 = arith.constant 0 : i32
          %dma_wait3A_144 = arith.constant 0 : i32
          %dma_wait3A_145 = tpu.memref_slice %arg17[%dma_wait3A_143, %dma_wait3A_144] : memref<2688x512xf32, #tpu.memory_space<vmem_shared>> -> memref<2688x512xf32, #tpu.memory_space<vmem_shared>>
          tpu.wait_indirect_dma semaphore(%run_scoped3A : memref<!tpu.dma_semaphore, #tpu.memory_space<semaphore_mem>>) src(%arg15 : memref<16x512xf32, #tpu.memory_space<vmem>>) dst(%dma_wait3A_145 : memref<2688x512xf32, #tpu.memory_space<vmem_shared>>)
          tpu.yield
        }) : () -> ()
        %dma_wait3A_137 = arith.constant 0 : i32
        %dma_wait3A_138 = arith.constant 0 : i32
        %dma_wait3A_139 = tpu.memref_slice %arg4[%dma_wait3A_137, %dma_wait3A_138] : memref<10000x512xf32, #tpu.memory_space<hbm>> -> memref<10000x512xf32, #tpu.memory_space<hbm>>
        tpu.wait_indirect_dma semaphore(%arg19 : memref<!tpu.dma_semaphore, #tpu.memory_space<semaphore_mem>>) src(%dma_wait3A_139 : memref<10000x512xf32, #tpu.memory_space<hbm>>) dst(%arg16 : memref<16x512xf32, #tpu.memory_space<vmem>>)
        "tpu.region"() ({
          %run_scoped3A = tpu.sem_alloc : memref<!tpu.dma_semaphore, #tpu.memory_space<semaphore_mem>>
          %dma_start3A_140 = arith.constant 0 : i32
          %dma_start3A_141 = arith.constant 0 : i32
          %dma_start3A_142 = tpu.memref_slice %arg17[%dma_start3A_140, %dma_start3A_141] : memref<2688x512xf32, #tpu.memory_space<vmem_shared>> -> memref<2688x512xf32, #tpu.memory_space<vmem_shared>>
          tpu.enqueue_indirect_dma source(%arg16 : memref<16x512xf32, #tpu.memory_space<vmem>>) target(%dma_start3A_142 : memref<2688x512xf32, #tpu.memory_space<vmem_shared>>) offsets(%arg12 : memref<16xi32, #tpu.memory_space<vmem>>) semaphore(%run_scoped3A : memref<!tpu.dma_semaphore, #tpu.memory_space<semaphore_mem>>) {add = true}
          %dma_wait3A_143 = arith.constant 0 : i32
          %dma_wait3A_144 = arith.constant 0 : i32
          %dma_wait3A_145 = tpu.memref_slice %arg17[%dma_wait3A_143, %dma_wait3A_144] : memref<2688x512xf32, #tpu.memory_space<vmem_shared>> -> memref<2688x512xf32, #tpu.memory_space<vmem_shared>>
          tpu.wait_indirect_dma semaphore(%run_scoped3A : memref<!tpu.dma_semaphore, #tpu.memory_space<semaphore_mem>>) src(%arg16 : memref<16x512xf32, #tpu.memory_space<vmem>>) dst(%dma_wait3A_145 : memref<2688x512xf32, #tpu.memory_space<vmem_shared>>)
          tpu.yield
        }) : () -> ()
      }
    }
    %scan3A_10 = arith.constant 5 : i32
    %barrier3A_11 = arith.constant 0 : index
    tpu.barrier barrier_id(%barrier3A_11)
    %eq3A = arith.constant 0 : i32
    %eq3A_12 = arith.cmpi eq, %arg0, %eq3A : i32
    %convert_element_type3A = arith.extui %eq3A_12 : i1 to i32
    %cond3A = arith.constant 0 : i32
    %cond3A_13 = arith.cmpi ne, %convert_element_type3A, %cond3A : i32
    scf.if %cond3A_13 {
      %lt3A = arith.constant 15 : i32
      %lt3A_47 = arith.cmpi slt, %arg1, %lt3A : i32
      %convert_element_type3A_48 = arith.extui %lt3A_47 : i1 to i32
      %cond3A_49 = arith.constant 0 : i32
      %cond3A_50 = arith.cmpi ne, %convert_element_type3A_48, %cond3A_49 : i32
      scf.if %cond3A_50 {
        %mul3A_56 = arith.constant 160 : i32
        %mul3A_57 = arith.muli %arg1, %mul3A_56 : i32
        %mul3A_58 = arith.constant 160 : i32
        %mul3A_59 = arith.muli %arg1, %mul3A_58 : i32
        %add3A_60 = arith.constant 0 : i32
        %add3A_61 = arith.addi %add3A_60, %mul3A_59 : i32
        "tpu.region"() ({
          %run_scoped3A = tpu.sem_alloc : memref<!tpu.dma_semaphore, #tpu.memory_space<semaphore_mem>>
          %dma_start3A = arith.constant 0 : i32
          %dma_start3A_62 = tpu.memref_slice %arg6[%add3A_61, %dma_start3A] : memref<10000x512xf32, #tpu.memory_space<hbm>> -> memref<160x512xf32, #tpu.memory_space<hbm>>
          %dma_start3A_63 = arith.constant 0 : i32
          %dma_start3A_64 = tpu.memref_slice %arg17[%mul3A_57, %dma_start3A_63] : memref<2688x512xf32, #tpu.memory_space<vmem_shared>> -> memref<160x512xf32, #tpu.memory_space<vmem_shared>>
          tpu.enqueue_dma source(%dma_start3A_64 : memref<160x512xf32, #tpu.memory_space<vmem_shared>>) target(%dma_start3A_62 : memref<160x512xf32, #tpu.memory_space<hbm>>) target_semaphore(%run_scoped3A : memref<!tpu.dma_semaphore, #tpu.memory_space<semaphore_mem>>)
          %dma_wait3A = arith.constant 0 : i32
          %dma_wait3A_65 = tpu.memref_slice %arg6[%add3A_61, %dma_wait3A] : memref<10000x512xf32, #tpu.memory_space<hbm>> -> memref<160x512xf32, #tpu.memory_space<hbm>>
          %dma_wait3A_66 = arith.constant 0 : i32
          %dma_wait3A_67 = tpu.memref_slice %arg17[%mul3A_57, %dma_wait3A_66] : memref<2688x512xf32, #tpu.memory_space<vmem_shared>> -> memref<160x512xf32, #tpu.memory_space<vmem_shared>>
          tpu.wait_dma2 semaphore(%run_scoped3A : memref<!tpu.dma_semaphore, #tpu.memory_space<semaphore_mem>>) src(%dma_wait3A_67 : memref<160x512xf32, #tpu.memory_space<vmem_shared>>) dst(%dma_wait3A_65 : memref<160x512xf32, #tpu.memory_space<hbm>>)
          tpu.yield
        }) : () -> ()
      } else {
      }
      %eq3A_51 = arith.constant 15 : i32
      %eq3A_52 = arith.cmpi eq, %arg1, %eq3A_51 : i32
      %convert_element_type3A_53 = arith.extui %eq3A_52 : i1 to i32
      %cond3A_54 = arith.constant 0 : i32
      %cond3A_55 = arith.cmpi ne, %convert_element_type3A_53, %cond3A_54 : i32
      scf.if %cond3A_55 {
        "tpu.region"() ({
          %run_scoped3A = tpu.sem_alloc : memref<!tpu.dma_semaphore, #tpu.memory_space<semaphore_mem>>
          %dma_start3A = arith.constant 2400 : i32
          %dma_start3A_56 = arith.constant 0 : i32
          %dma_start3A_57 = tpu.memref_slice %arg6[%dma_start3A, %dma_start3A_56] : memref<10000x512xf32, #tpu.memory_space<hbm>> -> memref<160x512xf32, #tpu.memory_space<hbm>>
          %dma_start3A_58 = arith.constant 2400 : i32
          %dma_start3A_59 = arith.constant 0 : i32
          %dma_start3A_60 = tpu.memref_slice %arg17[%dma_start3A_58, %dma_start3A_59] : memref<2688x512xf32, #tpu.memory_space<vmem_shared>> -> memref<160x512xf32, #tpu.memory_space<vmem_shared>>
          tpu.enqueue_dma source(%dma_start3A_60 : memref<160x512xf32, #tpu.memory_space<vmem_shared>>) target(%dma_start3A_57 : memref<160x512xf32, #tpu.memory_space<hbm>>) target_semaphore(%run_scoped3A : memref<!tpu.dma_semaphore, #tpu.memory_space<semaphore_mem>>)
          %dma_wait3A = arith.constant 2400 : i32
          %dma_wait3A_61 = arith.constant 0 : i32
          %dma_wait3A_62 = tpu.memref_slice %arg6[%dma_wait3A, %dma_wait3A_61] : memref<10000x512xf32, #tpu.memory_space<hbm>> -> memref<160x512xf32, #tpu.memory_space<hbm>>
          %dma_wait3A_63 = arith.constant 2400 : i32
          %dma_wait3A_64 = arith.constant 0 : i32
          %dma_wait3A_65 = tpu.memref_slice %arg17[%dma_wait3A_63, %dma_wait3A_64] : memref<2688x512xf32, #tpu.memory_space<vmem_shared>> -> memref<160x512xf32, #tpu.memory_space<vmem_shared>>
          tpu.wait_dma2 semaphore(%run_scoped3A : memref<!tpu.dma_semaphore, #tpu.memory_space<semaphore_mem>>) src(%dma_wait3A_65 : memref<160x512xf32, #tpu.memory_space<vmem_shared>>) dst(%dma_wait3A_62 : memref<160x512xf32, #tpu.memory_space<hbm>>)
          tpu.yield
        }) : () -> ()
      } else {
      }
    } else {
    }
    %eq3A_14 = arith.constant 1 : i32
    %eq3A_15 = arith.cmpi eq, %arg0, %eq3A_14 : i32
    %convert_element_type3A_16 = arith.extui %eq3A_15 : i1 to i32
    %cond3A_17 = arith.constant 0 : i32
    %cond3A_18 = arith.cmpi ne, %convert_element_type3A_16, %cond3A_17 : i32
    scf.if %cond3A_18 {
      %lt3A = arith.constant 15 : i32
      %lt3A_47 = arith.cmpi slt, %arg1, %lt3A : i32
      %convert_element_type3A_48 = arith.extui %lt3A_47 : i1 to i32
      %cond3A_49 = arith.constant 0 : i32
      %cond3A_50 = arith.cmpi ne, %convert_element_type3A_48, %cond3A_49 : i32
      scf.if %cond3A_50 {
        %mul3A_56 = arith.constant 160 : i32
        %mul3A_57 = arith.muli %arg1, %mul3A_56 : i32
        %mul3A_58 = arith.constant 160 : i32
        %mul3A_59 = arith.muli %arg1, %mul3A_58 : i32
        %add3A_60 = arith.constant 5120 : i32
        %add3A_61 = arith.addi %add3A_60, %mul3A_59 : i32
        "tpu.region"() ({
          %run_scoped3A = tpu.sem_alloc : memref<!tpu.dma_semaphore, #tpu.memory_space<semaphore_mem>>
          %dma_start3A = arith.constant 0 : i32
          %dma_start3A_62 = tpu.memref_slice %arg6[%add3A_61, %dma_start3A] : memref<10000x512xf32, #tpu.memory_space<hbm>> -> memref<160x512xf32, #tpu.memory_space<hbm>>
          %dma_start3A_63 = arith.constant 0 : i32
          %dma_start3A_64 = tpu.memref_slice %arg17[%mul3A_57, %dma_start3A_63] : memref<2688x512xf32, #tpu.memory_space<vmem_shared>> -> memref<160x512xf32, #tpu.memory_space<vmem_shared>>
          tpu.enqueue_dma source(%dma_start3A_64 : memref<160x512xf32, #tpu.memory_space<vmem_shared>>) target(%dma_start3A_62 : memref<160x512xf32, #tpu.memory_space<hbm>>) target_semaphore(%run_scoped3A : memref<!tpu.dma_semaphore, #tpu.memory_space<semaphore_mem>>)
          %dma_wait3A = arith.constant 0 : i32
          %dma_wait3A_65 = tpu.memref_slice %arg6[%add3A_61, %dma_wait3A] : memref<10000x512xf32, #tpu.memory_space<hbm>> -> memref<160x512xf32, #tpu.memory_space<hbm>>
          %dma_wait3A_66 = arith.constant 0 : i32
          %dma_wait3A_67 = tpu.memref_slice %arg17[%mul3A_57, %dma_wait3A_66] : memref<2688x512xf32, #tpu.memory_space<vmem_shared>> -> memref<160x512xf32, #tpu.memory_space<vmem_shared>>
          tpu.wait_dma2 semaphore(%run_scoped3A : memref<!tpu.dma_semaphore, #tpu.memory_space<semaphore_mem>>) src(%dma_wait3A_67 : memref<160x512xf32, #tpu.memory_space<vmem_shared>>) dst(%dma_wait3A_65 : memref<160x512xf32, #tpu.memory_space<hbm>>)
          tpu.yield
        }) : () -> ()
      } else {
      }
      %eq3A_51 = arith.constant 15 : i32
      %eq3A_52 = arith.cmpi eq, %arg1, %eq3A_51 : i32
      %convert_element_type3A_53 = arith.extui %eq3A_52 : i1 to i32
      %cond3A_54 = arith.constant 0 : i32
      %cond3A_55 = arith.cmpi ne, %convert_element_type3A_53, %cond3A_54 : i32
      scf.if %cond3A_55 {
        "tpu.region"() ({
          %run_scoped3A = tpu.sem_alloc : memref<!tpu.dma_semaphore, #tpu.memory_space<semaphore_mem>>
          %dma_start3A = arith.constant 7520 : i32
          %dma_start3A_56 = arith.constant 0 : i32
          %dma_start3A_57 = tpu.memref_slice %arg6[%dma_start3A, %dma_start3A_56] : memref<10000x512xf32, #tpu.memory_space<hbm>> -> memref<160x512xf32, #tpu.memory_space<hbm>>
          %dma_start3A_58 = arith.constant 2400 : i32
          %dma_start3A_59 = arith.constant 0 : i32
          %dma_start3A_60 = tpu.memref_slice %arg17[%dma_start3A_58, %dma_start3A_59] : memref<2688x512xf32, #tpu.memory_space<vmem_shared>> -> memref<160x512xf32, #tpu.memory_space<vmem_shared>>
          tpu.enqueue_dma source(%dma_start3A_60 : memref<160x512xf32, #tpu.memory_space<vmem_shared>>) target(%dma_start3A_57 : memref<160x512xf32, #tpu.memory_space<hbm>>) target_semaphore(%run_scoped3A : memref<!tpu.dma_semaphore, #tpu.memory_space<semaphore_mem>>)
          %dma_wait3A = arith.constant 7520 : i32
          %dma_wait3A_61 = arith.constant 0 : i32
          %dma_wait3A_62 = tpu.memref_slice %arg6[%dma_wait3A, %dma_wait3A_61] : memref<10000x512xf32, #tpu.memory_space<hbm>> -> memref<160x512xf32, #tpu.memory_space<hbm>>
          %dma_wait3A_63 = arith.constant 2400 : i32
          %dma_wait3A_64 = arith.constant 0 : i32
          %dma_wait3A_65 = tpu.memref_slice %arg17[%dma_wait3A_63, %dma_wait3A_64] : memref<2688x512xf32, #tpu.memory_space<vmem_shared>> -> memref<160x512xf32, #tpu.memory_space<vmem_shared>>
          tpu.wait_dma2 semaphore(%run_scoped3A : memref<!tpu.dma_semaphore, #tpu.memory_space<semaphore_mem>>) src(%dma_wait3A_65 : memref<160x512xf32, #tpu.memory_space<vmem_shared>>) dst(%dma_wait3A_62 : memref<160x512xf32, #tpu.memory_space<hbm>>)
          tpu.yield
        }) : () -> ()
      } else {
      }
    } else {
    }
    %barrier3A_19 = arith.constant 0 : index
    tpu.barrier barrier_id(%barrier3A_19)
    %mul3A_20 = arith.constant 168 : i32
    %mul3A_21 = arith.muli %arg1, %mul3A_20 : i32
    "tpu.region"() ({
      %run_scoped3A = tpu.sem_alloc : memref<!tpu.dma_semaphore, #tpu.memory_space<semaphore_mem>>
      %dma_start3A = arith.constant 0 : i32
      %dma_start3A_47 = tpu.memref_slice %arg17[%mul3A_21, %dma_start3A] : memref<2688x512xf32, #tpu.memory_space<vmem_shared>> -> memref<168x512xf32, #tpu.memory_space<vmem_shared>>
      tpu.enqueue_dma source(%arg5 : memref<168x512xf32, #tpu.memory_space<hbm>>) target(%dma_start3A_47 : memref<168x512xf32, #tpu.memory_space<vmem_shared>>) target_semaphore(%run_scoped3A : memref<!tpu.dma_semaphore, #tpu.memory_space<semaphore_mem>>)
      %dma_wait3A = arith.constant 0 : i32
      %dma_wait3A_48 = tpu.memref_slice %arg17[%mul3A_21, %dma_wait3A] : memref<2688x512xf32, #tpu.memory_space<vmem_shared>> -> memref<168x512xf32, #tpu.memory_space<vmem_shared>>
      tpu.wait_dma2 semaphore(%run_scoped3A : memref<!tpu.dma_semaphore, #tpu.memory_space<semaphore_mem>>) src(%arg5 : memref<168x512xf32, #tpu.memory_space<hbm>>) dst(%dma_wait3A_48 : memref<168x512xf32, #tpu.memory_space<vmem_shared>>)
      tpu.yield
    }) : () -> ()
    %barrier3A_22 = arith.constant 0 : index
    tpu.barrier barrier_id(%barrier3A_22)
    %mul3A_23 = arith.constant 2 : i32
    %mul3A_24 = arith.muli %arg0, %mul3A_23 : i32
    %add3A_25 = arith.constant 1 : i32
    %add3A_26 = arith.addi %mul3A_24, %add3A_25 : i32
    %mul3A_27 = arith.constant 2560 : i32
    %mul3A_28 = arith.muli %add3A_26, %mul3A_27 : i32
    %scan3A_29 = arith.constant 0 : i32
    %scan3A_30 = arith.constant 0 : i32
    %scan3A_31 = arith.constant 5 : i32
    %scan3A_32 = arith.addi %scan3A_30, %scan3A_31 : i32
    %scan3A_33 = arith.constant 1 : i32
    scf.for %scan3A_47 = %scan3A_30 to %scan3A_32 step %scan3A_33  : i32 {
      %mul3A_48 = arith.constant 20000 : i32
      %mul3A_49 = arith.muli %arg1, %mul3A_48 : i32
      %mul3A_50 = arith.constant 4000 : i32
      %mul3A_51 = arith.muli %scan3A_47, %mul3A_50 : i32
      %add3A_52 = arith.addi %mul3A_49, %mul3A_51 : i32
      "tpu.region"() ({
        %run_scoped3A = tpu.sem_alloc : memref<!tpu.dma_semaphore, #tpu.memory_space<semaphore_mem>>
        %dma_start3A = tpu.memref_slice %arg3[%add3A_52] : memref<320000xi32, #tpu.memory_space<hbm>> -> memref<4000xi32, #tpu.memory_space<hbm>>
        %dma_start3A_103 = tpu.memref_slice %arg3[%add3A_52] : memref<320000xi32, #tpu.memory_space<hbm>> -> memref<4000xi32, #tpu.memory_space<hbm>>
        tpu.enqueue_dma source(%dma_start3A_103 : memref<4000xi32, #tpu.memory_space<hbm>>) target(%arg7 : memref<4000xi32, #tpu.memory_space<vmem>>) target_semaphore(%run_scoped3A : memref<!tpu.dma_semaphore, #tpu.memory_space<semaphore_mem>>)
        %dma_wait3A = tpu.memref_slice %arg3[%add3A_52] : memref<320000xi32, #tpu.memory_space<hbm>> -> memref<4000xi32, #tpu.memory_space<hbm>>
        %dma_wait3A_104 = tpu.memref_slice %arg3[%add3A_52] : memref<320000xi32, #tpu.memory_space<hbm>> -> memref<4000xi32, #tpu.memory_space<hbm>>
        tpu.wait_dma2 semaphore(%run_scoped3A : memref<!tpu.dma_semaphore, #tpu.memory_space<semaphore_mem>>) src(%dma_wait3A_104 : memref<4000xi32, #tpu.memory_space<hbm>>) dst(%arg7 : memref<4000xi32, #tpu.memory_space<vmem>>)
        tpu.yield
      }) : () -> ()
      "tpu.region"() ({
        %run_scoped3A = tpu.sem_alloc : memref<!tpu.dma_semaphore, #tpu.memory_space<semaphore_mem>>
        %dma_start3A = tpu.memref_slice %arg2[%add3A_52] : memref<320000xi32, #tpu.memory_space<hbm>> -> memref<4000xi32, #tpu.memory_space<hbm>>
        %dma_start3A_103 = tpu.memref_slice %arg2[%add3A_52] : memref<320000xi32, #tpu.memory_space<hbm>> -> memref<4000xi32, #tpu.memory_space<hbm>>
        tpu.enqueue_dma source(%dma_start3A_103 : memref<4000xi32, #tpu.memory_space<hbm>>) target(%arg8 : memref<4000xi32, #tpu.memory_space<vmem>>) target_semaphore(%run_scoped3A : memref<!tpu.dma_semaphore, #tpu.memory_space<semaphore_mem>>)
        %dma_wait3A = tpu.memref_slice %arg2[%add3A_52] : memref<320000xi32, #tpu.memory_space<hbm>> -> memref<4000xi32, #tpu.memory_space<hbm>>
        %dma_wait3A_104 = tpu.memref_slice %arg2[%add3A_52] : memref<320000xi32, #tpu.memory_space<hbm>> -> memref<4000xi32, #tpu.memory_space<hbm>>
        tpu.wait_dma2 semaphore(%run_scoped3A : memref<!tpu.dma_semaphore, #tpu.memory_space<semaphore_mem>>) src(%dma_wait3A_104 : memref<4000xi32, #tpu.memory_space<hbm>>) dst(%arg8 : memref<4000xi32, #tpu.memory_space<vmem>>)
        tpu.yield
      }) : () -> ()
      %scan3A_53 = arith.constant 0 : i32
      %scan3A_54 = arith.constant 0 : i32
      %scan3A_55 = arith.constant 250 : i32
      %scan3A_56 = arith.addi %scan3A_54, %scan3A_55 : i32
      %scan3A_57 = arith.constant 1 : i32
      %scan3A_58 = scf.for %scan3A_103 = %scan3A_54 to %scan3A_56 step %scan3A_57 iter_args(%scan3A_104 = %scan3A_53) -> (i32)  : i32 {
        %mul3A_105 = arith.constant 16 : i32
        %mul3A_106 = arith.muli %scan3A_103, %mul3A_105 : i32
        %get3A = arith.index_cast %mul3A_106 : i32 to index
        %get3A_107 = tpu.vector_load %arg7[%get3A] {strides = array<i32>} : memref<4000xi32, #tpu.memory_space<vmem>>, vector<16xi32>,
        %mul3A_108 = arith.constant 16 : i32
        %mul3A_109 = arith.muli %scan3A_103, %mul3A_108 : i32
        %get3A_110 = arith.index_cast %mul3A_109 : i32 to index
        %get3A_111 = tpu.vector_load %arg8[%get3A_110] {strides = array<i32>} : memref<4000xi32, #tpu.memory_space<vmem>>, vector<16xi32>,
        %ge3A = vector.broadcast %mul3A_28 : i32 to vector<16xi32>
        %ge3A_112 = arith.cmpi sge, %get3A_107, %ge3A : vector<16xi32>
        %add3A_113 = arith.constant 2560 : i32
        %add3A_114 = arith.addi %mul3A_28, %add3A_113 : i32
        %lt3A = vector.broadcast %add3A_114 : i32 to vector<16xi32>
        %lt3A_115 = arith.cmpi slt, %get3A_107, %lt3A : vector<16xi32>
        %and3A_116 = arith.andi %ge3A_112, %lt3A_115 : vector<16xi1>
        %convert_element_type3A_117 = arith.extui %and3A_116 : vector<16xi1> to vector<16xi32>
        %broadcast_in_dim3A_118 = arith.constant true
        %broadcast_in_dim3A_119 = vector.broadcast %broadcast_in_dim3A_118 : i1 to vector<16xi1>
        %masked_cumsum3A = tpu.scan <sum>, %convert_element_type3A_117 masked %broadcast_in_dim3A_119 : vector<16xi32>, vector<16xi1> -> vector<16xi32>
        %add3A_120 = vector.broadcast %scan3A_104 : i32 to vector<16xi32>
        %add3A_121 = arith.addi %add3A_120, %masked_cumsum3A : vector<16xi32>
        %sub3A_122 = arith.constant 1 : i32
        %sub3A_123 = vector.broadcast %sub3A_122 : i32 to vector<16xi32>
        %sub3A_124 = arith.subi %add3A_121, %sub3A_123 : vector<16xi32>
        %jit3A_125 = arith.constant 4064 : i32
        %broadcast_in_dim3A_126 = vector.broadcast %jit3A_125 : i32 to vector<16xi32>
        %select_n3A_127 = arith.select %and3A_116, %sub3A_124, %broadcast_in_dim3A_126 : vector<16xi1>, vector<16xi32>
        %sub3A_128 = vector.broadcast %mul3A_28 : i32 to vector<16xi32>
        %sub3A_129 = arith.subi %get3A_107, %sub3A_128 : vector<16xi32>
        tpu.vector_store_idx %arg9[%select_n3A_127], %sub3A_129 : memref<4080xi32, #tpu.memory_space<vmem>>[vector<16xi32>], vector<16xi32>,
        tpu.vector_store_idx %arg10[%select_n3A_127], %get3A_111 : memref<4080xi32, #tpu.memory_space<vmem>>[vector<16xi32>], vector<16xi32>,
        %reduce_max3A = arith.constant true
        %reduce_max3A_130 = vector.broadcast %reduce_max3A : i1 to vector<16xi1>
        %reduce_max3A_131 = arith.constant -2147483648 : i32
        %reduce_max3A_132 = vector.broadcast %reduce_max3A_131 : i32 to vector<16xi32>
        %reduce_max3A_133 = arith.xori %masked_cumsum3A, %reduce_max3A_132 : vector<16xi32>
        %reduce_max3A_134 = tpu.scan <max>, %reduce_max3A_133 masked %reduce_max3A_130 : vector<16xi32>, vector<16xi1> -> vector<16xi32>
        %reduce_max3A_135 = arith.xori %reduce_max3A_134, %reduce_max3A_132 : vector<16xi32>
        %reduce_max3A_136 = vector.extract %reduce_max3A_135[15] : i32 from vector<16xi32>
        %add3A_137 = arith.addi %scan3A_104, %reduce_max3A_136 : i32
        scf.yield %add3A_137 : i32
      }
      %scan3A_59 = arith.constant 250 : i32
      %add3A_60 = arith.constant 0 : i32
      %add3A_61 = arith.addi %scan3A_58, %add3A_60 : i32
      %iota3A = tpu.iota {dimensions = array<i32: 0>} : vector<16xi32>
      %add3A_62 = vector.broadcast %add3A_61 : i32 to vector<16xi32>
      %add3A_63 = arith.addi %add3A_62, %iota3A : vector<16xi32>
      %broadcast_in_dim3A = arith.constant 2560 : i32
      %broadcast_in_dim3A_64 = vector.broadcast %broadcast_in_dim3A : i32 to vector<16xi32>
      tpu.vector_store_idx %arg9[%add3A_63], %broadcast_in_dim3A_64 : memref<4080xi32, #tpu.memory_space<vmem>>[vector<16xi32>], vector<16xi32>,
      %broadcast_in_dim3A_65 = arith.constant 0 : i32
      %broadcast_in_dim3A_66 = vector.broadcast %broadcast_in_dim3A_65 : i32 to vector<16xi32>
      tpu.vector_store_idx %arg10[%add3A_63], %broadcast_in_dim3A_66 : memref<4080xi32, #tpu.memory_space<vmem>>[vector<16xi32>], vector<16xi32>,
      %add3A_67 = arith.constant 16 : i32
      %add3A_68 = arith.addi %scan3A_58, %add3A_67 : i32
      %iota3A_69 = tpu.iota {dimensions = array<i32: 0>} : vector<16xi32>
      %add3A_70 = vector.broadcast %add3A_68 : i32 to vector<16xi32>
      %add3A_71 = arith.addi %add3A_70, %iota3A_69 : vector<16xi32>
      %broadcast_in_dim3A_72 = arith.constant 2560 : i32
      %broadcast_in_dim3A_73 = vector.broadcast %broadcast_in_dim3A_72 : i32 to vector<16xi32>
      tpu.vector_store_idx %arg9[%add3A_71], %broadcast_in_dim3A_73 : memref<4080xi32, #tpu.memory_space<vmem>>[vector<16xi32>], vector<16xi32>,
      %broadcast_in_dim3A_74 = arith.constant 0 : i32
      %broadcast_in_dim3A_75 = vector.broadcast %broadcast_in_dim3A_74 : i32 to vector<16xi32>
      tpu.vector_store_idx %arg10[%add3A_71], %broadcast_in_dim3A_75 : memref<4080xi32, #tpu.memory_space<vmem>>[vector<16xi32>], vector<16xi32>,
      %add3A_76 = arith.constant 31 : i32
      %add3A_77 = arith.addi %scan3A_58, %add3A_76 : i32
      %jit3A = arith.constant 32 : i32
      %div3A = arith.divsi %add3A_77, %jit3A : i32
      %sign3A = arith.constant 0 : i32
      %sign3A_78 = arith.cmpi sgt, %add3A_77, %sign3A : i32
      %sign3A_79 = arith.extui %sign3A_78 : i1 to i32
      %sign3A_80 = arith.constant 0 : i32
      %sign3A_81 = arith.cmpi slt, %add3A_77, %sign3A_80 : i32
      %sign3A_82 = arith.extui %sign3A_81 : i1 to i32
      %sign3A_83 = arith.subi %sign3A_79, %sign3A_82 : i32
      %sign3A_84 = arith.constant 0 : i32
      %sign3A_85 = arith.cmpi sgt, %jit3A, %sign3A_84 : i32
      %sign3A_86 = arith.extui %sign3A_85 : i1 to i32
      %sign3A_87 = arith.constant 0 : i32
      %sign3A_88 = arith.cmpi slt, %jit3A, %sign3A_87 : i32
      %sign3A_89 = arith.extui %sign3A_88 : i1 to i32
      %sign3A_90 = arith.subi %sign3A_86, %sign3A_89 : i32
      %ne3A = arith.cmpi ne, %sign3A_83, %sign3A_90 : i32
      %rem3A = arith.remsi %add3A_77, %jit3A : i32
      %ne3A_91 = arith.constant 0 : i32
      %ne3A_92 = arith.cmpi ne, %rem3A, %ne3A_91 : i32
      %and3A = arith.andi %ne3A, %ne3A_92 : i1
      %sub3A = arith.constant 1 : i32
      %sub3A_93 = arith.subi %div3A, %sub3A : i32
      %select_n3A = arith.select %and3A, %sub3A_93, %div3A : i32
      %while3A = arith.constant 0 : i32
      %while3A_94 = arith.constant 0 : i32
      %while3A_95 = arith.subi %select_n3A, %while3A_94 : i32
      %while3A_96 = arith.addi %while3A_94, %while3A_95 : i32
      %while3A_97 = arith.constant 1 : i32
      %while3A_98 = arith.divsi %while3A_95, %while3A_97 : i32
      %while3A_99 = arith.muli %while3A_98, %while3A_97 : i32
      %while3A_100 = arith.addi %while3A_94, %while3A_99 : i32
      %while3A_101 = arith.constant 1 : i32
      scf.for %while3A_103 = %while3A_94 to %while3A_100 step %while3A_101  : i32 {
        %mul3A_104 = arith.constant 32 : i32
        %mul3A_105 = arith.muli %while3A_103, %mul3A_104 : i32
        %add3A_106 = arith.constant 0 : i32
        %add3A_107 = arith.addi %mul3A_105, %add3A_106 : i32
        %add3A_108 = arith.constant 0 : i32
        %add3A_109 = arith.addi %add3A_107, %add3A_108 : i32
        %get3A = arith.index_cast %add3A_109 : i32 to index
        %get3A_110 = tpu.vector_load %arg9[%get3A] {strides = array<i32>} : memref<4080xi32, #tpu.memory_space<vmem>>, vector<16xi32>,
        %swap3A = arith.constant 0 : index
        %swap3A_111 = tpu.vector_load %arg11[%swap3A] {strides = array<i32>} : memref<16xi32, #tpu.memory_space<vmem>>, vector<16xi32>,
        tpu.vector_store %arg11[%swap3A], %get3A_110 {strides = array<i32>} : memref<16xi32, #tpu.memory_space<vmem>>, vector<16xi32>,
        %get3A_112 = arith.index_cast %add3A_109 : i32 to index
        %get3A_113 = tpu.vector_load %arg10[%get3A_112] {strides = array<i32>} : memref<4080xi32, #tpu.memory_space<vmem>>, vector<16xi32>,
        %swap3A_114 = arith.constant 0 : index
        %swap3A_115 = tpu.vector_load %arg13[%swap3A_114] {strides = array<i32>} : memref<16xi32, #tpu.memory_space<vmem>>, vector<16xi32>,
        tpu.vector_store %arg13[%swap3A_114], %get3A_113 {strides = array<i32>} : memref<16xi32, #tpu.memory_space<vmem>>, vector<16xi32>,
        %dma_start3A = arith.constant 0 : i32
        %dma_start3A_116 = arith.constant 0 : i32
        %dma_start3A_117 = tpu.memref_slice %arg4[%dma_start3A, %dma_start3A_116] : memref<10000x512xf32, #tpu.memory_space<hbm>> -> memref<10000x512xf32, #tpu.memory_space<hbm>>
        tpu.enqueue_indirect_dma source(%dma_start3A_117 : memref<10000x512xf32, #tpu.memory_space<hbm>>) target(%arg15 : memref<16x512xf32, #tpu.memory_space<vmem>>) offsets(%arg13 : memref<16xi32, #tpu.memory_space<vmem>>) semaphore(%arg18 : memref<!tpu.dma_semaphore, #tpu.memory_space<semaphore_mem>>)
        %mul3A_118 = arith.constant 32 : i32
        %mul3A_119 = arith.muli %while3A_103, %mul3A_118 : i32
        %add3A_120 = arith.constant 16 : i32
        %add3A_121 = arith.addi %mul3A_119, %add3A_120 : i32
        %add3A_122 = arith.constant 0 : i32
        %add3A_123 = arith.addi %add3A_121, %add3A_122 : i32
        %get3A_124 = arith.index_cast %add3A_123 : i32 to index
        %get3A_125 = tpu.vector_load %arg9[%get3A_124] {strides = array<i32>} : memref<4080xi32, #tpu.memory_space<vmem>>, vector<16xi32>,
        %swap3A_126 = arith.constant 0 : index
        %swap3A_127 = tpu.vector_load %arg12[%swap3A_126] {strides = array<i32>} : memref<16xi32, #tpu.memory_space<vmem>>, vector<16xi32>,
        tpu.vector_store %arg12[%swap3A_126], %get3A_125 {strides = array<i32>} : memref<16xi32, #tpu.memory_space<vmem>>, vector<16xi32>,
        %get3A_128 = arith.index_cast %add3A_123 : i32 to index
        %get3A_129 = tpu.vector_load %arg10[%get3A_128] {strides = array<i32>} : memref<4080xi32, #tpu.memory_space<vmem>>, vector<16xi32>,
        %swap3A_130 = arith.constant 0 : index
        %swap3A_131 = tpu.vector_load %arg14[%swap3A_130] {strides = array<i32>} : memref<16xi32, #tpu.memory_space<vmem>>, vector<16xi32>,
        tpu.vector_store %arg14[%swap3A_130], %get3A_129 {strides = array<i32>} : memref<16xi32, #tpu.memory_space<vmem>>, vector<16xi32>,
        %dma_start3A_132 = arith.constant 0 : i32
        %dma_start3A_133 = arith.constant 0 : i32
        %dma_start3A_134 = tpu.memref_slice %arg4[%dma_start3A_132, %dma_start3A_133] : memref<10000x512xf32, #tpu.memory_space<hbm>> -> memref<10000x512xf32, #tpu.memory_space<hbm>>
        tpu.enqueue_indirect_dma source(%dma_start3A_134 : memref<10000x512xf32, #tpu.memory_space<hbm>>) target(%arg16 : memref<16x512xf32, #tpu.memory_space<vmem>>) offsets(%arg14 : memref<16xi32, #tpu.memory_space<vmem>>) semaphore(%arg19 : memref<!tpu.dma_semaphore, #tpu.memory_space<semaphore_mem>>)
        %dma_wait3A = arith.constant 0 : i32
        %dma_wait3A_135 = arith.constant 0 : i32
        %dma_wait3A_136 = tpu.memref_slice %arg4[%dma_wait3A, %dma_wait3A_135] : memref<10000x512xf32, #tpu.memory_space<hbm>> -> memref<10000x512xf32, #tpu.memory_space<hbm>>
        tpu.wait_indirect_dma semaphore(%arg18 : memref<!tpu.dma_semaphore, #tpu.memory_space<semaphore_mem>>) src(%dma_wait3A_136 : memref<10000x512xf32, #tpu.memory_space<hbm>>) dst(%arg15 : memref<16x512xf32, #tpu.memory_space<vmem>>)
        "tpu.region"() ({
          %run_scoped3A = tpu.sem_alloc : memref<!tpu.dma_semaphore, #tpu.memory_space<semaphore_mem>>
          %dma_start3A_140 = arith.constant 0 : i32
          %dma_start3A_141 = arith.constant 0 : i32
          %dma_start3A_142 = tpu.memref_slice %arg17[%dma_start3A_140, %dma_start3A_141] : memref<2688x512xf32, #tpu.memory_space<vmem_shared>> -> memref<2688x512xf32, #tpu.memory_space<vmem_shared>>
          tpu.enqueue_indirect_dma source(%arg15 : memref<16x512xf32, #tpu.memory_space<vmem>>) target(%dma_start3A_142 : memref<2688x512xf32, #tpu.memory_space<vmem_shared>>) offsets(%arg11 : memref<16xi32, #tpu.memory_space<vmem>>) semaphore(%run_scoped3A : memref<!tpu.dma_semaphore, #tpu.memory_space<semaphore_mem>>) {add = true}
          %dma_wait3A_143 = arith.constant 0 : i32
          %dma_wait3A_144 = arith.constant 0 : i32
          %dma_wait3A_145 = tpu.memref_slice %arg17[%dma_wait3A_143, %dma_wait3A_144] : memref<2688x512xf32, #tpu.memory_space<vmem_shared>> -> memref<2688x512xf32, #tpu.memory_space<vmem_shared>>
          tpu.wait_indirect_dma semaphore(%run_scoped3A : memref<!tpu.dma_semaphore, #tpu.memory_space<semaphore_mem>>) src(%arg15 : memref<16x512xf32, #tpu.memory_space<vmem>>) dst(%dma_wait3A_145 : memref<2688x512xf32, #tpu.memory_space<vmem_shared>>)
          tpu.yield
        }) : () -> ()
        %dma_wait3A_137 = arith.constant 0 : i32
        %dma_wait3A_138 = arith.constant 0 : i32
        %dma_wait3A_139 = tpu.memref_slice %arg4[%dma_wait3A_137, %dma_wait3A_138] : memref<10000x512xf32, #tpu.memory_space<hbm>> -> memref<10000x512xf32, #tpu.memory_space<hbm>>
        tpu.wait_indirect_dma semaphore(%arg19 : memref<!tpu.dma_semaphore, #tpu.memory_space<semaphore_mem>>) src(%dma_wait3A_139 : memref<10000x512xf32, #tpu.memory_space<hbm>>) dst(%arg16 : memref<16x512xf32, #tpu.memory_space<vmem>>)
        "tpu.region"() ({
          %run_scoped3A = tpu.sem_alloc : memref<!tpu.dma_semaphore, #tpu.memory_space<semaphore_mem>>
          %dma_start3A_140 = arith.constant 0 : i32
          %dma_start3A_141 = arith.constant 0 : i32
          %dma_start3A_142 = tpu.memref_slice %arg17[%dma_start3A_140, %dma_start3A_141] : memref<2688x512xf32, #tpu.memory_space<vmem_shared>> -> memref<2688x512xf32, #tpu.memory_space<vmem_shared>>
          tpu.enqueue_indirect_dma source(%arg16 : memref<16x512xf32, #tpu.memory_space<vmem>>) target(%dma_start3A_142 : memref<2688x512xf32, #tpu.memory_space<vmem_shared>>) offsets(%arg12 : memref<16xi32, #tpu.memory_space<vmem>>) semaphore(%run_scoped3A : memref<!tpu.dma_semaphore, #tpu.memory_space<semaphore_mem>>) {add = true}
          %dma_wait3A_143 = arith.constant 0 : i32
          %dma_wait3A_144 = arith.constant 0 : i32
          %dma_wait3A_145 = tpu.memref_slice %arg17[%dma_wait3A_143, %dma_wait3A_144] : memref<2688x512xf32, #tpu.memory_space<vmem_shared>> -> memref<2688x512xf32, #tpu.memory_space<vmem_shared>>
          tpu.wait_indirect_dma semaphore(%run_scoped3A : memref<!tpu.dma_semaphore, #tpu.memory_space<semaphore_mem>>) src(%arg16 : memref<16x512xf32, #tpu.memory_space<vmem>>) dst(%dma_wait3A_145 : memref<2688x512xf32, #tpu.memory_space<vmem_shared>>)
          tpu.yield
        }) : () -> ()
      }
      %while3A_102 = arith.constant 1 : i32
      scf.for %while3A_103 = %while3A_100 to %while3A_96 step %while3A_102  : i32 {
        %mul3A_104 = arith.constant 32 : i32
        %mul3A_105 = arith.muli %while3A_103, %mul3A_104 : i32
        %add3A_106 = arith.constant 0 : i32
        %add3A_107 = arith.addi %mul3A_105, %add3A_106 : i32
        %add3A_108 = arith.constant 0 : i32
        %add3A_109 = arith.addi %add3A_107, %add3A_108 : i32
        %get3A = arith.index_cast %add3A_109 : i32 to index
        %get3A_110 = tpu.vector_load %arg9[%get3A] {strides = array<i32>} : memref<4080xi32, #tpu.memory_space<vmem>>, vector<16xi32>,
        %swap3A = arith.constant 0 : index
        %swap3A_111 = tpu.vector_load %arg11[%swap3A] {strides = array<i32>} : memref<16xi32, #tpu.memory_space<vmem>>, vector<16xi32>,
        tpu.vector_store %arg11[%swap3A], %get3A_110 {strides = array<i32>} : memref<16xi32, #tpu.memory_space<vmem>>, vector<16xi32>,
        %get3A_112 = arith.index_cast %add3A_109 : i32 to index
        %get3A_113 = tpu.vector_load %arg10[%get3A_112] {strides = array<i32>} : memref<4080xi32, #tpu.memory_space<vmem>>, vector<16xi32>,
        %swap3A_114 = arith.constant 0 : index
        %swap3A_115 = tpu.vector_load %arg13[%swap3A_114] {strides = array<i32>} : memref<16xi32, #tpu.memory_space<vmem>>, vector<16xi32>,
        tpu.vector_store %arg13[%swap3A_114], %get3A_113 {strides = array<i32>} : memref<16xi32, #tpu.memory_space<vmem>>, vector<16xi32>,
        %dma_start3A = arith.constant 0 : i32
        %dma_start3A_116 = arith.constant 0 : i32
        %dma_start3A_117 = tpu.memref_slice %arg4[%dma_start3A, %dma_start3A_116] : memref<10000x512xf32, #tpu.memory_space<hbm>> -> memref<10000x512xf32, #tpu.memory_space<hbm>>
        tpu.enqueue_indirect_dma source(%dma_start3A_117 : memref<10000x512xf32, #tpu.memory_space<hbm>>) target(%arg15 : memref<16x512xf32, #tpu.memory_space<vmem>>) offsets(%arg13 : memref<16xi32, #tpu.memory_space<vmem>>) semaphore(%arg18 : memref<!tpu.dma_semaphore, #tpu.memory_space<semaphore_mem>>)
        %mul3A_118 = arith.constant 32 : i32
        %mul3A_119 = arith.muli %while3A_103, %mul3A_118 : i32
        %add3A_120 = arith.constant 16 : i32
        %add3A_121 = arith.addi %mul3A_119, %add3A_120 : i32
        %add3A_122 = arith.constant 0 : i32
        %add3A_123 = arith.addi %add3A_121, %add3A_122 : i32
        %get3A_124 = arith.index_cast %add3A_123 : i32 to index
        %get3A_125 = tpu.vector_load %arg9[%get3A_124] {strides = array<i32>} : memref<4080xi32, #tpu.memory_space<vmem>>, vector<16xi32>,
        %swap3A_126 = arith.constant 0 : index
        %swap3A_127 = tpu.vector_load %arg12[%swap3A_126] {strides = array<i32>} : memref<16xi32, #tpu.memory_space<vmem>>, vector<16xi32>,
        tpu.vector_store %arg12[%swap3A_126], %get3A_125 {strides = array<i32>} : memref<16xi32, #tpu.memory_space<vmem>>, vector<16xi32>,
        %get3A_128 = arith.index_cast %add3A_123 : i32 to index
        %get3A_129 = tpu.vector_load %arg10[%get3A_128] {strides = array<i32>} : memref<4080xi32, #tpu.memory_space<vmem>>, vector<16xi32>,
        %swap3A_130 = arith.constant 0 : index
        %swap3A_131 = tpu.vector_load %arg14[%swap3A_130] {strides = array<i32>} : memref<16xi32, #tpu.memory_space<vmem>>, vector<16xi32>,
        tpu.vector_store %arg14[%swap3A_130], %get3A_129 {strides = array<i32>} : memref<16xi32, #tpu.memory_space<vmem>>, vector<16xi32>,
        %dma_start3A_132 = arith.constant 0 : i32
        %dma_start3A_133 = arith.constant 0 : i32
        %dma_start3A_134 = tpu.memref_slice %arg4[%dma_start3A_132, %dma_start3A_133] : memref<10000x512xf32, #tpu.memory_space<hbm>> -> memref<10000x512xf32, #tpu.memory_space<hbm>>
        tpu.enqueue_indirect_dma source(%dma_start3A_134 : memref<10000x512xf32, #tpu.memory_space<hbm>>) target(%arg16 : memref<16x512xf32, #tpu.memory_space<vmem>>) offsets(%arg14 : memref<16xi32, #tpu.memory_space<vmem>>) semaphore(%arg19 : memref<!tpu.dma_semaphore, #tpu.memory_space<semaphore_mem>>)
        %dma_wait3A = arith.constant 0 : i32
        %dma_wait3A_135 = arith.constant 0 : i32
        %dma_wait3A_136 = tpu.memref_slice %arg4[%dma_wait3A, %dma_wait3A_135] : memref<10000x512xf32, #tpu.memory_space<hbm>> -> memref<10000x512xf32, #tpu.memory_space<hbm>>
        tpu.wait_indirect_dma semaphore(%arg18 : memref<!tpu.dma_semaphore, #tpu.memory_space<semaphore_mem>>) src(%dma_wait3A_136 : memref<10000x512xf32, #tpu.memory_space<hbm>>) dst(%arg15 : memref<16x512xf32, #tpu.memory_space<vmem>>)
        "tpu.region"() ({
          %run_scoped3A = tpu.sem_alloc : memref<!tpu.dma_semaphore, #tpu.memory_space<semaphore_mem>>
          %dma_start3A_140 = arith.constant 0 : i32
          %dma_start3A_141 = arith.constant 0 : i32
          %dma_start3A_142 = tpu.memref_slice %arg17[%dma_start3A_140, %dma_start3A_141] : memref<2688x512xf32, #tpu.memory_space<vmem_shared>> -> memref<2688x512xf32, #tpu.memory_space<vmem_shared>>
          tpu.enqueue_indirect_dma source(%arg15 : memref<16x512xf32, #tpu.memory_space<vmem>>) target(%dma_start3A_142 : memref<2688x512xf32, #tpu.memory_space<vmem_shared>>) offsets(%arg11 : memref<16xi32, #tpu.memory_space<vmem>>) semaphore(%run_scoped3A : memref<!tpu.dma_semaphore, #tpu.memory_space<semaphore_mem>>) {add = true}
          %dma_wait3A_143 = arith.constant 0 : i32
          %dma_wait3A_144 = arith.constant 0 : i32
          %dma_wait3A_145 = tpu.memref_slice %arg17[%dma_wait3A_143, %dma_wait3A_144] : memref<2688x512xf32, #tpu.memory_space<vmem_shared>> -> memref<2688x512xf32, #tpu.memory_space<vmem_shared>>
          tpu.wait_indirect_dma semaphore(%run_scoped3A : memref<!tpu.dma_semaphore, #tpu.memory_space<semaphore_mem>>) src(%arg15 : memref<16x512xf32, #tpu.memory_space<vmem>>) dst(%dma_wait3A_145 : memref<2688x512xf32, #tpu.memory_space<vmem_shared>>)
          tpu.yield
        }) : () -> ()
        %dma_wait3A_137 = arith.constant 0 : i32
        %dma_wait3A_138 = arith.constant 0 : i32
        %dma_wait3A_139 = tpu.memref_slice %arg4[%dma_wait3A_137, %dma_wait3A_138] : memref<10000x512xf32, #tpu.memory_space<hbm>> -> memref<10000x512xf32, #tpu.memory_space<hbm>>
        tpu.wait_indirect_dma semaphore(%arg19 : memref<!tpu.dma_semaphore, #tpu.memory_space<semaphore_mem>>) src(%dma_wait3A_139 : memref<10000x512xf32, #tpu.memory_space<hbm>>) dst(%arg16 : memref<16x512xf32, #tpu.memory_space<vmem>>)
        "tpu.region"() ({
          %run_scoped3A = tpu.sem_alloc : memref<!tpu.dma_semaphore, #tpu.memory_space<semaphore_mem>>
          %dma_start3A_140 = arith.constant 0 : i32
          %dma_start3A_141 = arith.constant 0 : i32
          %dma_start3A_142 = tpu.memref_slice %arg17[%dma_start3A_140, %dma_start3A_141] : memref<2688x512xf32, #tpu.memory_space<vmem_shared>> -> memref<2688x512xf32, #tpu.memory_space<vmem_shared>>
          tpu.enqueue_indirect_dma source(%arg16 : memref<16x512xf32, #tpu.memory_space<vmem>>) target(%dma_start3A_142 : memref<2688x512xf32, #tpu.memory_space<vmem_shared>>) offsets(%arg12 : memref<16xi32, #tpu.memory_space<vmem>>) semaphore(%run_scoped3A : memref<!tpu.dma_semaphore, #tpu.memory_space<semaphore_mem>>) {add = true}
          %dma_wait3A_143 = arith.constant 0 : i32
          %dma_wait3A_144 = arith.constant 0 : i32
          %dma_wait3A_145 = tpu.memref_slice %arg17[%dma_wait3A_143, %dma_wait3A_144] : memref<2688x512xf32, #tpu.memory_space<vmem_shared>> -> memref<2688x512xf32, #tpu.memory_space<vmem_shared>>
          tpu.wait_indirect_dma semaphore(%run_scoped3A : memref<!tpu.dma_semaphore, #tpu.memory_space<semaphore_mem>>) src(%arg16 : memref<16x512xf32, #tpu.memory_space<vmem>>) dst(%dma_wait3A_145 : memref<2688x512xf32, #tpu.memory_space<vmem_shared>>)
          tpu.yield
        }) : () -> ()
      }
    }
    %scan3A_34 = arith.constant 5 : i32
    %barrier3A_35 = arith.constant 0 : index
    tpu.barrier barrier_id(%barrier3A_35)
    %eq3A_36 = arith.constant 0 : i32
    %eq3A_37 = arith.cmpi eq, %arg0, %eq3A_36 : i32
    %convert_element_type3A_38 = arith.extui %eq3A_37 : i1 to i32
    %cond3A_39 = arith.constant 0 : i32
    %cond3A_40 = arith.cmpi ne, %convert_element_type3A_38, %cond3A_39 : i32
    scf.if %cond3A_40 {
      %lt3A = arith.constant 15 : i32
      %lt3A_47 = arith.cmpi slt, %arg1, %lt3A : i32
      %convert_element_type3A_48 = arith.extui %lt3A_47 : i1 to i32
      %cond3A_49 = arith.constant 0 : i32
      %cond3A_50 = arith.cmpi ne, %convert_element_type3A_48, %cond3A_49 : i32
      scf.if %cond3A_50 {
        %mul3A_56 = arith.constant 160 : i32
        %mul3A_57 = arith.muli %arg1, %mul3A_56 : i32
        %mul3A_58 = arith.constant 160 : i32
        %mul3A_59 = arith.muli %arg1, %mul3A_58 : i32
        %add3A_60 = arith.constant 2560 : i32
        %add3A_61 = arith.addi %add3A_60, %mul3A_59 : i32
        "tpu.region"() ({
          %run_scoped3A = tpu.sem_alloc : memref<!tpu.dma_semaphore, #tpu.memory_space<semaphore_mem>>
          %dma_start3A = arith.constant 0 : i32
          %dma_start3A_62 = tpu.memref_slice %arg6[%add3A_61, %dma_start3A] : memref<10000x512xf32, #tpu.memory_space<hbm>> -> memref<160x512xf32, #tpu.memory_space<hbm>>
          %dma_start3A_63 = arith.constant 0 : i32
          %dma_start3A_64 = tpu.memref_slice %arg17[%mul3A_57, %dma_start3A_63] : memref<2688x512xf32, #tpu.memory_space<vmem_shared>> -> memref<160x512xf32, #tpu.memory_space<vmem_shared>>
          tpu.enqueue_dma source(%dma_start3A_64 : memref<160x512xf32, #tpu.memory_space<vmem_shared>>) target(%dma_start3A_62 : memref<160x512xf32, #tpu.memory_space<hbm>>) target_semaphore(%run_scoped3A : memref<!tpu.dma_semaphore, #tpu.memory_space<semaphore_mem>>)
          %dma_wait3A = arith.constant 0 : i32
          %dma_wait3A_65 = tpu.memref_slice %arg6[%add3A_61, %dma_wait3A] : memref<10000x512xf32, #tpu.memory_space<hbm>> -> memref<160x512xf32, #tpu.memory_space<hbm>>
          %dma_wait3A_66 = arith.constant 0 : i32
          %dma_wait3A_67 = tpu.memref_slice %arg17[%mul3A_57, %dma_wait3A_66] : memref<2688x512xf32, #tpu.memory_space<vmem_shared>> -> memref<160x512xf32, #tpu.memory_space<vmem_shared>>
          tpu.wait_dma2 semaphore(%run_scoped3A : memref<!tpu.dma_semaphore, #tpu.memory_space<semaphore_mem>>) src(%dma_wait3A_67 : memref<160x512xf32, #tpu.memory_space<vmem_shared>>) dst(%dma_wait3A_65 : memref<160x512xf32, #tpu.memory_space<hbm>>)
          tpu.yield
        }) : () -> ()
      } else {
      }
      %eq3A_51 = arith.constant 15 : i32
      %eq3A_52 = arith.cmpi eq, %arg1, %eq3A_51 : i32
      %convert_element_type3A_53 = arith.extui %eq3A_52 : i1 to i32
      %cond3A_54 = arith.constant 0 : i32
      %cond3A_55 = arith.cmpi ne, %convert_element_type3A_53, %cond3A_54 : i32
      scf.if %cond3A_55 {
        "tpu.region"() ({
          %run_scoped3A = tpu.sem_alloc : memref<!tpu.dma_semaphore, #tpu.memory_space<semaphore_mem>>
          %dma_start3A = arith.constant 4960 : i32
          %dma_start3A_56 = arith.constant 0 : i32
          %dma_start3A_57 = tpu.memref_slice %arg6[%dma_start3A, %dma_start3A_56] : memref<10000x512xf32, #tpu.memory_space<hbm>> -> memref<160x512xf32, #tpu.memory_space<hbm>>
          %dma_start3A_58 = arith.constant 2400 : i32
          %dma_start3A_59 = arith.constant 0 : i32
          %dma_start3A_60 = tpu.memref_slice %arg17[%dma_start3A_58, %dma_start3A_59] : memref<2688x512xf32, #tpu.memory_space<vmem_shared>> -> memref<160x512xf32, #tpu.memory_space<vmem_shared>>
          tpu.enqueue_dma source(%dma_start3A_60 : memref<160x512xf32, #tpu.memory_space<vmem_shared>>) target(%dma_start3A_57 : memref<160x512xf32, #tpu.memory_space<hbm>>) target_semaphore(%run_scoped3A : memref<!tpu.dma_semaphore, #tpu.memory_space<semaphore_mem>>)
          %dma_wait3A = arith.constant 4960 : i32
          %dma_wait3A_61 = arith.constant 0 : i32
          %dma_wait3A_62 = tpu.memref_slice %arg6[%dma_wait3A, %dma_wait3A_61] : memref<10000x512xf32, #tpu.memory_space<hbm>> -> memref<160x512xf32, #tpu.memory_space<hbm>>
          %dma_wait3A_63 = arith.constant 2400 : i32
          %dma_wait3A_64 = arith.constant 0 : i32
          %dma_wait3A_65 = tpu.memref_slice %arg17[%dma_wait3A_63, %dma_wait3A_64] : memref<2688x512xf32, #tpu.memory_space<vmem_shared>> -> memref<160x512xf32, #tpu.memory_space<vmem_shared>>
          tpu.wait_dma2 semaphore(%run_scoped3A : memref<!tpu.dma_semaphore, #tpu.memory_space<semaphore_mem>>) src(%dma_wait3A_65 : memref<160x512xf32, #tpu.memory_space<vmem_shared>>) dst(%dma_wait3A_62 : memref<160x512xf32, #tpu.memory_space<hbm>>)
          tpu.yield
        }) : () -> ()
      } else {
      }
    } else {
    }
    %eq3A_41 = arith.constant 1 : i32
    %eq3A_42 = arith.cmpi eq, %arg0, %eq3A_41 : i32
    %convert_element_type3A_43 = arith.extui %eq3A_42 : i1 to i32
    %cond3A_44 = arith.constant 0 : i32
    %cond3A_45 = arith.cmpi ne, %convert_element_type3A_43, %cond3A_44 : i32
    scf.if %cond3A_45 {
      %lt3A = arith.constant 15 : i32
      %lt3A_47 = arith.cmpi slt, %arg1, %lt3A : i32
      %convert_element_type3A_48 = arith.extui %lt3A_47 : i1 to i32
      %cond3A_49 = arith.constant 0 : i32
      %cond3A_50 = arith.cmpi ne, %convert_element_type3A_48, %cond3A_49 : i32
      scf.if %cond3A_50 {
        %mul3A_56 = arith.constant 144 : i32
        %mul3A_57 = arith.muli %arg1, %mul3A_56 : i32
        %mul3A_58 = arith.constant 144 : i32
        %mul3A_59 = arith.muli %arg1, %mul3A_58 : i32
        %add3A_60 = arith.constant 7680 : i32
        %add3A_61 = arith.addi %add3A_60, %mul3A_59 : i32
        "tpu.region"() ({
          %run_scoped3A = tpu.sem_alloc : memref<!tpu.dma_semaphore, #tpu.memory_space<semaphore_mem>>
          %dma_start3A = arith.constant 0 : i32
          %dma_start3A_62 = tpu.memref_slice %arg6[%add3A_61, %dma_start3A] : memref<10000x512xf32, #tpu.memory_space<hbm>> -> memref<144x512xf32, #tpu.memory_space<hbm>>
          %dma_start3A_63 = arith.constant 0 : i32
          %dma_start3A_64 = tpu.memref_slice %arg17[%mul3A_57, %dma_start3A_63] : memref<2688x512xf32, #tpu.memory_space<vmem_shared>> -> memref<144x512xf32, #tpu.memory_space<vmem_shared>>
          tpu.enqueue_dma source(%dma_start3A_64 : memref<144x512xf32, #tpu.memory_space<vmem_shared>>) target(%dma_start3A_62 : memref<144x512xf32, #tpu.memory_space<hbm>>) target_semaphore(%run_scoped3A : memref<!tpu.dma_semaphore, #tpu.memory_space<semaphore_mem>>)
          %dma_wait3A = arith.constant 0 : i32
          %dma_wait3A_65 = tpu.memref_slice %arg6[%add3A_61, %dma_wait3A] : memref<10000x512xf32, #tpu.memory_space<hbm>> -> memref<144x512xf32, #tpu.memory_space<hbm>>
          %dma_wait3A_66 = arith.constant 0 : i32
          %dma_wait3A_67 = tpu.memref_slice %arg17[%mul3A_57, %dma_wait3A_66] : memref<2688x512xf32, #tpu.memory_space<vmem_shared>> -> memref<144x512xf32, #tpu.memory_space<vmem_shared>>
          tpu.wait_dma2 semaphore(%run_scoped3A : memref<!tpu.dma_semaphore, #tpu.memory_space<semaphore_mem>>) src(%dma_wait3A_67 : memref<144x512xf32, #tpu.memory_space<vmem_shared>>) dst(%dma_wait3A_65 : memref<144x512xf32, #tpu.memory_space<hbm>>)
          tpu.yield
        }) : () -> ()
      } else {
      }
      %eq3A_51 = arith.constant 15 : i32
      %eq3A_52 = arith.cmpi eq, %arg1, %eq3A_51 : i32
      %convert_element_type3A_53 = arith.extui %eq3A_52 : i1 to i32
      %cond3A_54 = arith.constant 0 : i32
      %cond3A_55 = arith.cmpi ne, %convert_element_type3A_53, %cond3A_54 : i32
      scf.if %cond3A_55 {
        "tpu.region"() ({
          %run_scoped3A = tpu.sem_alloc : memref<!tpu.dma_semaphore, #tpu.memory_space<semaphore_mem>>
          %dma_start3A = arith.constant 9840 : i32
          %dma_start3A_56 = arith.constant 0 : i32
          %dma_start3A_57 = tpu.memref_slice %arg6[%dma_start3A, %dma_start3A_56] : memref<10000x512xf32, #tpu.memory_space<hbm>> -> memref<160x512xf32, #tpu.memory_space<hbm>>
          %dma_start3A_58 = arith.constant 2160 : i32
          %dma_start3A_59 = arith.constant 0 : i32
          %dma_start3A_60 = tpu.memref_slice %arg17[%dma_start3A_58, %dma_start3A_59] : memref<2688x512xf32, #tpu.memory_space<vmem_shared>> -> memref<160x512xf32, #tpu.memory_space<vmem_shared>>
          tpu.enqueue_dma source(%dma_start3A_60 : memref<160x512xf32, #tpu.memory_space<vmem_shared>>) target(%dma_start3A_57 : memref<160x512xf32, #tpu.memory_space<hbm>>) target_semaphore(%run_scoped3A : memref<!tpu.dma_semaphore, #tpu.memory_space<semaphore_mem>>)
          %dma_wait3A = arith.constant 9840 : i32
          %dma_wait3A_61 = arith.constant 0 : i32
          %dma_wait3A_62 = tpu.memref_slice %arg6[%dma_wait3A, %dma_wait3A_61] : memref<10000x512xf32, #tpu.memory_space<hbm>> -> memref<160x512xf32, #tpu.memory_space<hbm>>
          %dma_wait3A_63 = arith.constant 2160 : i32
          %dma_wait3A_64 = arith.constant 0 : i32
          %dma_wait3A_65 = tpu.memref_slice %arg17[%dma_wait3A_63, %dma_wait3A_64] : memref<2688x512xf32, #tpu.memory_space<vmem_shared>> -> memref<160x512xf32, #tpu.memory_space<vmem_shared>>
          tpu.wait_dma2 semaphore(%run_scoped3A : memref<!tpu.dma_semaphore, #tpu.memory_space<semaphore_mem>>) src(%dma_wait3A_65 : memref<160x512xf32, #tpu.memory_space<vmem_shared>>) dst(%dma_wait3A_62 : memref<160x512xf32, #tpu.memory_space<hbm>>)
          tpu.yield
        }) : () -> ()
      } else {
      }
    } else {
    }
    %barrier3A_46 = arith.constant 0 : index
    tpu.barrier barrier_id(%barrier3A_46)
    return
  }
}

module attributes {stable_mosaic.version = 14 : i64} {
  func.func @body(%arg0: i32, %arg1: memref<1000x128xf32, #tpu.memory_space<vmem>>, %arg2: memref<128x32xf32, #tpu.memory_space<vmem>>, %arg3: memref<1000x16xf32, #tpu.memory_space<vmem>>, %arg4: memref<1000x32xf32, #tpu.memory_space<vmem>>) attributes {dimension_semantics = [#tpu.dimension_semantics<arbitrary>], iteration_bounds = array<i64: 10>, scalar_prefetch = 0 : i64, scratch_operands = 0 : i64, tpu.core_type = #tpu.core_type<tc>, window_params = [{transform_indices = @transform_0, window_bounds = array<i64: 1000, 128>}, {pipeline_mode = #tpu.pipeline_mode<synchronous>, transform_indices = @transform_1, window_bounds = array<i64: 128, 32>}, {transform_indices = @transform_2, window_bounds = array<i64: 1000, 16>}, {transform_indices = @transform_3, window_bounds = array<i64: 1000, 32>}]} {
    %get3A = arith.constant 0 : index
    %get3A_0 = arith.constant 0 : index
    %get3A_1 = vector.load %arg3[%get3A, %get3A_0] : memref<1000x16xf32, #tpu.memory_space<vmem>>, vector<1000x1xf32>
    %add3A = arith.constant 1.000000e+00 : f32
    %add3A_2 = vector.broadcast %add3A : f32 to vector<1000x1xf32>
    %add3A_3 = arith.addf %get3A_1, %add3A_2 : vector<1000x1xf32>
    %rsqrt3A = math.rsqrt %add3A_3 : vector<1000x1xf32>
    %get3A_4 = arith.constant 0 : index
    %get3A_5 = arith.constant 0 : index
    %get3A_6 = vector.load %arg1[%get3A_4, %get3A_5] : memref<1000x128xf32, #tpu.memory_space<vmem>>, vector<1000x128xf32>
    %get3A_7 = arith.constant 0 : index
    %get3A_8 = arith.constant 0 : index
    %get3A_9 = vector.load %arg2[%get3A_7, %get3A_8] : memref<128x32xf32, #tpu.memory_space<vmem>>, vector<128x32xf32>
    %dot_general3A = arith.constant dense<0.000000e+00> : vector<1000x32xf32>
    %dot_general3A_10 = tpu.matmul %get3A_6, %get3A_9, %dot_general3A {dimension_numbers = #tpu.dot_dimension_numbers<[1], [0], [0], [1], [0, 0, 1, 1], [], []>, transpose_lhs_hint = false} : vector<1000x128xf32>, vector<128x32xf32>, vector<1000x32xf32> -> vector<1000x32xf32>
    %mul3A = vector.broadcast %rsqrt3A : vector<1000x1xf32> to vector<1000x32xf32>
    %mul3A_11 = arith.mulf %dot_general3A_10, %mul3A : vector<1000x32xf32>
    %swap3A = arith.constant 0 : index
    %swap3A_12 = arith.constant 0 : index
    %swap3A_13 = vector.load %arg4[%swap3A, %swap3A_12] : memref<1000x32xf32, #tpu.memory_space<vmem>>, vector<1000x32xf32>
    tpu.vector_store %arg4[%swap3A, %swap3A_12], %mul3A_11 {strides = array<i32>} : memref<1000x32xf32, #tpu.memory_space<vmem>>, vector<1000x32xf32>,
    return
  }
  func.func @transform_0(%arg0: i32) -> (i32, i32) {
    %c0_i32 = arith.constant 0 : i32
    %c0_i32_0 = arith.constant 0 : i32
    return %arg0, %c0_i32 : i32, i32
  }
  func.func @transform_1(%arg0: i32) -> (i32, i32) {
    %c0_i32 = arith.constant 0 : i32
    %c0_i32_0 = arith.constant 0 : i32
    %c0_i32_1 = arith.constant 0 : i32
    return %c0_i32, %c0_i32_0 : i32, i32
  }
  func.func @transform_2(%arg0: i32) -> (i32, i32) {
    %c0_i32 = arith.constant 0 : i32
    %c0_i32_0 = arith.constant 0 : i32
    return %arg0, %c0_i32 : i32, i32
  }
  func.func @transform_3(%arg0: i32) -> (i32, i32) {
    %c0_i32 = arith.constant 0 : i32
    %c0_i32_0 = arith.constant 0 : i32
    return %arg0, %c0_i32 : i32, i32
  }
}

module attributes {stable_mosaic.version = 14 : i64} {
  func.func @body(%arg0: i32, %arg1: memref<1000x32xf32, #tpu.memory_space<vmem>>, %arg2: memref<1000x32xf32, #tpu.memory_space<vmem>>, %arg3: memref<1000x16xf32, #tpu.memory_space<vmem>>, %arg4: memref<1x32xf32, #tpu.memory_space<vmem>>, %arg5: memref<1x1xf32, #tpu.memory_space<vmem>>, %arg6: memref<32x128xf32, #tpu.memory_space<vmem>>, %arg7: memref<1000x128xf32, #tpu.memory_space<vmem>>) attributes {dimension_semantics = [#tpu.dimension_semantics<arbitrary>], iteration_bounds = array<i64: 10>, scalar_prefetch = 0 : i64, scratch_operands = 0 : i64, tpu.core_type = #tpu.core_type<tc>, window_params = [{transform_indices = @transform_0, window_bounds = array<i64: 1000, 32>}, {transform_indices = @transform_1, window_bounds = array<i64: 1000, 32>}, {transform_indices = @transform_2, window_bounds = array<i64: 1000, 16>}, {pipeline_mode = #tpu.pipeline_mode<synchronous>, transform_indices = @transform_3, window_bounds = array<i64: 1, 32>}, {pipeline_mode = #tpu.pipeline_mode<synchronous>, transform_indices = @transform_4, window_bounds = array<i64: 1, 1>}, {pipeline_mode = #tpu.pipeline_mode<synchronous>, transform_indices = @transform_5, window_bounds = array<i64: 32, 128>}, {transform_indices = @transform_6, window_bounds = array<i64: 1000, 128>}]} {
    %get3A = arith.constant 0 : index
    %get3A_0 = arith.constant 0 : index
    %get3A_1 = vector.load %arg3[%get3A, %get3A_0] : memref<1000x16xf32, #tpu.memory_space<vmem>>, vector<1000x1xf32>
    %add3A = arith.constant 1.000000e+00 : f32
    %add3A_2 = vector.broadcast %add3A : f32 to vector<1000x1xf32>
    %add3A_3 = arith.addf %get3A_1, %add3A_2 : vector<1000x1xf32>
    %rsqrt3A = math.rsqrt %add3A_3 : vector<1000x1xf32>
    %get3A_4 = arith.constant 0 : index
    %get3A_5 = arith.constant 0 : index
    %get3A_6 = vector.load %arg1[%get3A_4, %get3A_5] : memref<1000x32xf32, #tpu.memory_space<vmem>>, vector<1000x32xf32>
    %get3A_7 = arith.constant 0 : index
    %get3A_8 = arith.constant 0 : index
    %get3A_9 = vector.load %arg2[%get3A_7, %get3A_8] : memref<1000x32xf32, #tpu.memory_space<vmem>>, vector<1000x32xf32>
    %add3A_10 = arith.addf %get3A_6, %get3A_9 : vector<1000x32xf32>
    %mul3A = vector.broadcast %rsqrt3A : vector<1000x1xf32> to vector<1000x32xf32>
    %mul3A_11 = arith.mulf %add3A_10, %mul3A : vector<1000x32xf32>
    %get3A_12 = arith.constant 0 : index
    %get3A_13 = arith.constant 0 : index
    %get3A_14 = vector.load %arg4[%get3A_12, %get3A_13] : memref<1x32xf32, #tpu.memory_space<vmem>>, vector<1x32xf32>
    %add3A_15 = vector.broadcast %get3A_14 : vector<1x32xf32> to vector<1000x32xf32>
    %add3A_16 = arith.addf %mul3A_11, %add3A_15 : vector<1000x32xf32>
    %ge3A = arith.constant 0.000000e+00 : f32
    %ge3A_17 = vector.broadcast %ge3A : f32 to vector<1000x32xf32>
    %ge3A_18 = arith.cmpf oge, %add3A_16, %ge3A_17 : vector<1000x32xf32>
    %get3A_19 = arith.constant 0 : index
    %get3A_20 = arith.constant 0 : index
    %get3A_21 = vector.load %arg5[%get3A_19, %get3A_20] : memref<1x1xf32, #tpu.memory_space<vmem>>, vector<1x1xf32>
    %get3A_22 = vector.extract %get3A_21[0, 0] : f32 from vector<1x1xf32>
    %mul3A_23 = vector.broadcast %get3A_22 : f32 to vector<1000x32xf32>
    %mul3A_24 = arith.mulf %mul3A_23, %add3A_16 : vector<1000x32xf32>
    %select_n3A = arith.select %ge3A_18, %add3A_16, %mul3A_24 : vector<1000x32xi1>, vector<1000x32xf32>
    %get3A_25 = arith.constant 0 : index
    %get3A_26 = arith.constant 0 : index
    %get3A_27 = vector.load %arg6[%get3A_25, %get3A_26] : memref<32x128xf32, #tpu.memory_space<vmem>>, vector<32x128xf32>
    %dot_general3A = arith.constant dense<0.000000e+00> : vector<1000x128xf32>
    %dot_general3A_28 = tpu.matmul %select_n3A, %get3A_27, %dot_general3A {dimension_numbers = #tpu.dot_dimension_numbers<[1], [0], [0], [1], [0, 0, 1, 1], [], []>, transpose_lhs_hint = false} : vector<1000x32xf32>, vector<32x128xf32>, vector<1000x128xf32> -> vector<1000x128xf32>
    %mul3A_29 = vector.broadcast %rsqrt3A : vector<1000x1xf32> to vector<1000x128xf32>
    %mul3A_30 = arith.mulf %dot_general3A_28, %mul3A_29 : vector<1000x128xf32>
    %swap3A = arith.constant 0 : index
    %swap3A_31 = arith.constant 0 : index
    %swap3A_32 = vector.load %arg7[%swap3A, %swap3A_31] : memref<1000x128xf32, #tpu.memory_space<vmem>>, vector<1000x128xf32>
    tpu.vector_store %arg7[%swap3A, %swap3A_31], %mul3A_30 {strides = array<i32>} : memref<1000x128xf32, #tpu.memory_space<vmem>>, vector<1000x128xf32>,
    return
  }
  func.func @transform_0(%arg0: i32) -> (i32, i32) {
    %c0_i32 = arith.constant 0 : i32
    %c0_i32_0 = arith.constant 0 : i32
    return %arg0, %c0_i32 : i32, i32
  }
  func.func @transform_1(%arg0: i32) -> (i32, i32) {
    %c0_i32 = arith.constant 0 : i32
    %c0_i32_0 = arith.constant 0 : i32
    return %arg0, %c0_i32 : i32, i32
  }
  func.func @transform_2(%arg0: i32) -> (i32, i32) {
    %c0_i32 = arith.constant 0 : i32
    %c0_i32_0 = arith.constant 0 : i32
    return %arg0, %c0_i32 : i32, i32
  }
  func.func @transform_3(%arg0: i32) -> (i32, i32) {
    %c0_i32 = arith.constant 0 : i32
    %c0_i32_0 = arith.constant 0 : i32
    %c0_i32_1 = arith.constant 0 : i32
    return %c0_i32, %c0_i32_0 : i32, i32
  }
  func.func @transform_4(%arg0: i32) -> (i32, i32) {
    %c0_i32 = arith.constant 0 : i32
    %c0_i32_0 = arith.constant 0 : i32
    %c0_i32_1 = arith.constant 0 : i32
    return %c0_i32, %c0_i32_0 : i32, i32
  }
  func.func @transform_5(%arg0: i32) -> (i32, i32) {
    %c0_i32 = arith.constant 0 : i32
    %c0_i32_0 = arith.constant 0 : i32
    %c0_i32_1 = arith.constant 0 : i32
    return %c0_i32, %c0_i32_0 : i32, i32
  }
  func.func @transform_6(%arg0: i32) -> (i32, i32) {
    %c0_i32 = arith.constant 0 : i32
    %c0_i32_0 = arith.constant 0 : i32
    return %arg0, %c0_i32 : i32, i32
  }
}

module attributes {stable_mosaic.version = 14 : i64} {
  func.func @body(%arg0: i32, %arg1: memref<1000x128xf32, #tpu.memory_space<vmem>>, %arg2: memref<1000x128xf32, #tpu.memory_space<vmem>>, %arg3: memref<1000x16xf32, #tpu.memory_space<vmem>>, %arg4: memref<1x128xf32, #tpu.memory_space<vmem>>, %arg5: memref<1x1xf32, #tpu.memory_space<vmem>>, %arg6: memref<128x256xf32, #tpu.memory_space<vmem>>, %arg7: memref<1000x256xf32, #tpu.memory_space<vmem>>) attributes {dimension_semantics = [#tpu.dimension_semantics<arbitrary>], iteration_bounds = array<i64: 10>, scalar_prefetch = 0 : i64, scratch_operands = 0 : i64, tpu.core_type = #tpu.core_type<tc>, window_params = [{transform_indices = @transform_0, window_bounds = array<i64: 1000, 128>}, {transform_indices = @transform_1, window_bounds = array<i64: 1000, 128>}, {transform_indices = @transform_2, window_bounds = array<i64: 1000, 16>}, {pipeline_mode = #tpu.pipeline_mode<synchronous>, transform_indices = @transform_3, window_bounds = array<i64: 1, 128>}, {pipeline_mode = #tpu.pipeline_mode<synchronous>, transform_indices = @transform_4, window_bounds = array<i64: 1, 1>}, {pipeline_mode = #tpu.pipeline_mode<synchronous>, transform_indices = @transform_5, window_bounds = array<i64: 128, 256>}, {transform_indices = @transform_6, window_bounds = array<i64: 1000, 256>}]} {
    %get3A = arith.constant 0 : index
    %get3A_0 = arith.constant 0 : index
    %get3A_1 = vector.load %arg3[%get3A, %get3A_0] : memref<1000x16xf32, #tpu.memory_space<vmem>>, vector<1000x1xf32>
    %add3A = arith.constant 1.000000e+00 : f32
    %add3A_2 = vector.broadcast %add3A : f32 to vector<1000x1xf32>
    %add3A_3 = arith.addf %get3A_1, %add3A_2 : vector<1000x1xf32>
    %rsqrt3A = math.rsqrt %add3A_3 : vector<1000x1xf32>
    %get3A_4 = arith.constant 0 : index
    %get3A_5 = arith.constant 0 : index
    %get3A_6 = vector.load %arg1[%get3A_4, %get3A_5] : memref<1000x128xf32, #tpu.memory_space<vmem>>, vector<1000x128xf32>
    %get3A_7 = arith.constant 0 : index
    %get3A_8 = arith.constant 0 : index
    %get3A_9 = vector.load %arg2[%get3A_7, %get3A_8] : memref<1000x128xf32, #tpu.memory_space<vmem>>, vector<1000x128xf32>
    %add3A_10 = arith.addf %get3A_6, %get3A_9 : vector<1000x128xf32>
    %mul3A = vector.broadcast %rsqrt3A : vector<1000x1xf32> to vector<1000x128xf32>
    %mul3A_11 = arith.mulf %add3A_10, %mul3A : vector<1000x128xf32>
    %get3A_12 = arith.constant 0 : index
    %get3A_13 = arith.constant 0 : index
    %get3A_14 = vector.load %arg4[%get3A_12, %get3A_13] : memref<1x128xf32, #tpu.memory_space<vmem>>, vector<1x128xf32>
    %add3A_15 = vector.broadcast %get3A_14 : vector<1x128xf32> to vector<1000x128xf32>
    %add3A_16 = arith.addf %mul3A_11, %add3A_15 : vector<1000x128xf32>
    %ge3A = arith.constant 0.000000e+00 : f32
    %ge3A_17 = vector.broadcast %ge3A : f32 to vector<1000x128xf32>
    %ge3A_18 = arith.cmpf oge, %add3A_16, %ge3A_17 : vector<1000x128xf32>
    %get3A_19 = arith.constant 0 : index
    %get3A_20 = arith.constant 0 : index
    %get3A_21 = vector.load %arg5[%get3A_19, %get3A_20] : memref<1x1xf32, #tpu.memory_space<vmem>>, vector<1x1xf32>
    %get3A_22 = vector.extract %get3A_21[0, 0] : f32 from vector<1x1xf32>
    %mul3A_23 = vector.broadcast %get3A_22 : f32 to vector<1000x128xf32>
    %mul3A_24 = arith.mulf %mul3A_23, %add3A_16 : vector<1000x128xf32>
    %select_n3A = arith.select %ge3A_18, %add3A_16, %mul3A_24 : vector<1000x128xi1>, vector<1000x128xf32>
    %get3A_25 = arith.constant 0 : index
    %get3A_26 = arith.constant 0 : index
    %get3A_27 = vector.load %arg6[%get3A_25, %get3A_26] : memref<128x256xf32, #tpu.memory_space<vmem>>, vector<128x256xf32>
    %dot_general3A = arith.constant dense<0.000000e+00> : vector<1000x256xf32>
    %dot_general3A_28 = tpu.matmul %select_n3A, %get3A_27, %dot_general3A {dimension_numbers = #tpu.dot_dimension_numbers<[1], [0], [0], [1], [0, 0, 1, 1], [], []>, transpose_lhs_hint = false} : vector<1000x128xf32>, vector<128x256xf32>, vector<1000x256xf32> -> vector<1000x256xf32>
    %mul3A_29 = vector.broadcast %rsqrt3A : vector<1000x1xf32> to vector<1000x256xf32>
    %mul3A_30 = arith.mulf %dot_general3A_28, %mul3A_29 : vector<1000x256xf32>
    %swap3A = arith.constant 0 : index
    %swap3A_31 = arith.constant 0 : index
    %swap3A_32 = vector.load %arg7[%swap3A, %swap3A_31] : memref<1000x256xf32, #tpu.memory_space<vmem>>, vector<1000x256xf32>
    tpu.vector_store %arg7[%swap3A, %swap3A_31], %mul3A_30 {strides = array<i32>} : memref<1000x256xf32, #tpu.memory_space<vmem>>, vector<1000x256xf32>,
    return
  }
  func.func @transform_0(%arg0: i32) -> (i32, i32) {
    %c0_i32 = arith.constant 0 : i32
    %c0_i32_0 = arith.constant 0 : i32
    return %arg0, %c0_i32 : i32, i32
  }
  func.func @transform_1(%arg0: i32) -> (i32, i32) {
    %c0_i32 = arith.constant 0 : i32
    %c0_i32_0 = arith.constant 0 : i32
    return %arg0, %c0_i32 : i32, i32
  }
  func.func @transform_2(%arg0: i32) -> (i32, i32) {
    %c0_i32 = arith.constant 0 : i32
    %c0_i32_0 = arith.constant 0 : i32
    return %arg0, %c0_i32 : i32, i32
  }
  func.func @transform_3(%arg0: i32) -> (i32, i32) {
    %c0_i32 = arith.constant 0 : i32
    %c0_i32_0 = arith.constant 0 : i32
    %c0_i32_1 = arith.constant 0 : i32
    return %c0_i32, %c0_i32_0 : i32, i32
  }
  func.func @transform_4(%arg0: i32) -> (i32, i32) {
    %c0_i32 = arith.constant 0 : i32
    %c0_i32_0 = arith.constant 0 : i32
    %c0_i32_1 = arith.constant 0 : i32
    return %c0_i32, %c0_i32_0 : i32, i32
  }
  func.func @transform_5(%arg0: i32) -> (i32, i32) {
    %c0_i32 = arith.constant 0 : i32
    %c0_i32_0 = arith.constant 0 : i32
    %c0_i32_1 = arith.constant 0 : i32
    return %c0_i32, %c0_i32_0 : i32, i32
  }
  func.func @transform_6(%arg0: i32) -> (i32, i32) {
    %c0_i32 = arith.constant 0 : i32
    %c0_i32_0 = arith.constant 0 : i32
    return %arg0, %c0_i32 : i32, i32
  }
}

module attributes {stable_mosaic.version = 14 : i64} {
  func.func @body(%arg0: i32, %arg1: memref<1000x256xf32, #tpu.memory_space<vmem>>, %arg2: memref<1000x256xf32, #tpu.memory_space<vmem>>, %arg3: memref<1000x16xf32, #tpu.memory_space<vmem>>, %arg4: memref<1x256xf32, #tpu.memory_space<vmem>>, %arg5: memref<1x1xf32, #tpu.memory_space<vmem>>, %arg6: memref<256x512xf32, #tpu.memory_space<vmem>>, %arg7: memref<1000x512xf32, #tpu.memory_space<vmem>>) attributes {dimension_semantics = [#tpu.dimension_semantics<arbitrary>], iteration_bounds = array<i64: 10>, scalar_prefetch = 0 : i64, scratch_operands = 0 : i64, tpu.core_type = #tpu.core_type<tc>, window_params = [{transform_indices = @transform_0, window_bounds = array<i64: 1000, 256>}, {transform_indices = @transform_1, window_bounds = array<i64: 1000, 256>}, {transform_indices = @transform_2, window_bounds = array<i64: 1000, 16>}, {pipeline_mode = #tpu.pipeline_mode<synchronous>, transform_indices = @transform_3, window_bounds = array<i64: 1, 256>}, {pipeline_mode = #tpu.pipeline_mode<synchronous>, transform_indices = @transform_4, window_bounds = array<i64: 1, 1>}, {pipeline_mode = #tpu.pipeline_mode<synchronous>, transform_indices = @transform_5, window_bounds = array<i64: 256, 512>}, {transform_indices = @transform_6, window_bounds = array<i64: 1000, 512>}]} {
    %get3A = arith.constant 0 : index
    %get3A_0 = arith.constant 0 : index
    %get3A_1 = vector.load %arg3[%get3A, %get3A_0] : memref<1000x16xf32, #tpu.memory_space<vmem>>, vector<1000x1xf32>
    %add3A = arith.constant 1.000000e+00 : f32
    %add3A_2 = vector.broadcast %add3A : f32 to vector<1000x1xf32>
    %add3A_3 = arith.addf %get3A_1, %add3A_2 : vector<1000x1xf32>
    %rsqrt3A = math.rsqrt %add3A_3 : vector<1000x1xf32>
    %get3A_4 = arith.constant 0 : index
    %get3A_5 = arith.constant 0 : index
    %get3A_6 = vector.load %arg1[%get3A_4, %get3A_5] : memref<1000x256xf32, #tpu.memory_space<vmem>>, vector<1000x256xf32>
    %get3A_7 = arith.constant 0 : index
    %get3A_8 = arith.constant 0 : index
    %get3A_9 = vector.load %arg2[%get3A_7, %get3A_8] : memref<1000x256xf32, #tpu.memory_space<vmem>>, vector<1000x256xf32>
    %add3A_10 = arith.addf %get3A_6, %get3A_9 : vector<1000x256xf32>
    %mul3A = vector.broadcast %rsqrt3A : vector<1000x1xf32> to vector<1000x256xf32>
    %mul3A_11 = arith.mulf %add3A_10, %mul3A : vector<1000x256xf32>
    %get3A_12 = arith.constant 0 : index
    %get3A_13 = arith.constant 0 : index
    %get3A_14 = vector.load %arg4[%get3A_12, %get3A_13] : memref<1x256xf32, #tpu.memory_space<vmem>>, vector<1x256xf32>
    %add3A_15 = vector.broadcast %get3A_14 : vector<1x256xf32> to vector<1000x256xf32>
    %add3A_16 = arith.addf %mul3A_11, %add3A_15 : vector<1000x256xf32>
    %ge3A = arith.constant 0.000000e+00 : f32
    %ge3A_17 = vector.broadcast %ge3A : f32 to vector<1000x256xf32>
    %ge3A_18 = arith.cmpf oge, %add3A_16, %ge3A_17 : vector<1000x256xf32>
    %get3A_19 = arith.constant 0 : index
    %get3A_20 = arith.constant 0 : index
    %get3A_21 = vector.load %arg5[%get3A_19, %get3A_20] : memref<1x1xf32, #tpu.memory_space<vmem>>, vector<1x1xf32>
    %get3A_22 = vector.extract %get3A_21[0, 0] : f32 from vector<1x1xf32>
    %mul3A_23 = vector.broadcast %get3A_22 : f32 to vector<1000x256xf32>
    %mul3A_24 = arith.mulf %mul3A_23, %add3A_16 : vector<1000x256xf32>
    %select_n3A = arith.select %ge3A_18, %add3A_16, %mul3A_24 : vector<1000x256xi1>, vector<1000x256xf32>
    %get3A_25 = arith.constant 0 : index
    %get3A_26 = arith.constant 0 : index
    %get3A_27 = vector.load %arg6[%get3A_25, %get3A_26] : memref<256x512xf32, #tpu.memory_space<vmem>>, vector<256x512xf32>
    %dot_general3A = arith.constant dense<0.000000e+00> : vector<1000x512xf32>
    %dot_general3A_28 = tpu.matmul %select_n3A, %get3A_27, %dot_general3A {dimension_numbers = #tpu.dot_dimension_numbers<[1], [0], [0], [1], [0, 0, 1, 1], [], []>, transpose_lhs_hint = false} : vector<1000x256xf32>, vector<256x512xf32>, vector<1000x512xf32> -> vector<1000x512xf32>
    %mul3A_29 = vector.broadcast %rsqrt3A : vector<1000x1xf32> to vector<1000x512xf32>
    %mul3A_30 = arith.mulf %dot_general3A_28, %mul3A_29 : vector<1000x512xf32>
    %swap3A = arith.constant 0 : index
    %swap3A_31 = arith.constant 0 : index
    %swap3A_32 = vector.load %arg7[%swap3A, %swap3A_31] : memref<1000x512xf32, #tpu.memory_space<vmem>>, vector<1000x512xf32>
    tpu.vector_store %arg7[%swap3A, %swap3A_31], %mul3A_30 {strides = array<i32>} : memref<1000x512xf32, #tpu.memory_space<vmem>>, vector<1000x512xf32>,
    return
  }
  func.func @transform_0(%arg0: i32) -> (i32, i32) {
    %c0_i32 = arith.constant 0 : i32
    %c0_i32_0 = arith.constant 0 : i32
    return %arg0, %c0_i32 : i32, i32
  }
  func.func @transform_1(%arg0: i32) -> (i32, i32) {
    %c0_i32 = arith.constant 0 : i32
    %c0_i32_0 = arith.constant 0 : i32
    return %arg0, %c0_i32 : i32, i32
  }
  func.func @transform_2(%arg0: i32) -> (i32, i32) {
    %c0_i32 = arith.constant 0 : i32
    %c0_i32_0 = arith.constant 0 : i32
    return %arg0, %c0_i32 : i32, i32
  }
  func.func @transform_3(%arg0: i32) -> (i32, i32) {
    %c0_i32 = arith.constant 0 : i32
    %c0_i32_0 = arith.constant 0 : i32
    %c0_i32_1 = arith.constant 0 : i32
    return %c0_i32, %c0_i32_0 : i32, i32
  }
  func.func @transform_4(%arg0: i32) -> (i32, i32) {
    %c0_i32 = arith.constant 0 : i32
    %c0_i32_0 = arith.constant 0 : i32
    %c0_i32_1 = arith.constant 0 : i32
    return %c0_i32, %c0_i32_0 : i32, i32
  }
  func.func @transform_5(%arg0: i32) -> (i32, i32) {
    %c0_i32 = arith.constant 0 : i32
    %c0_i32_0 = arith.constant 0 : i32
    %c0_i32_1 = arith.constant 0 : i32
    return %c0_i32, %c0_i32_0 : i32, i32
  }
  func.func @transform_6(%arg0: i32) -> (i32, i32) {
    %c0_i32 = arith.constant 0 : i32
    %c0_i32_0 = arith.constant 0 : i32
    return %arg0, %c0_i32 : i32, i32
  }
}

module attributes {stable_mosaic.version = 14 : i64} {
  func.func @body(%arg0: i32, %arg1: memref<1000x512xf32, #tpu.memory_space<vmem>>, %arg2: memref<1000x512xf32, #tpu.memory_space<vmem>>, %arg3: memref<1000x16xf32, #tpu.memory_space<vmem>>, %arg4: memref<1x512xf32, #tpu.memory_space<vmem>>, %arg5: memref<1x1x1000xi32, #tpu.memory_space<vmem>>, %arg6: memref<512x256xf32, #tpu.memory_space<vmem>>, %arg7: memref<1x256xf32, #tpu.memory_space<vmem>>, %arg8: memref<256x10xf32, #tpu.memory_space<vmem>>, %arg9: memref<1x10xf32, #tpu.memory_space<vmem>>, %arg10: memref<64x10xf32, #tpu.memory_space<vmem>>, %arg11: memref<64x512xf32, #tpu.memory_space<vmem>>, %arg12: memref<64x128xf32, #tpu.memory_space<vmem>>) attributes {dimension_semantics = [#tpu.dimension_semantics<arbitrary>], iteration_bounds = array<i64: 10>, scalar_prefetch = 0 : i64, scratch_operands = 2 : i64, tpu.core_type = #tpu.core_type<tc>, window_params = [{transform_indices = @transform_0, window_bounds = array<i64: 1000, 512>}, {transform_indices = @transform_1, window_bounds = array<i64: 1000, 512>}, {transform_indices = @transform_2, window_bounds = array<i64: 1000, 16>}, {pipeline_mode = #tpu.pipeline_mode<synchronous>, transform_indices = @transform_3, window_bounds = array<i64: 1, 512>}, {transform_indices = @transform_4, window_bounds = array<i64: 1, 1, 1000>}, {pipeline_mode = #tpu.pipeline_mode<synchronous>, transform_indices = @transform_5, window_bounds = array<i64: 512, 256>}, {pipeline_mode = #tpu.pipeline_mode<synchronous>, transform_indices = @transform_6, window_bounds = array<i64: 1, 256>}, {pipeline_mode = #tpu.pipeline_mode<synchronous>, transform_indices = @transform_7, window_bounds = array<i64: 256, 10>}, {pipeline_mode = #tpu.pipeline_mode<synchronous>, transform_indices = @transform_8, window_bounds = array<i64: 1, 10>}, {pipeline_mode = #tpu.pipeline_mode<synchronous>, transform_indices = @transform_9, window_bounds = array<i64: 64, 10>}]} {
    %eq3A = arith.constant 0 : i32
    %eq3A_0 = arith.cmpi eq, %arg0, %eq3A : i32
    %convert_element_type3A = arith.extui %eq3A_0 : i1 to i32
    %cond3A = arith.constant 0 : i32
    %cond3A_1 = arith.cmpi ne, %convert_element_type3A, %cond3A : i32
    scf.if %cond3A_1 {
      %broadcast_in_dim3A_47 = arith.constant 0.000000e+00 : f32
      %broadcast_in_dim3A_48 = vector.broadcast %broadcast_in_dim3A_47 : f32 to vector<64x512xf32>
      %swap3A_49 = arith.constant 0 : index
      %swap3A_50 = arith.constant 0 : index
      %swap3A_51 = vector.load %arg11[%swap3A_49, %swap3A_50] : memref<64x512xf32, #tpu.memory_space<vmem>>, vector<64x512xf32>
      tpu.vector_store %arg11[%swap3A_49, %swap3A_50], %broadcast_in_dim3A_48 {strides = array<i32>} : memref<64x512xf32, #tpu.memory_space<vmem>>, vector<64x512xf32>,
      %broadcast_in_dim3A_52 = arith.constant 0.000000e+00 : f32
      %broadcast_in_dim3A_53 = vector.broadcast %broadcast_in_dim3A_52 : f32 to vector<64x128xf32>
      %swap3A_54 = arith.constant 0 : index
      %swap3A_55 = arith.constant 0 : index
      %swap3A_56 = vector.load %arg12[%swap3A_54, %swap3A_55] : memref<64x128xf32, #tpu.memory_space<vmem>>, vector<64x128xf32>
      tpu.vector_store %arg12[%swap3A_54, %swap3A_55], %broadcast_in_dim3A_53 {strides = array<i32>} : memref<64x128xf32, #tpu.memory_space<vmem>>, vector<64x128xf32>,
    } else {
    }
    %get3A = arith.constant 0 : index
    %get3A_2 = arith.constant 0 : index
    %get3A_3 = vector.load %arg3[%get3A, %get3A_2] : memref<1000x16xf32, #tpu.memory_space<vmem>>, vector<1000x1xf32>
    %add3A = arith.constant 1.000000e+00 : f32
    %add3A_4 = vector.broadcast %add3A : f32 to vector<1000x1xf32>
    %add3A_5 = arith.addf %get3A_3, %add3A_4 : vector<1000x1xf32>
    %rsqrt3A = math.rsqrt %add3A_5 : vector<1000x1xf32>
    %get3A_6 = arith.constant 0 : index
    %get3A_7 = arith.constant 0 : index
    %get3A_8 = vector.load %arg1[%get3A_6, %get3A_7] : memref<1000x512xf32, #tpu.memory_space<vmem>>, vector<1000x512xf32>
    %get3A_9 = arith.constant 0 : index
    %get3A_10 = arith.constant 0 : index
    %get3A_11 = vector.load %arg2[%get3A_9, %get3A_10] : memref<1000x512xf32, #tpu.memory_space<vmem>>, vector<1000x512xf32>
    %add3A_12 = arith.addf %get3A_8, %get3A_11 : vector<1000x512xf32>
    %mul3A = vector.broadcast %rsqrt3A : vector<1000x1xf32> to vector<1000x512xf32>
    %mul3A_13 = arith.mulf %add3A_12, %mul3A : vector<1000x512xf32>
    %get3A_14 = arith.constant 0 : index
    %get3A_15 = arith.constant 0 : index
    %get3A_16 = vector.load %arg4[%get3A_14, %get3A_15] : memref<1x512xf32, #tpu.memory_space<vmem>>, vector<1x512xf32>
    %add3A_17 = vector.broadcast %get3A_16 : vector<1x512xf32> to vector<1000x512xf32>
    %add3A_18 = arith.addf %mul3A_13, %add3A_17 : vector<1000x512xf32>
    %get3A_19 = arith.constant 0 : index
    %get3A_20 = arith.constant 0 : index
    %get3A_21 = arith.constant 0 : index
    %get3A_22 = vector.load %arg5[%get3A_19, %get3A_20, %get3A_21] : memref<1x1x1000xi32, #tpu.memory_space<vmem>>, vector<1x1x1000xi32>
    %reshape3A = vector.shape_cast %get3A_22 : vector<1x1x1000xi32> to vector<1x1000xi32>
    %iota3A = tpu.iota {dimensions = array<i32: 0>} : vector<64x1000xi32>
    %eq3A_23 = vector.broadcast %reshape3A : vector<1x1000xi32> to vector<64x1000xi32>
    %eq3A_24 = arith.cmpi eq, %eq3A_23, %iota3A : vector<64x1000xi32>
    %convert_element_type3A_25 = arith.extui %eq3A_24 : vector<64x1000xi1> to vector<64x1000xi32>
    %convert_element_type3A_26 = arith.sitofp %convert_element_type3A_25 : vector<64x1000xi32> to vector<64x1000xf32>
    %get3A_27 = arith.constant 0 : index
    %get3A_28 = arith.constant 0 : index
    %get3A_29 = vector.load %arg11[%get3A_27, %get3A_28] : memref<64x512xf32, #tpu.memory_space<vmem>>, vector<64x512xf32>
    %dot_general3A = arith.constant dense<0.000000e+00> : vector<64x512xf32>
    %dot_general3A_30 = tpu.matmul %convert_element_type3A_26, %add3A_18, %dot_general3A {dimension_numbers = #tpu.dot_dimension_numbers<[1], [0], [0], [1], [0, 0, 1, 1], [], []>, transpose_lhs_hint = false} : vector<64x1000xf32>, vector<1000x512xf32>, vector<64x512xf32> -> vector<64x512xf32>
    %add3A_31 = arith.addf %get3A_29, %dot_general3A_30 : vector<64x512xf32>
    %swap3A = arith.constant 0 : index
    %swap3A_32 = arith.constant 0 : index
    %swap3A_33 = vector.load %arg11[%swap3A, %swap3A_32] : memref<64x512xf32, #tpu.memory_space<vmem>>, vector<64x512xf32>
    tpu.vector_store %arg11[%swap3A, %swap3A_32], %add3A_31 {strides = array<i32>} : memref<64x512xf32, #tpu.memory_space<vmem>>, vector<64x512xf32>,
    %get3A_34 = arith.constant 0 : index
    %get3A_35 = arith.constant 0 : index
    %get3A_36 = vector.load %arg12[%get3A_34, %get3A_35] : memref<64x128xf32, #tpu.memory_space<vmem>>, vector<64x1xf32>
    %reduce_sum3A = arith.constant dense<0.000000e+00> : vector<64xf32>
    %reduce_sum3A_37 = vector.multi_reduction <add>, %convert_element_type3A_26, %reduce_sum3A [1] : vector<64x1000xf32> to vector<64xf32>
    %broadcast_in_dim3A = vector.shape_cast %reduce_sum3A_37 : vector<64xf32> to vector<64x1xf32>
    %add3A_38 = arith.addf %get3A_36, %broadcast_in_dim3A : vector<64x1xf32>
    %swap3A_39 = arith.constant 0 : index
    %swap3A_40 = arith.constant 0 : index
    %swap3A_41 = vector.load %arg12[%swap3A_39, %swap3A_40] : memref<64x128xf32, #tpu.memory_space<vmem>>, vector<64x1xf32>
    tpu.vector_store %arg12[%swap3A_39, %swap3A_40], %add3A_38 {strides = array<i32>} : memref<64x128xf32, #tpu.memory_space<vmem>>, vector<64x1xf32>,
    %eq3A_42 = arith.constant 9 : i32
    %eq3A_43 = arith.cmpi eq, %arg0, %eq3A_42 : i32
    %convert_element_type3A_44 = arith.extui %eq3A_43 : i1 to i32
    %cond3A_45 = arith.constant 0 : i32
    %cond3A_46 = arith.cmpi ne, %convert_element_type3A_44, %cond3A_45 : i32
    scf.if %cond3A_46 {
      %get3A_47 = arith.constant 0 : index
      %get3A_48 = arith.constant 0 : index
      %get3A_49 = vector.load %arg11[%get3A_47, %get3A_48] : memref<64x512xf32, #tpu.memory_space<vmem>>, vector<64x512xf32>
      %get3A_50 = arith.constant 0 : index
      %get3A_51 = arith.constant 0 : index
      %get3A_52 = vector.load %arg12[%get3A_50, %get3A_51] : memref<64x128xf32, #tpu.memory_space<vmem>>, vector<64x1xf32>
      %max3A = arith.constant 1.000000e+00 : f32
      %max3A_53 = vector.broadcast %max3A : f32 to vector<64x1xf32>
      %max3A_54 = arith.maximumf %get3A_52, %max3A_53 : vector<64x1xf32>
      %div3A = vector.broadcast %max3A_54 : vector<64x1xf32> to vector<64x512xf32>
      %div3A_55 = arith.divf %get3A_49, %div3A : vector<64x512xf32>
      %get3A_56 = arith.constant 0 : index
      %get3A_57 = arith.constant 0 : index
      %get3A_58 = vector.load %arg6[%get3A_56, %get3A_57] : memref<512x256xf32, #tpu.memory_space<vmem>>, vector<512x256xf32>
      %dot_general3A_59 = arith.constant dense<0.000000e+00> : vector<64x256xf32>
      %dot_general3A_60 = tpu.matmul %div3A_55, %get3A_58, %dot_general3A_59 {dimension_numbers = #tpu.dot_dimension_numbers<[1], [0], [0], [1], [0, 0, 1, 1], [], []>, transpose_lhs_hint = false} : vector<64x512xf32>, vector<512x256xf32>, vector<64x256xf32> -> vector<64x256xf32>
      %get3A_61 = arith.constant 0 : index
      %get3A_62 = arith.constant 0 : index
      %get3A_63 = vector.load %arg7[%get3A_61, %get3A_62] : memref<1x256xf32, #tpu.memory_space<vmem>>, vector<1x256xf32>
      %add3A_64 = vector.broadcast %get3A_63 : vector<1x256xf32> to vector<64x256xf32>
      %add3A_65 = arith.addf %dot_general3A_60, %add3A_64 : vector<64x256xf32>
      %get3A_66 = arith.constant 0 : index
      %get3A_67 = arith.constant 0 : index
      %get3A_68 = vector.load %arg8[%get3A_66, %get3A_67] : memref<256x10xf32, #tpu.memory_space<vmem>>, vector<256x10xf32>
      %dot_general3A_69 = arith.constant dense<0.000000e+00> : vector<64x10xf32>
      %dot_general3A_70 = tpu.matmul %add3A_65, %get3A_68, %dot_general3A_69 {dimension_numbers = #tpu.dot_dimension_numbers<[1], [0], [0], [1], [0, 0, 1, 1], [], []>, transpose_lhs_hint = false} : vector<64x256xf32>, vector<256x10xf32>, vector<64x10xf32> -> vector<64x10xf32>
      %get3A_71 = arith.constant 0 : index
      %get3A_72 = arith.constant 0 : index
      %get3A_73 = vector.load %arg9[%get3A_71, %get3A_72] : memref<1x10xf32, #tpu.memory_space<vmem>>, vector<1x10xf32>
      %add3A_74 = vector.broadcast %get3A_73 : vector<1x10xf32> to vector<64x10xf32>
      %add3A_75 = arith.addf %dot_general3A_70, %add3A_74 : vector<64x10xf32>
      %swap3A_76 = arith.constant 0 : index
      %swap3A_77 = arith.constant 0 : index
      %swap3A_78 = vector.load %arg10[%swap3A_76, %swap3A_77] : memref<64x10xf32, #tpu.memory_space<vmem>>, vector<64x10xf32>
      tpu.vector_store %arg10[%swap3A_76, %swap3A_77], %add3A_75 {strides = array<i32>} : memref<64x10xf32, #tpu.memory_space<vmem>>, vector<64x10xf32>,
    } else {
    }
    return
  }
  func.func @transform_0(%arg0: i32) -> (i32, i32) {
    %c0_i32 = arith.constant 0 : i32
    %c0_i32_0 = arith.constant 0 : i32
    return %arg0, %c0_i32 : i32, i32
  }
  func.func @transform_1(%arg0: i32) -> (i32, i32) {
    %c0_i32 = arith.constant 0 : i32
    %c0_i32_0 = arith.constant 0 : i32
    return %arg0, %c0_i32 : i32, i32
  }
  func.func @transform_2(%arg0: i32) -> (i32, i32) {
    %c0_i32 = arith.constant 0 : i32
    %c0_i32_0 = arith.constant 0 : i32
    return %arg0, %c0_i32 : i32, i32
  }
  func.func @transform_3(%arg0: i32) -> (i32, i32) {
    %c0_i32 = arith.constant 0 : i32
    %c0_i32_0 = arith.constant 0 : i32
    %c0_i32_1 = arith.constant 0 : i32
    return %c0_i32, %c0_i32_0 : i32, i32
  }
  func.func @transform_4(%arg0: i32) -> (i32, i32, i32) {
    %c0_i32 = arith.constant 0 : i32
    %c0_i32_0 = arith.constant 0 : i32
    %c0_i32_1 = arith.constant 0 : i32
    return %arg0, %c0_i32, %c0_i32_0 : i32, i32, i32
  }
  func.func @transform_5(%arg0: i32) -> (i32, i32) {
    %c0_i32 = arith.constant 0 : i32
    %c0_i32_0 = arith.constant 0 : i32
    %c0_i32_1 = arith.constant 0 : i32
    return %c0_i32, %c0_i32_0 : i32, i32
  }
  func.func @transform_6(%arg0: i32) -> (i32, i32) {
    %c0_i32 = arith.constant 0 : i32
    %c0_i32_0 = arith.constant 0 : i32
    %c0_i32_1 = arith.constant 0 : i32
    return %c0_i32, %c0_i32_0 : i32, i32
  }
  func.func @transform_7(%arg0: i32) -> (i32, i32) {
    %c0_i32 = arith.constant 0 : i32
    %c0_i32_0 = arith.constant 0 : i32
    %c0_i32_1 = arith.constant 0 : i32
    return %c0_i32, %c0_i32_0 : i32, i32
  }
  func.func @transform_8(%arg0: i32) -> (i32, i32) {
    %c0_i32 = arith.constant 0 : i32
    %c0_i32_0 = arith.constant 0 : i32
    %c0_i32_1 = arith.constant 0 : i32
    return %c0_i32, %c0_i32_0 : i32, i32
  }
  func.func @transform_9(%arg0: i32) -> (i32, i32) {
    %c0_i32 = arith.constant 0 : i32
    %c0_i32_0 = arith.constant 0 : i32
    %c0_i32_1 = arith.constant 0 : i32
    return %c0_i32, %c0_i32_0 : i32, i32
  }
}

</mosaic_0001>

<sc_bundles>
// kernel: kernel.12.cloned.1.call-start
scs
__scs_entry_jumppad:
0x0: {  	(pc) =	sbr.rel $0x88, $3  }
0x1: {  	(tag) =	ssettag $0x0;
	lr =	simm.s32 $0x1  }
0x2: {  	[smem:$0x3F8F] =	sst lr;
	_ =	strace $0xD0000000  }
0x3: {  	_ = 	snop  }
0x4: {  	_ = 	snop  }
0x5: {  	_ = 	snop  }
0x6: {  	_ = 	snop  }
0x7: {  	_ = 	snop  }
__scs_overlays_trampoline_lowered:
0x8: {  	[smem:$0x3F9E] =	sst s0  }
0x9: {  	[smem:$0x3F9F] =	sst s1  }
0xa: {  	[smem:$0x3FA0] =	sst s2  }
0xb: {  	[smem:$0x3FA1] =	sst s3  }
0xc: {  	[smem:$0x3FA2] =	sst s4  }
0xd: {  	[smem:$0x3FA3] =	sst s5  }
0xe: {  	[smem:$0x3FA4] =	sst s6  }
0xf: {  	[smem:$0x3FA5] =	sst s7  }
0x10: {  	[smem:$0x3FA6] =	sst s8  }
0x11: {  	[smem:$0x3FA7] =	sst s9;
	s0 =	simm.s32 @!p0 $0x0  }
0x12: {  	s1 =	sld [smem:$0x3F8D];
	s0 =	simm.s32 @p0 $0x1  }
0x13: {  	[smem:$0x3FA8] =	sst s0;
	s0 =	simm.s32 @!p1 $0x0  }
0x14: {  	s2 =	sld [smem:$0x3F8C];
	s0 =	simm.s32 @p1 $0x1  }
0x15: {  	[smem:$0x3FA9] =	sst s0;
	s0 =	simm.s32 @!p2 $0x0  }
0x16: {  	s3 =	sld [smem:$0x3FDB];
	s0 =	simm.s32 @p2 $0x1  }
0x17: {  	s4 =	simm.s32 $0x1BF5;
	[smem:$0x3FAB] =	sst s0  }
0x18: {  	s0 =	sld [smem:$0x3F8E];
	_ =	swait.ge [sflag:s4], $0x0  }
0x19: {  	s7 =	sld [smem:$0x3F8F]  }
0x1a: {  	s8 =	sadd.s32 $0xFFFFE003, lr  }
0x1b: {  	s9 =	sadd.s32 $0xFFFFFEF7, lr;
	s5 =	simm.s32 $0xFFFFFFFF;
	p2 =	slt.u32 s8, $0xFFFFF086  }
0x1c: {  	p1 =	slt.u32 s9, $0xF7A;
	s5 =	simm.s32 @!p2 $0x0  }
0x1d: {  	s5 =	simm.s32 @p1 $0x1;
	p0 =	seq.s32 s7, s2  }
0x1e: {  	s7 =	smul.u32 @!p0 $0xF7A, s2;
	p2 =	seq.s32 @!p0 s5, $0x0  }
0x1f: {  	s9 =	smul.u32 $0xF7A, s1;
	s8 =	simm.s32 @!p0 $0x1BF5;
	p2 =	por !p2, p0  }
0x20: {  	[sflag:s8] =	ssyncset.s32 @!p0 $0xFFFFF086;
	s6 =	sadd.s32 @!p0 s3, s7;
	s7 =	simm.s32 @!p0 $0x108  }
0x21: {  	s3 =	sadd.s32 s3, s9;
	s6 =	sadd.s32 @!p0 $0x88, s6;
	s7 =	simm.s32 @p2 $0x1082  }
0x22: {  	[simem:s7], [sflag:s8] =	dma.local @!p0 [hbm:s6], $0xF7A  }
0x23: {  	s9 =	sor.u32 $0xD0000000, s2;
	s6 =	simm.s32 $0x108;
	_ =	swait.ge @!p0 [sflag:s8], $0x0  }
0x24: {  	s3 =	sadd.s32 $0x88, s3;
	s6 =	simm.s32 @!p1 $0x1082;
	[sflag:s4] =	ssyncset.s32 $0xFFFFF086  }
0x25: {  	[simem:s6], [sflag:s4] =	dma.local [hbm:s3], $0xF7A  }
0x26: {  	[smem:$0x3F8F] =	sst s1;
	(tag) =	ssettag s2;
	_ =	strace s9  }
0x27: {  	s1 =	sld [smem:$0x3F9F]  }
0x28: {  	s2 =	sld [smem:$0x3FA0]  }
0x29: {  	s4 =	sld [smem:$0x3FA2]  }
0x2a: {  	p0 =	seq.s32 s5, $0x0;
	s5 =	sld [smem:$0x3FA3]  }
0x2b: {  	s6 =	sld [smem:$0x3FA4]  }
0x2c: {  	s7 =	sld [smem:$0x3FA5]  }
0x2d: {  	s3 =	simm.s32 $0x108;
	s8 =	sld [smem:$0x3FA6]  }
0x2e: {  	s3 =	simm.s32 @!p0 $0x1082;
	s9 =	sld [smem:$0x3FA7]  }
0x2f: {  	lr =	sadd.s32 s0, s3;
	s0 =	sld [smem:$0x3F9E]  }
0x30: {  	s3 =	sld [smem:$0x3FA1]  }
0x31: {  	[smem:$0x3FAA] =	sst s10  }
0x32: {  	s10 =	sld [smem:$0x3FA8];
	_ =	sdelay $0x3  }
0x33: {  	p0 =	seq.s32 s10, $0x1;
	s10 =	sld [smem:$0x3FAA];
	_ =	sdelay $0x3  }
0x34: {  	[smem:$0x3FAA] =	sst s10  }
0x35: {  	s10 =	sld [smem:$0x3FA9];
	_ =	sdelay $0x3  }
0x36: {  	p1 =	seq.s32 s10, $0x1;
	s10 =	sld [smem:$0x3FAA];
	_ =	sdelay $0x3  }
0x37: {  	[smem:$0x3FAA] =	sst s10  }
0x38: {  	s10 =	sld [smem:$0x3FAB]  }
0x39: {  	_ = 	snop;
	(pc) =	sbr.ind lr, $3  }
0x3a: {  	_ = 	snop  }
0x3b: {  	_ = 	snop  }
0x3c: {  	p2 =	seq.s32 s10, $0x1;
	s10 =	sld [smem:$0x3FAA]  }
0x3d: {  	_ =	shalt  }
0x3e: {  	_ =	shalt  }
0x3f: {  	_ =	shalt  }
0x40: {  	_ =	shalt  }
0x41: {  	_ =	shalt  }
0x42: {  	_ =	shalt  }
0x43: {  	_ =	shalt  }
0x44: {  	_ =	shalt  }
0x45: {  	_ =	shalt  }
0x46: {  	_ =	shalt  }
0x47: {  	_ =	shalt  }
0x48: {  	_ =	shalt  }
0x49: {  	_ =	shalt  }
0x4a: {  	_ =	shalt  }
0x4b: {  	_ =	shalt  }
0x4c: {  	_ =	shalt  }
0x4d: {  	_ =	shalt  }
0x4e: {  	_ =	shalt  }
0x4f: {  	_ =	shalt  }
0x50: {  	_ =	shalt  }
0x51: {  	_ =	shalt  }
0x52: {  	_ =	shalt  }
0x53: {  	_ =	shalt  }
0x54: {  	_ =	shalt  }
0x55: {  	_ =	shalt  }
0x56: {  	_ =	shalt  }
0x57: {  	_ =	shalt  }
0x58: {  	_ =	shalt  }
0x59: {  	_ =	shalt  }
0x5a: {  	_ =	shalt  }
0x5b: {  	_ =	shalt  }
0x5c: {  	_ =	shalt  }
0x5d: {  	_ =	shalt  }
0x5e: {  	_ =	shalt  }
0x5f: {  	_ =	shalt  }
0x60: {  	_ =	shalt  }
0x61: {  	_ =	shalt  }
0x62: {  	_ =	shalt  }
0x63: {  	_ =	shalt  }
0x64: {  	_ =	shalt  }
0x65: {  	_ =	shalt  }
0x66: {  	_ =	shalt  }
0x67: {  	_ =	shalt  }
0x68: {  	_ =	shalt  }
0x69: {  	_ =	shalt  }
0x6a: {  	_ =	shalt  }
0x6b: {  	_ =	shalt  }
0x6c: {  	_ =	shalt  }
0x6d: {  	_ =	shalt  }
0x6e: {  	_ =	shalt  }
0x6f: {  	_ =	shalt  }
0x70: {  	_ =	shalt  }
0x71: {  	_ =	shalt  }
0x72: {  	_ =	shalt  }
0x73: {  	_ =	shalt  }
0x74: {  	_ =	shalt  }
0x75: {  	_ =	shalt  }
0x76: {  	_ =	shalt  }
0x77: {  	_ =	shalt  }
0x78: {  	_ =	shalt  }
0x79: {  	_ =	shalt  }
0x7a: {  	_ =	shalt  }
0x7b: {  	_ =	shalt  }
0x7c: {  	_ =	shalt  }
0x7d: {  	_ =	shalt  }
0x7e: {  	_ =	shalt  }
0x7f: {  	_ =	shalt  }
0x80: {  	_ =	shalt  }
0x81: {  	_ =	shalt  }
0x82: {  	_ =	shalt  }
0x83: {  	_ =	shalt  }
0x84: {  	_ =	shalt  }
0x85: {  	_ =	shalt  }
0x86: {  	_ =	shalt  }
0x87: {  	_ =	shalt  }
.Lfunc_end0:
.L_simem_size_0:
called_computation_lowered:
.L_overlay_start_0:
0x88: {  	s2 =	sld [smem:$0x3FD9]  }
0x89: {  	s3 =	sld [smem:$0x3FFE];
	_ =	sdelay $0x1  }
0x8a: {  	s1 =	srdreg.scid  }
0x8b: {  	s0 =	sand.u32 $0x1, s1  }
0x8c: {  	s17 =	sshll.u32 s0, $0xA;
	s2 =	sadd.s32 s3, s2  }
0x8d: {  	s2 =	sadd.s32 s2, s17  }
0x8e: {  	[smem:$0x3FB6] =	sst s2  }
0x8f: {  	_ = 	snop  }
0x90: {  	s2 =	sld [smem:$0x3FD0];
	(tm) =	ssettm $0x1  }
0x91: {  	s18 =	sld [smem:$0x3FFB];
	_ =	sdelay $0x3  }
0x92: {  	_ =	strace s18  }
0x93: {  	s3 =	sld [smem:$0x3FFC];
	_ =	sdelay $0x3  }
0x94: {  	_ =	strace s3  }
0x95: {  	s3 =	sld [smem:$0x3FFD];
	_ =	sdelay $0x3  }
0x96: {  	_ =	strace s3  }
0x97: {  	_ =	strace $0x8FFFFFFF  }
0x98: {  	s19 =	sld [smem:$0x3FDB];
	_ =	sdelay $0x1  }
0x99: {  	s4 =	simm.s32 $_scs_section_size  }
0x9a: {  	s5 =	simm.s32 $_size__tile_overlayer_lowered;
	s6 =	simm.s32 $_tile_overlayer_lowered  }
0x9b: {  	s22 =	simm.s32 $0x1BFF;
	s21 =	sshll.u32 s6, $0x1;
	s3 =	sadd.s32 s4, s19  }
0x9c: {  	s7 =	simm.s32 $0x0;
	s20 =	sshll.u32 s5, $0x1;
	s5 =	sadd.s32 s21, s3  }
0x9d: {  	[timem:s7], [sflag:s22] =	dma.local [hbm:s5], s20  }
0x9e: {  	_ =	swait.ge [sflag:s22], s20  }
0x9f: {  	s4 =	ssub.s32 $0x0, s20;
	[sflag:s22] =	ssyncset.done $0x0  }
0xa0: {  	[sflag:s22] =	ssyncadd.s32 s4;
	_ =	sdelay $0x1  }
0xa1: {  	s23 =	simm.s32 $0x1B8B  }
0xa2: {  	_ =	swait.ge [sflag:s23], $0x1  }
0xa3: {  	[sflag:s23] =	ssyncset.done $0x0  }
0xa4: {  	s25 =	simm.s32 $0x1B8E;
	s24 =	sld [smem:$0x3FFE];
	[sflag:s23] =	ssyncadd.s32 $0xFFFFFFFF  }
0xa5: {  	s26 =	simm.s32 $execute0_lowered;
	[smem:$0x3FD2] =	sst s25  }
0xa6: {  	s5 =	sshll.u32 s26, $0x1;
	_ =	strace $0x80000046;
	[dreg:$0x1] =	wrdreg $0xFFFFFFFF  }
0xa7: {  	s28 =	simm.s32 $_size_execute0_lowered;
	s3 =	sadd.s32 s3, s5;
	[dreg:$0x0] =	wrdreg $0x0  }
0xa8: {  	s5 =	sshll.u32 s28, $0x1;
	[dreg:$0x2] =	wrdreg s3  }
0xa9: {  	[dreg:$0x3] =	wrdreg s5  }
0xaa: {  	[dreg:$0x4] =	wrdreg $0xC0  }
0xab: {  	_ =	task [dreg:s7], $0x5FFFF  }
0xac: {  	[dreg:$0x1] =	wrdreg $0xFFFFFFFF  }
0xad: {  	[dreg:$0x0] =	wrdreg $0x60  }
0xae: {  	[dreg:$0x2] =	wrdreg s24  }
0xaf: {  	[dreg:$0x3] =	wrdreg s2  }
0xb0: {  	[dreg:$0x4] =	wrdreg $0xA5D00  }
0xb1: {  	[dreg:$0x5] =	wrdreg $0x9  }
0xb2: {  	_ =	task.clear_ibuf [dreg:s7], $0x6FFFF;
	_ =	strace $0x90000046  }
0xb3: {  	s29 =	simm.s32 $0x9;
	_ =	strace $0x80000048  }
0xb4: {  	_ =	swait.ge [sflag:s29], $0x1  }
0xb5: {  	[sflag:s29] =	ssyncadd.s32 $0xFFFFFFFF  }
0xb6: {  	_ =	strace $0x90000048  }
0xb7: {  	_ =	sfence  }
0xb8: {  	s30 =	sld [smem:$0x0];
	_ =	sdelay $0x2  }
0xb9: {  	s31 =	sshll.u32 s1, $0xD;
	s1 =	sshrl.u32 s1, $0x2  }
0xba: {  	s3 =	sand.u32 $0x4000, s31;
	s1 =	sadd.s32 s1, s30  }
0xbb: {  	s0 =	sor.u32 s3, s0;
	s1 =	sshll.u32 s1, $0x11  }
0xbc: {  	s0 =	sor.u32 s1, s0  }
0xbd: {  	s0 =	sadd.s32 $0x8F2B, s0  }
0xbe: {  	[sflag:s0] =	ssyncadd.remote.s32 $0x1  }
0xbf: {  	_ =	sfence.sel $0xFFFF  }
0xc0: {  	[dreg:$0x0] =	wrdreg $0xFFFFFFFF;
	(pc) =	sbr.abs _section_cstart, $3  }
0xc1: {  	[dreg:$0x1] =	wrdreg $0xFFFFFFFF  }
0xc2: {  	_ =	task.clear_ibuf [dreg:s7], $0x2FFFF;
	_ =	strace $0x9FFFFFFF  }
0xc3: {  	(tm) =	ssettm $0x7FFFFFFF  }
tec
execute0_lowered:
.L_overlay_start_1:
0x0: {  	(tag) =	ssettag $0x1  }
0x1: {  	s10 =	rddreg [dreg:$0x0]  }
0x2: {  	s2 =	rddreg [dreg:$0x1]  }
0x3: {  	s3 =	rddreg [dreg:$0x2];
	s1 =	stileid.u32  }
0x4: {  	s0 =	rddreg [dreg:$0x3];
	s5 =	smul.u32 $0x9C4, s1  }
0x5: {  	s4 =	simm.s32 $0x0;
	s7 =	srdreg.scid;
	s8 =	smul.u32 $0x5200, s1  }
0x6: {  	s16 =	simm.s32 $0x4E20;
	s17 =	simm.s32 $0x80;
	s13 =	smul.u32 $0x1400, s1  }
0x7: {  	s18 =	simm.s32 $0x9D50;
	[smem:$0x7FF] =	sst s4;
	s29 =	smul.u32 $0x1300, s1  }
0x8: {  	s7 =	sand.u32 $0x1, s7;
	s9 =	sadd.s32 $0x17400, s10;
	s14 =	smul.u32 $0x4C00, s1  }
0x9: {  	s23 =	sadd.s32 $0x12C00, s3;
	s19 =	sadd.s32 $0x11D00, s3;
	s31 =	sshll.u32 s1, $0x6  }
0xa: {  	_ =	strace $0x80000047;
	s11 =	ssub.s32 $0x2, s7;
	s20 =	smul.u32 $0x1400, s7  }
0xb: {  	p3 =	seq.s32 s7, $0x1;
	s6 =	sadd.s32 s5, s10;
	s5 =	sadd.s32 $0x17000, s10  }
0xc: {  	s12 =	sshrl.u32 s11, $0x1;
	s8 =	sshrl.u32 s8, $0x2;
	s28 =	sshrl.u32 s13, $0x3  }
0xd: {  	s22 =	sadd.s32 s13, s3;
	s30 =	sshrl.u32 s14, $0x2;
	s13 =	simm.s32 $0x1  }
0xe: {  	s14 =	sor.u32 $0x1C01, s31;
	p1 =	seq.s32 @p3 s1, $0xF;
	p4 =	seq.s32 @!p3 s1, $0xF  }
0xf: {  	s11 =	ssub.s32 s11, s12;
	s15 =	sadd.s32 s8, s3;
	s6 =	sadd.s32 $0x3400, s6  }
0x10: {  	s21 =	sadd.s32 $0x1400, s20;
	s7 =	sadd.s32 s9, s28;
	s8 =	sadd.s32 $0x19980, s10  }
0x11: {  	s12 =	sshrl.u32 s29, $0x3;
	s24 =	sadd.s32 s30, s3;
	s10 =	sadd.s32 $0x1BFA0, s10  }
.Ltmp0:
0x12: {  	p0 =	por !p1, !p3;
	p1 =	por p1, !p3;
	(pc) =	sbr.rel .LBB2_1-.Ltmp0, $4  }
0x13: {  	p2 =	por !p4, p3;
	p3 =	por p4, p3;
	s9 =	sadd.s32 s9, s12  }
0x14: {  	s11 =	smax.u32 s11, $0x1;
	s12 =	simm.s32 $0x9DD0;
	s15 =	sshrl.u32 s15, $0x3  }
0x15: {  	v0 =	vmov s20;
	s19 =	sshrl.u32 @!p0 s19, $0x3;
	v1 =	vmov s21;
	s20 =	sshrl.u32 @!p1 s24, $0x3;
	s21 =	sshrl.u32 @!p2 s23, $0x3  }
0x16: {  	v2 =	vimm.s32 $0x0;
	v3 =	vlaneseq.u32;
	v4 =	vimm.s32 $0x1400;
	s22 =	sshrl.u32 @!p3 s22, $0x3;
	s23 =	simm.s32 $0x0;
	s9 =	sadd.s32 $0x2800, s9  }
.LBB2_6:
0x17: {  	[sflag:s13] =	ssyncadd.s32 $0xFFFFF800  }
.LBB2_7:
0x18: {  	[bflag:$0x0] =	sbarrier.arrive $0xFFFF;
	s24 =	simm.s32 @!p0 $0x1  }
0x19: {  	[hbm:s10], [sflag:s14] =	dma.local @!p0 [spmem:s19], $0x280  }
0x1a: {  	_ =	swait.ge @!p0 [sflag:s24], $0x280  }
0x1b: {  	[sflag:s24] =	ssyncset.done @!p0 $0x0  }
0x1c: {  	[sflag:s24] =	ssyncadd.s32 @!p0 $0xFFFFFD80;
	s24 =	simm.s32 @!p1 $0x1  }
0x1d: {  	[hbm:s9], [sflag:s14] =	dma.local @!p1 [spmem:s20], $0x260  }
0x1e: {  	_ =	swait.ge @!p1 [sflag:s24], $0x260  }
0x1f: {  	[sflag:s24] =	ssyncset.done @!p1 $0x0  }
0x20: {  	[sflag:s24] =	ssyncadd.s32 @!p1 $0xFFFFFDA0;
	s24 =	simm.s32 @!p2 $0x1  }
0x21: {  	[hbm:s8], [sflag:s14] =	dma.local @!p2 [spmem:s21], $0x280  }
0x22: {  	s23 =	sadd.s32 $0x1, s23;
	_ =	swait.ge @!p2 [sflag:s24], $0x280  }
0x23: {  	p4 =	sne.s32 s23, s11;
	[sflag:s24] =	ssyncset.done @!p2 $0x0  }
.Ltmp1:
0x24: {  	[sflag:s24] =	ssyncadd.s32 @!p2 $0xFFFFFD80;
	s24 =	simm.s32 @!p3 $0x1;
	(pc) =	sbr.rel @!p4 .LBB2_8-.Ltmp1, $4  }
0x25: {  	[hbm:s7], [sflag:s14] =	dma.local @!p3 [spmem:s22], $0x280  }
0x26: {  	_ =	swait.ge @!p3 [sflag:s24], $0x280  }
0x27: {  	[sflag:s24] =	ssyncset.done @!p3 $0x0  }
0x28: {  	[sflag:s24] =	ssyncadd.s32 @!p3 $0xFFFFFD80  }
.LBB2_1:
0x29: {  	[tilespmem:s12], [sflag:$0x1] =	stream.linear.gather [hbm4b:s2+s4], $0x800, $0x38;
	[tilespmem:$0xBA50] =	vst v63  }
0x2a: {  	_ =	swait.ge [sflag:s13], $0x800  }
0x2b: {  	[sflag:s13] =	ssyncset.done $0x0  }
0x2c: {  	[sflag:s13] =	ssyncadd.s32 $0xFFFFF800  }
0x2d: {  	[spmem:s15], [sflag:s14] =	dma.local [hbm:s5], $0x290  }
0x2e: {  	_ =	swait.ge [sflag:s13], $0x290  }
0x2f: {  	[sflag:s13] =	ssyncset.done $0x0  }
0x30: {  	[sflag:s13] =	ssyncadd.s32 $0xFFFFFD70  }
0x31: {  	[bflag:$0x0] =	sbarrier.arrive $0xFFFF  }
0x32: {  	[tilespmem:s4], [sflag:$0x1] =	stream.linear.gather [hbm4b:s6+s4], $0x4E20, $0x38;
	[tilespmem:$0xBA50] =	vst v63  }
0x33: {  	_ =	swait.ge [sflag:s13], $0x4E20  }
0x34: {  	[sflag:s13] =	ssyncset.done $0x0  }
0x35: {  	s24 =	simm.s32 $0x0;
	[sflag:s13] =	ssyncadd.s32 $0xFFFFB1E0  }
0x36: {  	v5 =	vld [tilespmem:s24+$0x0];
	_ =	sdelay $0x4  }
0x37: {  	vm0 =	vge.s32 v5, v0;
	vm1 =	vlt.s32 v5, v1  }
0x38: {  	vm0 =	vmand vm0, vm1  }
0x39: {  	v6 =	vsel vm0, $0x1, v2  }
0x3a: {  	(xrf0) =	vadd.scan.msk.s32 $0xffff, v6;
	_ =	sdelay $0x5  }
0x3b: {  	v7, _, _ =	vpop (xrf0)  }
0x3c: {  	v6 =	vmov s4;
	v8 =	vxor.u32 $0x80000000, v7  }
0x3d: {  	v6 =	vadd.s32 $0xFFFFFFFF, v6;
	(xrf0) =	vmax.scan.msk.u32 $0xffff, v8  }
0x3e: {  	v6 =	vbroadcast v6, $0x0;
	_ =	sdelay $0x1  }
0x3f: {  	v6 =	vadd.s32 v7, v6  }
0x40: {  	v6 =	vnsel vm0, $0x4F20, v6;
	_ =	sdelay $0x1  }
0x41: {  	v7, _, _ =	vpop (xrf0)  }
0x42: {  	(v2sf) =	vpush v7, $0xF  }
0x43: {  	v5 =	vsub.s32 v5, v0  }
0x44: {  	s26 =	simm.s32 $0x10;
	s25 =	simm.s32 $0x80;
	s24 =	simm.s32 $0x0;
	[tilespmem:v6+s16+$0x0] =	vst.idx.msk $0xffff, v5  }
.LBB2_2:
0x45: {  	p4 =	sne.s32 s25, $0x13840;
	v5 =	vld [tilespmem:s26+$0x0];
	_ =	sdelay $0x4  }
0x46: {  	vm0 =	vge.s32 v5, v0;
	vm1 =	vlt.s32 v5, v1;
	v5 =	vsub.s32 v5, v0  }
0x47: {  	vm0 =	vmand vm0, vm1  }
0x48: {  	v6 =	vsel vm0, $0x1, v2  }
0x49: {  	(xrf0) =	vadd.scan.msk.s32 $0xffff, v6;
	_ =	sdelay $0x3  }
0x4a: {  	s26 =	spop (v2sf)  }
0x4b: {  	s24 =	sadd.s32 s26, s24  }
0x4c: {  	v6, _, _ =	vpop (xrf0);
	s24 =	sadd.s32 $0x80000000, s24  }
0x4d: {  	v7 =	vmov s24;
	v8 =	vxor.u32 $0x80000000, v6  }
0x4e: {  	v7 =	vadd.s32 $0xFFFFFFFF, v7;
	(xrf0) =	vmax.scan.msk.u32 $0xffff, v8  }
0x4f: {  	v7 =	vbroadcast v7, $0x0;
	_ =	sdelay $0x1  }
0x50: {  	v6 =	vadd.s32 v6, v7  }
0x51: {  	v6 =	vnsel vm0, $0x4F20, v6  }
.Ltmp2:
0x52: {  	(pc) =	sbr.rel @p4 .LBB2_2-.Ltmp2, $3  }
0x53: {  	v7, _, _ =	vpop (xrf0)  }
0x54: {  	(v2sf) =	vpush v7, $0xF;
	_ =	sdelay $0x1  }
0x55: {  	s26 =	sshra.s32 s25, $0x2;
	s25 =	sadd.s32 $0x40, s25;
	[tilespmem:v6+s16+$0x0] =	vst.idx.msk $0xffff, v5  }
0x56: {  	v5 =	vld [tilespmem:s26+$0x0];
	_ =	sdelay $0x4  }
0x57: {  	vm0 =	vge.s32 v5, v0;
	vm1 =	vlt.s32 v5, v1  }
0x58: {  	vm0 =	vmand vm0, vm1  }
0x59: {  	v6 =	vsel vm0, $0x1, v2  }
0x5a: {  	(xrf0) =	vadd.scan.msk.s32 $0xffff, v6;
	_ =	sdelay $0x5  }
0x5b: {  	v6, _, _ =	vpop (xrf0)  }
0x5c: {  	v7 =	vxor.u32 $0x80000000, v6  }
0x5d: {  	(xrf0) =	vmax.scan.msk.u32 $0xffff, v7;
	_ =	sdelay $0x5  }
0x5e: {  	v7, _, _ =	vpop (xrf0)  }
0x5f: {  	(v2sf) =	vpush v7, $0xF;
	_ =	sdelay $0x5  }
0x60: {  	s25 =	spop (v2sf)  }
0x61: {  	s24 =	sadd.s32 s25, s24  }
0x62: {  	s24 =	sadd.s32 $0x80000000, s24  }
0x63: {  	v7 =	vmov s24  }
0x64: {  	v7 =	vadd.s32 $0xFFFFFFFF, v7  }
0x65: {  	v7 =	vbroadcast v7, $0x0;
	_ =	sdelay $0x1  }
0x66: {  	v6 =	vadd.s32 v6, v7  }
0x67: {  	v6 =	vnsel vm0, $0x4F20, v6  }
0x68: {  	s28 =	spop (v2sf)  }
0x69: {  	s24 =	sadd.s32 s28, s24  }
0x6a: {  	s24 =	sadd.s32 $0x80000000, s24  }
0x6b: {  	v5 =	vsub.s32 v5, v0;
	s29 =	sadd.s32 $0x10, s24;
	s26 =	sadd.s32 $0x40, s24  }
0x6c: {  	[tilespmem:v6+s16+$0x0] =	vst.idx.msk $0xffff, v5;
	v7 =	vadd.s32 s24, v3;
	s30 =	sadd.s32 $0x20, s24;
	s28 =	sadd.s32 $0x50, s24;
	v5 =	vadd.s32 s26, v3;
	s26 =	sadd.s32 $0x7F, s24  }
0x6d: {  	s31 =	sadd.s32 $0x30, s24;
	v8 =	vadd.s32 s29, v3;
	v6 =	vadd.s32 s28, v3;
	s29 =	sadd.s32 $0x60, s24;
	s28 =	sand.u32 $0x7F, s26  }
0x6e: {  	v9 =	vadd.s32 s30, v3;
	s30 =	sshra.s32 s26, $0x1F;
	p5 =	slt.s32 s26, $0x1;
	p4 =	sne.s32 s28, $0x0  }
0x6f: {  	v10 =	vadd.s32 s31, v3;
	s24 =	sadd.s32 $0x70, s24;
	s31 =	sshrl.u32 s30, $0x19;
	p4 =	por !p5, !p4  }
0x70: {  	s25 =	simm.s32 $0x1;
	v63 =	vadd.s32 s24, v3;
	s24 =	sadd.s32 s31, s26;
	p4 =	por !p4, !p4  }
0x71: {  	[tilespmem:v7+s16+$0x0] =	vst.idx.msk $0xffff, v4;
	s24 =	sshra.s32 s24, $0x7;
	s25 =	simm.s32 @!p4 $0x0  }
0x72: {  	v7 =	vadd.s32 s29, v3;
	[tilespmem:v8+s16+$0x0] =	vst.idx.msk $0xffff, v4;
	s25 =	ssub.s32 s24, s25  }
0x73: {  	[tilespmem:v9+s16+$0x0] =	vst.idx.msk $0xffff, v4;
	p4 =	slt.s32 s25, $0x1  }
.Ltmp3:
0x74: {  	[tilespmem:v10+s16+$0x0] =	vst.idx.msk $0xffff, v4;
	(pc) =	sbr.rel @p4 .LBB2_7-.Ltmp3, $4  }
0x75: {  	[tilespmem:v5+s16+$0x0] =	vst.idx.msk $0xffff, v4  }
0x76: {  	[tilespmem:v6+s16+$0x0] =	vst.idx.msk $0xffff, v4  }
0x77: {  	[tilespmem:v7+s16+$0x0] =	vst.idx.msk $0xffff, v4  }
0x78: {  	s24 =	simm.s32 $0x4E60;
	[tilespmem:v63+s16+$0x0] =	vst.idx.msk $0xffff, v4  }
0x79: {  	v5 =	vld [tilespmem:s24+$0xFFFFFFC0];
	_ =	sdelay $0x4  }
0x7a: {  	[tilespmem:$0x9D50] =	vst v5  }
0x7b: {  	v5 =	vld [tilespmem:s24+$0xFFFFFFD0];
	_ =	sdelay $0x4  }
0x7c: {  	[tilespmem:$0x9D60] =	vst v5  }
0x7d: {  	v5 =	vld [tilespmem:s24+$0xFFFFFFE0];
	_ =	sdelay $0x4  }
0x7e: {  	[tilespmem:$0x9D70] =	vst v5  }
0x7f: {  	v5 =	vld [tilespmem:s24+$0xFFFFFFF0];
	_ =	sdelay $0x4  }
0x80: {  	[tilespmem:$0x9D80] =	vst v5  }
0x81: {  	v5 =	vld [tilespmem:s24+$0x0];
	_ =	sdelay $0x4  }
0x82: {  	[tilespmem:$0x9D90] =	vst v5  }
0x83: {  	v5 =	vld [tilespmem:s24+$0x10];
	_ =	sdelay $0x4  }
0x84: {  	[tilespmem:$0x9DA0] =	vst v5  }
0x85: {  	v5 =	vld [tilespmem:s24+$0x20];
	_ =	sdelay $0x4  }
0x86: {  	[tilespmem:$0x9DB0] =	vst v5  }
0x87: {  	v5 =	vld [tilespmem:s24+$0x30];
	_ =	sdelay $0x2  }
0x88: {  	p4 =	sne.s32 s25, $0x1  }
.Ltmp4:
0x89: {  	_ = 	snop;
	(pc) =	sbr.rel @!p4 .LBB2_6-.Ltmp4, $4  }
0x8a: {  	[tilespmem:$0x9DC0] =	vst v5  }
0x8b: {  	[spmem:s3] =	stream.indirect.scatter.add.f32 [tilespmem:s12], [sflag:$0x1], $0x10, s18, s17, $0xb8;
	[tilespmem:$0xBA50] =	vst v63  }
0x8c: {  	_ =	swait.ge [sflag:s13], $0x800  }
0x8d: {  	s25 =	sadd.s32 $0xFFFFFFFF, s25;
	[sflag:s13] =	ssyncset.done $0x0  }
.LBB2_5:
0x8e: {  	p4 =	sne.s32 s25, $0x1;
	[sflag:s13] =	ssyncadd.s32 $0xFFFFF800;
	s24 =	sadd.s32 $0x80, s24  }
0x8f: {  	s25 =	sadd.s32 $0xFFFFFFFF, s25;
	v5 =	vld [tilespmem:s24+$0xFFFFFFC0];
	_ =	sdelay $0x4  }
0x90: {  	[tilespmem:$0x9D50] =	vst v5  }
0x91: {  	v5 =	vld [tilespmem:s24+$0xFFFFFFD0];
	_ =	sdelay $0x4  }
0x92: {  	[tilespmem:$0x9D60] =	vst v5  }
0x93: {  	v5 =	vld [tilespmem:s24+$0xFFFFFFE0];
	_ =	sdelay $0x4  }
0x94: {  	[tilespmem:$0x9D70] =	vst v5  }
0x95: {  	v5 =	vld [tilespmem:s24+$0xFFFFFFF0];
	_ =	sdelay $0x4  }
0x96: {  	[tilespmem:$0x9D80] =	vst v5  }
0x97: {  	v5 =	vld [tilespmem:s24+$0x0];
	_ =	sdelay $0x4  }
0x98: {  	[tilespmem:$0x9D90] =	vst v5  }
0x99: {  	v5 =	vld [tilespmem:s24+$0x10];
	_ =	sdelay $0x4  }
0x9a: {  	[tilespmem:$0x9DA0] =	vst v5  }
0x9b: {  	v5 =	vld [tilespmem:s24+$0x20];
	_ =	sdelay $0x4  }
0x9c: {  	[tilespmem:$0x9DB0] =	vst v5  }
0x9d: {  	v5 =	vld [tilespmem:s24+$0x30];
	_ =	sdelay $0x3  }
.Ltmp5:
0x9e: {  	(pc) =	sbr.rel @p4 .LBB2_5-.Ltmp5, $4  }
0x9f: {  	[tilespmem:$0x9DC0] =	vst v5  }
0xa0: {  	[spmem:s3] =	stream.indirect.scatter.add.f32 [tilespmem:s12], [sflag:$0x1], $0x10, s18, s17, $0xb8;
	[tilespmem:$0xBA50] =	vst v63  }
0xa1: {  	_ =	swait.ge [sflag:s13], $0x800  }
0xa2: {  	[sflag:s13] =	ssyncset.done $0x0  }
.Ltmp6:
0xa3: {  	_ = 	snop;
	(pc) =	sbr.rel .LBB2_6-.Ltmp6, $1  }
0xa4: {  	_ =	sdelay $0x3  }
.LBB2_8:
0xa5: {  	_ =	sfence.sel $0x180000  }
0xa6: {  	[bflag:$0x0] =	sbarrier.arrive $0xFFFF  }
0xa7: {  	p0 =	sne.s32 s1, $0x0;
	_ =	strace $0x90000047  }
0xa8: {  	s0 =	sadd.s32 @!p0 $0x100000, s0;
	[bflag:$0x2] =	sbarrier.arrive $0xFFFF  }
0xa9: {  	[sflag:s0] =	ssyncadd.tile.s32 @!p0 $0x1;
	_ =	shalt  }
.Lfunc_end2:
_tile_overlayer_lowered:
.L_overlay_start_2:
0xaa: {  	(tag) =	ssettag $0x2  }
0xab: {  	s0 =	rddreg [dreg:$0x0];
	s2 =	stileid.u32  }
0xac: {  	s1 =	rddreg [dreg:$0x1];
	p0 =	sne.s32 s2, $0x0  }
0xad: {  	s3 =	rddreg [dreg:$0x2];
	[bflag:$0x3] =	sbarrier.arrive $0xFFFF;
	s2 =	simm.s32 @!p0 $0x1C01  }
0xae: {  	[timem:s3], [sflag:s2] =	dma.local @!p0 [hbm:s0], s1  }
0xaf: {  	s0 =	simm.s32 @!p0 $0x1  }
0xb0: {  	_ =	swait.ge @!p0 [sflag:s0], s1  }
0xb1: {  	s1 =	ssub.s32 @!p0 $0x0, s1;
	[sflag:s0] =	ssyncset.done @!p0 $0x0  }
0xb2: {  	[sflag:s0] =	ssyncadd.s32 @!p0 s1  }
0xb3: {  	[bflag:$0x3] =	sbarrier.arrive $0xFFFF  }
0xb4: {  	_ =	shalt  }

// kernel: kernel.15.cloned.1.call-start
scs
__scs_entry_jumppad:
0x0: {  	(pc) =	sbr.rel $0x88, $3  }
0x1: {  	(tag) =	ssettag $0x0;
	lr =	simm.s32 $0x1  }
0x2: {  	[smem:$0x3F8F] =	sst lr;
	_ =	strace $0xD0000000  }
0x3: {  	_ = 	snop  }
0x4: {  	_ = 	snop  }
0x5: {  	_ = 	snop  }
0x6: {  	_ = 	snop  }
0x7: {  	_ = 	snop  }
__scs_overlays_trampoline_lowered:
0x8: {  	[smem:$0x3F9E] =	sst s0  }
0x9: {  	[smem:$0x3F9F] =	sst s1  }
0xa: {  	[smem:$0x3FA0] =	sst s2  }
0xb: {  	[smem:$0x3FA1] =	sst s3  }
0xc: {  	[smem:$0x3FA2] =	sst s4  }
0xd: {  	[smem:$0x3FA3] =	sst s5  }
0xe: {  	[smem:$0x3FA4] =	sst s6  }
0xf: {  	[smem:$0x3FA5] =	sst s7  }
0x10: {  	[smem:$0x3FA6] =	sst s8  }
0x11: {  	[smem:$0x3FA7] =	sst s9;
	s0 =	simm.s32 @!p0 $0x0  }
0x12: {  	s1 =	sld [smem:$0x3F8D];
	s0 =	simm.s32 @p0 $0x1  }
0x13: {  	[smem:$0x3FA8] =	sst s0;
	s0 =	simm.s32 @!p1 $0x0  }
0x14: {  	s2 =	sld [smem:$0x3F8C];
	s0 =	simm.s32 @p1 $0x1  }
0x15: {  	[smem:$0x3FA9] =	sst s0;
	s0 =	simm.s32 @!p2 $0x0  }
0x16: {  	s3 =	sld [smem:$0x3FDB];
	s0 =	simm.s32 @p2 $0x1  }
0x17: {  	s4 =	simm.s32 $0x1BF5;
	[smem:$0x3FAB] =	sst s0  }
0x18: {  	s0 =	sld [smem:$0x3F8E];
	_ =	swait.ge [sflag:s4], $0x0  }
0x19: {  	s7 =	sld [smem:$0x3F8F]  }
0x1a: {  	s8 =	sadd.s32 $0xFFFFE003, lr  }
0x1b: {  	s9 =	sadd.s32 $0xFFFFFEF7, lr;
	s5 =	simm.s32 $0xFFFFFFFF;
	p2 =	slt.u32 s8, $0xFFFFF086  }
0x1c: {  	p1 =	slt.u32 s9, $0xF7A;
	s5 =	simm.s32 @!p2 $0x0  }
0x1d: {  	s5 =	simm.s32 @p1 $0x1;
	p0 =	seq.s32 s7, s2  }
0x1e: {  	s7 =	smul.u32 @!p0 $0xF7A, s2;
	p2 =	seq.s32 @!p0 s5, $0x0  }
0x1f: {  	s9 =	smul.u32 $0xF7A, s1;
	s8 =	simm.s32 @!p0 $0x1BF5;
	p2 =	por !p2, p0  }
0x20: {  	[sflag:s8] =	ssyncset.s32 @!p0 $0xFFFFF086;
	s6 =	sadd.s32 @!p0 s3, s7;
	s7 =	simm.s32 @!p0 $0x108  }
0x21: {  	s3 =	sadd.s32 s3, s9;
	s6 =	sadd.s32 @!p0 $0x88, s6;
	s7 =	simm.s32 @p2 $0x1082  }
0x22: {  	[simem:s7], [sflag:s8] =	dma.local @!p0 [hbm:s6], $0xF7A  }
0x23: {  	s9 =	sor.u32 $0xD0000000, s2;
	s6 =	simm.s32 $0x108;
	_ =	swait.ge @!p0 [sflag:s8], $0x0  }
0x24: {  	s3 =	sadd.s32 $0x88, s3;
	s6 =	simm.s32 @!p1 $0x1082;
	[sflag:s4] =	ssyncset.s32 $0xFFFFF086  }
0x25: {  	[simem:s6], [sflag:s4] =	dma.local [hbm:s3], $0xF7A  }
0x26: {  	[smem:$0x3F8F] =	sst s1;
	(tag) =	ssettag s2;
	_ =	strace s9  }
0x27: {  	s1 =	sld [smem:$0x3F9F]  }
0x28: {  	s2 =	sld [smem:$0x3FA0]  }
0x29: {  	s4 =	sld [smem:$0x3FA2]  }
0x2a: {  	p0 =	seq.s32 s5, $0x0;
	s5 =	sld [smem:$0x3FA3]  }
0x2b: {  	s6 =	sld [smem:$0x3FA4]  }
0x2c: {  	s7 =	sld [smem:$0x3FA5]  }
0x2d: {  	s3 =	simm.s32 $0x108;
	s8 =	sld [smem:$0x3FA6]  }
0x2e: {  	s3 =	simm.s32 @!p0 $0x1082;
	s9 =	sld [smem:$0x3FA7]  }
0x2f: {  	lr =	sadd.s32 s0, s3;
	s0 =	sld [smem:$0x3F9E]  }
0x30: {  	s3 =	sld [smem:$0x3FA1]  }
0x31: {  	[smem:$0x3FAA] =	sst s10  }
0x32: {  	s10 =	sld [smem:$0x3FA8];
	_ =	sdelay $0x3  }
0x33: {  	p0 =	seq.s32 s10, $0x1;
	s10 =	sld [smem:$0x3FAA];
	_ =	sdelay $0x3  }
0x34: {  	[smem:$0x3FAA] =	sst s10  }
0x35: {  	s10 =	sld [smem:$0x3FA9];
	_ =	sdelay $0x3  }
0x36: {  	p1 =	seq.s32 s10, $0x1;
	s10 =	sld [smem:$0x3FAA];
	_ =	sdelay $0x3  }
0x37: {  	[smem:$0x3FAA] =	sst s10  }
0x38: {  	s10 =	sld [smem:$0x3FAB]  }
0x39: {  	_ = 	snop;
	(pc) =	sbr.ind lr, $3  }
0x3a: {  	_ = 	snop  }
0x3b: {  	_ = 	snop  }
0x3c: {  	p2 =	seq.s32 s10, $0x1;
	s10 =	sld [smem:$0x3FAA]  }
0x3d: {  	_ =	shalt  }
0x3e: {  	_ =	shalt  }
0x3f: {  	_ =	shalt  }
0x40: {  	_ =	shalt  }
0x41: {  	_ =	shalt  }
0x42: {  	_ =	shalt  }
0x43: {  	_ =	shalt  }
0x44: {  	_ =	shalt  }
0x45: {  	_ =	shalt  }
0x46: {  	_ =	shalt  }
0x47: {  	_ =	shalt  }
0x48: {  	_ =	shalt  }
0x49: {  	_ =	shalt  }
0x4a: {  	_ =	shalt  }
0x4b: {  	_ =	shalt  }
0x4c: {  	_ =	shalt  }
0x4d: {  	_ =	shalt  }
0x4e: {  	_ =	shalt  }
0x4f: {  	_ =	shalt  }
0x50: {  	_ =	shalt  }
0x51: {  	_ =	shalt  }
0x52: {  	_ =	shalt  }
0x53: {  	_ =	shalt  }
0x54: {  	_ =	shalt  }
0x55: {  	_ =	shalt  }
0x56: {  	_ =	shalt  }
0x57: {  	_ =	shalt  }
0x58: {  	_ =	shalt  }
0x59: {  	_ =	shalt  }
0x5a: {  	_ =	shalt  }
0x5b: {  	_ =	shalt  }
0x5c: {  	_ =	shalt  }
0x5d: {  	_ =	shalt  }
0x5e: {  	_ =	shalt  }
0x5f: {  	_ =	shalt  }
0x60: {  	_ =	shalt  }
0x61: {  	_ =	shalt  }
0x62: {  	_ =	shalt  }
0x63: {  	_ =	shalt  }
0x64: {  	_ =	shalt  }
0x65: {  	_ =	shalt  }
0x66: {  	_ =	shalt  }
0x67: {  	_ =	shalt  }
0x68: {  	_ =	shalt  }
0x69: {  	_ =	shalt  }
0x6a: {  	_ =	shalt  }
0x6b: {  	_ =	shalt  }
0x6c: {  	_ =	shalt  }
0x6d: {  	_ =	shalt  }
0x6e: {  	_ =	shalt  }
0x6f: {  	_ =	shalt  }
0x70: {  	_ =	shalt  }
0x71: {  	_ =	shalt  }
0x72: {  	_ =	shalt  }
0x73: {  	_ =	shalt  }
0x74: {  	_ =	shalt  }
0x75: {  	_ =	shalt  }
0x76: {  	_ =	shalt  }
0x77: {  	_ =	shalt  }
0x78: {  	_ =	shalt  }
0x79: {  	_ =	shalt  }
0x7a: {  	_ =	shalt  }
0x7b: {  	_ =	shalt  }
0x7c: {  	_ =	shalt  }
0x7d: {  	_ =	shalt  }
0x7e: {  	_ =	shalt  }
0x7f: {  	_ =	shalt  }
0x80: {  	_ =	shalt  }
0x81: {  	_ =	shalt  }
0x82: {  	_ =	shalt  }
0x83: {  	_ =	shalt  }
0x84: {  	_ =	shalt  }
0x85: {  	_ =	shalt  }
0x86: {  	_ =	shalt  }
0x87: {  	_ =	shalt  }
.Lfunc_end0:
.L_simem_size_0:
called_computation.1_lowered:
.L_overlay_start_0:
0x88: {  	s2 =	sld [smem:$0x3FD9]  }
0x89: {  	s3 =	sld [smem:$0x3FFE];
	_ =	sdelay $0x1  }
0x8a: {  	s1 =	srdreg.scid  }
0x8b: {  	s0 =	sand.u32 $0x1, s1  }
0x8c: {  	s16 =	sshll.u32 s0, $0xA;
	s2 =	sadd.s32 s3, s2  }
0x8d: {  	s2 =	sadd.s32 s2, s16  }
0x8e: {  	[smem:$0x3FB6] =	sst s2  }
0x8f: {  	_ = 	snop  }
0x90: {  	(tm) =	ssettm $0x1  }
0x91: {  	s17 =	sld [smem:$0x3FFB];
	_ =	sdelay $0x3  }
0x92: {  	_ =	strace s17  }
0x93: {  	s2 =	sld [smem:$0x3FFC];
	_ =	sdelay $0x3  }
0x94: {  	_ =	strace s2  }
0x95: {  	s2 =	sld [smem:$0x3FFD];
	_ =	sdelay $0x3  }
0x96: {  	_ =	strace s2  }
0x97: {  	_ =	strace $0x8FFFFFFF  }
0x98: {  	s18 =	sld [smem:$0x3FDB];
	_ =	sdelay $0x1  }
0x99: {  	s19 =	simm.s32 $_scs_section_size  }
0x9a: {  	s4 =	simm.s32 $_size__tile_overlayer_lowered;
	s5 =	simm.s32 $_tile_overlayer_lowered  }
0x9b: {  	s22 =	simm.s32 $0x1BFF;
	s21 =	sshll.u32 s5, $0x1;
	s2 =	sadd.s32 s19, s18  }
0x9c: {  	s6 =	simm.s32 $0x0;
	s20 =	sshll.u32 s4, $0x1;
	s4 =	sadd.s32 s21, s2  }
0x9d: {  	[timem:s6], [sflag:s22] =	dma.local [hbm:s4], s20  }
0x9e: {  	_ =	swait.ge [sflag:s22], s20  }
0x9f: {  	s3 =	ssub.s32 $0x0, s20;
	[sflag:s22] =	ssyncset.done $0x0  }
0xa0: {  	[sflag:s22] =	ssyncadd.s32 s3;
	_ =	sdelay $0x1  }
0xa1: {  	s23 =	simm.s32 $0x1B8B  }
0xa2: {  	_ =	swait.ge [sflag:s23], $0x1  }
0xa3: {  	[sflag:s23] =	ssyncset.done $0x0  }
0xa4: {  	s25 =	simm.s32 $0x1B8E;
	s24 =	sld [smem:$0x3FFE];
	[sflag:s23] =	ssyncadd.s32 $0xFFFFFFFF  }
0xa5: {  	s26 =	simm.s32 $execute0_lowered;
	[smem:$0x3FD2] =	sst s25  }
0xa6: {  	s4 =	sshll.u32 s26, $0x1;
	_ =	strace $0x80000049;
	[dreg:$0x1] =	wrdreg $0xFFFFFFFF  }
0xa7: {  	s28 =	simm.s32 $_size_execute0_lowered;
	s2 =	sadd.s32 s2, s4;
	[dreg:$0x0] =	wrdreg $0x0  }
0xa8: {  	s4 =	sshll.u32 s28, $0x1;
	[dreg:$0x2] =	wrdreg s2  }
0xa9: {  	[dreg:$0x3] =	wrdreg s4  }
0xaa: {  	[dreg:$0x4] =	wrdreg $0xC0  }
0xab: {  	_ =	task [dreg:s6], $0x5FFFF  }
0xac: {  	[dreg:$0x1] =	wrdreg $0xFFFFFFFF  }
0xad: {  	[dreg:$0x0] =	wrdreg $0x60  }
0xae: {  	[dreg:$0x2] =	wrdreg s24  }
0xaf: {  	[dreg:$0x3] =	wrdreg $0xA5E00  }
0xb0: {  	[dreg:$0x4] =	wrdreg $0x9  }
0xb1: {  	_ =	task.clear_ibuf [dreg:s6], $0x5FFFF;
	_ =	strace $0x90000049  }
0xb2: {  	s29 =	simm.s32 $0x9;
	_ =	strace $0x8000004B  }
0xb3: {  	_ =	swait.ge [sflag:s29], $0x1  }
0xb4: {  	[sflag:s29] =	ssyncadd.s32 $0xFFFFFFFF  }
0xb5: {  	_ =	strace $0x9000004B  }
0xb6: {  	_ =	sfence  }
0xb7: {  	s30 =	sld [smem:$0x0];
	_ =	sdelay $0x2  }
0xb8: {  	s31 =	sshll.u32 s1, $0xD;
	s1 =	sshrl.u32 s1, $0x2  }
0xb9: {  	s3 =	sand.u32 $0x4000, s31;
	s1 =	sadd.s32 s1, s30  }
0xba: {  	s0 =	sor.u32 s3, s0;
	s1 =	sshll.u32 s1, $0x11  }
0xbb: {  	s0 =	sor.u32 s1, s0  }
0xbc: {  	s0 =	sadd.s32 $0x8F2B, s0  }
0xbd: {  	[sflag:s0] =	ssyncadd.remote.s32 $0x1  }
0xbe: {  	_ =	sfence.sel $0xFFFF  }
0xbf: {  	[dreg:$0x0] =	wrdreg $0xFFFFFFFF;
	(pc) =	sbr.abs _section_cstart, $3  }
0xc0: {  	[dreg:$0x1] =	wrdreg $0xFFFFFFFF  }
0xc1: {  	_ =	task.clear_ibuf [dreg:s6], $0x2FFFF;
	_ =	strace $0x9FFFFFFF  }
0xc2: {  	(tm) =	ssettm $0x7FFFFFFF  }
0xc3: {  	_ =	shalt  }
tec
execute0_lowered:
.L_overlay_start_1:
0x0: {  	(tag) =	ssettag $0x1  }
0x1: {  	s0 =	rddreg [dreg:$0x0]  }
0x2: {  	s1 =	rddreg [dreg:$0x1];
	s2 =	simm.s32 $0x0;
	s3 =	srdreg.scid  }
0x3: {  	s21 =	stileid.u32;
	s16 =	simm.s32 $0x3;
	s17 =	simm.s32 $0x2710  }
0x4: {  	s18 =	simm.s32 $0x4E20;
	s29 =	simm.s32 $0x9DC0;
	s30 =	simm.s32 $0xA1E0  }
0x5: {  	s31 =	simm.s32 $0x9D60;
	[smem:$0x7FF] =	sst s2;
	s4 =	sadd.s32 $0xD200, s0  }
0x6: {  	s5 =	sadd.s32 $0x3400, s0;
	s6 =	sadd.s32 $0x17000, s0;
	s8 =	smul.u32 $0xA400, s21  }
0x7: {  	s3 =	sand.u32 $0x1, s3;
	s7 =	sadd.s32 $0x20E00, s0;
	s12 =	smul.u32 $0x2800, s21  }
0x8: {  	s10 =	sadd.s32 $0x21400, s0;
	s22 =	sshll.u32 s21, $0x6;
	s13 =	smul.u32 $0x2600, s21  }
0x9: {  	s14 =	smul.u32 $0x9800, s21;
	s25 =	sadd.s32 $0x25F00, s0;
	_ =	strace $0x8000004A  }
0xa: {  	[dreg:$0x3] =	wrdreg s7;
	s19 =	ssub.s32 $0x2, s3;
	s11 =	smul.u32 $0x1400, s3  }
0xb: {  	p3 =	seq.s32 s3, $0x1;
	[dreg:$0x5] =	wrdreg s25;
	s25 =	simm.s32 $0x20  }
0xc: {  	s9 =	sshrl.u32 s19, $0x1;
	s20 =	sshrl.u32 s8, $0x2;
	s8 =	smul.u32 $0x4E20, s21  }
0xd: {  	s23 =	sshrl.u32 s12, $0x3;
	s24 =	sshrl.u32 s13, $0x3;
	s26 =	sshrl.u32 s14, $0x2  }
0xe: {  	s13 =	sadd.s32 $0x2AB40, s0;
	s0 =	sadd.s32 $0x23A00, s1;
	p1 =	seq.s32 @p3 s21, $0xF  }
0xf: {  	p4 =	seq.s32 @!p3 s21, $0xF;
	s7 =	ssub.s32 s19, s9;
	s15 =	sadd.s32 s20, s1  }
0x10: {  	s9 =	sor.u32 $0x1C03, s22;
	s28 =	sadd.s32 $0x1400, s11;
	s3 =	sadd.s32 s10, s23  }
0x11: {  	s10 =	sadd.s32 s10, s24;
	s22 =	sadd.s32 $0x25800, s1;
	p0 =	por !p1, !p3  }
0x12: {  	s19 =	simm.s32 $0x75C0;
	p1 =	por p1, !p3;
	p2 =	por !p4, p3  }
0x13: {  	p3 =	por p4, p3;
	s24 =	simm.s32 $0x1;
	[dreg:$0x4] =	wrdreg s3  }
.Ltmp0:
0x14: {  	s3 =	sadd.s32 s12, s1;
	s10 =	sadd.s32 $0x5000, s10;
	(pc) =	sbr.rel .LBB2_1-.Ltmp0, $4  }
0x15: {  	s14 =	smax.u32 s7, $0x1;
	s15 =	sshrl.u32 s15, $0x3;
	s20 =	sshrl.u32 @!p0 s0, $0x3  }
0x16: {  	s22 =	sshrl.u32 @!p2 s22, $0x3;
	v1 =	vmov s28;
	s28 =	simm.s32 $0x9DE0;
	s0 =	simm.s32 $0x2  }
0x17: {  	v2 =	vimm.s32 $0x0;
	[dreg:$0x6] =	wrdreg s10;
	s10 =	sadd.s32 s26, s1;
	s23 =	sshrl.u32 @!p3 s3, $0x3  }
0x18: {  	v3 =	vlaneseq.u32;
	v4 =	vimm.s32 $0x1400;
	v0 =	vmov s11;
	s26 =	simm.s32 $0x9DA0;
	s3 =	simm.s32 $0x9D80;
	s21 =	sshrl.u32 @!p1 s10, $0x3  }
.LBB2_9:
0x19: {  	[bflag:$0x0] =	sbarrier.arrive $0xFFFF;
	s7 =	simm.s32 @!p0 $0x3  }
0x1a: {  	[hbm:s13], [sflag:s9] =	dma.local @!p0 [spmem:s20], $0x500  }
0x1b: {  	_ =	swait.ge @!p0 [sflag:s7], $0x500  }
0x1c: {  	[sflag:s7] =	ssyncset.done @!p0 $0x0  }
0x1d: {  	[sflag:s7] =	ssyncadd.s32 @!p0 $0xFFFFFB00;
	s7 =	rddreg [dreg:$0x6]  }
0x1e: {  	[hbm:s7], [sflag:s9] =	dma.local @!p1 [spmem:s21], $0x4C0  }
0x1f: {  	s7 =	simm.s32 @!p1 $0x3  }
0x20: {  	_ =	swait.ge @!p1 [sflag:s7], $0x4C0  }
0x21: {  	[sflag:s7] =	ssyncset.done @!p1 $0x0  }
0x22: {  	[sflag:s7] =	ssyncadd.s32 @!p1 $0xFFFFFB40;
	s7 =	rddreg [dreg:$0x5]  }
0x23: {  	[hbm:s7], [sflag:s9] =	dma.local @!p2 [spmem:s22], $0x500  }
0x24: {  	s7 =	simm.s32 @!p2 $0x3  }
0x25: {  	_ =	swait.ge @!p2 [sflag:s7], $0x500  }
0x26: {  	[sflag:s7] =	ssyncset.done @!p2 $0x0  }
0x27: {  	s2 =	sadd.s32 $0x1, s2;
	[sflag:s7] =	ssyncadd.s32 @!p2 $0xFFFFFB00;
	s7 =	rddreg [dreg:$0x4]  }
0x28: {  	[hbm:s7], [sflag:s9] =	dma.local @!p3 [spmem:s23], $0x500  }
0x29: {  	p4 =	sne.s32 s2, s14;
	s7 =	simm.s32 @!p3 $0x3  }
.Ltmp1:
0x2a: {  	_ =	swait.ge @!p3 [sflag:s7], $0x500;
	(pc) =	sbr.rel @!p4 .LBB2_10-.Ltmp1, $3  }
0x2b: {  	[sflag:s7] =	ssyncset.done @!p3 $0x0  }
0x2c: {  	[sflag:s7] =	ssyncadd.s32 @!p3 $0xFFFFFB00  }
0x2d: {  	[bflag:$0x0] =	sbarrier.arrive $0xFFFF;
	_ =	sdelay $0x1  }
.LBB2_1:
0x2e: {  	s7 =	rddreg [dreg:$0x3]  }
0x2f: {  	[spmem:s15], [sflag:s9] =	dma.local [hbm:s7], $0x520  }
.Ltmp2:
0x30: {  	_ =	swait.ge [sflag:s16], $0x520;
	(pc) =	sbr.rel .LBB2_2-.Ltmp2, $4  }
0x31: {  	[sflag:s16] =	ssyncset.done $0x0  }
0x32: {  	[sflag:s16] =	ssyncadd.s32 $0xFFFFFAE0  }
0x33: {  	[bflag:$0x0] =	sbarrier.arrive $0xFFFF  }
0x34: {  	p5 =	por $0x1, $0x1;
	s7 =	simm.s32 $0x0  }
.LBB2_7:
0x35: {  	[sflag:s16] =	ssyncadd.s32 $0xFFFFFC00  }
.LBB2_8:
.Ltmp3:
0x36: {  	(pc) =	sbr.rel @!p4 .LBB2_9-.Ltmp3, $2  }
0x37: {  	_ =	sdelay $0x2  }
0x38: {  	s7 =	simm.s32 $0x2710;
	p5 =	por $0x0, $0x0  }
.LBB2_2:
0x39: {  	s7 =	sadd.s32 s8, s7  }
0x3a: {  	s10 =	sshrl.u32 s7, $0x3  }
0x3b: {  	s7 =	simm.s32 $0x0;
	s11 =	sadd.s32 s5, s10  }
0x3c: {  	[tilespmem:s7], [sflag:$0x3] =	stream.linear.gather [hbm4b:s11+s7], $0x2710, $0x38;
	[tilespmem:$0xCEE0] =	vst v63  }
0x3d: {  	_ =	swait.ge [sflag:s16], $0x2710  }
0x3e: {  	[sflag:s16] =	ssyncset.done $0x0  }
0x3f: {  	s10 =	sadd.s32 s4, s10;
	[sflag:s16] =	ssyncadd.s32 $0xFFFFD8F0  }
0x40: {  	[tilespmem:s17], [sflag:$0x3] =	stream.linear.gather [hbm4b:s10+s7], $0x2710, $0x38;
	[tilespmem:$0xCEE0] =	vst v63  }
0x41: {  	_ =	swait.ge [sflag:s16], $0x2710  }
0x42: {  	[sflag:s16] =	ssyncset.done $0x0  }
0x43: {  	s12 =	simm.s32 $0x0;
	[sflag:s16] =	ssyncadd.s32 $0xFFFFD8F0  }
0x44: {  	v5 =	vld [tilespmem:s12+$0x0];
	_ =	sdelay $0x4  }
0x45: {  	vm0 =	vge.s32 v5, v0;
	vm1 =	vlt.s32 v5, v1  }
0x46: {  	vm0 =	vmand vm0, vm1  }
0x47: {  	v6 =	vsel vm0, $0x1, v2  }
0x48: {  	(xrf0) =	vadd.scan.msk.s32 $0xffff, v6;
	_ =	sdelay $0x5  }
0x49: {  	v7, _, _ =	vpop (xrf0)  }
0x4a: {  	v6 =	vmov s7;
	v8 =	vxor.u32 $0x80000000, v7  }
0x4b: {  	v6 =	vadd.s32 $0xFFFFFFFF, v6;
	(xrf0) =	vmax.scan.msk.u32 $0xffff, v8  }
0x4c: {  	v6 =	vbroadcast v6, $0x0;
	_ =	sdelay $0x1  }
0x4d: {  	v6 =	vadd.s32 v7, v6  }
0x4e: {  	v6 =	vnsel vm0, $0x2790, v6  }
0x4f: {  	v7 =	vld [tilespmem:s12+$0x2710]  }
0x50: {  	v8, _, _ =	vpop (xrf0)  }
0x51: {  	(v2sf) =	vpush v8, $0xF  }
0x52: {  	v5 =	vsub.s32 v5, v0  }
0x53: {  	[tilespmem:v6+s18+$0x0] =	vst.idx.msk $0xffff, v5  }
0x54: {  	p4 =	por p5, p5;
	s11 =	simm.s32 $0x80;
	s10 =	simm.s32 $0x10;
	[tilespmem:v6+s19+$0x0] =	vst.idx.msk $0xffff, v7  }
.LBB2_3:
0x55: {  	p5 =	sne.s32 s11, $0x9C00;
	v5 =	vld [tilespmem:s10+$0x0];
	_ =	sdelay $0x4  }
0x56: {  	vm0 =	vge.s32 v5, v0;
	vm1 =	vlt.s32 v5, v1;
	v5 =	vsub.s32 v5, v0  }
0x57: {  	vm0 =	vmand vm0, vm1  }
0x58: {  	v6 =	vsel vm0, $0x1, v2  }
0x59: {  	(xrf0) =	vadd.scan.msk.s32 $0xffff, v6;
	_ =	sdelay $0x2  }
0x5a: {  	s12 =	spop (v2sf)  }
0x5b: {  	s7 =	sadd.s32 s12, s7  }
0x5c: {  	s7 =	sadd.s32 $0x80000000, s7  }
0x5d: {  	v6 =	vmov s7;
	v7, _, _ =	vpop (xrf0)  }
0x5e: {  	v6 =	vadd.s32 $0xFFFFFFFF, v6;
	v8 =	vxor.u32 $0x80000000, v7  }
0x5f: {  	v6 =	vbroadcast v6, $0x0;
	(xrf0) =	vmax.scan.msk.u32 $0xffff, v8;
	_ =	sdelay $0x1  }
0x60: {  	v6 =	vadd.s32 v7, v6  }
0x61: {  	v6 =	vnsel vm0, $0x2790, v6  }
0x62: {  	v7 =	vld [tilespmem:s10+$0x2710];
	_ =	sdelay $0x1  }
.Ltmp4:
0x63: {  	v8, _, _ =	vpop (xrf0);
	(pc) =	sbr.rel @p5 .LBB2_3-.Ltmp4, $4  }
0x64: {  	(v2sf) =	vpush v8, $0xF  }
0x65: {  	[tilespmem:v6+s18+$0x0] =	vst.idx.msk $0xffff, v5  }
0x66: {  	[tilespmem:v6+s19+$0x0] =	vst.idx.msk $0xffff, v7  }
0x67: {  	s10 =	sshra.s32 s11, $0x2;
	s11 =	sadd.s32 $0x40, s11  }
0x68: {  	v5 =	vld [tilespmem:s10+$0x0];
	_ =	sdelay $0x4  }
0x69: {  	vm0 =	vge.s32 v5, v0;
	vm1 =	vlt.s32 v5, v1  }
0x6a: {  	vm0 =	vmand vm0, vm1  }
0x6b: {  	v6 =	vsel vm0, $0x1, v2  }
0x6c: {  	(xrf0) =	vadd.scan.msk.s32 $0xffff, v6;
	_ =	sdelay $0x5  }
0x6d: {  	v6, _, _ =	vpop (xrf0)  }
0x6e: {  	v7 =	vxor.u32 $0x80000000, v6  }
0x6f: {  	(xrf0) =	vmax.scan.msk.u32 $0xffff, v7;
	_ =	sdelay $0x5  }
0x70: {  	v7, _, _ =	vpop (xrf0)  }
0x71: {  	(v2sf) =	vpush v7, $0xF;
	_ =	sdelay $0x5  }
0x72: {  	s11 =	spop (v2sf)  }
0x73: {  	s7 =	sadd.s32 s11, s7  }
0x74: {  	s7 =	sadd.s32 $0x80000000, s7  }
0x75: {  	v7 =	vmov s7  }
0x76: {  	v7 =	vadd.s32 $0xFFFFFFFF, v7  }
0x77: {  	v7 =	vbroadcast v7, $0x0;
	_ =	sdelay $0x1  }
0x78: {  	v6 =	vadd.s32 v6, v7  }
0x79: {  	v6 =	vnsel vm0, $0x2790, v6  }
0x7a: {  	s12 =	spop (v2sf)  }
0x7b: {  	v7 =	vld [tilespmem:s10+$0x2710];
	s7 =	sadd.s32 s12, s7  }
0x7c: {  	s7 =	sadd.s32 $0x80000000, s7  }
0x7d: {  	v5 =	vsub.s32 v5, v0;
	v8 =	vadd.s32 s7, v3;
	s11 =	sadd.s32 $0x20, s7;
	s10 =	sadd.s32 $0x3F, s7  }
0x7e: {  	[tilespmem:v6+s18+$0x0] =	vst.idx.msk $0xffff, v5;
	s12 =	sadd.s32 $0x10, s7;
	s7 =	sadd.s32 $0x30, s7;
	v5 =	vadd.s32 s11, v3;
	s11 =	sand.u32 $0x3F, s10  }
0x7f: {  	v9 =	vadd.s32 s12, v3;
	s12 =	sshra.s32 s10, $0x1F;
	p5 =	slt.s32 s10, $0x1;
	p6 =	sne.s32 s11, $0x0  }
0x80: {  	[tilespmem:v6+s19+$0x0] =	vst.idx.msk $0xffff, v7;
	v6 =	vadd.s32 s7, v3;
	s7 =	sshrl.u32 s12, $0x1A;
	p5 =	por !p5, !p6  }
0x81: {  	s7 =	sadd.s32 s7, s10;
	s10 =	simm.s32 $0x1;
	p5 =	por !p5, !p5  }
0x82: {  	s7 =	sshra.s32 s7, $0x6;
	[tilespmem:v8+s18+$0x0] =	vst.idx.msk $0xffff, v4;
	s10 =	simm.s32 @!p5 $0x0  }
0x83: {  	[tilespmem:v8+s19+$0x0] =	vst.idx.msk $0xffff, v2;
	s11 =	ssub.s32 s7, s10  }
0x84: {  	[tilespmem:v9+s18+$0x0] =	vst.idx.msk $0xffff, v4;
	p5 =	slt.s32 s11, $0x1  }
.Ltmp5:
0x85: {  	[tilespmem:v9+s19+$0x0] =	vst.idx.msk $0xffff, v2;
	(pc) =	sbr.rel @p5 .LBB2_8-.Ltmp5, $4  }
0x86: {  	[tilespmem:v5+s18+$0x0] =	vst.idx.msk $0xffff, v4  }
0x87: {  	[tilespmem:v5+s19+$0x0] =	vst.idx.msk $0xffff, v2  }
0x88: {  	[tilespmem:v6+s18+$0x0] =	vst.idx.msk $0xffff, v4  }
0x89: {  	[tilespmem:v6+s19+$0x0] =	vst.idx.msk $0xffff, v2  }
0x8a: {  	s7 =	simm.s32 $0x4E40  }
0x8b: {  	v5 =	vld [tilespmem:s7+$0xFFFFFFE0];
	_ =	sdelay $0x4  }
0x8c: {  	s10 =	simm.s32 $0x75E0;
	[tilespmem:$0x9D60] =	vst v5  }
0x8d: {  	v5 =	vld [tilespmem:s10+$0xFFFFFFE0];
	_ =	sdelay $0x4  }
0x8e: {  	[tilespmem:$0x9DA0] =	vst v5  }
0x8f: {  	v5 =	vld [tilespmem:s7+$0xFFFFFFF0];
	_ =	sdelay $0x4  }
0x90: {  	[tilespmem:$0x9D70] =	vst v5  }
0x91: {  	v5 =	vld [tilespmem:s10+$0xFFFFFFF0];
	_ =	sdelay $0x4  }
0x92: {  	[tilespmem:$0x9DB0] =	vst v5  }
0x93: {  	[tilespmem:s28], [sflag:$0x1] =	stream.indirect.gather [hbm4b:s6+s25], $0x20, s26, s25, $0xb8;
	[tilespmem:$0xCEE0] =	vst v63  }
0x94: {  	v5 =	vld [tilespmem:s7+$0x0];
	_ =	sdelay $0x4  }
0x95: {  	[tilespmem:$0x9D80] =	vst v5  }
0x96: {  	v5 =	vld [tilespmem:s10+$0x0];
	_ =	sdelay $0x4  }
0x97: {  	[tilespmem:$0x9DC0] =	vst v5  }
0x98: {  	v5 =	vld [tilespmem:s7+$0x10];
	_ =	sdelay $0x4  }
0x99: {  	[tilespmem:$0x9D90] =	vst v5  }
0x9a: {  	v5 =	vld [tilespmem:s10+$0x10];
	_ =	sdelay $0x4  }
0x9b: {  	[tilespmem:$0x9DD0] =	vst v5  }
0x9c: {  	[tilespmem:s30], [sflag:$0x2] =	stream.indirect.gather [hbm4b:s6+s25], $0x20, s29, s25, $0xb8;
	[tilespmem:$0xCEE0] =	vst v63  }
0x9d: {  	_ =	swait.ge [sflag:s24], $0x400  }
0x9e: {  	[sflag:s24] =	ssyncset.done $0x0  }
0x9f: {  	[sflag:s24] =	ssyncadd.s32 $0xFFFFFC00  }
0xa0: {  	[spmem:s1] =	stream.indirect.scatter.add.f32 [tilespmem:s28], [sflag:$0x3], $0x20, s31, s25, $0xb8;
	[tilespmem:$0xCEE0] =	vst v63  }
0xa1: {  	_ =	swait.ge [sflag:s16], $0x400  }
0xa2: {  	[sflag:s16] =	ssyncset.done $0x0  }
0xa3: {  	[sflag:s16] =	ssyncadd.s32 $0xFFFFFC00  }
0xa4: {  	p5 =	sne.s32 s11, $0x1;
	_ =	swait.ge [sflag:s0], $0x400  }
.Ltmp6:
0xa5: {  	[sflag:s0] =	ssyncset.done $0x0;
	(pc) =	sbr.rel @!p5 .LBB2_7-.Ltmp6, $4  }
0xa6: {  	[sflag:s0] =	ssyncadd.s32 $0xFFFFFC00  }
0xa7: {  	[spmem:s1] =	stream.indirect.scatter.add.f32 [tilespmem:s30], [sflag:$0x3], $0x20, s3, s25, $0xb8;
	[tilespmem:$0xCEE0] =	vst v63  }
0xa8: {  	_ =	swait.ge [sflag:s16], $0x400  }
0xa9: {  	s11 =	sadd.s32 $0xFFFFFFFF, s11;
	[sflag:s16] =	ssyncset.done $0x0  }
.LBB2_6:
0xaa: {  	[sflag:s16] =	ssyncadd.s32 $0xFFFFFC00;
	s7 =	sadd.s32 $0x40, s7;
	s10 =	sadd.s32 $0x40, s10  }
0xab: {  	p5 =	sne.s32 s11, $0x1;
	s11 =	sadd.s32 $0xFFFFFFFF, s11;
	v5 =	vld [tilespmem:s7+$0xFFFFFFE0];
	_ =	sdelay $0x4  }
0xac: {  	[tilespmem:$0x9D60] =	vst v5  }
0xad: {  	v5 =	vld [tilespmem:s10+$0xFFFFFFE0];
	_ =	sdelay $0x4  }
0xae: {  	[tilespmem:$0x9DA0] =	vst v5  }
0xaf: {  	v5 =	vld [tilespmem:s7+$0xFFFFFFF0];
	_ =	sdelay $0x4  }
0xb0: {  	[tilespmem:$0x9D70] =	vst v5  }
0xb1: {  	v5 =	vld [tilespmem:s10+$0xFFFFFFF0];
	_ =	sdelay $0x4  }
0xb2: {  	[tilespmem:$0x9DB0] =	vst v5  }
0xb3: {  	[tilespmem:s28], [sflag:$0x1] =	stream.indirect.gather [hbm4b:s6+s25], $0x20, s26, s25, $0xb8;
	[tilespmem:$0xCEE0] =	vst v63  }
0xb4: {  	v5 =	vld [tilespmem:s7+$0x0];
	_ =	sdelay $0x4  }
0xb5: {  	[tilespmem:$0x9D80] =	vst v5  }
0xb6: {  	v5 =	vld [tilespmem:s10+$0x0];
	_ =	sdelay $0x4  }
0xb7: {  	[tilespmem:$0x9DC0] =	vst v5  }
0xb8: {  	v5 =	vld [tilespmem:s7+$0x10];
	_ =	sdelay $0x4  }
0xb9: {  	[tilespmem:$0x9D90] =	vst v5  }
0xba: {  	v5 =	vld [tilespmem:s10+$0x10];
	_ =	sdelay $0x4  }
0xbb: {  	[tilespmem:$0x9DD0] =	vst v5  }
0xbc: {  	[tilespmem:s30], [sflag:$0x2] =	stream.indirect.gather [hbm4b:s6+s25], $0x20, s29, s25, $0xb8;
	[tilespmem:$0xCEE0] =	vst v63  }
0xbd: {  	_ =	swait.ge [sflag:s24], $0x400  }
0xbe: {  	[sflag:s24] =	ssyncset.done $0x0  }
0xbf: {  	[sflag:s24] =	ssyncadd.s32 $0xFFFFFC00  }
0xc0: {  	[spmem:s1] =	stream.indirect.scatter.add.f32 [tilespmem:s28], [sflag:$0x3], $0x20, s31, s25, $0xb8;
	[tilespmem:$0xCEE0] =	vst v63  }
0xc1: {  	_ =	swait.ge [sflag:s16], $0x400  }
0xc2: {  	[sflag:s16] =	ssyncset.done $0x0  }
0xc3: {  	[sflag:s16] =	ssyncadd.s32 $0xFFFFFC00  }
0xc4: {  	_ =	swait.ge [sflag:s0], $0x400  }
.Ltmp7:
0xc5: {  	[sflag:s0] =	ssyncset.done $0x0;
	(pc) =	sbr.rel @p5 .LBB2_6-.Ltmp7, $4  }
0xc6: {  	[sflag:s0] =	ssyncadd.s32 $0xFFFFFC00  }
0xc7: {  	[spmem:s1] =	stream.indirect.scatter.add.f32 [tilespmem:s30], [sflag:$0x3], $0x20, s3, s25, $0xb8;
	[tilespmem:$0xCEE0] =	vst v63  }
0xc8: {  	_ =	swait.ge [sflag:s16], $0x400  }
0xc9: {  	[sflag:s16] =	ssyncset.done $0x0  }
.Ltmp8:
0xca: {  	_ = 	snop;
	(pc) =	sbr.rel .LBB2_7-.Ltmp8, $1  }
0xcb: {  	_ =	sdelay $0x3  }
.LBB2_10:
0xcc: {  	_ =	sfence.sel $0x180000  }
0xcd: {  	[bflag:$0x0] =	sbarrier.arrive $0xFFFF  }
0xce: {  	_ =	strace $0x9000004A  }
0xcf: {  	s0 =	stileid.u32;
	[bflag:$0x2] =	sbarrier.arrive $0xFFFF  }
0xd0: {  	p0 =	sne.s32 s0, $0x0;
	s0 =	rddreg [dreg:$0x2]  }
0xd1: {  	s0 =	sadd.s32 @!p0 $0x100000, s0  }
0xd2: {  	[sflag:s0] =	ssyncadd.tile.s32 @!p0 $0x1;
	_ =	shalt  }
.Lfunc_end2:
_tile_overlayer_lowered:
.L_overlay_start_2:
0xd3: {  	(tag) =	ssettag $0x2  }
0xd4: {  	s0 =	rddreg [dreg:$0x0];
	s2 =	stileid.u32  }
0xd5: {  	s1 =	rddreg [dreg:$0x1];
	p0 =	sne.s32 s2, $0x0  }
0xd6: {  	s3 =	rddreg [dreg:$0x2];
	[bflag:$0x3] =	sbarrier.arrive $0xFFFF;
	s2 =	simm.s32 @!p0 $0x1C03  }
0xd7: {  	[timem:s3], [sflag:s2] =	dma.local @!p0 [hbm:s0], s1  }
0xd8: {  	s0 =	simm.s32 @!p0 $0x3  }
0xd9: {  	_ =	swait.ge @!p0 [sflag:s0], s1  }
0xda: {  	s1 =	ssub.s32 @!p0 $0x0, s1;
	[sflag:s0] =	ssyncset.done @!p0 $0x0  }
0xdb: {  	[sflag:s0] =	ssyncadd.s32 @!p0 s1  }
0xdc: {  	[bflag:$0x3] =	sbarrier.arrive $0xFFFF  }
0xdd: {  	_ =	shalt  }

// kernel: kernel.18.cloned.1.call-start
scs
__scs_entry_jumppad:
0x0: {  	(pc) =	sbr.rel $0x88, $3  }
0x1: {  	(tag) =	ssettag $0x0;
	lr =	simm.s32 $0x1  }
0x2: {  	[smem:$0x3F8F] =	sst lr;
	_ =	strace $0xD0000000  }
0x3: {  	_ = 	snop  }
0x4: {  	_ = 	snop  }
0x5: {  	_ = 	snop  }
0x6: {  	_ = 	snop  }
0x7: {  	_ = 	snop  }
__scs_overlays_trampoline_lowered:
0x8: {  	[smem:$0x3F9E] =	sst s0  }
0x9: {  	[smem:$0x3F9F] =	sst s1  }
0xa: {  	[smem:$0x3FA0] =	sst s2  }
0xb: {  	[smem:$0x3FA1] =	sst s3  }
0xc: {  	[smem:$0x3FA2] =	sst s4  }
0xd: {  	[smem:$0x3FA3] =	sst s5  }
0xe: {  	[smem:$0x3FA4] =	sst s6  }
0xf: {  	[smem:$0x3FA5] =	sst s7  }
0x10: {  	[smem:$0x3FA6] =	sst s8  }
0x11: {  	[smem:$0x3FA7] =	sst s9;
	s0 =	simm.s32 @!p0 $0x0  }
0x12: {  	s1 =	sld [smem:$0x3F8D];
	s0 =	simm.s32 @p0 $0x1  }
0x13: {  	[smem:$0x3FA8] =	sst s0;
	s0 =	simm.s32 @!p1 $0x0  }
0x14: {  	s2 =	sld [smem:$0x3F8C];
	s0 =	simm.s32 @p1 $0x1  }
0x15: {  	[smem:$0x3FA9] =	sst s0;
	s0 =	simm.s32 @!p2 $0x0  }
0x16: {  	s3 =	sld [smem:$0x3FDB];
	s0 =	simm.s32 @p2 $0x1  }
0x17: {  	s4 =	simm.s32 $0x1BF5;
	[smem:$0x3FAB] =	sst s0  }
0x18: {  	s0 =	sld [smem:$0x3F8E];
	_ =	swait.ge [sflag:s4], $0x0  }
0x19: {  	s7 =	sld [smem:$0x3F8F]  }
0x1a: {  	s8 =	sadd.s32 $0xFFFFE003, lr  }
0x1b: {  	s9 =	sadd.s32 $0xFFFFFEF7, lr;
	s5 =	simm.s32 $0xFFFFFFFF;
	p2 =	slt.u32 s8, $0xFFFFF086  }
0x1c: {  	p1 =	slt.u32 s9, $0xF7A;
	s5 =	simm.s32 @!p2 $0x0  }
0x1d: {  	s5 =	simm.s32 @p1 $0x1;
	p0 =	seq.s32 s7, s2  }
0x1e: {  	s7 =	smul.u32 @!p0 $0xF7A, s2;
	p2 =	seq.s32 @!p0 s5, $0x0  }
0x1f: {  	s9 =	smul.u32 $0xF7A, s1;
	s8 =	simm.s32 @!p0 $0x1BF5;
	p2 =	por !p2, p0  }
0x20: {  	[sflag:s8] =	ssyncset.s32 @!p0 $0xFFFFF086;
	s6 =	sadd.s32 @!p0 s3, s7;
	s7 =	simm.s32 @!p0 $0x108  }
0x21: {  	s3 =	sadd.s32 s3, s9;
	s6 =	sadd.s32 @!p0 $0x88, s6;
	s7 =	simm.s32 @p2 $0x1082  }
0x22: {  	[simem:s7], [sflag:s8] =	dma.local @!p0 [hbm:s6], $0xF7A  }
0x23: {  	s9 =	sor.u32 $0xD0000000, s2;
	s6 =	simm.s32 $0x108;
	_ =	swait.ge @!p0 [sflag:s8], $0x0  }
0x24: {  	s3 =	sadd.s32 $0x88, s3;
	s6 =	simm.s32 @!p1 $0x1082;
	[sflag:s4] =	ssyncset.s32 $0xFFFFF086  }
0x25: {  	[simem:s6], [sflag:s4] =	dma.local [hbm:s3], $0xF7A  }
0x26: {  	[smem:$0x3F8F] =	sst s1;
	(tag) =	ssettag s2;
	_ =	strace s9  }
0x27: {  	s1 =	sld [smem:$0x3F9F]  }
0x28: {  	s2 =	sld [smem:$0x3FA0]  }
0x29: {  	s4 =	sld [smem:$0x3FA2]  }
0x2a: {  	p0 =	seq.s32 s5, $0x0;
	s5 =	sld [smem:$0x3FA3]  }
0x2b: {  	s6 =	sld [smem:$0x3FA4]  }
0x2c: {  	s7 =	sld [smem:$0x3FA5]  }
0x2d: {  	s3 =	simm.s32 $0x108;
	s8 =	sld [smem:$0x3FA6]  }
0x2e: {  	s3 =	simm.s32 @!p0 $0x1082;
	s9 =	sld [smem:$0x3FA7]  }
0x2f: {  	lr =	sadd.s32 s0, s3;
	s0 =	sld [smem:$0x3F9E]  }
0x30: {  	s3 =	sld [smem:$0x3FA1]  }
0x31: {  	[smem:$0x3FAA] =	sst s10  }
0x32: {  	s10 =	sld [smem:$0x3FA8];
	_ =	sdelay $0x3  }
0x33: {  	p0 =	seq.s32 s10, $0x1;
	s10 =	sld [smem:$0x3FAA];
	_ =	sdelay $0x3  }
0x34: {  	[smem:$0x3FAA] =	sst s10  }
0x35: {  	s10 =	sld [smem:$0x3FA9];
	_ =	sdelay $0x3  }
0x36: {  	p1 =	seq.s32 s10, $0x1;
	s10 =	sld [smem:$0x3FAA];
	_ =	sdelay $0x3  }
0x37: {  	[smem:$0x3FAA] =	sst s10  }
0x38: {  	s10 =	sld [smem:$0x3FAB]  }
0x39: {  	_ = 	snop;
	(pc) =	sbr.ind lr, $3  }
0x3a: {  	_ = 	snop  }
0x3b: {  	_ = 	snop  }
0x3c: {  	p2 =	seq.s32 s10, $0x1;
	s10 =	sld [smem:$0x3FAA]  }
0x3d: {  	_ =	shalt  }
0x3e: {  	_ =	shalt  }
0x3f: {  	_ =	shalt  }
0x40: {  	_ =	shalt  }
0x41: {  	_ =	shalt  }
0x42: {  	_ =	shalt  }
0x43: {  	_ =	shalt  }
0x44: {  	_ =	shalt  }
0x45: {  	_ =	shalt  }
0x46: {  	_ =	shalt  }
0x47: {  	_ =	shalt  }
0x48: {  	_ =	shalt  }
0x49: {  	_ =	shalt  }
0x4a: {  	_ =	shalt  }
0x4b: {  	_ =	shalt  }
0x4c: {  	_ =	shalt  }
0x4d: {  	_ =	shalt  }
0x4e: {  	_ =	shalt  }
0x4f: {  	_ =	shalt  }
0x50: {  	_ =	shalt  }
0x51: {  	_ =	shalt  }
0x52: {  	_ =	shalt  }
0x53: {  	_ =	shalt  }
0x54: {  	_ =	shalt  }
0x55: {  	_ =	shalt  }
0x56: {  	_ =	shalt  }
0x57: {  	_ =	shalt  }
0x58: {  	_ =	shalt  }
0x59: {  	_ =	shalt  }
0x5a: {  	_ =	shalt  }
0x5b: {  	_ =	shalt  }
0x5c: {  	_ =	shalt  }
0x5d: {  	_ =	shalt  }
0x5e: {  	_ =	shalt  }
0x5f: {  	_ =	shalt  }
0x60: {  	_ =	shalt  }
0x61: {  	_ =	shalt  }
0x62: {  	_ =	shalt  }
0x63: {  	_ =	shalt  }
0x64: {  	_ =	shalt  }
0x65: {  	_ =	shalt  }
0x66: {  	_ =	shalt  }
0x67: {  	_ =	shalt  }
0x68: {  	_ =	shalt  }
0x69: {  	_ =	shalt  }
0x6a: {  	_ =	shalt  }
0x6b: {  	_ =	shalt  }
0x6c: {  	_ =	shalt  }
0x6d: {  	_ =	shalt  }
0x6e: {  	_ =	shalt  }
0x6f: {  	_ =	shalt  }
0x70: {  	_ =	shalt  }
0x71: {  	_ =	shalt  }
0x72: {  	_ =	shalt  }
0x73: {  	_ =	shalt  }
0x74: {  	_ =	shalt  }
0x75: {  	_ =	shalt  }
0x76: {  	_ =	shalt  }
0x77: {  	_ =	shalt  }
0x78: {  	_ =	shalt  }
0x79: {  	_ =	shalt  }
0x7a: {  	_ =	shalt  }
0x7b: {  	_ =	shalt  }
0x7c: {  	_ =	shalt  }
0x7d: {  	_ =	shalt  }
0x7e: {  	_ =	shalt  }
0x7f: {  	_ =	shalt  }
0x80: {  	_ =	shalt  }
0x81: {  	_ =	shalt  }
0x82: {  	_ =	shalt  }
0x83: {  	_ =	shalt  }
0x84: {  	_ =	shalt  }
0x85: {  	_ =	shalt  }
0x86: {  	_ =	shalt  }
0x87: {  	_ =	shalt  }
.Lfunc_end0:
.L_simem_size_0:
called_computation.2_lowered:
.L_overlay_start_0:
0x88: {  	s2 =	sld [smem:$0x3FD9]  }
0x89: {  	s3 =	sld [smem:$0x3FFE];
	_ =	sdelay $0x1  }
0x8a: {  	s1 =	srdreg.scid  }
0x8b: {  	s0 =	sand.u32 $0x1, s1  }
0x8c: {  	s16 =	sshll.u32 s0, $0xA;
	s2 =	sadd.s32 s3, s2  }
0x8d: {  	s2 =	sadd.s32 s2, s16  }
0x8e: {  	[smem:$0x3FB6] =	sst s2  }
0x8f: {  	_ = 	snop  }
0x90: {  	(tm) =	ssettm $0x1  }
0x91: {  	s17 =	sld [smem:$0x3FFB];
	_ =	sdelay $0x3  }
0x92: {  	_ =	strace s17  }
0x93: {  	s2 =	sld [smem:$0x3FFC];
	_ =	sdelay $0x3  }
0x94: {  	_ =	strace s2  }
0x95: {  	s2 =	sld [smem:$0x3FFD];
	_ =	sdelay $0x3  }
0x96: {  	_ =	strace s2  }
0x97: {  	_ =	strace $0x8FFFFFFF  }
0x98: {  	s18 =	sld [smem:$0x3FDB];
	_ =	sdelay $0x1  }
0x99: {  	s19 =	simm.s32 $_scs_section_size  }
0x9a: {  	s4 =	simm.s32 $_size__tile_overlayer_lowered;
	s5 =	simm.s32 $_tile_overlayer_lowered  }
0x9b: {  	s22 =	simm.s32 $0x1BFF;
	s21 =	sshll.u32 s5, $0x1;
	s2 =	sadd.s32 s19, s18  }
0x9c: {  	s6 =	simm.s32 $0x0;
	s20 =	sshll.u32 s4, $0x1;
	s4 =	sadd.s32 s21, s2  }
0x9d: {  	[timem:s6], [sflag:s22] =	dma.local [hbm:s4], s20  }
0x9e: {  	_ =	swait.ge [sflag:s22], s20  }
0x9f: {  	s3 =	ssub.s32 $0x0, s20;
	[sflag:s22] =	ssyncset.done $0x0  }
0xa0: {  	[sflag:s22] =	ssyncadd.s32 s3;
	_ =	sdelay $0x1  }
0xa1: {  	s23 =	simm.s32 $0x1B8B  }
0xa2: {  	_ =	swait.ge [sflag:s23], $0x1  }
0xa3: {  	[sflag:s23] =	ssyncset.done $0x0  }
0xa4: {  	s25 =	simm.s32 $0x1B8E;
	s24 =	sld [smem:$0x3FFE];
	[sflag:s23] =	ssyncadd.s32 $0xFFFFFFFF  }
0xa5: {  	s26 =	simm.s32 $execute0_lowered;
	[smem:$0x3FD2] =	sst s25  }
0xa6: {  	s4 =	sshll.u32 s26, $0x1;
	_ =	strace $0x8000004C;
	[dreg:$0x1] =	wrdreg $0xFFFFFFFF  }
0xa7: {  	s28 =	simm.s32 $_size_execute0_lowered;
	s2 =	sadd.s32 s2, s4;
	[dreg:$0x0] =	wrdreg $0x0  }
0xa8: {  	s4 =	sshll.u32 s28, $0x1;
	[dreg:$0x2] =	wrdreg s2  }
0xa9: {  	[dreg:$0x3] =	wrdreg s4  }
0xaa: {  	[dreg:$0x4] =	wrdreg $0xC0  }
0xab: {  	_ =	task [dreg:s6], $0x5FFFF  }
0xac: {  	[dreg:$0x1] =	wrdreg $0xFFFFFFFF  }
0xad: {  	[dreg:$0x0] =	wrdreg $0x60  }
0xae: {  	[dreg:$0x2] =	wrdreg s24  }
0xaf: {  	[dreg:$0x3] =	wrdreg $0xBDE00  }
0xb0: {  	[dreg:$0x4] =	wrdreg $0x9  }
0xb1: {  	_ =	task.clear_ibuf [dreg:s6], $0x5FFFF;
	_ =	strace $0x9000004C  }
0xb2: {  	s29 =	simm.s32 $0x9;
	_ =	strace $0x8000004E  }
0xb3: {  	_ =	swait.ge [sflag:s29], $0x1  }
0xb4: {  	[sflag:s29] =	ssyncadd.s32 $0xFFFFFFFF  }
0xb5: {  	_ =	strace $0x9000004E  }
0xb6: {  	_ =	sfence  }
0xb7: {  	s30 =	sld [smem:$0x0];
	_ =	sdelay $0x2  }
0xb8: {  	s31 =	sshll.u32 s1, $0xD;
	s1 =	sshrl.u32 s1, $0x2  }
0xb9: {  	s3 =	sand.u32 $0x4000, s31;
	s1 =	sadd.s32 s1, s30  }
0xba: {  	s0 =	sor.u32 s3, s0;
	s1 =	sshll.u32 s1, $0x11  }
0xbb: {  	s0 =	sor.u32 s1, s0  }
0xbc: {  	s0 =	sadd.s32 $0x8F2B, s0  }
0xbd: {  	[sflag:s0] =	ssyncadd.remote.s32 $0x1  }
0xbe: {  	_ =	sfence.sel $0xFFFF  }
0xbf: {  	[dreg:$0x0] =	wrdreg $0xFFFFFFFF;
	(pc) =	sbr.abs _section_cstart, $3  }
0xc0: {  	[dreg:$0x1] =	wrdreg $0xFFFFFFFF  }
0xc1: {  	_ =	task.clear_ibuf [dreg:s6], $0x2FFFF;
	_ =	strace $0x9FFFFFFF  }
0xc2: {  	(tm) =	ssettm $0x7FFFFFFF  }
0xc3: {  	_ =	shalt  }
tec
execute0_lowered:
.L_overlay_start_1:
0x0: {  	(tag) =	ssettag $0x1  }
0x1: {  	s0 =	rddreg [dreg:$0x0]  }
0x2: {  	s1 =	rddreg [dreg:$0x1];
	s2 =	simm.s32 $0x0;
	s3 =	srdreg.scid  }
0x3: {  	s21 =	stileid.u32;
	s16 =	simm.s32 $0x3;
	s17 =	simm.s32 $0x2710  }
0x4: {  	s18 =	simm.s32 $0x4E20;
	s29 =	simm.s32 $0x9DC0;
	s30 =	simm.s32 $0xADE0  }
0x5: {  	s31 =	simm.s32 $0x9D60;
	[smem:$0x7FF] =	sst s2;
	s4 =	sadd.s32 $0xD200, s0  }
0x6: {  	s5 =	sadd.s32 $0x3400, s0;
	s6 =	sadd.s32 $0x17000, s0;
	s8 =	smul.u32 $0x29000, s21  }
0x7: {  	s3 =	sand.u32 $0x1, s3;
	s7 =	sadd.s32 $0x3E200, s0;
	s12 =	smul.u32 $0xA000, s21  }
0x8: {  	s10 =	sadd.s32 $0x3F800, s0;
	s22 =	sshll.u32 s21, $0x6;
	s13 =	smul.u32 $0x9800, s21  }
0x9: {  	s14 =	smul.u32 $0x26000, s21;
	s25 =	sadd.s32 $0x52400, s0;
	_ =	strace $0x8000004D  }
0xa: {  	[dreg:$0x3] =	wrdreg s7;
	s19 =	ssub.s32 $0x2, s3;
	s11 =	smul.u32 $0x1400, s3  }
0xb: {  	p3 =	seq.s32 s3, $0x1;
	[dreg:$0x5] =	wrdreg s25;
	s25 =	simm.s32 $0x20  }
0xc: {  	s9 =	sshrl.u32 s19, $0x1;
	s20 =	sshrl.u32 s8, $0x2;
	s8 =	smul.u32 $0x4E20, s21  }
0xd: {  	s23 =	sshrl.u32 s12, $0x3;
	s24 =	sshrl.u32 s13, $0x3;
	s26 =	sshrl.u32 s14, $0x2  }
0xe: {  	s13 =	sadd.s32 $0x65500, s0;
	s0 =	sadd.s32 $0x8E800, s1;
	p1 =	seq.s32 @p3 s21, $0xF  }
0xf: {  	p4 =	seq.s32 @!p3 s21, $0xF;
	s7 =	ssub.s32 s19, s9;
	s15 =	sadd.s32 s20, s1  }
0x10: {  	s9 =	sor.u32 $0x1C03, s22;
	s28 =	sadd.s32 $0x1400, s11;
	s3 =	sadd.s32 s10, s23  }
0x11: {  	s10 =	sadd.s32 s10, s24;
	s22 =	sadd.s32 $0x96000, s1;
	p0 =	por !p1, !p3  }
0x12: {  	s19 =	simm.s32 $0x75C0;
	p1 =	por p1, !p3;
	p2 =	por !p4, p3  }
0x13: {  	p3 =	por p4, p3;
	s24 =	simm.s32 $0x1;
	[dreg:$0x4] =	wrdreg s3  }
.Ltmp0:
0x14: {  	s3 =	sadd.s32 s12, s1;
	s10 =	sadd.s32 $0x14000, s10;
	(pc) =	sbr.rel .LBB2_1-.Ltmp0, $4  }
0x15: {  	s14 =	smax.u32 s7, $0x1;
	s15 =	sshrl.u32 s15, $0x3;
	s20 =	sshrl.u32 @!p0 s0, $0x3  }
0x16: {  	s22 =	sshrl.u32 @!p2 s22, $0x3;
	v1 =	vmov s28;
	s28 =	simm.s32 $0x9DE0;
	s0 =	simm.s32 $0x2  }
0x17: {  	v2 =	vimm.s32 $0x0;
	[dreg:$0x6] =	wrdreg s10;
	s10 =	sadd.s32 s26, s1;
	s23 =	sshrl.u32 @!p3 s3, $0x3  }
0x18: {  	v3 =	vlaneseq.u32;
	v4 =	vimm.s32 $0x1400;
	v0 =	vmov s11;
	s26 =	simm.s32 $0x9DA0;
	s3 =	simm.s32 $0x9D80;
	s21 =	sshrl.u32 @!p1 s10, $0x3  }
.LBB2_9:
0x19: {  	[bflag:$0x0] =	sbarrier.arrive $0xFFFF;
	s7 =	simm.s32 @!p0 $0x3  }
0x1a: {  	[hbm:s13], [sflag:s9] =	dma.local @!p0 [spmem:s20], $0x1400  }
0x1b: {  	_ =	swait.ge @!p0 [sflag:s7], $0x1400  }
0x1c: {  	[sflag:s7] =	ssyncset.done @!p0 $0x0  }
0x1d: {  	[sflag:s7] =	ssyncadd.s32 @!p0 $0xFFFFEC00;
	s7 =	rddreg [dreg:$0x6]  }
0x1e: {  	[hbm:s7], [sflag:s9] =	dma.local @!p1 [spmem:s21], $0x1300  }
0x1f: {  	s7 =	simm.s32 @!p1 $0x3  }
0x20: {  	_ =	swait.ge @!p1 [sflag:s7], $0x1300  }
0x21: {  	[sflag:s7] =	ssyncset.done @!p1 $0x0  }
0x22: {  	[sflag:s7] =	ssyncadd.s32 @!p1 $0xFFFFED00;
	s7 =	rddreg [dreg:$0x5]  }
0x23: {  	[hbm:s7], [sflag:s9] =	dma.local @!p2 [spmem:s22], $0x1400  }
0x24: {  	s7 =	simm.s32 @!p2 $0x3  }
0x25: {  	_ =	swait.ge @!p2 [sflag:s7], $0x1400  }
0x26: {  	[sflag:s7] =	ssyncset.done @!p2 $0x0  }
0x27: {  	s2 =	sadd.s32 $0x1, s2;
	[sflag:s7] =	ssyncadd.s32 @!p2 $0xFFFFEC00;
	s7 =	rddreg [dreg:$0x4]  }
0x28: {  	[hbm:s7], [sflag:s9] =	dma.local @!p3 [spmem:s23], $0x1400  }
0x29: {  	p4 =	sne.s32 s2, s14;
	s7 =	simm.s32 @!p3 $0x3  }
.Ltmp1:
0x2a: {  	_ =	swait.ge @!p3 [sflag:s7], $0x1400;
	(pc) =	sbr.rel @!p4 .LBB2_10-.Ltmp1, $3  }
0x2b: {  	[sflag:s7] =	ssyncset.done @!p3 $0x0  }
0x2c: {  	[sflag:s7] =	ssyncadd.s32 @!p3 $0xFFFFEC00  }
0x2d: {  	[bflag:$0x0] =	sbarrier.arrive $0xFFFF;
	_ =	sdelay $0x1  }
.LBB2_1:
0x2e: {  	s7 =	rddreg [dreg:$0x3]  }
0x2f: {  	[spmem:s15], [sflag:s9] =	dma.local [hbm:s7], $0x1480  }
.Ltmp2:
0x30: {  	_ =	swait.ge [sflag:s16], $0x1480;
	(pc) =	sbr.rel .LBB2_2-.Ltmp2, $4  }
0x31: {  	[sflag:s16] =	ssyncset.done $0x0  }
0x32: {  	[sflag:s16] =	ssyncadd.s32 $0xFFFFEB80  }
0x33: {  	[bflag:$0x0] =	sbarrier.arrive $0xFFFF  }
0x34: {  	p5 =	por $0x1, $0x1;
	s7 =	simm.s32 $0x0  }
.LBB2_7:
0x35: {  	[sflag:s16] =	ssyncadd.s32 $0xFFFFF000  }
.LBB2_8:
.Ltmp3:
0x36: {  	(pc) =	sbr.rel @!p4 .LBB2_9-.Ltmp3, $2  }
0x37: {  	_ =	sdelay $0x2  }
0x38: {  	s7 =	simm.s32 $0x2710;
	p5 =	por $0x0, $0x0  }
.LBB2_2:
0x39: {  	s7 =	sadd.s32 s8, s7  }
0x3a: {  	s10 =	sshrl.u32 s7, $0x3  }
0x3b: {  	s7 =	simm.s32 $0x0;
	s11 =	sadd.s32 s5, s10  }
0x3c: {  	[tilespmem:s7], [sflag:$0x3] =	stream.linear.gather [hbm4b:s11+s7], $0x2710, $0x38;
	[tilespmem:$0x161E0] =	vst v63  }
0x3d: {  	_ =	swait.ge [sflag:s16], $0x2710  }
0x3e: {  	[sflag:s16] =	ssyncset.done $0x0  }
0x3f: {  	s10 =	sadd.s32 s4, s10;
	[sflag:s16] =	ssyncadd.s32 $0xFFFFD8F0  }
0x40: {  	[tilespmem:s17], [sflag:$0x3] =	stream.linear.gather [hbm4b:s10+s7], $0x2710, $0x38;
	[tilespmem:$0x161E0] =	vst v63  }
0x41: {  	_ =	swait.ge [sflag:s16], $0x2710  }
0x42: {  	[sflag:s16] =	ssyncset.done $0x0  }
0x43: {  	s12 =	simm.s32 $0x0;
	[sflag:s16] =	ssyncadd.s32 $0xFFFFD8F0  }
0x44: {  	v5 =	vld [tilespmem:s12+$0x0];
	_ =	sdelay $0x4  }
0x45: {  	vm0 =	vge.s32 v5, v0;
	vm1 =	vlt.s32 v5, v1  }
0x46: {  	vm0 =	vmand vm0, vm1  }
0x47: {  	v6 =	vsel vm0, $0x1, v2  }
0x48: {  	(xrf0) =	vadd.scan.msk.s32 $0xffff, v6;
	_ =	sdelay $0x5  }
0x49: {  	v7, _, _ =	vpop (xrf0)  }
0x4a: {  	v6 =	vmov s7;
	v8 =	vxor.u32 $0x80000000, v7  }
0x4b: {  	v6 =	vadd.s32 $0xFFFFFFFF, v6;
	(xrf0) =	vmax.scan.msk.u32 $0xffff, v8  }
0x4c: {  	v6 =	vbroadcast v6, $0x0;
	_ =	sdelay $0x1  }
0x4d: {  	v6 =	vadd.s32 v7, v6  }
0x4e: {  	v6 =	vnsel vm0, $0x2790, v6  }
0x4f: {  	v7 =	vld [tilespmem:s12+$0x2710]  }
0x50: {  	v8, _, _ =	vpop (xrf0)  }
0x51: {  	(v2sf) =	vpush v8, $0xF  }
0x52: {  	v5 =	vsub.s32 v5, v0  }
0x53: {  	[tilespmem:v6+s18+$0x0] =	vst.idx.msk $0xffff, v5  }
0x54: {  	p4 =	por p5, p5;
	s11 =	simm.s32 $0x80;
	s10 =	simm.s32 $0x10;
	[tilespmem:v6+s19+$0x0] =	vst.idx.msk $0xffff, v7  }
.LBB2_3:
0x55: {  	p5 =	sne.s32 s11, $0x9C00;
	v5 =	vld [tilespmem:s10+$0x0];
	_ =	sdelay $0x4  }
0x56: {  	vm0 =	vge.s32 v5, v0;
	vm1 =	vlt.s32 v5, v1;
	v5 =	vsub.s32 v5, v0  }
0x57: {  	vm0 =	vmand vm0, vm1  }
0x58: {  	v6 =	vsel vm0, $0x1, v2  }
0x59: {  	(xrf0) =	vadd.scan.msk.s32 $0xffff, v6;
	_ =	sdelay $0x2  }
0x5a: {  	s12 =	spop (v2sf)  }
0x5b: {  	s7 =	sadd.s32 s12, s7  }
0x5c: {  	s7 =	sadd.s32 $0x80000000, s7  }
0x5d: {  	v6 =	vmov s7;
	v7, _, _ =	vpop (xrf0)  }
0x5e: {  	v6 =	vadd.s32 $0xFFFFFFFF, v6;
	v8 =	vxor.u32 $0x80000000, v7  }
0x5f: {  	v6 =	vbroadcast v6, $0x0;
	(xrf0) =	vmax.scan.msk.u32 $0xffff, v8;
	_ =	sdelay $0x1  }
0x60: {  	v6 =	vadd.s32 v7, v6  }
0x61: {  	v6 =	vnsel vm0, $0x2790, v6  }
0x62: {  	v7 =	vld [tilespmem:s10+$0x2710];
	_ =	sdelay $0x1  }
.Ltmp4:
0x63: {  	v8, _, _ =	vpop (xrf0);
	(pc) =	sbr.rel @p5 .LBB2_3-.Ltmp4, $4  }
0x64: {  	(v2sf) =	vpush v8, $0xF  }
0x65: {  	[tilespmem:v6+s18+$0x0] =	vst.idx.msk $0xffff, v5  }
0x66: {  	[tilespmem:v6+s19+$0x0] =	vst.idx.msk $0xffff, v7  }
0x67: {  	s10 =	sshra.s32 s11, $0x2;
	s11 =	sadd.s32 $0x40, s11  }
0x68: {  	v5 =	vld [tilespmem:s10+$0x0];
	_ =	sdelay $0x4  }
0x69: {  	vm0 =	vge.s32 v5, v0;
	vm1 =	vlt.s32 v5, v1  }
0x6a: {  	vm0 =	vmand vm0, vm1  }
0x6b: {  	v6 =	vsel vm0, $0x1, v2  }
0x6c: {  	(xrf0) =	vadd.scan.msk.s32 $0xffff, v6;
	_ =	sdelay $0x5  }
0x6d: {  	v6, _, _ =	vpop (xrf0)  }
0x6e: {  	v7 =	vxor.u32 $0x80000000, v6  }
0x6f: {  	(xrf0) =	vmax.scan.msk.u32 $0xffff, v7;
	_ =	sdelay $0x5  }
0x70: {  	v7, _, _ =	vpop (xrf0)  }
0x71: {  	(v2sf) =	vpush v7, $0xF;
	_ =	sdelay $0x5  }
0x72: {  	s11 =	spop (v2sf)  }
0x73: {  	s7 =	sadd.s32 s11, s7  }
0x74: {  	s7 =	sadd.s32 $0x80000000, s7  }
0x75: {  	v7 =	vmov s7  }
0x76: {  	v7 =	vadd.s32 $0xFFFFFFFF, v7  }
0x77: {  	v7 =	vbroadcast v7, $0x0;
	_ =	sdelay $0x1  }
0x78: {  	v6 =	vadd.s32 v6, v7  }
0x79: {  	v6 =	vnsel vm0, $0x2790, v6  }
0x7a: {  	s12 =	spop (v2sf)  }
0x7b: {  	v7 =	vld [tilespmem:s10+$0x2710];
	s7 =	sadd.s32 s12, s7  }
0x7c: {  	s7 =	sadd.s32 $0x80000000, s7  }
0x7d: {  	v5 =	vsub.s32 v5, v0;
	v8 =	vadd.s32 s7, v3;
	s11 =	sadd.s32 $0x20, s7;
	s10 =	sadd.s32 $0x3F, s7  }
0x7e: {  	[tilespmem:v6+s18+$0x0] =	vst.idx.msk $0xffff, v5;
	s12 =	sadd.s32 $0x10, s7;
	s7 =	sadd.s32 $0x30, s7;
	v5 =	vadd.s32 s11, v3;
	s11 =	sand.u32 $0x3F, s10  }
0x7f: {  	v9 =	vadd.s32 s12, v3;
	s12 =	sshra.s32 s10, $0x1F;
	p5 =	slt.s32 s10, $0x1;
	p6 =	sne.s32 s11, $0x0  }
0x80: {  	[tilespmem:v6+s19+$0x0] =	vst.idx.msk $0xffff, v7;
	v6 =	vadd.s32 s7, v3;
	s7 =	sshrl.u32 s12, $0x1A;
	p5 =	por !p5, !p6  }
0x81: {  	s7 =	sadd.s32 s7, s10;
	s10 =	simm.s32 $0x1;
	p5 =	por !p5, !p5  }
0x82: {  	s7 =	sshra.s32 s7, $0x6;
	[tilespmem:v8+s18+$0x0] =	vst.idx.msk $0xffff, v4;
	s10 =	simm.s32 @!p5 $0x0  }
0x83: {  	[tilespmem:v8+s19+$0x0] =	vst.idx.msk $0xffff, v2;
	s11 =	ssub.s32 s7, s10  }
0x84: {  	[tilespmem:v9+s18+$0x0] =	vst.idx.msk $0xffff, v4;
	p5 =	slt.s32 s11, $0x1  }
.Ltmp5:
0x85: {  	[tilespmem:v9+s19+$0x0] =	vst.idx.msk $0xffff, v2;
	(pc) =	sbr.rel @p5 .LBB2_8-.Ltmp5, $4  }
0x86: {  	[tilespmem:v5+s18+$0x0] =	vst.idx.msk $0xffff, v4  }
0x87: {  	[tilespmem:v5+s19+$0x0] =	vst.idx.msk $0xffff, v2  }
0x88: {  	[tilespmem:v6+s18+$0x0] =	vst.idx.msk $0xffff, v4  }
0x89: {  	[tilespmem:v6+s19+$0x0] =	vst.idx.msk $0xffff, v2  }
0x8a: {  	s7 =	simm.s32 $0x4E40  }
0x8b: {  	v5 =	vld [tilespmem:s7+$0xFFFFFFE0];
	_ =	sdelay $0x4  }
0x8c: {  	s10 =	simm.s32 $0x75E0;
	[tilespmem:$0x9D60] =	vst v5  }
0x8d: {  	v5 =	vld [tilespmem:s10+$0xFFFFFFE0];
	_ =	sdelay $0x4  }
0x8e: {  	[tilespmem:$0x9DA0] =	vst v5  }
0x8f: {  	v5 =	vld [tilespmem:s7+$0xFFFFFFF0];
	_ =	sdelay $0x4  }
0x90: {  	[tilespmem:$0x9D70] =	vst v5  }
0x91: {  	v5 =	vld [tilespmem:s10+$0xFFFFFFF0];
	_ =	sdelay $0x4  }
0x92: {  	[tilespmem:$0x9DB0] =	vst v5  }
0x93: {  	[tilespmem:s28], [sflag:$0x1] =	stream.indirect.gather [hbm4b:s6+s25], $0x80, s26, s25, $0xb8;
	[tilespmem:$0x161E0] =	vst v63  }
0x94: {  	v5 =	vld [tilespmem:s7+$0x0];
	_ =	sdelay $0x4  }
0x95: {  	[tilespmem:$0x9D80] =	vst v5  }
0x96: {  	v5 =	vld [tilespmem:s10+$0x0];
	_ =	sdelay $0x4  }
0x97: {  	[tilespmem:$0x9DC0] =	vst v5  }
0x98: {  	v5 =	vld [tilespmem:s7+$0x10];
	_ =	sdelay $0x4  }
0x99: {  	[tilespmem:$0x9D90] =	vst v5  }
0x9a: {  	v5 =	vld [tilespmem:s10+$0x10];
	_ =	sdelay $0x4  }
0x9b: {  	[tilespmem:$0x9DD0] =	vst v5  }
0x9c: {  	[tilespmem:s30], [sflag:$0x2] =	stream.indirect.gather [hbm4b:s6+s25], $0x80, s29, s25, $0xb8;
	[tilespmem:$0x161E0] =	vst v63  }
0x9d: {  	_ =	swait.ge [sflag:s24], $0x1000  }
0x9e: {  	[sflag:s24] =	ssyncset.done $0x0  }
0x9f: {  	[sflag:s24] =	ssyncadd.s32 $0xFFFFF000  }
0xa0: {  	[spmem:s1] =	stream.indirect.scatter.add.f32 [tilespmem:s28], [sflag:$0x3], $0x80, s31, s25, $0xb8;
	[tilespmem:$0x161E0] =	vst v63  }
0xa1: {  	_ =	swait.ge [sflag:s16], $0x1000  }
0xa2: {  	[sflag:s16] =	ssyncset.done $0x0  }
0xa3: {  	[sflag:s16] =	ssyncadd.s32 $0xFFFFF000  }
0xa4: {  	p5 =	sne.s32 s11, $0x1;
	_ =	swait.ge [sflag:s0], $0x1000  }
.Ltmp6:
0xa5: {  	[sflag:s0] =	ssyncset.done $0x0;
	(pc) =	sbr.rel @!p5 .LBB2_7-.Ltmp6, $4  }
0xa6: {  	[sflag:s0] =	ssyncadd.s32 $0xFFFFF000  }
0xa7: {  	[spmem:s1] =	stream.indirect.scatter.add.f32 [tilespmem:s30], [sflag:$0x3], $0x80, s3, s25, $0xb8;
	[tilespmem:$0x161E0] =	vst v63  }
0xa8: {  	_ =	swait.ge [sflag:s16], $0x1000  }
0xa9: {  	s11 =	sadd.s32 $0xFFFFFFFF, s11;
	[sflag:s16] =	ssyncset.done $0x0  }
.LBB2_6:
0xaa: {  	[sflag:s16] =	ssyncadd.s32 $0xFFFFF000;
	s7 =	sadd.s32 $0x40, s7;
	s10 =	sadd.s32 $0x40, s10  }
0xab: {  	p5 =	sne.s32 s11, $0x1;
	s11 =	sadd.s32 $0xFFFFFFFF, s11;
	v5 =	vld [tilespmem:s7+$0xFFFFFFE0];
	_ =	sdelay $0x4  }
0xac: {  	[tilespmem:$0x9D60] =	vst v5  }
0xad: {  	v5 =	vld [tilespmem:s10+$0xFFFFFFE0];
	_ =	sdelay $0x4  }
0xae: {  	[tilespmem:$0x9DA0] =	vst v5  }
0xaf: {  	v5 =	vld [tilespmem:s7+$0xFFFFFFF0];
	_ =	sdelay $0x4  }
0xb0: {  	[tilespmem:$0x9D70] =	vst v5  }
0xb1: {  	v5 =	vld [tilespmem:s10+$0xFFFFFFF0];
	_ =	sdelay $0x4  }
0xb2: {  	[tilespmem:$0x9DB0] =	vst v5  }
0xb3: {  	[tilespmem:s28], [sflag:$0x1] =	stream.indirect.gather [hbm4b:s6+s25], $0x80, s26, s25, $0xb8;
	[tilespmem:$0x161E0] =	vst v63  }
0xb4: {  	v5 =	vld [tilespmem:s7+$0x0];
	_ =	sdelay $0x4  }
0xb5: {  	[tilespmem:$0x9D80] =	vst v5  }
0xb6: {  	v5 =	vld [tilespmem:s10+$0x0];
	_ =	sdelay $0x4  }
0xb7: {  	[tilespmem:$0x9DC0] =	vst v5  }
0xb8: {  	v5 =	vld [tilespmem:s7+$0x10];
	_ =	sdelay $0x4  }
0xb9: {  	[tilespmem:$0x9D90] =	vst v5  }
0xba: {  	v5 =	vld [tilespmem:s10+$0x10];
	_ =	sdelay $0x4  }
0xbb: {  	[tilespmem:$0x9DD0] =	vst v5  }
0xbc: {  	[tilespmem:s30], [sflag:$0x2] =	stream.indirect.gather [hbm4b:s6+s25], $0x80, s29, s25, $0xb8;
	[tilespmem:$0x161E0] =	vst v63  }
0xbd: {  	_ =	swait.ge [sflag:s24], $0x1000  }
0xbe: {  	[sflag:s24] =	ssyncset.done $0x0  }
0xbf: {  	[sflag:s24] =	ssyncadd.s32 $0xFFFFF000  }
0xc0: {  	[spmem:s1] =	stream.indirect.scatter.add.f32 [tilespmem:s28], [sflag:$0x3], $0x80, s31, s25, $0xb8;
	[tilespmem:$0x161E0] =	vst v63  }
0xc1: {  	_ =	swait.ge [sflag:s16], $0x1000  }
0xc2: {  	[sflag:s16] =	ssyncset.done $0x0  }
0xc3: {  	[sflag:s16] =	ssyncadd.s32 $0xFFFFF000  }
0xc4: {  	_ =	swait.ge [sflag:s0], $0x1000  }
.Ltmp7:
0xc5: {  	[sflag:s0] =	ssyncset.done $0x0;
	(pc) =	sbr.rel @p5 .LBB2_6-.Ltmp7, $4  }
0xc6: {  	[sflag:s0] =	ssyncadd.s32 $0xFFFFF000  }
0xc7: {  	[spmem:s1] =	stream.indirect.scatter.add.f32 [tilespmem:s30], [sflag:$0x3], $0x80, s3, s25, $0xb8;
	[tilespmem:$0x161E0] =	vst v63  }
0xc8: {  	_ =	swait.ge [sflag:s16], $0x1000  }
0xc9: {  	[sflag:s16] =	ssyncset.done $0x0  }
.Ltmp8:
0xca: {  	_ = 	snop;
	(pc) =	sbr.rel .LBB2_7-.Ltmp8, $1  }
0xcb: {  	_ =	sdelay $0x3  }
.LBB2_10:
0xcc: {  	_ =	sfence.sel $0x180000  }
0xcd: {  	[bflag:$0x0] =	sbarrier.arrive $0xFFFF  }
0xce: {  	_ =	strace $0x9000004D  }
0xcf: {  	s0 =	stileid.u32;
	[bflag:$0x2] =	sbarrier.arrive $0xFFFF  }
0xd0: {  	p0 =	sne.s32 s0, $0x0;
	s0 =	rddreg [dreg:$0x2]  }
0xd1: {  	s0 =	sadd.s32 @!p0 $0x100000, s0  }
0xd2: {  	[sflag:s0] =	ssyncadd.tile.s32 @!p0 $0x1;
	_ =	shalt  }
.Lfunc_end2:
_tile_overlayer_lowered:
.L_overlay_start_2:
0xd3: {  	(tag) =	ssettag $0x2  }
0xd4: {  	s0 =	rddreg [dreg:$0x0];
	s2 =	stileid.u32  }
0xd5: {  	s1 =	rddreg [dreg:$0x1];
	p0 =	sne.s32 s2, $0x0  }
0xd6: {  	s3 =	rddreg [dreg:$0x2];
	[bflag:$0x3] =	sbarrier.arrive $0xFFFF;
	s2 =	simm.s32 @!p0 $0x1C03  }
0xd7: {  	[timem:s3], [sflag:s2] =	dma.local @!p0 [hbm:s0], s1  }
0xd8: {  	s0 =	simm.s32 @!p0 $0x3  }
0xd9: {  	_ =	swait.ge @!p0 [sflag:s0], s1  }
0xda: {  	s1 =	ssub.s32 @!p0 $0x0, s1;
	[sflag:s0] =	ssyncset.done @!p0 $0x0  }
0xdb: {  	[sflag:s0] =	ssyncadd.s32 @!p0 s1  }
0xdc: {  	[bflag:$0x3] =	sbarrier.arrive $0xFFFF  }
0xdd: {  	_ =	shalt  }

// kernel: kernel.21.cloned.1.call-start
scs
__scs_entry_jumppad:
0x0: {  	(pc) =	sbr.rel $0x88, $3  }
0x1: {  	(tag) =	ssettag $0x0;
	lr =	simm.s32 $0x1  }
0x2: {  	[smem:$0x3F8F] =	sst lr;
	_ =	strace $0xD0000000  }
0x3: {  	_ = 	snop  }
0x4: {  	_ = 	snop  }
0x5: {  	_ = 	snop  }
0x6: {  	_ = 	snop  }
0x7: {  	_ = 	snop  }
__scs_overlays_trampoline_lowered:
0x8: {  	[smem:$0x3F9E] =	sst s0  }
0x9: {  	[smem:$0x3F9F] =	sst s1  }
0xa: {  	[smem:$0x3FA0] =	sst s2  }
0xb: {  	[smem:$0x3FA1] =	sst s3  }
0xc: {  	[smem:$0x3FA2] =	sst s4  }
0xd: {  	[smem:$0x3FA3] =	sst s5  }
0xe: {  	[smem:$0x3FA4] =	sst s6  }
0xf: {  	[smem:$0x3FA5] =	sst s7  }
0x10: {  	[smem:$0x3FA6] =	sst s8  }
0x11: {  	[smem:$0x3FA7] =	sst s9;
	s0 =	simm.s32 @!p0 $0x0  }
0x12: {  	s1 =	sld [smem:$0x3F8D];
	s0 =	simm.s32 @p0 $0x1  }
0x13: {  	[smem:$0x3FA8] =	sst s0;
	s0 =	simm.s32 @!p1 $0x0  }
0x14: {  	s2 =	sld [smem:$0x3F8C];
	s0 =	simm.s32 @p1 $0x1  }
0x15: {  	[smem:$0x3FA9] =	sst s0;
	s0 =	simm.s32 @!p2 $0x0  }
0x16: {  	s3 =	sld [smem:$0x3FDB];
	s0 =	simm.s32 @p2 $0x1  }
0x17: {  	s4 =	simm.s32 $0x1BF5;
	[smem:$0x3FAB] =	sst s0  }
0x18: {  	s0 =	sld [smem:$0x3F8E];
	_ =	swait.ge [sflag:s4], $0x0  }
0x19: {  	s7 =	sld [smem:$0x3F8F]  }
0x1a: {  	s8 =	sadd.s32 $0xFFFFE003, lr  }
0x1b: {  	s9 =	sadd.s32 $0xFFFFFEF7, lr;
	s5 =	simm.s32 $0xFFFFFFFF;
	p2 =	slt.u32 s8, $0xFFFFF086  }
0x1c: {  	p1 =	slt.u32 s9, $0xF7A;
	s5 =	simm.s32 @!p2 $0x0  }
0x1d: {  	s5 =	simm.s32 @p1 $0x1;
	p0 =	seq.s32 s7, s2  }
0x1e: {  	s7 =	smul.u32 @!p0 $0xF7A, s2;
	p2 =	seq.s32 @!p0 s5, $0x0  }
0x1f: {  	s9 =	smul.u32 $0xF7A, s1;
	s8 =	simm.s32 @!p0 $0x1BF5;
	p2 =	por !p2, p0  }
0x20: {  	[sflag:s8] =	ssyncset.s32 @!p0 $0xFFFFF086;
	s6 =	sadd.s32 @!p0 s3, s7;
	s7 =	simm.s32 @!p0 $0x108  }
0x21: {  	s3 =	sadd.s32 s3, s9;
	s6 =	sadd.s32 @!p0 $0x88, s6;
	s7 =	simm.s32 @p2 $0x1082  }
0x22: {  	[simem:s7], [sflag:s8] =	dma.local @!p0 [hbm:s6], $0xF7A  }
0x23: {  	s9 =	sor.u32 $0xD0000000, s2;
	s6 =	simm.s32 $0x108;
	_ =	swait.ge @!p0 [sflag:s8], $0x0  }
0x24: {  	s3 =	sadd.s32 $0x88, s3;
	s6 =	simm.s32 @!p1 $0x1082;
	[sflag:s4] =	ssyncset.s32 $0xFFFFF086  }
0x25: {  	[simem:s6], [sflag:s4] =	dma.local [hbm:s3], $0xF7A  }
0x26: {  	[smem:$0x3F8F] =	sst s1;
	(tag) =	ssettag s2;
	_ =	strace s9  }
0x27: {  	s1 =	sld [smem:$0x3F9F]  }
0x28: {  	s2 =	sld [smem:$0x3FA0]  }
0x29: {  	s4 =	sld [smem:$0x3FA2]  }
0x2a: {  	p0 =	seq.s32 s5, $0x0;
	s5 =	sld [smem:$0x3FA3]  }
0x2b: {  	s6 =	sld [smem:$0x3FA4]  }
0x2c: {  	s7 =	sld [smem:$0x3FA5]  }
0x2d: {  	s3 =	simm.s32 $0x108;
	s8 =	sld [smem:$0x3FA6]  }
0x2e: {  	s3 =	simm.s32 @!p0 $0x1082;
	s9 =	sld [smem:$0x3FA7]  }
0x2f: {  	lr =	sadd.s32 s0, s3;
	s0 =	sld [smem:$0x3F9E]  }
0x30: {  	s3 =	sld [smem:$0x3FA1]  }
0x31: {  	[smem:$0x3FAA] =	sst s10  }
0x32: {  	s10 =	sld [smem:$0x3FA8];
	_ =	sdelay $0x3  }
0x33: {  	p0 =	seq.s32 s10, $0x1;
	s10 =	sld [smem:$0x3FAA];
	_ =	sdelay $0x3  }
0x34: {  	[smem:$0x3FAA] =	sst s10  }
0x35: {  	s10 =	sld [smem:$0x3FA9];
	_ =	sdelay $0x3  }
0x36: {  	p1 =	seq.s32 s10, $0x1;
	s10 =	sld [smem:$0x3FAA];
	_ =	sdelay $0x3  }
0x37: {  	[smem:$0x3FAA] =	sst s10  }
0x38: {  	s10 =	sld [smem:$0x3FAB]  }
0x39: {  	_ = 	snop;
	(pc) =	sbr.ind lr, $3  }
0x3a: {  	_ = 	snop  }
0x3b: {  	_ = 	snop  }
0x3c: {  	p2 =	seq.s32 s10, $0x1;
	s10 =	sld [smem:$0x3FAA]  }
0x3d: {  	_ =	shalt  }
0x3e: {  	_ =	shalt  }
0x3f: {  	_ =	shalt  }
0x40: {  	_ =	shalt  }
0x41: {  	_ =	shalt  }
0x42: {  	_ =	shalt  }
0x43: {  	_ =	shalt  }
0x44: {  	_ =	shalt  }
0x45: {  	_ =	shalt  }
0x46: {  	_ =	shalt  }
0x47: {  	_ =	shalt  }
0x48: {  	_ =	shalt  }
0x49: {  	_ =	shalt  }
0x4a: {  	_ =	shalt  }
0x4b: {  	_ =	shalt  }
0x4c: {  	_ =	shalt  }
0x4d: {  	_ =	shalt  }
0x4e: {  	_ =	shalt  }
0x4f: {  	_ =	shalt  }
0x50: {  	_ =	shalt  }
0x51: {  	_ =	shalt  }
0x52: {  	_ =	shalt  }
0x53: {  	_ =	shalt  }
0x54: {  	_ =	shalt  }
0x55: {  	_ =	shalt  }
0x56: {  	_ =	shalt  }
0x57: {  	_ =	shalt  }
0x58: {  	_ =	shalt  }
0x59: {  	_ =	shalt  }
0x5a: {  	_ =	shalt  }
0x5b: {  	_ =	shalt  }
0x5c: {  	_ =	shalt  }
0x5d: {  	_ =	shalt  }
0x5e: {  	_ =	shalt  }
0x5f: {  	_ =	shalt  }
0x60: {  	_ =	shalt  }
0x61: {  	_ =	shalt  }
0x62: {  	_ =	shalt  }
0x63: {  	_ =	shalt  }
0x64: {  	_ =	shalt  }
0x65: {  	_ =	shalt  }
0x66: {  	_ =	shalt  }
0x67: {  	_ =	shalt  }
0x68: {  	_ =	shalt  }
0x69: {  	_ =	shalt  }
0x6a: {  	_ =	shalt  }
0x6b: {  	_ =	shalt  }
0x6c: {  	_ =	shalt  }
0x6d: {  	_ =	shalt  }
0x6e: {  	_ =	shalt  }
0x6f: {  	_ =	shalt  }
0x70: {  	_ =	shalt  }
0x71: {  	_ =	shalt  }
0x72: {  	_ =	shalt  }
0x73: {  	_ =	shalt  }
0x74: {  	_ =	shalt  }
0x75: {  	_ =	shalt  }
0x76: {  	_ =	shalt  }
0x77: {  	_ =	shalt  }
0x78: {  	_ =	shalt  }
0x79: {  	_ =	shalt  }
0x7a: {  	_ =	shalt  }
0x7b: {  	_ =	shalt  }
0x7c: {  	_ =	shalt  }
0x7d: {  	_ =	shalt  }
0x7e: {  	_ =	shalt  }
0x7f: {  	_ =	shalt  }
0x80: {  	_ =	shalt  }
0x81: {  	_ =	shalt  }
0x82: {  	_ =	shalt  }
0x83: {  	_ =	shalt  }
0x84: {  	_ =	shalt  }
0x85: {  	_ =	shalt  }
0x86: {  	_ =	shalt  }
0x87: {  	_ =	shalt  }
.Lfunc_end0:
.L_simem_size_0:
called_computation.3_lowered:
.L_overlay_start_0:
0x88: {  	s2 =	sld [smem:$0x3FD9]  }
0x89: {  	s3 =	sld [smem:$0x3FFE];
	_ =	sdelay $0x1  }
0x8a: {  	s1 =	srdreg.scid  }
0x8b: {  	s0 =	sand.u32 $0x1, s1  }
0x8c: {  	s16 =	sshll.u32 s0, $0xA;
	s2 =	sadd.s32 s3, s2  }
0x8d: {  	s2 =	sadd.s32 s2, s16  }
0x8e: {  	[smem:$0x3FB6] =	sst s2  }
0x8f: {  	_ = 	snop  }
0x90: {  	(tm) =	ssettm $0x1  }
0x91: {  	s17 =	sld [smem:$0x3FFB];
	_ =	sdelay $0x3  }
0x92: {  	_ =	strace s17  }
0x93: {  	s2 =	sld [smem:$0x3FFC];
	_ =	sdelay $0x3  }
0x94: {  	_ =	strace s2  }
0x95: {  	s2 =	sld [smem:$0x3FFD];
	_ =	sdelay $0x3  }
0x96: {  	_ =	strace s2  }
0x97: {  	_ =	strace $0x8FFFFFFF  }
0x98: {  	s18 =	sld [smem:$0x3FDB];
	_ =	sdelay $0x1  }
0x99: {  	s19 =	simm.s32 $_scs_section_size  }
0x9a: {  	s4 =	simm.s32 $_size__tile_overlayer_lowered;
	s5 =	simm.s32 $_tile_overlayer_lowered  }
0x9b: {  	s22 =	simm.s32 $0x1BFF;
	s21 =	sshll.u32 s5, $0x1;
	s2 =	sadd.s32 s19, s18  }
0x9c: {  	s6 =	simm.s32 $0x0;
	s20 =	sshll.u32 s4, $0x1;
	s4 =	sadd.s32 s21, s2  }
0x9d: {  	[timem:s6], [sflag:s22] =	dma.local [hbm:s4], s20  }
0x9e: {  	_ =	swait.ge [sflag:s22], s20  }
0x9f: {  	s3 =	ssub.s32 $0x0, s20;
	[sflag:s22] =	ssyncset.done $0x0  }
0xa0: {  	[sflag:s22] =	ssyncadd.s32 s3;
	_ =	sdelay $0x1  }
0xa1: {  	s23 =	simm.s32 $0x1B8B  }
0xa2: {  	_ =	swait.ge [sflag:s23], $0x1  }
0xa3: {  	[sflag:s23] =	ssyncset.done $0x0  }
0xa4: {  	s25 =	simm.s32 $0x1B8E;
	s24 =	sld [smem:$0x3FFE];
	[sflag:s23] =	ssyncadd.s32 $0xFFFFFFFF  }
0xa5: {  	s26 =	simm.s32 $execute0_lowered;
	[smem:$0x3FD2] =	sst s25  }
0xa6: {  	s4 =	sshll.u32 s26, $0x1;
	_ =	strace $0x8000004F;
	[dreg:$0x1] =	wrdreg $0xFFFFFFFF  }
0xa7: {  	s28 =	simm.s32 $_size_execute0_lowered;
	s2 =	sadd.s32 s2, s4;
	[dreg:$0x0] =	wrdreg $0x0  }
0xa8: {  	s4 =	sshll.u32 s28, $0x1;
	[dreg:$0x2] =	wrdreg s2  }
0xa9: {  	[dreg:$0x3] =	wrdreg s4  }
0xaa: {  	[dreg:$0x4] =	wrdreg $0xC0  }
0xab: {  	_ =	task [dreg:s6], $0x5FFFF  }
0xac: {  	[dreg:$0x1] =	wrdreg $0xFFFFFFFF  }
0xad: {  	[dreg:$0x0] =	wrdreg $0x60  }
0xae: {  	[dreg:$0x2] =	wrdreg s24  }
0xaf: {  	[dreg:$0x3] =	wrdreg $0x80200  }
0xb0: {  	[dreg:$0x4] =	wrdreg $0x9  }
0xb1: {  	_ =	task.clear_ibuf [dreg:s6], $0x5FFFF;
	_ =	strace $0x9000004F  }
0xb2: {  	s29 =	simm.s32 $0x9;
	_ =	strace $0x80000051  }
0xb3: {  	_ =	swait.ge [sflag:s29], $0x1  }
0xb4: {  	[sflag:s29] =	ssyncadd.s32 $0xFFFFFFFF  }
0xb5: {  	_ =	strace $0x90000051  }
0xb6: {  	_ =	sfence  }
0xb7: {  	s30 =	sld [smem:$0x0];
	_ =	sdelay $0x2  }
0xb8: {  	s31 =	sshll.u32 s1, $0xD;
	s1 =	sshrl.u32 s1, $0x2  }
0xb9: {  	s3 =	sand.u32 $0x4000, s31;
	s1 =	sadd.s32 s1, s30  }
0xba: {  	s0 =	sor.u32 s3, s0;
	s1 =	sshll.u32 s1, $0x11  }
0xbb: {  	s0 =	sor.u32 s1, s0  }
0xbc: {  	s0 =	sadd.s32 $0x8F2B, s0  }
0xbd: {  	[sflag:s0] =	ssyncadd.remote.s32 $0x1  }
0xbe: {  	_ =	sfence.sel $0xFFFF  }
0xbf: {  	[dreg:$0x0] =	wrdreg $0xFFFFFFFF;
	(pc) =	sbr.abs _section_cstart, $3  }
0xc0: {  	[dreg:$0x1] =	wrdreg $0xFFFFFFFF  }
0xc1: {  	_ =	task.clear_ibuf [dreg:s6], $0x2FFFF;
	_ =	strace $0x9FFFFFFF  }
0xc2: {  	(tm) =	ssettm $0x7FFFFFFF  }
0xc3: {  	_ =	shalt  }
tec
execute0_lowered:
.L_overlay_start_1:
0x0: {  	(tag) =	ssettag $0x1  }
0x1: {  	s0 =	rddreg [dreg:$0x0]  }
0x2: {  	s1 =	rddreg [dreg:$0x1]  }
0x3: {  	s2 =	simm.s32 $0x0;
	s3 =	srdreg.scid;
	s21 =	stileid.u32  }
0x4: {  	s16 =	simm.s32 $0x3;
	s17 =	simm.s32 $0xFA0;
	s18 =	simm.s32 $0x1F40  }
0x5: {  	s29 =	simm.s32 $0x4000;
	s30 =	simm.s32 $0x6020;
	s31 =	simm.s32 $0x3FA0  }
0x6: {  	[smem:$0x7FF] =	sst s2;
	s4 =	sadd.s32 $0xD200, s0;
	s8 =	smul.u32 $0x52000, s21  }
0x7: {  	s5 =	sadd.s32 $0x3400, s0;
	s6 =	sadd.s32 $0x65200, s0;
	s13 =	smul.u32 $0x14000, s21  }
0x8: {  	s3 =	sand.u32 $0x1, s3;
	s7 =	sadd.s32 $0xB3400, s0;
	s14 =	smul.u32 $0x13000, s21  }
0x9: {  	s10 =	sadd.s32 $0xB5E00, s0;
	s22 =	sshll.u32 s21, $0x6;
	s15 =	smul.u32 $0x4C000, s21  }
0xa: {  	s25 =	sadd.s32 $0xDB600, s0;
	_ =	strace $0x80000050;
	[dreg:$0x3] =	wrdreg s7  }
0xb: {  	s0 =	sadd.s32 $0x101800, s0;
	s19 =	ssub.s32 $0x2, s3;
	[dreg:$0x5] =	wrdreg s25  }
0xc: {  	s11 =	smul.u32 $0x1400, s3;
	p3 =	seq.s32 s3, $0x1;
	[dreg:$0x7] =	wrdreg s0  }
0xd: {  	s0 =	sadd.s32 $0x11D000, s1;
	s25 =	simm.s32 $0x20;
	s9 =	sshrl.u32 s19, $0x1  }
0xe: {  	s20 =	sshrl.u32 s8, $0x2;
	s8 =	smul.u32 $0x4E20, s21;
	s23 =	sshrl.u32 s13, $0x3  }
0xf: {  	s24 =	sshrl.u32 s14, $0x3;
	s26 =	sshrl.u32 s15, $0x2;
	p1 =	seq.s32 @p3 s21, $0xF  }
0x10: {  	p4 =	seq.s32 @!p3 s21, $0xF;
	s7 =	ssub.s32 s19, s9;
	s12 =	sadd.s32 s20, s1  }
0x11: {  	s9 =	sor.u32 $0x1C03, s22;
	s28 =	sadd.s32 $0x1400, s11;
	s3 =	sadd.s32 s10, s23  }
0x12: {  	s10 =	sadd.s32 s10, s24;
	s22 =	sadd.s32 $0x12C000, s1;
	p0 =	por !p1, !p3  }
0x13: {  	s19 =	simm.s32 $0x2F70;
	p1 =	por p1, !p3;
	p2 =	por !p4, p3  }
0x14: {  	p3 =	por p4, p3;
	s24 =	simm.s32 $0x1;
	[dreg:$0x4] =	wrdreg s3  }
.Ltmp0:
0x15: {  	s3 =	sadd.s32 s13, s1;
	s10 =	sadd.s32 $0x28000, s10;
	(pc) =	sbr.rel .LBB2_1-.Ltmp0, $4  }
0x16: {  	s14 =	smax.u32 s7, $0x1;
	s15 =	sshrl.u32 s12, $0x3;
	s20 =	sshrl.u32 @!p0 s0, $0x3  }
0x17: {  	s22 =	sshrl.u32 @!p2 s22, $0x3;
	v1 =	vmov s28;
	s28 =	simm.s32 $0x4020;
	s0 =	simm.s32 $0x2  }
0x18: {  	v2 =	vimm.s32 $0x0;
	[dreg:$0x6] =	wrdreg s10;
	s10 =	sadd.s32 s26, s1;
	s23 =	sshrl.u32 @!p3 s3, $0x3  }
0x19: {  	v3 =	vlaneseq.u32;
	v4 =	vimm.s32 $0x1400;
	v0 =	vmov s11;
	s26 =	simm.s32 $0x3FE0;
	s3 =	simm.s32 $0x3FC0;
	s21 =	sshrl.u32 @!p1 s10, $0x3  }
.LBB2_9:
0x1a: {  	[bflag:$0x0] =	sbarrier.arrive $0xFFFF  }
0x1b: {  	s7 =	rddreg [dreg:$0x7]  }
0x1c: {  	[hbm:s7], [sflag:s9] =	dma.local @!p0 [spmem:s20], $0x2800  }
0x1d: {  	s7 =	simm.s32 @!p0 $0x3  }
0x1e: {  	_ =	swait.ge @!p0 [sflag:s7], $0x2800  }
0x1f: {  	[sflag:s7] =	ssyncset.done @!p0 $0x0  }
0x20: {  	[sflag:s7] =	ssyncadd.s32 @!p0 $0xFFFFD800;
	s7 =	rddreg [dreg:$0x6]  }
0x21: {  	[hbm:s7], [sflag:s9] =	dma.local @!p1 [spmem:s21], $0x2600  }
0x22: {  	s7 =	simm.s32 @!p1 $0x3  }
0x23: {  	_ =	swait.ge @!p1 [sflag:s7], $0x2600  }
0x24: {  	[sflag:s7] =	ssyncset.done @!p1 $0x0  }
0x25: {  	[sflag:s7] =	ssyncadd.s32 @!p1 $0xFFFFDA00;
	s7 =	rddreg [dreg:$0x5]  }
0x26: {  	[hbm:s7], [sflag:s9] =	dma.local @!p2 [spmem:s22], $0x2800  }
0x27: {  	s7 =	simm.s32 @!p2 $0x3  }
0x28: {  	_ =	swait.ge @!p2 [sflag:s7], $0x2800  }
0x29: {  	[sflag:s7] =	ssyncset.done @!p2 $0x0  }
0x2a: {  	s2 =	sadd.s32 $0x1, s2;
	[sflag:s7] =	ssyncadd.s32 @!p2 $0xFFFFD800;
	s7 =	rddreg [dreg:$0x4]  }
0x2b: {  	[hbm:s7], [sflag:s9] =	dma.local @!p3 [spmem:s23], $0x2800  }
0x2c: {  	p4 =	sne.s32 s2, s14;
	s7 =	simm.s32 @!p3 $0x3  }
.Ltmp1:
0x2d: {  	_ =	swait.ge @!p3 [sflag:s7], $0x2800;
	(pc) =	sbr.rel @!p4 .LBB2_10-.Ltmp1, $3  }
0x2e: {  	[sflag:s7] =	ssyncset.done @!p3 $0x0  }
0x2f: {  	[sflag:s7] =	ssyncadd.s32 @!p3 $0xFFFFD800  }
0x30: {  	[bflag:$0x0] =	sbarrier.arrive $0xFFFF;
	_ =	sdelay $0x1  }
.LBB2_1:
0x31: {  	s7 =	rddreg [dreg:$0x3]  }
0x32: {  	[spmem:s15], [sflag:s9] =	dma.local [hbm:s7], $0x2900  }
.Ltmp2:
0x33: {  	_ =	swait.ge [sflag:s16], $0x2900;
	(pc) =	sbr.rel .LBB2_2-.Ltmp2, $4  }
0x34: {  	[sflag:s16] =	ssyncset.done $0x0  }
0x35: {  	[sflag:s16] =	ssyncadd.s32 $0xFFFFD700  }
0x36: {  	[bflag:$0x0] =	sbarrier.arrive $0xFFFF  }
0x37: {  	s7 =	simm.s32 $0x0  }
.LBB2_7:
0x38: {  	[sflag:s16] =	ssyncadd.s32 $0xFFFFE000  }
.LBB2_8:
0x39: {  	s7 =	sadd.s32 $0x1, s7  }
0x3a: {  	p4 =	sne.s32 s7, $0x5  }
.Ltmp3:
0x3b: {  	_ = 	snop;
	(pc) =	sbr.rel @!p4 .LBB2_9-.Ltmp3, $1  }
0x3c: {  	_ =	sdelay $0x3  }
.LBB2_2:
0x3d: {  	s10 =	smul.u32 $0xFA0, s7;
	_ =	sdelay $0x1  }
0x3e: {  	s10 =	sadd.s32 s8, s10  }
0x3f: {  	s11 =	sshrl.u32 s10, $0x3  }
0x40: {  	s10 =	simm.s32 $0x0;
	s12 =	sadd.s32 s5, s11  }
0x41: {  	[tilespmem:s10], [sflag:$0x3] =	stream.linear.gather [hbm4b:s12+s10], $0xFA0, $0x38;
	[tilespmem:$0x1C820] =	vst v63  }
0x42: {  	_ =	swait.ge [sflag:s16], $0xFA0  }
0x43: {  	[sflag:s16] =	ssyncset.done $0x0  }
0x44: {  	s11 =	sadd.s32 s4, s11;
	[sflag:s16] =	ssyncadd.s32 $0xFFFFF060  }
0x45: {  	[tilespmem:s17], [sflag:$0x3] =	stream.linear.gather [hbm4b:s11+s10], $0xFA0, $0x38;
	[tilespmem:$0x1C820] =	vst v63  }
0x46: {  	_ =	swait.ge [sflag:s16], $0xFA0  }
0x47: {  	[sflag:s16] =	ssyncset.done $0x0  }
0x48: {  	s13 =	simm.s32 $0x0;
	[sflag:s16] =	ssyncadd.s32 $0xFFFFF060  }
0x49: {  	v5 =	vld [tilespmem:s13+$0x0];
	_ =	sdelay $0x4  }
0x4a: {  	vm0 =	vge.s32 v5, v0;
	vm1 =	vlt.s32 v5, v1  }
0x4b: {  	vm0 =	vmand vm0, vm1  }
0x4c: {  	v6 =	vsel vm0, $0x1, v2  }
0x4d: {  	(xrf0) =	vadd.scan.msk.s32 $0xffff, v6;
	_ =	sdelay $0x5  }
0x4e: {  	v7, _, _ =	vpop (xrf0)  }
0x4f: {  	v6 =	vmov s10;
	v8 =	vxor.u32 $0x80000000, v7  }
0x50: {  	v6 =	vadd.s32 $0xFFFFFFFF, v6;
	(xrf0) =	vmax.scan.msk.u32 $0xffff, v8  }
0x51: {  	v6 =	vbroadcast v6, $0x0;
	_ =	sdelay $0x1  }
0x52: {  	v6 =	vadd.s32 v7, v6  }
0x53: {  	v6 =	vnsel vm0, $0x1020, v6  }
0x54: {  	v7 =	vld [tilespmem:s13+$0xFA0]  }
0x55: {  	v8, _, _ =	vpop (xrf0)  }
0x56: {  	(v2sf) =	vpush v8, $0xF  }
0x57: {  	v5 =	vsub.s32 v5, v0  }
0x58: {  	[tilespmem:v6+s18+$0x0] =	vst.idx.msk $0xffff, v5  }
0x59: {  	s12 =	simm.s32 $0x80;
	s11 =	simm.s32 $0x10;
	[tilespmem:v6+s19+$0x0] =	vst.idx.msk $0xffff, v7  }
.LBB2_3:
0x5a: {  	p4 =	sne.s32 s12, $0x3E40;
	v5 =	vld [tilespmem:s11+$0x0];
	_ =	sdelay $0x4  }
0x5b: {  	vm0 =	vge.s32 v5, v0;
	vm1 =	vlt.s32 v5, v1;
	v5 =	vsub.s32 v5, v0  }
0x5c: {  	vm0 =	vmand vm0, vm1  }
0x5d: {  	v6 =	vsel vm0, $0x1, v2  }
0x5e: {  	(xrf0) =	vadd.scan.msk.s32 $0xffff, v6;
	_ =	sdelay $0x2  }
0x5f: {  	s13 =	spop (v2sf)  }
0x60: {  	s10 =	sadd.s32 s13, s10  }
0x61: {  	s10 =	sadd.s32 $0x80000000, s10  }
0x62: {  	v6 =	vmov s10;
	v7, _, _ =	vpop (xrf0)  }
0x63: {  	v6 =	vadd.s32 $0xFFFFFFFF, v6;
	v8 =	vxor.u32 $0x80000000, v7  }
0x64: {  	v6 =	vbroadcast v6, $0x0;
	(xrf0) =	vmax.scan.msk.u32 $0xffff, v8;
	_ =	sdelay $0x1  }
0x65: {  	v6 =	vadd.s32 v7, v6  }
0x66: {  	v6 =	vnsel vm0, $0x1020, v6  }
0x67: {  	v7 =	vld [tilespmem:s11+$0xFA0];
	_ =	sdelay $0x1  }
.Ltmp4:
0x68: {  	v8, _, _ =	vpop (xrf0);
	(pc) =	sbr.rel @p4 .LBB2_3-.Ltmp4, $4  }
0x69: {  	(v2sf) =	vpush v8, $0xF  }
0x6a: {  	[tilespmem:v6+s18+$0x0] =	vst.idx.msk $0xffff, v5  }
0x6b: {  	[tilespmem:v6+s19+$0x0] =	vst.idx.msk $0xffff, v7  }
0x6c: {  	s11 =	sshra.s32 s12, $0x2;
	s12 =	sadd.s32 $0x40, s12  }
0x6d: {  	v5 =	vld [tilespmem:s11+$0x0];
	_ =	sdelay $0x4  }
0x6e: {  	vm0 =	vge.s32 v5, v0;
	vm1 =	vlt.s32 v5, v1  }
0x6f: {  	vm0 =	vmand vm0, vm1  }
0x70: {  	v6 =	vsel vm0, $0x1, v2  }
0x71: {  	(xrf0) =	vadd.scan.msk.s32 $0xffff, v6;
	_ =	sdelay $0x5  }
0x72: {  	v6, _, _ =	vpop (xrf0)  }
0x73: {  	v7 =	vxor.u32 $0x80000000, v6  }
0x74: {  	(xrf0) =	vmax.scan.msk.u32 $0xffff, v7;
	_ =	sdelay $0x5  }
0x75: {  	v7, _, _ =	vpop (xrf0)  }
0x76: {  	(v2sf) =	vpush v7, $0xF;
	_ =	sdelay $0x5  }
0x77: {  	s12 =	spop (v2sf)  }
0x78: {  	s10 =	sadd.s32 s12, s10  }
0x79: {  	s10 =	sadd.s32 $0x80000000, s10  }
0x7a: {  	v7 =	vmov s10  }
0x7b: {  	v7 =	vadd.s32 $0xFFFFFFFF, v7  }
0x7c: {  	v7 =	vbroadcast v7, $0x0;
	_ =	sdelay $0x1  }
0x7d: {  	v6 =	vadd.s32 v6, v7  }
0x7e: {  	v6 =	vnsel vm0, $0x1020, v6  }
0x7f: {  	s13 =	spop (v2sf)  }
0x80: {  	v7 =	vld [tilespmem:s11+$0xFA0];
	s10 =	sadd.s32 s13, s10  }
0x81: {  	s10 =	sadd.s32 $0x80000000, s10  }
0x82: {  	v5 =	vsub.s32 v5, v0;
	v8 =	vadd.s32 s10, v3;
	s12 =	sadd.s32 $0x20, s10;
	s11 =	sadd.s32 $0x3F, s10  }
0x83: {  	[tilespmem:v6+s18+$0x0] =	vst.idx.msk $0xffff, v5;
	s13 =	sadd.s32 $0x10, s10;
	s10 =	sadd.s32 $0x30, s10;
	v5 =	vadd.s32 s12, v3;
	s12 =	sand.u32 $0x3F, s11  }
0x84: {  	v9 =	vadd.s32 s13, v3;
	s13 =	sshra.s32 s11, $0x1F;
	p4 =	slt.s32 s11, $0x1;
	p5 =	sne.s32 s12, $0x0  }
0x85: {  	[tilespmem:v6+s19+$0x0] =	vst.idx.msk $0xffff, v7;
	v6 =	vadd.s32 s10, v3;
	s10 =	sshrl.u32 s13, $0x1A;
	p4 =	por !p4, !p5  }
0x86: {  	s10 =	sadd.s32 s10, s11;
	s11 =	simm.s32 $0x1;
	p4 =	por !p4, !p4  }
0x87: {  	s10 =	sshra.s32 s10, $0x6;
	[tilespmem:v8+s18+$0x0] =	vst.idx.msk $0xffff, v4;
	s11 =	simm.s32 @!p4 $0x0  }
0x88: {  	[tilespmem:v8+s19+$0x0] =	vst.idx.msk $0xffff, v2;
	s12 =	ssub.s32 s10, s11  }
0x89: {  	[tilespmem:v9+s18+$0x0] =	vst.idx.msk $0xffff, v4;
	p4 =	slt.s32 s12, $0x1  }
.Ltmp5:
0x8a: {  	[tilespmem:v9+s19+$0x0] =	vst.idx.msk $0xffff, v2;
	(pc) =	sbr.rel @p4 .LBB2_8-.Ltmp5, $4  }
0x8b: {  	[tilespmem:v5+s18+$0x0] =	vst.idx.msk $0xffff, v4  }
0x8c: {  	[tilespmem:v5+s19+$0x0] =	vst.idx.msk $0xffff, v2  }
0x8d: {  	[tilespmem:v6+s18+$0x0] =	vst.idx.msk $0xffff, v4  }
0x8e: {  	[tilespmem:v6+s19+$0x0] =	vst.idx.msk $0xffff, v2  }
0x8f: {  	s10 =	simm.s32 $0x1F60  }
0x90: {  	v5 =	vld [tilespmem:s10+$0xFFFFFFE0];
	_ =	sdelay $0x4  }
0x91: {  	s11 =	simm.s32 $0x2F90;
	[tilespmem:$0x3FA0] =	vst v5  }
0x92: {  	v5 =	vld [tilespmem:s11+$0xFFFFFFE0];
	_ =	sdelay $0x4  }
0x93: {  	[tilespmem:$0x3FE0] =	vst v5  }
0x94: {  	v5 =	vld [tilespmem:s10+$0xFFFFFFF0];
	_ =	sdelay $0x4  }
0x95: {  	[tilespmem:$0x3FB0] =	vst v5  }
0x96: {  	v5 =	vld [tilespmem:s11+$0xFFFFFFF0];
	_ =	sdelay $0x4  }
0x97: {  	[tilespmem:$0x3FF0] =	vst v5  }
0x98: {  	[tilespmem:s28], [sflag:$0x1] =	stream.indirect.gather [hbm4b:s6+s25], $0x100, s26, s25, $0xb8;
	[tilespmem:$0x1C820] =	vst v63  }
0x99: {  	v5 =	vld [tilespmem:s10+$0x0];
	_ =	sdelay $0x4  }
0x9a: {  	[tilespmem:$0x3FC0] =	vst v5  }
0x9b: {  	v5 =	vld [tilespmem:s11+$0x0];
	_ =	sdelay $0x4  }
0x9c: {  	[tilespmem:$0x4000] =	vst v5  }
0x9d: {  	v5 =	vld [tilespmem:s10+$0x10];
	_ =	sdelay $0x4  }
0x9e: {  	[tilespmem:$0x3FD0] =	vst v5  }
0x9f: {  	v5 =	vld [tilespmem:s11+$0x10];
	_ =	sdelay $0x4  }
0xa0: {  	[tilespmem:$0x4010] =	vst v5  }
0xa1: {  	[tilespmem:s30], [sflag:$0x2] =	stream.indirect.gather [hbm4b:s6+s25], $0x100, s29, s25, $0xb8;
	[tilespmem:$0x1C820] =	vst v63  }
0xa2: {  	_ =	swait.ge [sflag:s24], $0x2000  }
0xa3: {  	[sflag:s24] =	ssyncset.done $0x0  }
0xa4: {  	[sflag:s24] =	ssyncadd.s32 $0xFFFFE000  }
0xa5: {  	[spmem:s1] =	stream.indirect.scatter.add.f32 [tilespmem:s28], [sflag:$0x3], $0x100, s31, s25, $0xb8;
	[tilespmem:$0x1C820] =	vst v63  }
0xa6: {  	_ =	swait.ge [sflag:s16], $0x2000  }
0xa7: {  	[sflag:s16] =	ssyncset.done $0x0  }
0xa8: {  	[sflag:s16] =	ssyncadd.s32 $0xFFFFE000  }
0xa9: {  	p4 =	sne.s32 s12, $0x1;
	_ =	swait.ge [sflag:s0], $0x2000  }
.Ltmp6:
0xaa: {  	[sflag:s0] =	ssyncset.done $0x0;
	(pc) =	sbr.rel @!p4 .LBB2_7-.Ltmp6, $4  }
0xab: {  	[sflag:s0] =	ssyncadd.s32 $0xFFFFE000  }
0xac: {  	[spmem:s1] =	stream.indirect.scatter.add.f32 [tilespmem:s30], [sflag:$0x3], $0x100, s3, s25, $0xb8;
	[tilespmem:$0x1C820] =	vst v63  }
0xad: {  	_ =	swait.ge [sflag:s16], $0x2000  }
0xae: {  	s12 =	sadd.s32 $0xFFFFFFFF, s12;
	[sflag:s16] =	ssyncset.done $0x0  }
.LBB2_6:
0xaf: {  	[sflag:s16] =	ssyncadd.s32 $0xFFFFE000;
	s10 =	sadd.s32 $0x40, s10;
	s11 =	sadd.s32 $0x40, s11  }
0xb0: {  	p4 =	sne.s32 s12, $0x1;
	s12 =	sadd.s32 $0xFFFFFFFF, s12;
	v5 =	vld [tilespmem:s10+$0xFFFFFFE0];
	_ =	sdelay $0x4  }
0xb1: {  	[tilespmem:$0x3FA0] =	vst v5  }
0xb2: {  	v5 =	vld [tilespmem:s11+$0xFFFFFFE0];
	_ =	sdelay $0x4  }
0xb3: {  	[tilespmem:$0x3FE0] =	vst v5  }
0xb4: {  	v5 =	vld [tilespmem:s10+$0xFFFFFFF0];
	_ =	sdelay $0x4  }
0xb5: {  	[tilespmem:$0x3FB0] =	vst v5  }
0xb6: {  	v5 =	vld [tilespmem:s11+$0xFFFFFFF0];
	_ =	sdelay $0x4  }
0xb7: {  	[tilespmem:$0x3FF0] =	vst v5  }
0xb8: {  	[tilespmem:s28], [sflag:$0x1] =	stream.indirect.gather [hbm4b:s6+s25], $0x100, s26, s25, $0xb8;
	[tilespmem:$0x1C820] =	vst v63  }
0xb9: {  	v5 =	vld [tilespmem:s10+$0x0];
	_ =	sdelay $0x4  }
0xba: {  	[tilespmem:$0x3FC0] =	vst v5  }
0xbb: {  	v5 =	vld [tilespmem:s11+$0x0];
	_ =	sdelay $0x4  }
0xbc: {  	[tilespmem:$0x4000] =	vst v5  }
0xbd: {  	v5 =	vld [tilespmem:s10+$0x10];
	_ =	sdelay $0x4  }
0xbe: {  	[tilespmem:$0x3FD0] =	vst v5  }
0xbf: {  	v5 =	vld [tilespmem:s11+$0x10];
	_ =	sdelay $0x4  }
0xc0: {  	[tilespmem:$0x4010] =	vst v5  }
0xc1: {  	[tilespmem:s30], [sflag:$0x2] =	stream.indirect.gather [hbm4b:s6+s25], $0x100, s29, s25, $0xb8;
	[tilespmem:$0x1C820] =	vst v63  }
0xc2: {  	_ =	swait.ge [sflag:s24], $0x2000  }
0xc3: {  	[sflag:s24] =	ssyncset.done $0x0  }
0xc4: {  	[sflag:s24] =	ssyncadd.s32 $0xFFFFE000  }
0xc5: {  	[spmem:s1] =	stream.indirect.scatter.add.f32 [tilespmem:s28], [sflag:$0x3], $0x100, s31, s25, $0xb8;
	[tilespmem:$0x1C820] =	vst v63  }
0xc6: {  	_ =	swait.ge [sflag:s16], $0x2000  }
0xc7: {  	[sflag:s16] =	ssyncset.done $0x0  }
0xc8: {  	[sflag:s16] =	ssyncadd.s32 $0xFFFFE000  }
0xc9: {  	_ =	swait.ge [sflag:s0], $0x2000  }
.Ltmp7:
0xca: {  	[sflag:s0] =	ssyncset.done $0x0;
	(pc) =	sbr.rel @p4 .LBB2_6-.Ltmp7, $4  }
0xcb: {  	[sflag:s0] =	ssyncadd.s32 $0xFFFFE000  }
0xcc: {  	[spmem:s1] =	stream.indirect.scatter.add.f32 [tilespmem:s30], [sflag:$0x3], $0x100, s3, s25, $0xb8;
	[tilespmem:$0x1C820] =	vst v63  }
0xcd: {  	_ =	swait.ge [sflag:s16], $0x2000  }
0xce: {  	[sflag:s16] =	ssyncset.done $0x0  }
.Ltmp8:
0xcf: {  	_ = 	snop;
	(pc) =	sbr.rel .LBB2_7-.Ltmp8, $1  }
0xd0: {  	_ =	sdelay $0x3  }
.LBB2_10:
0xd1: {  	_ =	sfence.sel $0x180000  }
0xd2: {  	[bflag:$0x0] =	sbarrier.arrive $0xFFFF  }
0xd3: {  	_ =	strace $0x90000050  }
0xd4: {  	s0 =	stileid.u32;
	[bflag:$0x2] =	sbarrier.arrive $0xFFFF  }
0xd5: {  	p0 =	sne.s32 s0, $0x0;
	s0 =	rddreg [dreg:$0x2]  }
0xd6: {  	s0 =	sadd.s32 @!p0 $0x100000, s0  }
0xd7: {  	[sflag:s0] =	ssyncadd.tile.s32 @!p0 $0x1;
	_ =	shalt  }
.Lfunc_end2:
_tile_overlayer_lowered:
.L_overlay_start_2:
0xd8: {  	(tag) =	ssettag $0x2  }
0xd9: {  	s0 =	rddreg [dreg:$0x0];
	s2 =	stileid.u32  }
0xda: {  	s1 =	rddreg [dreg:$0x1];
	p0 =	sne.s32 s2, $0x0  }
0xdb: {  	s3 =	rddreg [dreg:$0x2];
	[bflag:$0x3] =	sbarrier.arrive $0xFFFF;
	s2 =	simm.s32 @!p0 $0x1C03  }
0xdc: {  	[timem:s3], [sflag:s2] =	dma.local @!p0 [hbm:s0], s1  }
0xdd: {  	s0 =	simm.s32 @!p0 $0x3  }
0xde: {  	_ =	swait.ge @!p0 [sflag:s0], s1  }
0xdf: {  	s1 =	ssub.s32 @!p0 $0x0, s1;
	[sflag:s0] =	ssyncset.done @!p0 $0x0  }
0xe0: {  	[sflag:s0] =	ssyncadd.s32 @!p0 s1  }
0xe1: {  	[bflag:$0x3] =	sbarrier.arrive $0xFFFF  }
0xe2: {  	_ =	shalt  }

// kernel: kernel.24.cloned.1.call-start
scs
__scs_entry_jumppad:
0x0: {  	(pc) =	sbr.rel $0x88, $3  }
0x1: {  	(tag) =	ssettag $0x0;
	lr =	simm.s32 $0x1  }
0x2: {  	[smem:$0x3F8F] =	sst lr;
	_ =	strace $0xD0000000  }
0x3: {  	_ = 	snop  }
0x4: {  	_ = 	snop  }
0x5: {  	_ = 	snop  }
0x6: {  	_ = 	snop  }
0x7: {  	_ = 	snop  }
__scs_overlays_trampoline_lowered:
0x8: {  	[smem:$0x3F9E] =	sst s0  }
0x9: {  	[smem:$0x3F9F] =	sst s1  }
0xa: {  	[smem:$0x3FA0] =	sst s2  }
0xb: {  	[smem:$0x3FA1] =	sst s3  }
0xc: {  	[smem:$0x3FA2] =	sst s4  }
0xd: {  	[smem:$0x3FA3] =	sst s5  }
0xe: {  	[smem:$0x3FA4] =	sst s6  }
0xf: {  	[smem:$0x3FA5] =	sst s7  }
0x10: {  	[smem:$0x3FA6] =	sst s8  }
0x11: {  	[smem:$0x3FA7] =	sst s9;
	s0 =	simm.s32 @!p0 $0x0  }
0x12: {  	s1 =	sld [smem:$0x3F8D];
	s0 =	simm.s32 @p0 $0x1  }
0x13: {  	[smem:$0x3FA8] =	sst s0;
	s0 =	simm.s32 @!p1 $0x0  }
0x14: {  	s2 =	sld [smem:$0x3F8C];
	s0 =	simm.s32 @p1 $0x1  }
0x15: {  	[smem:$0x3FA9] =	sst s0;
	s0 =	simm.s32 @!p2 $0x0  }
0x16: {  	s3 =	sld [smem:$0x3FDB];
	s0 =	simm.s32 @p2 $0x1  }
0x17: {  	s4 =	simm.s32 $0x1BF5;
	[smem:$0x3FAB] =	sst s0  }
0x18: {  	s0 =	sld [smem:$0x3F8E];
	_ =	swait.ge [sflag:s4], $0x0  }
0x19: {  	s7 =	sld [smem:$0x3F8F]  }
0x1a: {  	s8 =	sadd.s32 $0xFFFFE003, lr  }
0x1b: {  	s9 =	sadd.s32 $0xFFFFFEF7, lr;
	s5 =	simm.s32 $0xFFFFFFFF;
	p2 =	slt.u32 s8, $0xFFFFF086  }
0x1c: {  	p1 =	slt.u32 s9, $0xF7A;
	s5 =	simm.s32 @!p2 $0x0  }
0x1d: {  	s5 =	simm.s32 @p1 $0x1;
	p0 =	seq.s32 s7, s2  }
0x1e: {  	s7 =	smul.u32 @!p0 $0xF7A, s2;
	p2 =	seq.s32 @!p0 s5, $0x0  }
0x1f: {  	s9 =	smul.u32 $0xF7A, s1;
	s8 =	simm.s32 @!p0 $0x1BF5;
	p2 =	por !p2, p0  }
0x20: {  	[sflag:s8] =	ssyncset.s32 @!p0 $0xFFFFF086;
	s6 =	sadd.s32 @!p0 s3, s7;
	s7 =	simm.s32 @!p0 $0x108  }
0x21: {  	s3 =	sadd.s32 s3, s9;
	s6 =	sadd.s32 @!p0 $0x88, s6;
	s7 =	simm.s32 @p2 $0x1082  }
0x22: {  	[simem:s7], [sflag:s8] =	dma.local @!p0 [hbm:s6], $0xF7A  }
0x23: {  	s9 =	sor.u32 $0xD0000000, s2;
	s6 =	simm.s32 $0x108;
	_ =	swait.ge @!p0 [sflag:s8], $0x0  }
0x24: {  	s3 =	sadd.s32 $0x88, s3;
	s6 =	simm.s32 @!p1 $0x1082;
	[sflag:s4] =	ssyncset.s32 $0xFFFFF086  }
0x25: {  	[simem:s6], [sflag:s4] =	dma.local [hbm:s3], $0xF7A  }
0x26: {  	[smem:$0x3F8F] =	sst s1;
	(tag) =	ssettag s2;
	_ =	strace s9  }
0x27: {  	s1 =	sld [smem:$0x3F9F]  }
0x28: {  	s2 =	sld [smem:$0x3FA0]  }
0x29: {  	s4 =	sld [smem:$0x3FA2]  }
0x2a: {  	p0 =	seq.s32 s5, $0x0;
	s5 =	sld [smem:$0x3FA3]  }
0x2b: {  	s6 =	sld [smem:$0x3FA4]  }
0x2c: {  	s7 =	sld [smem:$0x3FA5]  }
0x2d: {  	s3 =	simm.s32 $0x108;
	s8 =	sld [smem:$0x3FA6]  }
0x2e: {  	s3 =	simm.s32 @!p0 $0x1082;
	s9 =	sld [smem:$0x3FA7]  }
0x2f: {  	lr =	sadd.s32 s0, s3;
	s0 =	sld [smem:$0x3F9E]  }
0x30: {  	s3 =	sld [smem:$0x3FA1]  }
0x31: {  	[smem:$0x3FAA] =	sst s10  }
0x32: {  	s10 =	sld [smem:$0x3FA8];
	_ =	sdelay $0x3  }
0x33: {  	p0 =	seq.s32 s10, $0x1;
	s10 =	sld [smem:$0x3FAA];
	_ =	sdelay $0x3  }
0x34: {  	[smem:$0x3FAA] =	sst s10  }
0x35: {  	s10 =	sld [smem:$0x3FA9];
	_ =	sdelay $0x3  }
0x36: {  	p1 =	seq.s32 s10, $0x1;
	s10 =	sld [smem:$0x3FAA];
	_ =	sdelay $0x3  }
0x37: {  	[smem:$0x3FAA] =	sst s10  }
0x38: {  	s10 =	sld [smem:$0x3FAB]  }
0x39: {  	_ = 	snop;
	(pc) =	sbr.ind lr, $3  }
0x3a: {  	_ = 	snop  }
0x3b: {  	_ = 	snop  }
0x3c: {  	p2 =	seq.s32 s10, $0x1;
	s10 =	sld [smem:$0x3FAA]  }
0x3d: {  	_ =	shalt  }
0x3e: {  	_ =	shalt  }
0x3f: {  	_ =	shalt  }
0x40: {  	_ =	shalt  }
0x41: {  	_ =	shalt  }
0x42: {  	_ =	shalt  }
0x43: {  	_ =	shalt  }
0x44: {  	_ =	shalt  }
0x45: {  	_ =	shalt  }
0x46: {  	_ =	shalt  }
0x47: {  	_ =	shalt  }
0x48: {  	_ =	shalt  }
0x49: {  	_ =	shalt  }
0x4a: {  	_ =	shalt  }
0x4b: {  	_ =	shalt  }
0x4c: {  	_ =	shalt  }
0x4d: {  	_ =	shalt  }
0x4e: {  	_ =	shalt  }
0x4f: {  	_ =	shalt  }
0x50: {  	_ =	shalt  }
0x51: {  	_ =	shalt  }
0x52: {  	_ =	shalt  }
0x53: {  	_ =	shalt  }
0x54: {  	_ =	shalt  }
0x55: {  	_ =	shalt  }
0x56: {  	_ =	shalt  }
0x57: {  	_ =	shalt  }
0x58: {  	_ =	shalt  }
0x59: {  	_ =	shalt  }
0x5a: {  	_ =	shalt  }
0x5b: {  	_ =	shalt  }
0x5c: {  	_ =	shalt  }
0x5d: {  	_ =	shalt  }
0x5e: {  	_ =	shalt  }
0x5f: {  	_ =	shalt  }
0x60: {  	_ =	shalt  }
0x61: {  	_ =	shalt  }
0x62: {  	_ =	shalt  }
0x63: {  	_ =	shalt  }
0x64: {  	_ =	shalt  }
0x65: {  	_ =	shalt  }
0x66: {  	_ =	shalt  }
0x67: {  	_ =	shalt  }
0x68: {  	_ =	shalt  }
0x69: {  	_ =	shalt  }
0x6a: {  	_ =	shalt  }
0x6b: {  	_ =	shalt  }
0x6c: {  	_ =	shalt  }
0x6d: {  	_ =	shalt  }
0x6e: {  	_ =	shalt  }
0x6f: {  	_ =	shalt  }
0x70: {  	_ =	shalt  }
0x71: {  	_ =	shalt  }
0x72: {  	_ =	shalt  }
0x73: {  	_ =	shalt  }
0x74: {  	_ =	shalt  }
0x75: {  	_ =	shalt  }
0x76: {  	_ =	shalt  }
0x77: {  	_ =	shalt  }
0x78: {  	_ =	shalt  }
0x79: {  	_ =	shalt  }
0x7a: {  	_ =	shalt  }
0x7b: {  	_ =	shalt  }
0x7c: {  	_ =	shalt  }
0x7d: {  	_ =	shalt  }
0x7e: {  	_ =	shalt  }
0x7f: {  	_ =	shalt  }
0x80: {  	_ =	shalt  }
0x81: {  	_ =	shalt  }
0x82: {  	_ =	shalt  }
0x83: {  	_ =	shalt  }
0x84: {  	_ =	shalt  }
0x85: {  	_ =	shalt  }
0x86: {  	_ =	shalt  }
0x87: {  	_ =	shalt  }
.Lfunc_end0:
.L_simem_size_0:
called_computation.4_lowered:
.L_overlay_start_0:
0x88: {  	s2 =	sld [smem:$0x3FD9]  }
0x89: {  	s3 =	sld [smem:$0x3FFE];
	_ =	sdelay $0x1  }
0x8a: {  	s1 =	srdreg.scid  }
0x8b: {  	s0 =	sand.u32 $0x1, s1  }
0x8c: {  	s16 =	sshll.u32 s0, $0xA;
	s2 =	sadd.s32 s3, s2  }
0x8d: {  	s2 =	sadd.s32 s2, s16  }
0x8e: {  	[smem:$0x3FB6] =	sst s2  }
0x8f: {  	_ = 	snop  }
0x90: {  	(tm) =	ssettm $0x1  }
0x91: {  	s17 =	sld [smem:$0x3FFB];
	_ =	sdelay $0x3  }
0x92: {  	_ =	strace s17  }
0x93: {  	s2 =	sld [smem:$0x3FFC];
	_ =	sdelay $0x3  }
0x94: {  	_ =	strace s2  }
0x95: {  	s2 =	sld [smem:$0x3FFD];
	_ =	sdelay $0x3  }
0x96: {  	_ =	strace s2  }
0x97: {  	_ =	strace $0x8FFFFFFF  }
0x98: {  	s18 =	sld [smem:$0x3FDB];
	_ =	sdelay $0x1  }
0x99: {  	s19 =	simm.s32 $_scs_section_size  }
0x9a: {  	s4 =	simm.s32 $_size__tile_overlayer_lowered;
	s5 =	simm.s32 $_tile_overlayer_lowered  }
0x9b: {  	s22 =	simm.s32 $0x1BFF;
	s21 =	sshll.u32 s5, $0x1;
	s2 =	sadd.s32 s19, s18  }
0x9c: {  	s6 =	simm.s32 $0x0;
	s20 =	sshll.u32 s4, $0x1;
	s4 =	sadd.s32 s21, s2  }
0x9d: {  	[timem:s6], [sflag:s22] =	dma.local [hbm:s4], s20  }
0x9e: {  	_ =	swait.ge [sflag:s22], s20  }
0x9f: {  	s3 =	ssub.s32 $0x0, s20;
	[sflag:s22] =	ssyncset.done $0x0  }
0xa0: {  	[sflag:s22] =	ssyncadd.s32 s3;
	_ =	sdelay $0x1  }
0xa1: {  	s23 =	simm.s32 $0x1B8B  }
0xa2: {  	_ =	swait.ge [sflag:s23], $0x1  }
0xa3: {  	[sflag:s23] =	ssyncset.done $0x0  }
0xa4: {  	s25 =	simm.s32 $0x1B8E;
	s24 =	sld [smem:$0x3FFE];
	[sflag:s23] =	ssyncadd.s32 $0xFFFFFFFF  }
0xa5: {  	s26 =	simm.s32 $execute0_lowered;
	[smem:$0x3FD2] =	sst s25  }
0xa6: {  	s4 =	sshll.u32 s26, $0x1;
	_ =	strace $0x80000052;
	[dreg:$0x1] =	wrdreg $0xFFFFFFFF  }
0xa7: {  	s28 =	simm.s32 $_size_execute0_lowered;
	s2 =	sadd.s32 s2, s4;
	[dreg:$0x0] =	wrdreg $0x0  }
0xa8: {  	s4 =	sshll.u32 s28, $0x1;
	[dreg:$0x2] =	wrdreg s2  }
0xa9: {  	[dreg:$0x3] =	wrdreg s4  }
0xaa: {  	[dreg:$0x4] =	wrdreg $0xC0  }
0xab: {  	_ =	task [dreg:s6], $0x5FFFF  }
0xac: {  	[dreg:$0x1] =	wrdreg $0xFFFFFFFF  }
0xad: {  	[dreg:$0x0] =	wrdreg $0x60  }
0xae: {  	[dreg:$0x2] =	wrdreg s24  }
0xaf: {  	[dreg:$0x3] =	wrdreg $0x7F600  }
0xb0: {  	[dreg:$0x4] =	wrdreg $0x9  }
0xb1: {  	_ =	task.clear_ibuf [dreg:s6], $0x5FFFF;
	_ =	strace $0x90000052  }
0xb2: {  	s29 =	simm.s32 $0x9;
	_ =	strace $0x80000054  }
0xb3: {  	_ =	swait.ge [sflag:s29], $0x1  }
0xb4: {  	[sflag:s29] =	ssyncadd.s32 $0xFFFFFFFF  }
0xb5: {  	_ =	strace $0x90000054  }
0xb6: {  	_ =	sfence  }
0xb7: {  	s30 =	sld [smem:$0x0];
	_ =	sdelay $0x2  }
0xb8: {  	s31 =	sshll.u32 s1, $0xD;
	s1 =	sshrl.u32 s1, $0x2  }
0xb9: {  	s3 =	sand.u32 $0x4000, s31;
	s1 =	sadd.s32 s1, s30  }
0xba: {  	s0 =	sor.u32 s3, s0;
	s1 =	sshll.u32 s1, $0x11  }
0xbb: {  	s0 =	sor.u32 s1, s0  }
0xbc: {  	s0 =	sadd.s32 $0x8F2B, s0  }
0xbd: {  	[sflag:s0] =	ssyncadd.remote.s32 $0x1  }
0xbe: {  	_ =	sfence.sel $0xFFFF  }
0xbf: {  	[dreg:$0x0] =	wrdreg $0xFFFFFFFF;
	(pc) =	sbr.abs _section_cstart, $3  }
0xc0: {  	[dreg:$0x1] =	wrdreg $0xFFFFFFFF  }
0xc1: {  	_ =	task.clear_ibuf [dreg:s6], $0x2FFFF;
	_ =	strace $0x9FFFFFFF  }
0xc2: {  	(tm) =	ssettm $0x7FFFFFFF  }
0xc3: {  	_ =	shalt  }
tec
execute0_lowered:
.L_overlay_start_1:
0x0: {  	(tag) =	ssettag $0x1  }
0x1: {  	s0 =	rddreg [dreg:$0x0]  }
0x2: {  	s1 =	rddreg [dreg:$0x1];
	s2 =	simm.s32 $0x0  }
0x3: {  	s3 =	srdreg.scid;
	s22 =	stileid.u32;
	s28 =	simm.s32 $0x10  }
0x4: {  	s29 =	simm.s32 $0x3F40;
	s31 =	simm.s32 $0x3F50;
	[smem:$0x7FF] =	sst s2  }
0x5: {  	s4 =	sadd.s32 $0xD200, s0;
	s5 =	sadd.s32 $0x3400, s0;
	s9 =	smul.u32 $0x54000, s22  }
0x6: {  	s6 =	sadd.s32 $0x101600, s0;
	s3 =	sand.u32 $0x1, s3;
	s15 =	smul.u32 $0x14000, s22  }
0x7: {  	s7 =	sadd.s32 $0x17000, s0;
	s11 =	sadd.s32 $0x19DA00, s0;
	s19 =	smul.u32 $0x50000, s22  }
0x8: {  	p0 =	seq.s32 s22, $0xF;
	s17 =	smul.u32 $0x12000, s22;
	s23 =	sadd.s32 $0x237600, s0  }
0x9: {  	s18 =	sshll.u32 s22, $0x6;
	s0 =	sadd.s32 $0x1EB200, s0;
	_ =	strace $0x80000053  }
0xa: {  	s8 =	ssub.s32 $0x2, s3;
	s12 =	smul.u32 $0x1400, s3;
	[dreg:$0x5] =	wrdreg s23  }
0xb: {  	p1 =	seq.s32 s3, $0x0;
	[dreg:$0x8] =	wrdreg s0;
	p3 =	sne.s32 s3, $0x0  }
0xc: {  	s23 =	simm.s32 $0xFA0;
	s0 =	simm.s32 $0x5F60;
	s3 =	simm.s32 $0x3F20  }
0xd: {  	s10 =	sshrl.u32 s8, $0x1;
	s9 =	sshrl.u32 s9, $0x2;
	s17 =	sshrl.u32 s17, $0x3  }
0xe: {  	s20 =	sadd.s32 s15, s1;
	p4 =	seq.s32 @!p3 s22, $0xF;
	s13 =	ssub.s32 s8, s10  }
0xf: {  	s8 =	smul.u32 $0x4E20, s22;
	s14 =	sadd.s32 s9, s1;
	s9 =	sor.u32 $0x1C03, s18  }
0x10: {  	s16 =	sadd.s32 $0xA00, s12;
	s18 =	sadd.s32 $0x280000, s15;
	s10 =	sshrl.u32 s19, $0x2  }
0x11: {  	s19 =	smul.u32 $0x48000, s22;
	s17 =	sadd.s32 s11, s17;
	s30 =	sadd.s32 $0x1400, s12  }
0x12: {  	p2 =	por !p4, p3;
	v0 =	vmov s12;
	s12 =	simm.s32 $0x2;
	s21 =	sadd.s32 s10, s1  }
0x13: {  	s10 =	sadd.s32 $0x12C000, s1;
	s17 =	sadd.s32 $0x78000, s17;
	s18 =	smov.u32 @p1 s15  }
0x14: {  	s25 =	smax.u32 s13, $0x1;
	v2 =	vmov s30;
	s30 =	simm.s32 $0x3F60;
	[dreg:$0x4] =	wrdreg s17  }
0x15: {  	s13 =	simm.s32 $0x3F30;
	s19 =	sshrl.u32 s19, $0x2;
	[dreg:$0x3] =	wrdreg s21  }
0x16: {  	s21 =	smov.u32 @p1 s20;
	s20 =	sshrl.u32 s15, $0x3;
	s18 =	sshrl.u32 s18, $0x3  }
0x17: {  	[dreg:$0x9] =	wrdreg s25;
	p1 =	seq.s32 @p3 s22, $0xF;
	s25 =	simm.s32 $0x2F30  }
0x18: {  	s17 =	sadd.s32 s19, s1;
	s24 =	sadd.s32 s11, s20;
	s11 =	sadd.s32 s18, s11  }
0x19: {  	s20 =	smov.u32 s10;
	s21 =	smov.u32 @p0 s10;
	s18 =	sshrl.u32 s14, $0x3  }
.Ltmp0:
0x1a: {  	s19 =	simm.s32 $0x3;
	p0 =	por !p1, !p3;
	(pc) =	sbr.rel .LBB2_1-.Ltmp0, $4  }
0x1b: {  	p1 =	por p1, !p3;
	p3 =	por p4, p3;
	[dreg:$0x6] =	wrdreg s11  }
0x1c: {  	s11 =	sadd.s32 $0x10E000, s1;
	s15 =	sadd.s32 $0x28000, s24;
	s26 =	sshrl.u32 s21, $0x3  }
0x1d: {  	v3 =	vimm.s32 $0x0;
	s22 =	sshrl.u32 @!p1 s17, $0x3;
	s24 =	simm.s32 $0x1F40;
	[dreg:$0x7] =	wrdreg s15  }
0x1e: {  	v4 =	vlaneseq.u32;
	v5 =	vimm.s32 $0xA00;
	v1 =	vmov s16;
	[dreg:$0xa] =	wrdreg s26;
	s21 =	sshrl.u32 @!p0 s11, $0x3;
	s26 =	simm.s32 $0x1  }
.LBB2_17:
0x1f: {  	[bflag:$0x0] =	sbarrier.arrive $0xFFFF  }
0x20: {  	s10 =	rddreg [dreg:$0x5]  }
0x21: {  	[hbm:s10], [sflag:s9] =	dma.local @!p0 [spmem:s21], $0x2800  }
0x22: {  	s10 =	simm.s32 @!p0 $0x3  }
0x23: {  	_ =	swait.ge @!p0 [sflag:s10], $0x2800  }
0x24: {  	[sflag:s10] =	ssyncset.done @!p0 $0x0  }
0x25: {  	[sflag:s10] =	ssyncadd.s32 @!p0 $0xFFFFD800;
	s10 =	rddreg [dreg:$0x4]  }
0x26: {  	[hbm:s10], [sflag:s9] =	dma.local @!p1 [spmem:s22], $0x2400  }
0x27: {  	s10 =	simm.s32 @!p1 $0x3  }
0x28: {  	_ =	swait.ge @!p1 [sflag:s10], $0x2400  }
0x29: {  	[sflag:s10] =	ssyncset.done @!p1 $0x0  }
0x2a: {  	s11 =	rddreg [dreg:$0x8];
	[sflag:s10] =	ssyncadd.s32 @!p1 $0xFFFFDC00;
	s10 =	sshrl.u32 @!p2 s20, $0x3  }
0x2b: {  	[hbm:s11], [sflag:s9] =	dma.local @!p2 [spmem:s10], $0x2800  }
0x2c: {  	s10 =	simm.s32 @!p2 $0x3  }
0x2d: {  	_ =	swait.ge @!p2 [sflag:s10], $0x2800  }
0x2e: {  	[sflag:s10] =	ssyncset.done @!p2 $0x0  }
0x2f: {  	[sflag:s10] =	ssyncadd.s32 @!p2 $0xFFFFD800;
	s10 =	rddreg [dreg:$0x3]  }
0x30: {  	s11 =	rddreg [dreg:$0x7];
	s10 =	sshrl.u32 @!p3 s10, $0x3  }
0x31: {  	[hbm:s11], [sflag:s9] =	dma.local @!p3 [spmem:s10], $0x2800  }
0x32: {  	s10 =	simm.s32 @!p3 $0x3  }
0x33: {  	_ =	swait.ge @!p3 [sflag:s10], $0x2800  }
0x34: {  	s2 =	sadd.s32 $0x1, s2;
	s17 =	rddreg [dreg:$0x9]  }
0x35: {  	p4 =	sne.s32 s2, s17  }
.Ltmp1:
0x36: {  	_ = 	snop;
	(pc) =	sbr.rel @!p4 .LBB2_18-.Ltmp1, $3  }
0x37: {  	[sflag:s10] =	ssyncset.done @!p3 $0x0  }
0x38: {  	[sflag:s10] =	ssyncadd.s32 @!p3 $0xFFFFD800  }
0x39: {  	[bflag:$0x0] =	sbarrier.arrive $0xFFFF;
	_ =	sdelay $0x1  }
.LBB2_1:
0x3a: {  	[spmem:s18], [sflag:s9] =	dma.local [hbm:s7], $0x2A00  }
.Ltmp2:
0x3b: {  	_ =	swait.ge [sflag:s19], $0x2A00;
	(pc) =	sbr.rel .LBB2_2-.Ltmp2, $4  }
0x3c: {  	[sflag:s19] =	ssyncset.done $0x0  }
0x3d: {  	[sflag:s19] =	ssyncadd.s32 $0xFFFFD600  }
0x3e: {  	[bflag:$0x0] =	sbarrier.arrive $0xFFFF  }
0x3f: {  	s14 =	simm.s32 $0x0  }
.LBB2_7:
0x40: {  	[sflag:s19] =	ssyncadd.s32 $0xFFFFE000  }
.LBB2_8:
0x41: {  	s14 =	sadd.s32 $0x1, s14  }
0x42: {  	p4 =	sne.s32 s14, $0x5  }
.Ltmp3:
0x43: {  	_ = 	snop;
	(pc) =	sbr.rel @!p4 .LBB2_9-.Ltmp3, $1  }
0x44: {  	_ =	sdelay $0x3  }
.LBB2_2:
0x45: {  	s11 =	smul.u32 $0xFA0, s14;
	_ =	sdelay $0x1  }
0x46: {  	s11 =	sadd.s32 s8, s11  }
0x47: {  	s11 =	sshrl.u32 s11, $0x3  }
0x48: {  	s15 =	simm.s32 $0x0;
	s16 =	sadd.s32 s5, s11  }
0x49: {  	[tilespmem:s15], [sflag:$0x3] =	stream.linear.gather [hbm4b:s16+s15], $0xFA0, $0x38;
	[tilespmem:$0x1CF60] =	vst v63  }
0x4a: {  	_ =	swait.ge [sflag:s19], $0xFA0  }
0x4b: {  	[sflag:s19] =	ssyncset.done $0x0  }
0x4c: {  	s11 =	sadd.s32 s4, s11;
	[sflag:s19] =	ssyncadd.s32 $0xFFFFF060  }
0x4d: {  	[tilespmem:s23], [sflag:$0x3] =	stream.linear.gather [hbm4b:s11+s15], $0xFA0, $0x38;
	[tilespmem:$0x1CF60] =	vst v63  }
0x4e: {  	_ =	swait.ge [sflag:s19], $0xFA0  }
0x4f: {  	[sflag:s19] =	ssyncset.done $0x0  }
0x50: {  	s17 =	simm.s32 $0x0;
	[sflag:s19] =	ssyncadd.s32 $0xFFFFF060  }
0x51: {  	v6 =	vld [tilespmem:s17+$0x0];
	_ =	sdelay $0x4  }
0x52: {  	vm0 =	vge.s32 v6, v0;
	vm1 =	vlt.s32 v6, v1  }
0x53: {  	vm0 =	vmand vm0, vm1  }
0x54: {  	v7 =	vsel vm0, $0x1, v3  }
0x55: {  	(xrf0) =	vadd.scan.msk.s32 $0xffff, v7;
	_ =	sdelay $0x5  }
0x56: {  	v8, _, _ =	vpop (xrf0)  }
0x57: {  	v7 =	vmov s15;
	v9 =	vxor.u32 $0x80000000, v8  }
0x58: {  	v7 =	vadd.s32 $0xFFFFFFFF, v7;
	(xrf0) =	vmax.scan.msk.u32 $0xffff, v9  }
0x59: {  	v7 =	vbroadcast v7, $0x0;
	_ =	sdelay $0x1  }
0x5a: {  	v7 =	vadd.s32 v8, v7  }
0x5b: {  	v7 =	vnsel vm0, $0xFE0, v7  }
0x5c: {  	v63 =	vld [tilespmem:s17+$0xFA0]  }
0x5d: {  	v9, _, _ =	vpop (xrf0)  }
0x5e: {  	(v2sf) =	vpush v9, $0xF  }
0x5f: {  	v6 =	vsub.s32 v6, v0  }
0x60: {  	[tilespmem:v7+s24+$0x0] =	vst.idx.msk $0xffff, v6  }
0x61: {  	s16 =	simm.s32 $0x80;
	s11 =	simm.s32 $0x10;
	[tilespmem:v7+s25+$0x0] =	vst.idx.msk $0xffff, v63  }
.LBB2_3:
0x62: {  	p4 =	sne.s32 s16, $0x3E40;
	v6 =	vld [tilespmem:s11+$0x0];
	_ =	sdelay $0x4  }
0x63: {  	vm0 =	vge.s32 v6, v0;
	vm1 =	vlt.s32 v6, v1;
	v6 =	vsub.s32 v6, v0  }
0x64: {  	vm0 =	vmand vm0, vm1  }
0x65: {  	v7 =	vsel vm0, $0x1, v3  }
0x66: {  	(xrf0) =	vadd.scan.msk.s32 $0xffff, v7;
	_ =	sdelay $0x2  }
0x67: {  	s17 =	spop (v2sf)  }
0x68: {  	s15 =	sadd.s32 s17, s15  }
0x69: {  	s15 =	sadd.s32 $0x80000000, s15  }
0x6a: {  	v7 =	vmov s15;
	v8, _, _ =	vpop (xrf0)  }
0x6b: {  	v7 =	vadd.s32 $0xFFFFFFFF, v7;
	v9 =	vxor.u32 $0x80000000, v8  }
0x6c: {  	v7 =	vbroadcast v7, $0x0;
	(xrf0) =	vmax.scan.msk.u32 $0xffff, v9;
	_ =	sdelay $0x1  }
0x6d: {  	v7 =	vadd.s32 v8, v7  }
0x6e: {  	v7 =	vnsel vm0, $0xFE0, v7  }
0x6f: {  	v8 =	vld [tilespmem:s11+$0xFA0];
	_ =	sdelay $0x1  }
.Ltmp4:
0x70: {  	v9, _, _ =	vpop (xrf0);
	(pc) =	sbr.rel @p4 .LBB2_3-.Ltmp4, $4  }
0x71: {  	(v2sf) =	vpush v9, $0xF  }
0x72: {  	[tilespmem:v7+s24+$0x0] =	vst.idx.msk $0xffff, v6  }
0x73: {  	[tilespmem:v7+s25+$0x0] =	vst.idx.msk $0xffff, v8  }
0x74: {  	s11 =	sshra.s32 s16, $0x2;
	s16 =	sadd.s32 $0x40, s16  }
0x75: {  	v6 =	vld [tilespmem:s11+$0x0];
	_ =	sdelay $0x4  }
0x76: {  	vm0 =	vge.s32 v6, v0;
	vm1 =	vlt.s32 v6, v1  }
0x77: {  	vm0 =	vmand vm0, vm1  }
0x78: {  	v7 =	vsel vm0, $0x1, v3  }
0x79: {  	(xrf0) =	vadd.scan.msk.s32 $0xffff, v7;
	_ =	sdelay $0x5  }
0x7a: {  	v7, _, _ =	vpop (xrf0)  }
0x7b: {  	v8 =	vxor.u32 $0x80000000, v7  }
0x7c: {  	(xrf0) =	vmax.scan.msk.u32 $0xffff, v8;
	_ =	sdelay $0x5  }
0x7d: {  	v8, _, _ =	vpop (xrf0)  }
0x7e: {  	(v2sf) =	vpush v8, $0xF;
	_ =	sdelay $0xb  }
0x7f: {  	s16 =	spop (v2sf)  }
0x80: {  	s15 =	sadd.s32 s16, s15  }
0x81: {  	s15 =	sadd.s32 $0x80000000, s15  }
0x82: {  	v62 =	vmov s15;
	s10 =	spop (v2sf)  }
0x83: {  	v8 =	vadd.s32 $0xFFFFFFFF, v62;
	s15 =	sadd.s32 s10, s15  }
0x84: {  	v8 =	vbroadcast v8, $0x0;
	s17 =	sadd.s32 $0x80000000, s15  }
0x85: {  	s15 =	sadd.s32 $0x1F, s17  }
0x86: {  	v63 =	vld [tilespmem:s11+$0xFA0];
	v7 =	vadd.s32 v7, v8;
	s11 =	sadd.s32 $0x10, s17;
	s10 =	sand.u32 $0x1F, s15  }
0x87: {  	v7 =	vnsel vm0, $0xFE0, v7;
	v9 =	vadd.s32 s17, v4;
	s17 =	sshra.s32 s15, $0x1F;
	p4 =	slt.s32 s15, $0x1;
	p5 =	sne.s32 s10, $0x0  }
0x88: {  	v10 =	vadd.s32 s11, v4;
	s11 =	sshrl.u32 s17, $0x1B;
	p4 =	por !p4, !p5  }
0x89: {  	s11 =	sadd.s32 s11, s15;
	s15 =	simm.s32 $0x1;
	p4 =	por !p4, !p4  }
0x8a: {  	s11 =	sshra.s32 s11, $0x5;
	s15 =	simm.s32 @!p4 $0x0  }
0x8b: {  	v6 =	vsub.s32 v6, v0;
	s11 =	ssub.s32 s11, s15  }
0x8c: {  	[tilespmem:v7+s24+$0x0] =	vst.idx.msk $0xffff, v6;
	p4 =	slt.s32 s11, $0x1  }
.Ltmp5:
0x8d: {  	[tilespmem:v7+s25+$0x0] =	vst.idx.msk $0xffff, v63;
	(pc) =	sbr.rel @p4 .LBB2_8-.Ltmp5, $4  }
0x8e: {  	[tilespmem:v9+s24+$0x0] =	vst.idx.msk $0xffff, v5  }
0x8f: {  	[tilespmem:v9+s25+$0x0] =	vst.idx.msk $0xffff, v3  }
0x90: {  	[tilespmem:v10+s24+$0x0] =	vst.idx.msk $0xffff, v5  }
0x91: {  	[tilespmem:v10+s25+$0x0] =	vst.idx.msk $0xffff, v3  }
0x92: {  	s15 =	simm.s32 $0x1F50  }
0x93: {  	v6 =	vld [tilespmem:s15+$0xFFFFFFF0];
	_ =	sdelay $0x4  }
0x94: {  	s16 =	simm.s32 $0x2F40;
	[tilespmem:$0x3F20] =	vst v6  }
0x95: {  	v6 =	vld [tilespmem:s16+$0xFFFFFFF0];
	_ =	sdelay $0x4  }
0x96: {  	[tilespmem:$0x3F40] =	vst v6  }
0x97: {  	[tilespmem:s30], [sflag:$0x1] =	stream.indirect.gather [hbm4b:s6+s28], $0x200, s29, s28, $0xb8;
	[tilespmem:$0x1CF60] =	vst v63  }
0x98: {  	v6 =	vld [tilespmem:s15+$0x0];
	_ =	sdelay $0x4  }
0x99: {  	[tilespmem:$0x3F30] =	vst v6  }
0x9a: {  	v6 =	vld [tilespmem:s16+$0x0];
	_ =	sdelay $0x4  }
0x9b: {  	[tilespmem:$0x3F50] =	vst v6  }
0x9c: {  	[tilespmem:s0], [sflag:$0x2] =	stream.indirect.gather [hbm4b:s6+s28], $0x200, s31, s28, $0xb8;
	[tilespmem:$0x1CF60] =	vst v63  }
0x9d: {  	_ =	swait.ge [sflag:s26], $0x2000  }
0x9e: {  	[sflag:s26] =	ssyncset.done $0x0  }
0x9f: {  	[sflag:s26] =	ssyncadd.s32 $0xFFFFE000  }
0xa0: {  	[spmem:s1] =	stream.indirect.scatter.add.f32 [tilespmem:s30], [sflag:$0x3], $0x200, s3, s28, $0xb8;
	[tilespmem:$0x1CF60] =	vst v63  }
0xa1: {  	_ =	swait.ge [sflag:s19], $0x2000  }
0xa2: {  	[sflag:s19] =	ssyncset.done $0x0  }
0xa3: {  	[sflag:s19] =	ssyncadd.s32 $0xFFFFE000  }
0xa4: {  	p4 =	sne.s32 s11, $0x1;
	_ =	swait.ge [sflag:s12], $0x2000  }
.Ltmp6:
0xa5: {  	[sflag:s12] =	ssyncset.done $0x0;
	(pc) =	sbr.rel @!p4 .LBB2_7-.Ltmp6, $4  }
0xa6: {  	[sflag:s12] =	ssyncadd.s32 $0xFFFFE000  }
0xa7: {  	[spmem:s1] =	stream.indirect.scatter.add.f32 [tilespmem:s0], [sflag:$0x3], $0x200, s13, s28, $0xb8;
	[tilespmem:$0x1CF60] =	vst v63  }
0xa8: {  	_ =	swait.ge [sflag:s19], $0x2000  }
0xa9: {  	s11 =	sadd.s32 $0xFFFFFFFF, s11;
	[sflag:s19] =	ssyncset.done $0x0  }
.LBB2_6:
0xaa: {  	[sflag:s19] =	ssyncadd.s32 $0xFFFFE000;
	s15 =	sadd.s32 $0x20, s15;
	s16 =	sadd.s32 $0x20, s16  }
0xab: {  	p4 =	sne.s32 s11, $0x1;
	s11 =	sadd.s32 $0xFFFFFFFF, s11;
	v6 =	vld [tilespmem:s15+$0xFFFFFFF0];
	_ =	sdelay $0x4  }
0xac: {  	[tilespmem:$0x3F20] =	vst v6  }
0xad: {  	v6 =	vld [tilespmem:s16+$0xFFFFFFF0];
	_ =	sdelay $0x4  }
0xae: {  	[tilespmem:$0x3F40] =	vst v6  }
0xaf: {  	[tilespmem:s30], [sflag:$0x1] =	stream.indirect.gather [hbm4b:s6+s28], $0x200, s29, s28, $0xb8;
	[tilespmem:$0x1CF60] =	vst v63  }
0xb0: {  	v6 =	vld [tilespmem:s15+$0x0];
	_ =	sdelay $0x4  }
0xb1: {  	[tilespmem:$0x3F30] =	vst v6  }
0xb2: {  	v6 =	vld [tilespmem:s16+$0x0];
	_ =	sdelay $0x4  }
0xb3: {  	[tilespmem:$0x3F50] =	vst v6  }
0xb4: {  	[tilespmem:s0], [sflag:$0x2] =	stream.indirect.gather [hbm4b:s6+s28], $0x200, s31, s28, $0xb8;
	[tilespmem:$0x1CF60] =	vst v63  }
0xb5: {  	_ =	swait.ge [sflag:s26], $0x2000  }
0xb6: {  	[sflag:s26] =	ssyncset.done $0x0  }
0xb7: {  	[sflag:s26] =	ssyncadd.s32 $0xFFFFE000  }
0xb8: {  	[spmem:s1] =	stream.indirect.scatter.add.f32 [tilespmem:s30], [sflag:$0x3], $0x200, s3, s28, $0xb8;
	[tilespmem:$0x1CF60] =	vst v63  }
0xb9: {  	_ =	swait.ge [sflag:s19], $0x2000  }
0xba: {  	[sflag:s19] =	ssyncset.done $0x0  }
0xbb: {  	[sflag:s19] =	ssyncadd.s32 $0xFFFFE000  }
0xbc: {  	_ =	swait.ge [sflag:s12], $0x2000  }
.Ltmp7:
0xbd: {  	[sflag:s12] =	ssyncset.done $0x0;
	(pc) =	sbr.rel @p4 .LBB2_6-.Ltmp7, $4  }
0xbe: {  	[sflag:s12] =	ssyncadd.s32 $0xFFFFE000  }
0xbf: {  	[spmem:s1] =	stream.indirect.scatter.add.f32 [tilespmem:s0], [sflag:$0x3], $0x200, s13, s28, $0xb8;
	[tilespmem:$0x1CF60] =	vst v63  }
0xc0: {  	_ =	swait.ge [sflag:s19], $0x2000  }
0xc1: {  	[sflag:s19] =	ssyncset.done $0x0  }
.Ltmp8:
0xc2: {  	_ = 	snop;
	(pc) =	sbr.rel .LBB2_7-.Ltmp8, $1  }
0xc3: {  	_ =	sdelay $0x3  }
.LBB2_9:
0xc4: {  	[bflag:$0x0] =	sbarrier.arrive $0xFFFF  }
0xc5: {  	s10 =	rddreg [dreg:$0x6]  }
0xc6: {  	s11 =	rddreg [dreg:$0xa]  }
0xc7: {  	[hbm:s10], [sflag:s9] =	dma.local [spmem:s11], $0x2800  }
0xc8: {  	_ =	swait.ge [sflag:s19], $0x2800  }
0xc9: {  	[sflag:s19] =	ssyncset.done $0x0  }
0xca: {  	[sflag:s19] =	ssyncadd.s32 $0xFFFFD800  }
0xcb: {  	[bflag:$0x0] =	sbarrier.arrive $0xFFFF  }
0xcc: {  	[spmem:s18], [sflag:s9] =	dma.local [hbm:s7], $0x2A00  }
.Ltmp9:
0xcd: {  	_ =	swait.ge [sflag:s19], $0x2A00;
	(pc) =	sbr.rel .LBB2_10-.Ltmp9, $4  }
0xce: {  	[sflag:s19] =	ssyncset.done $0x0  }
0xcf: {  	[sflag:s19] =	ssyncadd.s32 $0xFFFFD600  }
0xd0: {  	[bflag:$0x0] =	sbarrier.arrive $0xFFFF  }
0xd1: {  	s14 =	simm.s32 $0x0;
	s15 =	simm.s32 $0x0  }
.LBB2_15:
0xd2: {  	[sflag:s19] =	ssyncadd.s32 $0xFFFFE000  }
.LBB2_16:
0xd3: {  	s15 =	sadd.s32 $0x1, s15  }
0xd4: {  	p4 =	sne.s32 s15, $0x5  }
.Ltmp10:
0xd5: {  	_ = 	snop;
	(pc) =	sbr.rel @!p4 .LBB2_17-.Ltmp10, $1  }
0xd6: {  	_ =	sdelay $0x3  }
.LBB2_10:
0xd7: {  	s11 =	smul.u32 $0xFA0, s15;
	_ =	sdelay $0x1  }
0xd8: {  	s11 =	sadd.s32 s8, s11  }
0xd9: {  	s11 =	sshrl.u32 s11, $0x3  }
0xda: {  	s16 =	sadd.s32 s5, s11  }
0xdb: {  	[tilespmem:s14], [sflag:$0x3] =	stream.linear.gather [hbm4b:s16+s14], $0xFA0, $0x38;
	[tilespmem:$0x1CF60] =	vst v63  }
0xdc: {  	_ =	swait.ge [sflag:s19], $0xFA0  }
0xdd: {  	[sflag:s19] =	ssyncset.done $0x0  }
0xde: {  	s11 =	sadd.s32 s4, s11;
	[sflag:s19] =	ssyncadd.s32 $0xFFFFF060  }
0xdf: {  	[tilespmem:s23], [sflag:$0x3] =	stream.linear.gather [hbm4b:s11+s14], $0xFA0, $0x38;
	[tilespmem:$0x1CF60] =	vst v63  }
0xe0: {  	_ =	swait.ge [sflag:s19], $0xFA0  }
0xe1: {  	[sflag:s19] =	ssyncset.done $0x0  }
0xe2: {  	s17 =	simm.s32 $0x0;
	[sflag:s19] =	ssyncadd.s32 $0xFFFFF060  }
0xe3: {  	v6 =	vld [tilespmem:s17+$0x0];
	_ =	sdelay $0x4  }
0xe4: {  	vm0 =	vge.s32 v6, v1;
	vm1 =	vlt.s32 v6, v2  }
0xe5: {  	vm0 =	vmand vm0, vm1  }
0xe6: {  	v7 =	vsel vm0, $0x1, v3  }
0xe7: {  	(xrf0) =	vadd.scan.msk.s32 $0xffff, v7;
	_ =	sdelay $0x5  }
0xe8: {  	v8, _, _ =	vpop (xrf0)  }
0xe9: {  	v7 =	vmov s14;
	v9 =	vxor.u32 $0x80000000, v8  }
0xea: {  	v7 =	vadd.s32 $0xFFFFFFFF, v7;
	(xrf0) =	vmax.scan.msk.u32 $0xffff, v9  }
0xeb: {  	v7 =	vbroadcast v7, $0x0;
	_ =	sdelay $0x1  }
0xec: {  	v7 =	vadd.s32 v8, v7  }
0xed: {  	v7 =	vnsel vm0, $0xFE0, v7  }
0xee: {  	v63 =	vld [tilespmem:s17+$0xFA0]  }
0xef: {  	v9, _, _ =	vpop (xrf0)  }
0xf0: {  	(v2sf) =	vpush v9, $0xF  }
0xf1: {  	v6 =	vsub.s32 v6, v1  }
0xf2: {  	[tilespmem:v7+s24+$0x0] =	vst.idx.msk $0xffff, v6  }
0xf3: {  	s16 =	simm.s32 $0x0;
	s11 =	simm.s32 $0x10;
	s17 =	simm.s32 $0x80;
	[tilespmem:v7+s25+$0x0] =	vst.idx.msk $0xffff, v63  }
.LBB2_11:
0xf4: {  	p4 =	sne.s32 s17, $0x3E40;
	v6 =	vld [tilespmem:s11+$0x0];
	_ =	sdelay $0x4  }
0xf5: {  	vm0 =	vge.s32 v6, v1;
	vm1 =	vlt.s32 v6, v2;
	v6 =	vsub.s32 v6, v1  }
0xf6: {  	vm0 =	vmand vm0, vm1  }
0xf7: {  	v7 =	vsel vm0, $0x1, v3  }
0xf8: {  	(xrf0) =	vadd.scan.msk.s32 $0xffff, v7;
	_ =	sdelay $0x2  }
0xf9: {  	s10 =	spop (v2sf)  }
0xfa: {  	s10 =	sadd.s32 s10, s16  }
0xfb: {  	s16 =	sadd.s32 $0x80000000, s10  }
0xfc: {  	v7 =	vmov s16;
	v8, _, _ =	vpop (xrf0)  }
0xfd: {  	v7 =	vadd.s32 $0xFFFFFFFF, v7;
	v9 =	vxor.u32 $0x80000000, v8  }
0xfe: {  	v7 =	vbroadcast v7, $0x0;
	(xrf0) =	vmax.scan.msk.u32 $0xffff, v9;
	_ =	sdelay $0x1  }
0xff: {  	v7 =	vadd.s32 v8, v7  }
0x100: {  	v7 =	vnsel vm0, $0xFE0, v7  }
0x101: {  	v8 =	vld [tilespmem:s11+$0xFA0];
	_ =	sdelay $0x1  }
.Ltmp11:
0x102: {  	v9, _, _ =	vpop (xrf0);
	(pc) =	sbr.rel @p4 .LBB2_11-.Ltmp11, $4  }
0x103: {  	(v2sf) =	vpush v9, $0xF  }
0x104: {  	[tilespmem:v7+s24+$0x0] =	vst.idx.msk $0xffff, v6  }
0x105: {  	[tilespmem:v7+s25+$0x0] =	vst.idx.msk $0xffff, v8  }
0x106: {  	s11 =	sshra.s32 s17, $0x2;
	s17 =	sadd.s32 $0x40, s17  }
0x107: {  	v6 =	vld [tilespmem:s11+$0x0];
	_ =	sdelay $0x4  }
0x108: {  	vm0 =	vge.s32 v6, v1;
	vm1 =	vlt.s32 v6, v2  }
0x109: {  	vm0 =	vmand vm0, vm1  }
0x10a: {  	v7 =	vsel vm0, $0x1, v3  }
0x10b: {  	(xrf0) =	vadd.scan.msk.s32 $0xffff, v7;
	_ =	sdelay $0x5  }
0x10c: {  	v7, _, _ =	vpop (xrf0)  }
0x10d: {  	v8 =	vxor.u32 $0x80000000, v7  }
0x10e: {  	(xrf0) =	vmax.scan.msk.u32 $0xffff, v8;
	_ =	sdelay $0x5  }
0x10f: {  	v8, _, _ =	vpop (xrf0)  }
0x110: {  	(v2sf) =	vpush v8, $0xF;
	_ =	sdelay $0xb  }
0x111: {  	s10 =	spop (v2sf)  }
0x112: {  	s10 =	sadd.s32 s10, s16  }
0x113: {  	s10 =	sadd.s32 $0x80000000, s10  }
0x114: {  	v62 =	vmov s10;
	s17 =	spop (v2sf)  }
0x115: {  	v8 =	vadd.s32 $0xFFFFFFFF, v62;
	s10 =	sadd.s32 s17, s10  }
0x116: {  	v8 =	vbroadcast v8, $0x0;
	s10 =	sadd.s32 $0x80000000, s10  }
0x117: {  	v63 =	vld [tilespmem:s11+$0xFA0];
	s11 =	sadd.s32 $0x1F, s10  }
0x118: {  	v7 =	vadd.s32 v7, v8;
	v9 =	vadd.s32 s10, v4;
	s10 =	sadd.s32 $0x10, s10;
	s16 =	sand.u32 $0x1F, s11  }
0x119: {  	v7 =	vnsel vm0, $0xFE0, v7;
	s17 =	sshra.s32 s11, $0x1F;
	p4 =	slt.s32 s11, $0x1;
	p5 =	sne.s32 s16, $0x0  }
0x11a: {  	v10 =	vadd.s32 s10, v4;
	s10 =	sshrl.u32 s17, $0x1B;
	p4 =	por !p4, !p5  }
0x11b: {  	s10 =	sadd.s32 s10, s11;
	s11 =	simm.s32 $0x1;
	p4 =	por !p4, !p4  }
0x11c: {  	s10 =	sshra.s32 s10, $0x5;
	s11 =	simm.s32 @!p4 $0x0  }
0x11d: {  	v6 =	vsub.s32 v6, v1;
	s17 =	ssub.s32 s10, s11  }
0x11e: {  	[tilespmem:v7+s24+$0x0] =	vst.idx.msk $0xffff, v6;
	p4 =	slt.s32 s17, $0x1  }
.Ltmp12:
0x11f: {  	[tilespmem:v7+s25+$0x0] =	vst.idx.msk $0xffff, v63;
	(pc) =	sbr.rel @p4 .LBB2_16-.Ltmp12, $4  }
0x120: {  	[tilespmem:v9+s24+$0x0] =	vst.idx.msk $0xffff, v5  }
0x121: {  	[tilespmem:v9+s25+$0x0] =	vst.idx.msk $0xffff, v3  }
0x122: {  	[tilespmem:v10+s24+$0x0] =	vst.idx.msk $0xffff, v5  }
0x123: {  	[tilespmem:v10+s25+$0x0] =	vst.idx.msk $0xffff, v3  }
0x124: {  	s16 =	simm.s32 $0x1F50  }
0x125: {  	v6 =	vld [tilespmem:s16+$0xFFFFFFF0];
	_ =	sdelay $0x4  }
0x126: {  	s11 =	simm.s32 $0x2F40;
	[tilespmem:$0x3F20] =	vst v6  }
0x127: {  	v6 =	vld [tilespmem:s11+$0xFFFFFFF0];
	_ =	sdelay $0x4  }
0x128: {  	[tilespmem:$0x3F40] =	vst v6  }
0x129: {  	[tilespmem:s30], [sflag:$0x1] =	stream.indirect.gather [hbm4b:s6+s28], $0x200, s29, s28, $0xb8;
	[tilespmem:$0x1CF60] =	vst v63  }
0x12a: {  	v6 =	vld [tilespmem:s16+$0x0];
	_ =	sdelay $0x4  }
0x12b: {  	[tilespmem:$0x3F30] =	vst v6  }
0x12c: {  	v6 =	vld [tilespmem:s11+$0x0];
	_ =	sdelay $0x4  }
0x12d: {  	[tilespmem:$0x3F50] =	vst v6  }
0x12e: {  	[tilespmem:s0], [sflag:$0x2] =	stream.indirect.gather [hbm4b:s6+s28], $0x200, s31, s28, $0xb8;
	[tilespmem:$0x1CF60] =	vst v63  }
0x12f: {  	_ =	swait.ge [sflag:s26], $0x2000  }
0x130: {  	[sflag:s26] =	ssyncset.done $0x0  }
0x131: {  	[sflag:s26] =	ssyncadd.s32 $0xFFFFE000  }
0x132: {  	[spmem:s1] =	stream.indirect.scatter.add.f32 [tilespmem:s30], [sflag:$0x3], $0x200, s3, s28, $0xb8;
	[tilespmem:$0x1CF60] =	vst v63  }
0x133: {  	_ =	swait.ge [sflag:s19], $0x2000  }
0x134: {  	[sflag:s19] =	ssyncset.done $0x0  }
0x135: {  	[sflag:s19] =	ssyncadd.s32 $0xFFFFE000  }
0x136: {  	p4 =	sne.s32 s17, $0x1;
	_ =	swait.ge [sflag:s12], $0x2000  }
.Ltmp13:
0x137: {  	[sflag:s12] =	ssyncset.done $0x0;
	(pc) =	sbr.rel @!p4 .LBB2_15-.Ltmp13, $4  }
0x138: {  	[sflag:s12] =	ssyncadd.s32 $0xFFFFE000  }
0x139: {  	[spmem:s1] =	stream.indirect.scatter.add.f32 [tilespmem:s0], [sflag:$0x3], $0x200, s13, s28, $0xb8;
	[tilespmem:$0x1CF60] =	vst v63  }
0x13a: {  	_ =	swait.ge [sflag:s19], $0x2000  }
0x13b: {  	s17 =	sadd.s32 $0xFFFFFFFF, s17;
	[sflag:s19] =	ssyncset.done $0x0  }
.LBB2_14:
0x13c: {  	[sflag:s19] =	ssyncadd.s32 $0xFFFFE000;
	s16 =	sadd.s32 $0x20, s16;
	s11 =	sadd.s32 $0x20, s11  }
0x13d: {  	p4 =	sne.s32 s17, $0x1;
	s17 =	sadd.s32 $0xFFFFFFFF, s17;
	v6 =	vld [tilespmem:s16+$0xFFFFFFF0];
	_ =	sdelay $0x4  }
0x13e: {  	[tilespmem:$0x3F20] =	vst v6  }
0x13f: {  	v6 =	vld [tilespmem:s11+$0xFFFFFFF0];
	_ =	sdelay $0x4  }
0x140: {  	[tilespmem:$0x3F40] =	vst v6  }
0x141: {  	[tilespmem:s30], [sflag:$0x1] =	stream.indirect.gather [hbm4b:s6+s28], $0x200, s29, s28, $0xb8;
	[tilespmem:$0x1CF60] =	vst v63  }
0x142: {  	v6 =	vld [tilespmem:s16+$0x0];
	_ =	sdelay $0x4  }
0x143: {  	[tilespmem:$0x3F30] =	vst v6  }
0x144: {  	v6 =	vld [tilespmem:s11+$0x0];
	_ =	sdelay $0x4  }
0x145: {  	[tilespmem:$0x3F50] =	vst v6  }
0x146: {  	[tilespmem:s0], [sflag:$0x2] =	stream.indirect.gather [hbm4b:s6+s28], $0x200, s31, s28, $0xb8;
	[tilespmem:$0x1CF60] =	vst v63  }
0x147: {  	_ =	swait.ge [sflag:s26], $0x2000  }
0x148: {  	[sflag:s26] =	ssyncset.done $0x0  }
0x149: {  	[sflag:s26] =	ssyncadd.s32 $0xFFFFE000  }
0x14a: {  	[spmem:s1] =	stream.indirect.scatter.add.f32 [tilespmem:s30], [sflag:$0x3], $0x200, s3, s28, $0xb8;
	[tilespmem:$0x1CF60] =	vst v63  }
0x14b: {  	_ =	swait.ge [sflag:s19], $0x2000  }
0x14c: {  	[sflag:s19] =	ssyncset.done $0x0  }
0x14d: {  	[sflag:s19] =	ssyncadd.s32 $0xFFFFE000  }
0x14e: {  	_ =	swait.ge [sflag:s12], $0x2000  }
.Ltmp14:
0x14f: {  	[sflag:s12] =	ssyncset.done $0x0;
	(pc) =	sbr.rel @p4 .LBB2_14-.Ltmp14, $4  }
0x150: {  	[sflag:s12] =	ssyncadd.s32 $0xFFFFE000  }
0x151: {  	[spmem:s1] =	stream.indirect.scatter.add.f32 [tilespmem:s0], [sflag:$0x3], $0x200, s13, s28, $0xb8;
	[tilespmem:$0x1CF60] =	vst v63  }
0x152: {  	_ =	swait.ge [sflag:s19], $0x2000  }
0x153: {  	[sflag:s19] =	ssyncset.done $0x0  }
.Ltmp15:
0x154: {  	_ = 	snop;
	(pc) =	sbr.rel .LBB2_15-.Ltmp15, $1  }
0x155: {  	_ =	sdelay $0x3  }
.LBB2_18:
0x156: {  	_ =	sfence.sel $0x180000  }
0x157: {  	[bflag:$0x0] =	sbarrier.arrive $0xFFFF  }
0x158: {  	_ =	strace $0x90000053  }
0x159: {  	s0 =	stileid.u32;
	[bflag:$0x2] =	sbarrier.arrive $0xFFFF  }
0x15a: {  	p0 =	sne.s32 s0, $0x0;
	s0 =	rddreg [dreg:$0x2]  }
0x15b: {  	s0 =	sadd.s32 @!p0 $0x100000, s0  }
0x15c: {  	[sflag:s0] =	ssyncadd.tile.s32 @!p0 $0x1;
	_ =	shalt  }
.Lfunc_end2:
_tile_overlayer_lowered:
.L_overlay_start_2:
0x15d: {  	(tag) =	ssettag $0x2  }
0x15e: {  	s0 =	rddreg [dreg:$0x0];
	s2 =	stileid.u32  }
0x15f: {  	s1 =	rddreg [dreg:$0x1];
	p0 =	sne.s32 s2, $0x0  }
0x160: {  	s3 =	rddreg [dreg:$0x2];
	[bflag:$0x3] =	sbarrier.arrive $0xFFFF;
	s2 =	simm.s32 @!p0 $0x1C03  }
0x161: {  	[timem:s3], [sflag:s2] =	dma.local @!p0 [hbm:s0], s1  }
0x162: {  	s0 =	simm.s32 @!p0 $0x3  }
0x163: {  	_ =	swait.ge @!p0 [sflag:s0], s1  }
0x164: {  	s1 =	ssub.s32 @!p0 $0x0, s1;
	[sflag:s0] =	ssyncset.done @!p0 $0x0  }
0x165: {  	[sflag:s0] =	ssyncadd.s32 @!p0 s1  }
0x166: {  	[bflag:$0x3] =	sbarrier.arrive $0xFFFF  }
0x167: {  	_ =	shalt  }

</sc_bundles>
